<compile_context>
chip_gen: v7x
topology: tpu7x:2x2x1
jax: 0.10.2.dev20260603
libtpu: 0.0.44.dev20260713+nightly
codegen_flags: <defaults>
</compile_context>

<pallas_src>
import functools

import jax
import jax.numpy as jnp
from jax import lax
from jax.experimental import pallas as pl
from jax.experimental.pallas import tpu as pltpu
from jax.experimental.pallas import tpu_sc as plsc

N = 10000
E = 320000
D_IN = 128
HID = 64
G = 16

NP = 10240
DUMMY = 10100
NTILES = 32
CH = 128
NCH = 82
EPT = NCH * CH
EPAD = EPT * NTILES
ALLOC_E = EPAD + 2 * CH
RPT = NP // 16



def _proj_body(x_ref, wl_ref, bl_ref, wr_ref, br_ref, xl_ref, xr_ref):
    xb = x_ref[...]
    xl_ref[...] = jax.lax.dot_general(
        xb, wl_ref[...], (((1,), (0,)), ((), ())),
        preferred_element_type=jnp.float32) + bl_ref[...]
    xr_ref[...] = jax.lax.dot_general(
        xb, wr_ref[...], (((1,), (0,)), ((), ())),
        preferred_element_type=jnp.float32) + br_ref[...]


def _project(x, wl, bl, wr, br):
    n, d = x.shape
    blk = 640
    grid = n // blk
    return pl.pallas_call(
        _proj_body,
        grid=(grid,),
        in_specs=[
            pl.BlockSpec((blk, d), lambda i: (i, 0)),
            pl.BlockSpec((d, HID), lambda i: (0, 0)),
            pl.BlockSpec((1, HID), lambda i: (0, 0)),
            pl.BlockSpec((d, HID), lambda i: (0, 0)),
            pl.BlockSpec((1, HID), lambda i: (0, 0)),
        ],
        out_specs=[
            pl.BlockSpec((blk, HID), lambda i: (i, 0)),
            pl.BlockSpec((blk, HID), lambda i: (i, 0)),
        ],
        out_shape=[
            jax.ShapeDtypeStruct((n, HID), jnp.float32),
            jax.ShapeDtypeStruct((n, HID), jnp.float32),
        ],
    )(x, wl.reshape(d, HID), bl.reshape(1, HID), wr.reshape(d, HID),
      br.reshape(1, HID))



def _sc_body(xl_h, xr_h, src_h, dst_h, att_h, zr_h, zd_h,
             acc_out, den_out,
             sidx0, didx0, sidx1, didx1, rowsA0, rowsB0, rowsA1, rowsB1,
             wbuf, attv, acc_sh, den_sh,
             semI0, semI1, semA0, semB0, semA1, semB1):
    cid = lax.axis_index("c")
    sid = lax.axis_index("s")
    wid = sid * 2 + cid
    sidx = (sidx0, sidx1)
    didx = (didx0, didx1)
    rowsA = (rowsA0, rowsA1)
    rowsB = (rowsB0, rowsB1)
    semI = (semI0, semI1)
    semA = (semA0, semA1)
    semB = (semB0, semB1)

    def issue_idx(c, b):
        base = wid * EPT + c * CH
        pltpu.async_copy(src_h.at[pl.ds(base, CH)], sidx[b], semI[b])
        pltpu.async_copy(dst_h.at[pl.ds(base, CH)], didx[b], semI[b])

    def wait_idx(b):
        pltpu.make_async_copy(src_h.at[pl.ds(0, CH)], sidx[b], semI[b]).wait()
        pltpu.make_async_copy(dst_h.at[pl.ds(0, CH)], didx[b], semI[b]).wait()

    def issue_rows(b):
        pltpu.async_copy(xl_h.at[sidx[b]], rowsA[b], semA[b])
        pltpu.async_copy(xr_h.at[didx[b]], rowsB[b], semB[b])

    def wait_rows(b):
        pltpu.make_async_copy(xl_h.at[sidx[b]], rowsA[b], semA[b]).wait()
        pltpu.make_async_copy(xr_h.at[didx[b]], rowsB[b], semB[b]).wait()

    pltpu.sync_copy(zr_h.at[pl.ds(sid * RPT, RPT)],
                    acc_sh.at[pl.ds(sid * RPT, RPT)])
    pltpu.sync_copy(zd_h.at[pl.ds(sid * RPT, RPT)],
                    den_sh.at[pl.ds(sid * RPT, RPT)])
    pltpu.sync_copy(att_h, attv)
    plsc.subcore_barrier()

    ng = CH // 16
    eidxs = [lax.iota(jnp.int32, 16) + g * 16 for g in range(ng)]

    def process(b):
        rA, rB = rowsA[b], rowsB[b]

        def col_body(k, eaccs):
            colk = jnp.full((16,), k, jnp.int32)
            ak = plsc.load_gather(attv, [colk])
            out = []
            for g in range(ng):
                va = plsc.load_gather(rA, [eidxs[g], colk])
                vb = plsc.load_gather(rB, [eidxs[g], colk])
                m = va + vb
                m = jnp.where(m > 0, m, 0.2 * m)
                out.append(eaccs[g] + m * ak)
            return tuple(out)

        eaccs = lax.fori_loop(
            0, HID, col_body,
            tuple(jnp.zeros((16,), jnp.float32) for _ in range(ng)),
            unroll=2)
        wvs = [jnp.exp(e) for e in eaccs]
        for g in range(ng):
            wbuf[pl.ds(g * 16, 16)] = wvs[g]

        def scale_col(k, c3):
            colk = jnp.full((16,), k, jnp.int32)
            for g in range(ng):
                va = plsc.load_gather(rA, [eidxs[g], colk])
                plsc.store_scatter(rA, [eidxs[g], colk], va * wvs[g])
            return c3

        lax.fori_loop(0, HID, scale_col, 0, unroll=2)

        pltpu.sync_copy(wbuf, den_sh.at[didx[b]], add=True)
        pltpu.sync_copy(rA, acc_sh.at[didx[b]], add=True)

    issue_idx(0, 0)
    issue_idx(1, 1)
    wait_idx(0)
    issue_rows(0)

    def pair_body(p, carry):
        c0 = 2 * p
        wait_idx(1)
        issue_rows(1)
        wait_rows(0)
        process(0)
        issue_idx(c0 + 2, 0)
        wait_idx(0)
        issue_rows(0)
        wait_rows(1)
        process(1)
        issue_idx(c0 + 3, 1)
        return carry

    lax.fori_loop(0, NCH // 2, pair_body, 0)
    wait_rows(0)
    wait_idx(1)
    plsc.subcore_barrier()

    pltpu.sync_copy(acc_sh.at[pl.ds(sid * RPT, RPT)],
                    acc_out.at[cid, pl.ds(sid * RPT, RPT)])
    pltpu.sync_copy(den_sh.at[pl.ds(sid * RPT, RPT)],
                    den_out.at[cid, pl.ds(sid * RPT, RPT)])


def _sc_edge_pass(xl, xr, src, dst, att, zrows, zden):
    mesh = plsc.VectorSubcoreMesh(core_axis_name="c", subcore_axis_name="s")
    k = functools.partial(
        pl.kernel,
        out_type=[
            jax.ShapeDtypeStruct((2, NP, HID), jnp.float32),
            jax.ShapeDtypeStruct((2, NP), jnp.float32),
        ],
        mesh=mesh,
        scratch_types=[
            pltpu.VMEM((CH,), jnp.int32),
            pltpu.VMEM((CH,), jnp.int32),
            pltpu.VMEM((CH,), jnp.int32),
            pltpu.VMEM((CH,), jnp.int32),
            pltpu.VMEM((CH, HID), jnp.float32),
            pltpu.VMEM((CH, HID), jnp.float32),
            pltpu.VMEM((CH, HID), jnp.float32),
            pltpu.VMEM((CH, HID), jnp.float32),
            pltpu.VMEM((CH,), jnp.float32),
            pltpu.VMEM((HID,), jnp.float32),
            pltpu.VMEM_SHARED((NP, HID), jnp.float32),
            pltpu.VMEM_SHARED((NP,), jnp.float32),
            pltpu.SemaphoreType.DMA,
            pltpu.SemaphoreType.DMA,
            pltpu.SemaphoreType.DMA,
            pltpu.SemaphoreType.DMA,
            pltpu.SemaphoreType.DMA,
            pltpu.SemaphoreType.DMA,
        ],
        compiler_params=pltpu.CompilerParams(
            needs_layout_passes=False, use_tc_tiling_on_sc=False),
    )(_sc_body)
    return k(xl, xr, src, dst, att, zrows, zden)



def _mid_body(acc_ref, den_ref, b1_ref, wl_ref, bl_ref, wr_ref, br_ref,
              xl_ref, xr_ref):
    accs = acc_ref[0] + acc_ref[1]
    dens = den_ref[0] + den_ref[1]
    h = accs / jnp.maximum(dens, 1e-16) + b1_ref[...]
    h = jnp.maximum(h, 0.0)
    xl_ref[...] = jax.lax.dot_general(
        h, wl_ref[...], (((1,), (0,)), ((), ())),
        preferred_element_type=jnp.float32) + bl_ref[...]
    xr_ref[...] = jax.lax.dot_general(
        h, wr_ref[...], (((1,), (0,)), ((), ())),
        preferred_element_type=jnp.float32) + br_ref[...]


def _mid(acc, den, b1, wl, bl, wr, br):
    blk = 640
    grid = NP // blk
    return pl.pallas_call(
        _mid_body,
        grid=(grid,),
        in_specs=[
            pl.BlockSpec((2, blk, HID), lambda i: (0, i, 0)),
            pl.BlockSpec((2, blk, 1), lambda i: (0, i, 0)),
            pl.BlockSpec((1, HID), lambda i: (0, 0)),
            pl.BlockSpec((HID, HID), lambda i: (0, 0)),
            pl.BlockSpec((1, HID), lambda i: (0, 0)),
            pl.BlockSpec((HID, HID), lambda i: (0, 0)),
            pl.BlockSpec((1, HID), lambda i: (0, 0)),
        ],
        out_specs=[
            pl.BlockSpec((blk, HID), lambda i: (i, 0)),
            pl.BlockSpec((blk, HID), lambda i: (i, 0)),
        ],
        out_shape=[
            jax.ShapeDtypeStruct((NP, HID), jnp.float32),
            jax.ShapeDtypeStruct((NP, HID), jnp.float32),
        ],
    )(acc, den.reshape(2, NP, 1), b1.reshape(1, HID), wl, bl.reshape(1, HID),
      wr, br.reshape(1, HID))



def _pool_body(acc_ref, den_ref, b2_ref, batch_ref, wout_ref, bout_ref,
               out_ref, sums_s, counts_s):
    i = pl.program_id(0)

    @pl.when(i == 0)
    def _():
        sums_s[...] = jnp.zeros_like(sums_s)
        counts_s[...] = jnp.zeros_like(counts_s)

    accs = acc_ref[0] + acc_ref[1]
    dens = den_ref[0] + den_ref[1]
    h = accs / jnp.maximum(dens, 1e-16) + b2_ref[...]

    b = batch_ref[0]
    gids = jax.lax.broadcasted_iota(jnp.int32, (G, b.shape[1]), 0)
    oh = (b == gids).astype(jnp.float32)
    sums_s[...] += jax.lax.dot_general(
        oh, h, (((1,), (0,)), ((), ())), preferred_element_type=jnp.float32)
    counts_s[...] += jnp.sum(oh, axis=1, keepdims=True)

    @pl.when(i == pl.num_programs(0) - 1)
    def _():
        mean = sums_s[...] / jnp.maximum(counts_s[...], 1.0)
        out_ref[...] = jax.lax.dot_general(
            mean, wout_ref[...], (((1,), (0,)), ((), ())),
            preferred_element_type=jnp.float32) + bout_ref[...]


def _pool(acc, den, b2, batch_r, wout, bout):
    blk = 640
    grid = NP // blk
    return pl.pallas_call(
        _pool_body,
        grid=(grid,),
        in_specs=[
            pl.BlockSpec((2, blk, HID), lambda i: (0, i, 0)),
            pl.BlockSpec((2, blk, 1), lambda i: (0, i, 0)),
            pl.BlockSpec((1, HID), lambda i: (0, 0)),
            pl.BlockSpec((1, 1, blk), lambda i: (i, 0, 0)),
            pl.BlockSpec((HID, 1), lambda i: (0, 0)),
            pl.BlockSpec((1, 1), lambda i: (0, 0)),
        ],
        out_specs=pl.BlockSpec((G, 1), lambda i: (0, 0)),
        out_shape=jax.ShapeDtypeStruct((G, 1), jnp.float32),
        scratch_shapes=[
            pltpu.VMEM((G, HID), jnp.float32),
            pltpu.VMEM((G, 1), jnp.float32),
        ],
    )(acc, den.reshape(2, NP, 1), b2.reshape(1, HID), batch_r, wout,
      bout.reshape(1, 1))



def kernel(x, edge_index, batch, Wl1, bl1, Wr1, br1, att1, b1,
           Wl2, bl2, Wr2, br2, att2, b2, Wout, bout):
    loop = jnp.arange(N, dtype=edge_index.dtype)
    npad = ALLOC_E - (E + N)
    src = jnp.concatenate(
        [edge_index[0], loop, jnp.zeros((npad,), edge_index.dtype)])
    dst = jnp.concatenate(
        [edge_index[1], loop, jnp.full((npad,), DUMMY, edge_index.dtype)])
    xp = jnp.pad(x, ((0, NP - N), (0, 0)))
    batch_r = jnp.pad(batch, (0, NP - N), constant_values=G).reshape(
        G, 1, NP // G)
    zrows = jnp.zeros((NP, HID), jnp.float32)
    zden = jnp.zeros((NP,), jnp.float32)

    xl1, xr1 = _project(xp, Wl1, bl1, Wr1, br1)
    acc1, den1 = _sc_edge_pass(xl1, xr1, src, dst, att1, zrows, zden)
    xl2, xr2 = _mid(acc1, den1, b1, Wl2, bl2, Wr2, br2)
    acc2, den2 = _sc_edge_pass(xl2, xr2, src, dst, att2, zrows, zden)
    return _pool(acc2, den2, b2, batch_r, Wout, bout)

# --- scband reference (transcript-rebuilt; emitter-appended) ---
"""Pipeline reference for scband-gatv2-68728066670717 (READ-ONLY COPY).

The authoritative reference and input builder live on the scoring server;
editing this copy changes nothing except your own understanding.
"""

import jax, jax.numpy as jnp
import numpy as np

N = 10000
E = 320000
D_IN = 128
HID = 64
G = 16


def _gatv2_layer(x, src, dst, Wl, bl, Wr, br, att, bias):
    # GATv2Conv (heads=1, concat): score = att . leaky_relu(Wl x_j + Wr x_i)
    xl = x @ Wl + bl
    xr = x @ Wr + br
    m = xl[src] + xr[dst]
    m = jnp.where(m > 0, m, 0.2 * m)  # leaky_relu(0.2)
    e = m @ att  # [E]
    e_max = jax.ops.segment_max(e, dst, num_segments=N)
    e_max = jnp.where(jnp.isfinite(e_max), e_max, 0.0)
    w = jnp.exp(e - e_max[dst])
    denom = jax.ops.segment_sum(w, dst, num_segments=N)
    alpha = w / jnp.maximum(denom[dst], 1e-16)
    out = jax.ops.segment_sum(alpha[:, None] * xl[src], dst, num_segments=N)
    return out + bias


def setup_inputs(seed: int = 0) -> dict:
    key = jax.random.key(seed)
    ks = jax.random.split(key, 16)
    s1 = float(1.0 / np.sqrt(D_IN))
    s2 = float(1.0 / np.sqrt(HID))
    inp = {}
    inp["x"] = jax.random.normal(ks[0], (N, D_IN), dtype=jnp.float32)
    inp["edge_index"] = jax.random.randint(ks[1], (2, E), 0, N, dtype=jnp.int32)
    inp["batch"] = jnp.sort(jax.random.randint(ks[2], (N,), 0, G, dtype=jnp.int32))
    inp["Wl1"] = jax.random.uniform(ks[3], (D_IN, HID), jnp.float32, -s1, s1)
    inp["bl1"] = jnp.zeros((HID,), jnp.float32)
    inp["Wr1"] = jax.random.uniform(ks[4], (D_IN, HID), jnp.float32, -s1, s1)
    inp["br1"] = jnp.zeros((HID,), jnp.float32)
    inp["att1"] = jax.random.uniform(ks[5], (HID,), jnp.float32, -s2, s2)
    inp["b1"] = jnp.zeros((HID,), jnp.float32)
    inp["Wl2"] = jax.random.uniform(ks[6], (HID, HID), jnp.float32, -s2, s2)
    inp["bl2"] = jnp.zeros((HID,), jnp.float32)
    inp["Wr2"] = jax.random.uniform(ks[7], (HID, HID), jnp.float32, -s2, s2)
    inp["br2"] = jnp.zeros((HID,), jnp.float32)
    inp["att2"] = jax.random.uniform(ks[8], (HID,), jnp.float32, -s2, s2)
    inp["b2"] = jnp.zeros((HID,), jnp.float32)
    inp["Wout"] = jax.random.uniform(ks[9], (HID, 1), jnp.float32, -s2, s2)
    inp["bout"] = jnp.zeros((1,), jnp.float32)
    return inp


def reference(x, edge_index, batch, Wl1, bl1, Wr1, br1, att1, b1, Wl2, bl2, Wr2, br2, att2, b2, Wout, bout):
    # add self loops (PyG GATv2Conv default add_self_loops=True)
    loop = jnp.arange(N, dtype=edge_index.dtype)
    src = jnp.concatenate([edge_index[0], loop])
    dst = jnp.concatenate([edge_index[1], loop])
    h = _gatv2_layer(x, src, dst, Wl1, bl1, Wr1, br1, att1, b1)
    # norm=None -> Identity; dropout inactive at eval
    h = jax.nn.relu(h)
    h = _gatv2_layer(h, src, dst, Wl2, bl2, Wr2, br2, att2, b2)
    # global_mean_pool over batch ids
    sums = jax.ops.segment_sum(h, batch, num_segments=G)
    counts = jax.ops.segment_sum(jnp.ones((N,), jnp.float32), batch, num_segments=G)
    mean = sums / jnp.maximum(counts, 1.0)[:, None]
    return mean @ Wout + bout

if __name__ == "__main__":
    import jax
    _d = setup_inputs()
    print(jax.jit(kernel)(*tuple(_d.values())))

</pallas_src>

<mosaic_0001>
#map = affine_map<(d0, d1) -> (0, 0)>
#map1 = affine_map<(d0, d1) -> (0)>
#map2 = affine_map<(d0, d1) -> (0, 0, 0)>
module attributes {stable_mosaic.version = 14 : i64} {
  func.func @_sc_body(%arg0: i32, %arg1: i32, %arg2: memref<10240x64xf32, #tpu.memory_space<hbm>>, %arg3: memref<10240x64xf32, #tpu.memory_space<hbm>>, %arg4: memref<336128xi32, #tpu.memory_space<hbm>>, %arg5: memref<336128xi32, #tpu.memory_space<hbm>>, %arg6: memref<64xf32, #tpu.memory_space<hbm>>, %arg7: memref<10240x64xf32, #tpu.memory_space<hbm>>, %arg8: memref<10240xf32, #tpu.memory_space<hbm>>, %arg9: memref<2x10240x64xf32, #tpu.memory_space<hbm>>, %arg10: memref<2x10240xf32, #tpu.memory_space<hbm>>, %arg11: memref<128xi32, #tpu.memory_space<vmem>>, %arg12: memref<128xi32, #tpu.memory_space<vmem>>, %arg13: memref<128xi32, #tpu.memory_space<vmem>>, %arg14: memref<128xi32, #tpu.memory_space<vmem>>, %arg15: memref<128x64xf32, #tpu.memory_space<vmem>>, %arg16: memref<128x64xf32, #tpu.memory_space<vmem>>, %arg17: memref<128x64xf32, #tpu.memory_space<vmem>>, %arg18: memref<128x64xf32, #tpu.memory_space<vmem>>, %arg19: memref<128xf32, #tpu.memory_space<vmem>>, %arg20: memref<64xf32, #tpu.memory_space<vmem>>, %arg21: memref<10240x64xf32, #tpu.memory_space<vmem_shared>>, %arg22: memref<10240xf32, #tpu.memory_space<vmem_shared>>, %arg23: memref<!tpu.dma_semaphore, #tpu.memory_space<semaphore_mem>>, %arg24: memref<!tpu.dma_semaphore, #tpu.memory_space<semaphore_mem>>, %arg25: memref<!tpu.dma_semaphore, #tpu.memory_space<semaphore_mem>>, %arg26: memref<!tpu.dma_semaphore, #tpu.memory_space<semaphore_mem>>, %arg27: memref<!tpu.dma_semaphore, #tpu.memory_space<semaphore_mem>>, %arg28: memref<!tpu.dma_semaphore, #tpu.memory_space<semaphore_mem>>) attributes {dimension_semantics = [#tpu.dimension_semantics<core_parallel>, #tpu.dimension_semantics<subcore_parallel>], iteration_bounds = array<i64: 2, 16>, scalar_prefetch = 0 : i64, scratch_operands = 18 : i64, tpu.core_type = #tpu.core_type<sc_vector_subcore>, window_params = [{transform_indices = #map}, {transform_indices = #map}, {transform_indices = #map1}, {transform_indices = #map1}, {transform_indices = #map1}, {transform_indices = #map}, {transform_indices = #map1}, {transform_indices = #map2}, {transform_indices = #map}]} {
    %mul3A = arith.constant 2 : i32
    %mul3A_0 = arith.muli %arg1, %mul3A : i32
    %add3A = arith.addi %mul3A_0, %arg0 : i32
    %mul3A_1 = arith.constant 640 : i32
    %mul3A_2 = arith.muli %arg1, %mul3A_1 : i32
    %mul3A_3 = arith.constant 640 : i32
    %mul3A_4 = arith.muli %arg1, %mul3A_3 : i32
    "tpu.region"() ({
      %run_scoped3A = tpu.sem_alloc : memref<!tpu.dma_semaphore, #tpu.memory_space<semaphore_mem>>
      %dma_start3A_96 = arith.constant 0 : i32
      %dma_start3A_97 = tpu.memref_slice %arg21[%mul3A_4, %dma_start3A_96] : memref<10240x64xf32, #tpu.memory_space<vmem_shared>> -> memref<640x64xf32, #tpu.memory_space<vmem_shared>>
      %dma_start3A_98 = arith.constant 0 : i32
      %dma_start3A_99 = tpu.memref_slice %arg7[%mul3A_2, %dma_start3A_98] : memref<10240x64xf32, #tpu.memory_space<hbm>> -> memref<640x64xf32, #tpu.memory_space<hbm>>
      tpu.enqueue_dma source(%dma_start3A_99 : memref<640x64xf32, #tpu.memory_space<hbm>>) target(%dma_start3A_97 : memref<640x64xf32, #tpu.memory_space<vmem_shared>>) target_semaphore(%run_scoped3A : memref<!tpu.dma_semaphore, #tpu.memory_space<semaphore_mem>>)
      %dma_wait3A_100 = arith.constant 0 : i32
      %dma_wait3A_101 = tpu.memref_slice %arg21[%mul3A_4, %dma_wait3A_100] : memref<10240x64xf32, #tpu.memory_space<vmem_shared>> -> memref<640x64xf32, #tpu.memory_space<vmem_shared>>
      %dma_wait3A_102 = arith.constant 0 : i32
      %dma_wait3A_103 = tpu.memref_slice %arg7[%mul3A_2, %dma_wait3A_102] : memref<10240x64xf32, #tpu.memory_space<hbm>> -> memref<640x64xf32, #tpu.memory_space<hbm>>
      tpu.wait_dma2 semaphore(%run_scoped3A : memref<!tpu.dma_semaphore, #tpu.memory_space<semaphore_mem>>) src(%dma_wait3A_103 : memref<640x64xf32, #tpu.memory_space<hbm>>) dst(%dma_wait3A_101 : memref<640x64xf32, #tpu.memory_space<vmem_shared>>)
      tpu.yield
    }) : () -> ()
    %mul3A_5 = arith.constant 640 : i32
    %mul3A_6 = arith.muli %arg1, %mul3A_5 : i32
    %mul3A_7 = arith.constant 640 : i32
    %mul3A_8 = arith.muli %arg1, %mul3A_7 : i32
    "tpu.region"() ({
      %run_scoped3A = tpu.sem_alloc : memref<!tpu.dma_semaphore, #tpu.memory_space<semaphore_mem>>
      %dma_start3A_96 = tpu.memref_slice %arg22[%mul3A_8] : memref<10240xf32, #tpu.memory_space<vmem_shared>> -> memref<640xf32, #tpu.memory_space<vmem_shared>>
      %dma_start3A_97 = tpu.memref_slice %arg8[%mul3A_6] : memref<10240xf32, #tpu.memory_space<hbm>> -> memref<640xf32, #tpu.memory_space<hbm>>
      tpu.enqueue_dma source(%dma_start3A_97 : memref<640xf32, #tpu.memory_space<hbm>>) target(%dma_start3A_96 : memref<640xf32, #tpu.memory_space<vmem_shared>>) target_semaphore(%run_scoped3A : memref<!tpu.dma_semaphore, #tpu.memory_space<semaphore_mem>>)
      %dma_wait3A_98 = tpu.memref_slice %arg22[%mul3A_8] : memref<10240xf32, #tpu.memory_space<vmem_shared>> -> memref<640xf32, #tpu.memory_space<vmem_shared>>
      %dma_wait3A_99 = tpu.memref_slice %arg8[%mul3A_6] : memref<10240xf32, #tpu.memory_space<hbm>> -> memref<640xf32, #tpu.memory_space<hbm>>
      tpu.wait_dma2 semaphore(%run_scoped3A : memref<!tpu.dma_semaphore, #tpu.memory_space<semaphore_mem>>) src(%dma_wait3A_99 : memref<640xf32, #tpu.memory_space<hbm>>) dst(%dma_wait3A_98 : memref<640xf32, #tpu.memory_space<vmem_shared>>)
      tpu.yield
    }) : () -> ()
    "tpu.region"() ({
      %run_scoped3A = tpu.sem_alloc : memref<!tpu.dma_semaphore, #tpu.memory_space<semaphore_mem>>
      tpu.enqueue_dma source(%arg6 : memref<64xf32, #tpu.memory_space<hbm>>) target(%arg20 : memref<64xf32, #tpu.memory_space<vmem>>) target_semaphore(%run_scoped3A : memref<!tpu.dma_semaphore, #tpu.memory_space<semaphore_mem>>)
      tpu.wait_dma2 semaphore(%run_scoped3A : memref<!tpu.dma_semaphore, #tpu.memory_space<semaphore_mem>>) src(%arg6 : memref<64xf32, #tpu.memory_space<hbm>>) dst(%arg20 : memref<64xf32, #tpu.memory_space<vmem>>)
      tpu.yield
    }) : () -> ()
    %barrier3A = arith.constant 0 : index
    tpu.barrier barrier_id(%barrier3A)
    %iota3A = tpu.iota {dimensions = array<i32: 0>} : vector<16xi32>
    %add3A_9 = arith.constant 0 : i32
    %add3A_10 = vector.broadcast %add3A_9 : i32 to vector<16xi32>
    %add3A_11 = arith.addi %iota3A, %add3A_10 : vector<16xi32>
    %iota3A_12 = tpu.iota {dimensions = array<i32: 0>} : vector<16xi32>
    %add3A_13 = arith.constant 16 : i32
    %add3A_14 = vector.broadcast %add3A_13 : i32 to vector<16xi32>
    %add3A_15 = arith.addi %iota3A_12, %add3A_14 : vector<16xi32>
    %iota3A_16 = tpu.iota {dimensions = array<i32: 0>} : vector<16xi32>
    %add3A_17 = arith.constant 32 : i32
    %add3A_18 = vector.broadcast %add3A_17 : i32 to vector<16xi32>
    %add3A_19 = arith.addi %iota3A_16, %add3A_18 : vector<16xi32>
    %iota3A_20 = tpu.iota {dimensions = array<i32: 0>} : vector<16xi32>
    %add3A_21 = arith.constant 48 : i32
    %add3A_22 = vector.broadcast %add3A_21 : i32 to vector<16xi32>
    %add3A_23 = arith.addi %iota3A_20, %add3A_22 : vector<16xi32>
    %iota3A_24 = tpu.iota {dimensions = array<i32: 0>} : vector<16xi32>
    %add3A_25 = arith.constant 64 : i32
    %add3A_26 = vector.broadcast %add3A_25 : i32 to vector<16xi32>
    %add3A_27 = arith.addi %iota3A_24, %add3A_26 : vector<16xi32>
    %iota3A_28 = tpu.iota {dimensions = array<i32: 0>} : vector<16xi32>
    %add3A_29 = arith.constant 80 : i32
    %add3A_30 = vector.broadcast %add3A_29 : i32 to vector<16xi32>
    %add3A_31 = arith.addi %iota3A_28, %add3A_30 : vector<16xi32>
    %iota3A_32 = tpu.iota {dimensions = array<i32: 0>} : vector<16xi32>
    %add3A_33 = arith.constant 96 : i32
    %add3A_34 = vector.broadcast %add3A_33 : i32 to vector<16xi32>
    %add3A_35 = arith.addi %iota3A_32, %add3A_34 : vector<16xi32>
    %iota3A_36 = tpu.iota {dimensions = array<i32: 0>} : vector<16xi32>
    %add3A_37 = arith.constant 112 : i32
    %add3A_38 = vector.broadcast %add3A_37 : i32 to vector<16xi32>
    %add3A_39 = arith.addi %iota3A_36, %add3A_38 : vector<16xi32>
    %mul3A_40 = arith.constant 10496 : i32
    %mul3A_41 = arith.muli %add3A, %mul3A_40 : i32
    %add3A_42 = arith.constant 0 : i32
    %add3A_43 = arith.addi %mul3A_41, %add3A_42 : i32
    %dma_start3A = tpu.memref_slice %arg4[%add3A_43] : memref<336128xi32, #tpu.memory_space<hbm>> -> memref<128xi32, #tpu.memory_space<hbm>>
    %dma_start3A_44 = tpu.memref_slice %arg4[%add3A_43] : memref<336128xi32, #tpu.memory_space<hbm>> -> memref<128xi32, #tpu.memory_space<hbm>>
    tpu.enqueue_dma source(%dma_start3A_44 : memref<128xi32, #tpu.memory_space<hbm>>) target(%arg11 : memref<128xi32, #tpu.memory_space<vmem>>) target_semaphore(%arg23 : memref<!tpu.dma_semaphore, #tpu.memory_space<semaphore_mem>>)
    %dma_start3A_45 = tpu.memref_slice %arg5[%add3A_43] : memref<336128xi32, #tpu.memory_space<hbm>> -> memref<128xi32, #tpu.memory_space<hbm>>
    %dma_start3A_46 = tpu.memref_slice %arg5[%add3A_43] : memref<336128xi32, #tpu.memory_space<hbm>> -> memref<128xi32, #tpu.memory_space<hbm>>
    tpu.enqueue_dma source(%dma_start3A_46 : memref<128xi32, #tpu.memory_space<hbm>>) target(%arg12 : memref<128xi32, #tpu.memory_space<vmem>>) target_semaphore(%arg23 : memref<!tpu.dma_semaphore, #tpu.memory_space<semaphore_mem>>)
    %mul3A_47 = arith.constant 10496 : i32
    %mul3A_48 = arith.muli %add3A, %mul3A_47 : i32
    %add3A_49 = arith.constant 128 : i32
    %add3A_50 = arith.addi %mul3A_48, %add3A_49 : i32
    %dma_start3A_51 = tpu.memref_slice %arg4[%add3A_50] : memref<336128xi32, #tpu.memory_space<hbm>> -> memref<128xi32, #tpu.memory_space<hbm>>
    %dma_start3A_52 = tpu.memref_slice %arg4[%add3A_50] : memref<336128xi32, #tpu.memory_space<hbm>> -> memref<128xi32, #tpu.memory_space<hbm>>
    tpu.enqueue_dma source(%dma_start3A_52 : memref<128xi32, #tpu.memory_space<hbm>>) target(%arg13 : memref<128xi32, #tpu.memory_space<vmem>>) target_semaphore(%arg24 : memref<!tpu.dma_semaphore, #tpu.memory_space<semaphore_mem>>)
    %dma_start3A_53 = tpu.memref_slice %arg5[%add3A_50] : memref<336128xi32, #tpu.memory_space<hbm>> -> memref<128xi32, #tpu.memory_space<hbm>>
    %dma_start3A_54 = tpu.memref_slice %arg5[%add3A_50] : memref<336128xi32, #tpu.memory_space<hbm>> -> memref<128xi32, #tpu.memory_space<hbm>>
    tpu.enqueue_dma source(%dma_start3A_54 : memref<128xi32, #tpu.memory_space<hbm>>) target(%arg14 : memref<128xi32, #tpu.memory_space<vmem>>) target_semaphore(%arg24 : memref<!tpu.dma_semaphore, #tpu.memory_space<semaphore_mem>>)
    %dma_wait3A = arith.constant 0 : i32
    %dma_wait3A_55 = tpu.memref_slice %arg4[%dma_wait3A] : memref<336128xi32, #tpu.memory_space<hbm>> -> memref<128xi32, #tpu.memory_space<hbm>>
    %dma_wait3A_56 = arith.constant 0 : i32
    %dma_wait3A_57 = tpu.memref_slice %arg4[%dma_wait3A_56] : memref<336128xi32, #tpu.memory_space<hbm>> -> memref<128xi32, #tpu.memory_space<hbm>>
    tpu.wait_dma2 semaphore(%arg23 : memref<!tpu.dma_semaphore, #tpu.memory_space<semaphore_mem>>) src(%dma_wait3A_57 : memref<128xi32, #tpu.memory_space<hbm>>) dst(%arg11 : memref<128xi32, #tpu.memory_space<vmem>>)
    %dma_wait3A_58 = arith.constant 0 : i32
    %dma_wait3A_59 = tpu.memref_slice %arg5[%dma_wait3A_58] : memref<336128xi32, #tpu.memory_space<hbm>> -> memref<128xi32, #tpu.memory_space<hbm>>
    %dma_wait3A_60 = arith.constant 0 : i32
    %dma_wait3A_61 = tpu.memref_slice %arg5[%dma_wait3A_60] : memref<336128xi32, #tpu.memory_space<hbm>> -> memref<128xi32, #tpu.memory_space<hbm>>
    tpu.wait_dma2 semaphore(%arg23 : memref<!tpu.dma_semaphore, #tpu.memory_space<semaphore_mem>>) src(%dma_wait3A_61 : memref<128xi32, #tpu.memory_space<hbm>>) dst(%arg12 : memref<128xi32, #tpu.memory_space<vmem>>)
    %dma_start3A_62 = arith.constant 0 : i32
    %dma_start3A_63 = arith.constant 0 : i32
    %dma_start3A_64 = tpu.memref_slice %arg2[%dma_start3A_62, %dma_start3A_63] : memref<10240x64xf32, #tpu.memory_space<hbm>> -> memref<10240x64xf32, #tpu.memory_space<hbm>>
    tpu.enqueue_indirect_dma source(%dma_start3A_64 : memref<10240x64xf32, #tpu.memory_space<hbm>>) target(%arg15 : memref<128x64xf32, #tpu.memory_space<vmem>>) offsets(%arg11 : memref<128xi32, #tpu.memory_space<vmem>>) semaphore(%arg25 : memref<!tpu.dma_semaphore, #tpu.memory_space<semaphore_mem>>)
    %dma_start3A_65 = arith.constant 0 : i32
    %dma_start3A_66 = arith.constant 0 : i32
    %dma_start3A_67 = tpu.memref_slice %arg3[%dma_start3A_65, %dma_start3A_66] : memref<10240x64xf32, #tpu.memory_space<hbm>> -> memref<10240x64xf32, #tpu.memory_space<hbm>>
    tpu.enqueue_indirect_dma source(%dma_start3A_67 : memref<10240x64xf32, #tpu.memory_space<hbm>>) target(%arg16 : memref<128x64xf32, #tpu.memory_space<vmem>>) offsets(%arg12 : memref<128xi32, #tpu.memory_space<vmem>>) semaphore(%arg26 : memref<!tpu.dma_semaphore, #tpu.memory_space<semaphore_mem>>)
    %scan3A = arith.constant 0 : i32
    %scan3A_68 = arith.constant 0 : i32
    %scan3A_69 = arith.constant 41 : i32
    %scan3A_70 = arith.addi %scan3A_68, %scan3A_69 : i32
    %scan3A_71 = arith.constant 1 : i32
    scf.for %scan3A_96 = %scan3A_68 to %scan3A_70 step %scan3A_71  : i32 {
      %mul3A_97 = arith.constant 2 : i32
      %mul3A_98 = arith.muli %mul3A_97, %scan3A_96 : i32
      %dma_wait3A_99 = arith.constant 0 : i32
      %dma_wait3A_100 = tpu.memref_slice %arg4[%dma_wait3A_99] : memref<336128xi32, #tpu.memory_space<hbm>> -> memref<128xi32, #tpu.memory_space<hbm>>
      %dma_wait3A_101 = arith.constant 0 : i32
      %dma_wait3A_102 = tpu.memref_slice %arg4[%dma_wait3A_101] : memref<336128xi32, #tpu.memory_space<hbm>> -> memref<128xi32, #tpu.memory_space<hbm>>
      tpu.wait_dma2 semaphore(%arg24 : memref<!tpu.dma_semaphore, #tpu.memory_space<semaphore_mem>>) src(%dma_wait3A_102 : memref<128xi32, #tpu.memory_space<hbm>>) dst(%arg13 : memref<128xi32, #tpu.memory_space<vmem>>)
      %dma_wait3A_103 = arith.constant 0 : i32
      %dma_wait3A_104 = tpu.memref_slice %arg5[%dma_wait3A_103] : memref<336128xi32, #tpu.memory_space<hbm>> -> memref<128xi32, #tpu.memory_space<hbm>>
      %dma_wait3A_105 = arith.constant 0 : i32
      %dma_wait3A_106 = tpu.memref_slice %arg5[%dma_wait3A_105] : memref<336128xi32, #tpu.memory_space<hbm>> -> memref<128xi32, #tpu.memory_space<hbm>>
      tpu.wait_dma2 semaphore(%arg24 : memref<!tpu.dma_semaphore, #tpu.memory_space<semaphore_mem>>) src(%dma_wait3A_106 : memref<128xi32, #tpu.memory_space<hbm>>) dst(%arg14 : memref<128xi32, #tpu.memory_space<vmem>>)
      %dma_start3A_107 = arith.constant 0 : i32
      %dma_start3A_108 = arith.constant 0 : i32
      %dma_start3A_109 = tpu.memref_slice %arg2[%dma_start3A_107, %dma_start3A_108] : memref<10240x64xf32, #tpu.memory_space<hbm>> -> memref<10240x64xf32, #tpu.memory_space<hbm>>
      tpu.enqueue_indirect_dma source(%dma_start3A_109 : memref<10240x64xf32, #tpu.memory_space<hbm>>) target(%arg17 : memref<128x64xf32, #tpu.memory_space<vmem>>) offsets(%arg13 : memref<128xi32, #tpu.memory_space<vmem>>) semaphore(%arg27 : memref<!tpu.dma_semaphore, #tpu.memory_space<semaphore_mem>>)
      %dma_start3A_110 = arith.constant 0 : i32
      %dma_start3A_111 = arith.constant 0 : i32
      %dma_start3A_112 = tpu.memref_slice %arg3[%dma_start3A_110, %dma_start3A_111] : memref<10240x64xf32, #tpu.memory_space<hbm>> -> memref<10240x64xf32, #tpu.memory_space<hbm>>
      tpu.enqueue_indirect_dma source(%dma_start3A_112 : memref<10240x64xf32, #tpu.memory_space<hbm>>) target(%arg18 : memref<128x64xf32, #tpu.memory_space<vmem>>) offsets(%arg14 : memref<128xi32, #tpu.memory_space<vmem>>) semaphore(%arg28 : memref<!tpu.dma_semaphore, #tpu.memory_space<semaphore_mem>>)
      %dma_wait3A_113 = arith.constant 0 : i32
      %dma_wait3A_114 = arith.constant 0 : i32
      %dma_wait3A_115 = tpu.memref_slice %arg2[%dma_wait3A_113, %dma_wait3A_114] : memref<10240x64xf32, #tpu.memory_space<hbm>> -> memref<10240x64xf32, #tpu.memory_space<hbm>>
      tpu.wait_indirect_dma semaphore(%arg25 : memref<!tpu.dma_semaphore, #tpu.memory_space<semaphore_mem>>) src(%dma_wait3A_115 : memref<10240x64xf32, #tpu.memory_space<hbm>>) dst(%arg15 : memref<128x64xf32, #tpu.memory_space<vmem>>)
      %dma_wait3A_116 = arith.constant 0 : i32
      %dma_wait3A_117 = arith.constant 0 : i32
      %dma_wait3A_118 = tpu.memref_slice %arg3[%dma_wait3A_116, %dma_wait3A_117] : memref<10240x64xf32, #tpu.memory_space<hbm>> -> memref<10240x64xf32, #tpu.memory_space<hbm>>
      tpu.wait_indirect_dma semaphore(%arg26 : memref<!tpu.dma_semaphore, #tpu.memory_space<semaphore_mem>>) src(%dma_wait3A_118 : memref<10240x64xf32, #tpu.memory_space<hbm>>) dst(%arg16 : memref<128x64xf32, #tpu.memory_space<vmem>>)
      %broadcast_in_dim3A = arith.constant 0.000000e+00 : f32
      %broadcast_in_dim3A_119 = vector.broadcast %broadcast_in_dim3A : f32 to vector<16xf32>
      %broadcast_in_dim3A_120 = arith.constant 0.000000e+00 : f32
      %broadcast_in_dim3A_121 = vector.broadcast %broadcast_in_dim3A_120 : f32 to vector<16xf32>
      %broadcast_in_dim3A_122 = arith.constant 0.000000e+00 : f32
      %broadcast_in_dim3A_123 = vector.broadcast %broadcast_in_dim3A_122 : f32 to vector<16xf32>
      %broadcast_in_dim3A_124 = arith.constant 0.000000e+00 : f32
      %broadcast_in_dim3A_125 = vector.broadcast %broadcast_in_dim3A_124 : f32 to vector<16xf32>
      %broadcast_in_dim3A_126 = arith.constant 0.000000e+00 : f32
      %broadcast_in_dim3A_127 = vector.broadcast %broadcast_in_dim3A_126 : f32 to vector<16xf32>
      %broadcast_in_dim3A_128 = arith.constant 0.000000e+00 : f32
      %broadcast_in_dim3A_129 = vector.broadcast %broadcast_in_dim3A_128 : f32 to vector<16xf32>
      %broadcast_in_dim3A_130 = arith.constant 0.000000e+00 : f32
      %broadcast_in_dim3A_131 = vector.broadcast %broadcast_in_dim3A_130 : f32 to vector<16xf32>
      %broadcast_in_dim3A_132 = arith.constant 0.000000e+00 : f32
      %broadcast_in_dim3A_133 = vector.broadcast %broadcast_in_dim3A_132 : f32 to vector<16xf32>
      %scan3A_134 = arith.constant 0 : i32
      %scan3A_135 = arith.constant 64 : i32
      %scan3A_136 = arith.addi %scan3A_134, %scan3A_135 : i32
      %scan3A_137 = arith.constant 2 : i32
      %scan3A_138:8 = scf.for %scan3A_262 = %scan3A_134 to %scan3A_136 step %scan3A_137 iter_args(%scan3A_263 = %broadcast_in_dim3A_119, %scan3A_264 = %broadcast_in_dim3A_121, %scan3A_265 = %broadcast_in_dim3A_123, %scan3A_266 = %broadcast_in_dim3A_125, %scan3A_267 = %broadcast_in_dim3A_127, %scan3A_268 = %broadcast_in_dim3A_129, %scan3A_269 = %broadcast_in_dim3A_131, %scan3A_270 = %broadcast_in_dim3A_133) -> (vector<16xf32>, vector<16xf32>, vector<16xf32>, vector<16xf32>, vector<16xf32>, vector<16xf32>, vector<16xf32>, vector<16xf32>)  : i32 {
        %broadcast_in_dim3A_271 = vector.broadcast %scan3A_262 : i32 to vector<16xi32>
        %gather3A = tpu.vector_load_idx %arg20[%broadcast_in_dim3A_271] : memref<64xf32, #tpu.memory_space<vmem>>[vector<16xi32>], vector<16xf32>,
        %gather3A_272 = tpu.vector_load_idx %arg15[%add3A_11, %broadcast_in_dim3A_271] : memref<128x64xf32, #tpu.memory_space<vmem>>[vector<16xi32>, vector<16xi32>], vector<16xf32>,
        %gather3A_273 = tpu.vector_load_idx %arg16[%add3A_11, %broadcast_in_dim3A_271] : memref<128x64xf32, #tpu.memory_space<vmem>>[vector<16xi32>, vector<16xi32>], vector<16xf32>,
        %add3A_274 = arith.addf %gather3A_272, %gather3A_273 : vector<16xf32>
        %gt3A = arith.constant 0.000000e+00 : f32
        %gt3A_275 = vector.broadcast %gt3A : f32 to vector<16xf32>
        %gt3A_276 = arith.cmpf ogt, %add3A_274, %gt3A_275 : vector<16xf32>
        %mul3A_277 = arith.constant 2.000000e-01 : f32
        %mul3A_278 = vector.broadcast %mul3A_277 : f32 to vector<16xf32>
        %mul3A_279 = arith.mulf %mul3A_278, %add3A_274 : vector<16xf32>
        %select_n3A = arith.select %gt3A_276, %add3A_274, %mul3A_279 : vector<16xi1>, vector<16xf32>
        %mul3A_280 = arith.mulf %select_n3A, %gather3A : vector<16xf32>
        %add3A_281 = arith.addf %scan3A_263, %mul3A_280 : vector<16xf32>
        %gather3A_282 = tpu.vector_load_idx %arg15[%add3A_15, %broadcast_in_dim3A_271] : memref<128x64xf32, #tpu.memory_space<vmem>>[vector<16xi32>, vector<16xi32>], vector<16xf32>,
        %gather3A_283 = tpu.vector_load_idx %arg16[%add3A_15, %broadcast_in_dim3A_271] : memref<128x64xf32, #tpu.memory_space<vmem>>[vector<16xi32>, vector<16xi32>], vector<16xf32>,
        %add3A_284 = arith.addf %gather3A_282, %gather3A_283 : vector<16xf32>
        %gt3A_285 = arith.constant 0.000000e+00 : f32
        %gt3A_286 = vector.broadcast %gt3A_285 : f32 to vector<16xf32>
        %gt3A_287 = arith.cmpf ogt, %add3A_284, %gt3A_286 : vector<16xf32>
        %mul3A_288 = arith.constant 2.000000e-01 : f32
        %mul3A_289 = vector.broadcast %mul3A_288 : f32 to vector<16xf32>
        %mul3A_290 = arith.mulf %mul3A_289, %add3A_284 : vector<16xf32>
        %select_n3A_291 = arith.select %gt3A_287, %add3A_284, %mul3A_290 : vector<16xi1>, vector<16xf32>
        %mul3A_292 = arith.mulf %select_n3A_291, %gather3A : vector<16xf32>
        %add3A_293 = arith.addf %scan3A_264, %mul3A_292 : vector<16xf32>
        %gather3A_294 = tpu.vector_load_idx %arg15[%add3A_19, %broadcast_in_dim3A_271] : memref<128x64xf32, #tpu.memory_space<vmem>>[vector<16xi32>, vector<16xi32>], vector<16xf32>,
        %gather3A_295 = tpu.vector_load_idx %arg16[%add3A_19, %broadcast_in_dim3A_271] : memref<128x64xf32, #tpu.memory_space<vmem>>[vector<16xi32>, vector<16xi32>], vector<16xf32>,
        %add3A_296 = arith.addf %gather3A_294, %gather3A_295 : vector<16xf32>
        %gt3A_297 = arith.constant 0.000000e+00 : f32
        %gt3A_298 = vector.broadcast %gt3A_297 : f32 to vector<16xf32>
        %gt3A_299 = arith.cmpf ogt, %add3A_296, %gt3A_298 : vector<16xf32>
        %mul3A_300 = arith.constant 2.000000e-01 : f32
        %mul3A_301 = vector.broadcast %mul3A_300 : f32 to vector<16xf32>
        %mul3A_302 = arith.mulf %mul3A_301, %add3A_296 : vector<16xf32>
        %select_n3A_303 = arith.select %gt3A_299, %add3A_296, %mul3A_302 : vector<16xi1>, vector<16xf32>
        %mul3A_304 = arith.mulf %select_n3A_303, %gather3A : vector<16xf32>
        %add3A_305 = arith.addf %scan3A_265, %mul3A_304 : vector<16xf32>
        %gather3A_306 = tpu.vector_load_idx %arg15[%add3A_23, %broadcast_in_dim3A_271] : memref<128x64xf32, #tpu.memory_space<vmem>>[vector<16xi32>, vector<16xi32>], vector<16xf32>,
        %gather3A_307 = tpu.vector_load_idx %arg16[%add3A_23, %broadcast_in_dim3A_271] : memref<128x64xf32, #tpu.memory_space<vmem>>[vector<16xi32>, vector<16xi32>], vector<16xf32>,
        %add3A_308 = arith.addf %gather3A_306, %gather3A_307 : vector<16xf32>
        %gt3A_309 = arith.constant 0.000000e+00 : f32
        %gt3A_310 = vector.broadcast %gt3A_309 : f32 to vector<16xf32>
        %gt3A_311 = arith.cmpf ogt, %add3A_308, %gt3A_310 : vector<16xf32>
        %mul3A_312 = arith.constant 2.000000e-01 : f32
        %mul3A_313 = vector.broadcast %mul3A_312 : f32 to vector<16xf32>
        %mul3A_314 = arith.mulf %mul3A_313, %add3A_308 : vector<16xf32>
        %select_n3A_315 = arith.select %gt3A_311, %add3A_308, %mul3A_314 : vector<16xi1>, vector<16xf32>
        %mul3A_316 = arith.mulf %select_n3A_315, %gather3A : vector<16xf32>
        %add3A_317 = arith.addf %scan3A_266, %mul3A_316 : vector<16xf32>
        %gather3A_318 = tpu.vector_load_idx %arg15[%add3A_27, %broadcast_in_dim3A_271] : memref<128x64xf32, #tpu.memory_space<vmem>>[vector<16xi32>, vector<16xi32>], vector<16xf32>,
        %gather3A_319 = tpu.vector_load_idx %arg16[%add3A_27, %broadcast_in_dim3A_271] : memref<128x64xf32, #tpu.memory_space<vmem>>[vector<16xi32>, vector<16xi32>], vector<16xf32>,
        %add3A_320 = arith.addf %gather3A_318, %gather3A_319 : vector<16xf32>
        %gt3A_321 = arith.constant 0.000000e+00 : f32
        %gt3A_322 = vector.broadcast %gt3A_321 : f32 to vector<16xf32>
        %gt3A_323 = arith.cmpf ogt, %add3A_320, %gt3A_322 : vector<16xf32>
        %mul3A_324 = arith.constant 2.000000e-01 : f32
        %mul3A_325 = vector.broadcast %mul3A_324 : f32 to vector<16xf32>
        %mul3A_326 = arith.mulf %mul3A_325, %add3A_320 : vector<16xf32>
        %select_n3A_327 = arith.select %gt3A_323, %add3A_320, %mul3A_326 : vector<16xi1>, vector<16xf32>
        %mul3A_328 = arith.mulf %select_n3A_327, %gather3A : vector<16xf32>
        %add3A_329 = arith.addf %scan3A_267, %mul3A_328 : vector<16xf32>
        %gather3A_330 = tpu.vector_load_idx %arg15[%add3A_31, %broadcast_in_dim3A_271] : memref<128x64xf32, #tpu.memory_space<vmem>>[vector<16xi32>, vector<16xi32>], vector<16xf32>,
        %gather3A_331 = tpu.vector_load_idx %arg16[%add3A_31, %broadcast_in_dim3A_271] : memref<128x64xf32, #tpu.memory_space<vmem>>[vector<16xi32>, vector<16xi32>], vector<16xf32>,
        %add3A_332 = arith.addf %gather3A_330, %gather3A_331 : vector<16xf32>
        %gt3A_333 = arith.constant 0.000000e+00 : f32
        %gt3A_334 = vector.broadcast %gt3A_333 : f32 to vector<16xf32>
        %gt3A_335 = arith.cmpf ogt, %add3A_332, %gt3A_334 : vector<16xf32>
        %mul3A_336 = arith.constant 2.000000e-01 : f32
        %mul3A_337 = vector.broadcast %mul3A_336 : f32 to vector<16xf32>
        %mul3A_338 = arith.mulf %mul3A_337, %add3A_332 : vector<16xf32>
        %select_n3A_339 = arith.select %gt3A_335, %add3A_332, %mul3A_338 : vector<16xi1>, vector<16xf32>
        %mul3A_340 = arith.mulf %select_n3A_339, %gather3A : vector<16xf32>
        %add3A_341 = arith.addf %scan3A_268, %mul3A_340 : vector<16xf32>
        %gather3A_342 = tpu.vector_load_idx %arg15[%add3A_35, %broadcast_in_dim3A_271] : memref<128x64xf32, #tpu.memory_space<vmem>>[vector<16xi32>, vector<16xi32>], vector<16xf32>,
        %gather3A_343 = tpu.vector_load_idx %arg16[%add3A_35, %broadcast_in_dim3A_271] : memref<128x64xf32, #tpu.memory_space<vmem>>[vector<16xi32>, vector<16xi32>], vector<16xf32>,
        %add3A_344 = arith.addf %gather3A_342, %gather3A_343 : vector<16xf32>
        %gt3A_345 = arith.constant 0.000000e+00 : f32
        %gt3A_346 = vector.broadcast %gt3A_345 : f32 to vector<16xf32>
        %gt3A_347 = arith.cmpf ogt, %add3A_344, %gt3A_346 : vector<16xf32>
        %mul3A_348 = arith.constant 2.000000e-01 : f32
        %mul3A_349 = vector.broadcast %mul3A_348 : f32 to vector<16xf32>
        %mul3A_350 = arith.mulf %mul3A_349, %add3A_344 : vector<16xf32>
        %select_n3A_351 = arith.select %gt3A_347, %add3A_344, %mul3A_350 : vector<16xi1>, vector<16xf32>
        %mul3A_352 = arith.mulf %select_n3A_351, %gather3A : vector<16xf32>
        %add3A_353 = arith.addf %scan3A_269, %mul3A_352 : vector<16xf32>
        %gather3A_354 = tpu.vector_load_idx %arg15[%add3A_39, %broadcast_in_dim3A_271] : memref<128x64xf32, #tpu.memory_space<vmem>>[vector<16xi32>, vector<16xi32>], vector<16xf32>,
        %gather3A_355 = tpu.vector_load_idx %arg16[%add3A_39, %broadcast_in_dim3A_271] : memref<128x64xf32, #tpu.memory_space<vmem>>[vector<16xi32>, vector<16xi32>], vector<16xf32>,
        %add3A_356 = arith.addf %gather3A_354, %gather3A_355 : vector<16xf32>
        %gt3A_357 = arith.constant 0.000000e+00 : f32
        %gt3A_358 = vector.broadcast %gt3A_357 : f32 to vector<16xf32>
        %gt3A_359 = arith.cmpf ogt, %add3A_356, %gt3A_358 : vector<16xf32>
        %mul3A_360 = arith.constant 2.000000e-01 : f32
        %mul3A_361 = vector.broadcast %mul3A_360 : f32 to vector<16xf32>
        %mul3A_362 = arith.mulf %mul3A_361, %add3A_356 : vector<16xf32>
        %select_n3A_363 = arith.select %gt3A_359, %add3A_356, %mul3A_362 : vector<16xi1>, vector<16xf32>
        %mul3A_364 = arith.mulf %select_n3A_363, %gather3A : vector<16xf32>
        %add3A_365 = arith.addf %scan3A_270, %mul3A_364 : vector<16xf32>
        %scan3A_366 = arith.constant 1 : i32
        %scan3A_367 = arith.addi %scan3A_262, %scan3A_366 : i32
        %broadcast_in_dim3A_368 = vector.broadcast %scan3A_367 : i32 to vector<16xi32>
        %gather3A_369 = tpu.vector_load_idx %arg20[%broadcast_in_dim3A_368] : memref<64xf32, #tpu.memory_space<vmem>>[vector<16xi32>], vector<16xf32>,
        %gather3A_370 = tpu.vector_load_idx %arg15[%add3A_11, %broadcast_in_dim3A_368] : memref<128x64xf32, #tpu.memory_space<vmem>>[vector<16xi32>, vector<16xi32>], vector<16xf32>,
        %gather3A_371 = tpu.vector_load_idx %arg16[%add3A_11, %broadcast_in_dim3A_368] : memref<128x64xf32, #tpu.memory_space<vmem>>[vector<16xi32>, vector<16xi32>], vector<16xf32>,
        %add3A_372 = arith.addf %gather3A_370, %gather3A_371 : vector<16xf32>
        %gt3A_373 = arith.constant 0.000000e+00 : f32
        %gt3A_374 = vector.broadcast %gt3A_373 : f32 to vector<16xf32>
        %gt3A_375 = arith.cmpf ogt, %add3A_372, %gt3A_374 : vector<16xf32>
        %mul3A_376 = arith.constant 2.000000e-01 : f32
        %mul3A_377 = vector.broadcast %mul3A_376 : f32 to vector<16xf32>
        %mul3A_378 = arith.mulf %mul3A_377, %add3A_372 : vector<16xf32>
        %select_n3A_379 = arith.select %gt3A_375, %add3A_372, %mul3A_378 : vector<16xi1>, vector<16xf32>
        %mul3A_380 = arith.mulf %select_n3A_379, %gather3A_369 : vector<16xf32>
        %add3A_381 = arith.addf %add3A_281, %mul3A_380 : vector<16xf32>
        %gather3A_382 = tpu.vector_load_idx %arg15[%add3A_15, %broadcast_in_dim3A_368] : memref<128x64xf32, #tpu.memory_space<vmem>>[vector<16xi32>, vector<16xi32>], vector<16xf32>,
        %gather3A_383 = tpu.vector_load_idx %arg16[%add3A_15, %broadcast_in_dim3A_368] : memref<128x64xf32, #tpu.memory_space<vmem>>[vector<16xi32>, vector<16xi32>], vector<16xf32>,
        %add3A_384 = arith.addf %gather3A_382, %gather3A_383 : vector<16xf32>
        %gt3A_385 = arith.constant 0.000000e+00 : f32
        %gt3A_386 = vector.broadcast %gt3A_385 : f32 to vector<16xf32>
        %gt3A_387 = arith.cmpf ogt, %add3A_384, %gt3A_386 : vector<16xf32>
        %mul3A_388 = arith.constant 2.000000e-01 : f32
        %mul3A_389 = vector.broadcast %mul3A_388 : f32 to vector<16xf32>
        %mul3A_390 = arith.mulf %mul3A_389, %add3A_384 : vector<16xf32>
        %select_n3A_391 = arith.select %gt3A_387, %add3A_384, %mul3A_390 : vector<16xi1>, vector<16xf32>
        %mul3A_392 = arith.mulf %select_n3A_391, %gather3A_369 : vector<16xf32>
        %add3A_393 = arith.addf %add3A_293, %mul3A_392 : vector<16xf32>
        %gather3A_394 = tpu.vector_load_idx %arg15[%add3A_19, %broadcast_in_dim3A_368] : memref<128x64xf32, #tpu.memory_space<vmem>>[vector<16xi32>, vector<16xi32>], vector<16xf32>,
        %gather3A_395 = tpu.vector_load_idx %arg16[%add3A_19, %broadcast_in_dim3A_368] : memref<128x64xf32, #tpu.memory_space<vmem>>[vector<16xi32>, vector<16xi32>], vector<16xf32>,
        %add3A_396 = arith.addf %gather3A_394, %gather3A_395 : vector<16xf32>
        %gt3A_397 = arith.constant 0.000000e+00 : f32
        %gt3A_398 = vector.broadcast %gt3A_397 : f32 to vector<16xf32>
        %gt3A_399 = arith.cmpf ogt, %add3A_396, %gt3A_398 : vector<16xf32>
        %mul3A_400 = arith.constant 2.000000e-01 : f32
        %mul3A_401 = vector.broadcast %mul3A_400 : f32 to vector<16xf32>
        %mul3A_402 = arith.mulf %mul3A_401, %add3A_396 : vector<16xf32>
        %select_n3A_403 = arith.select %gt3A_399, %add3A_396, %mul3A_402 : vector<16xi1>, vector<16xf32>
        %mul3A_404 = arith.mulf %select_n3A_403, %gather3A_369 : vector<16xf32>
        %add3A_405 = arith.addf %add3A_305, %mul3A_404 : vector<16xf32>
        %gather3A_406 = tpu.vector_load_idx %arg15[%add3A_23, %broadcast_in_dim3A_368] : memref<128x64xf32, #tpu.memory_space<vmem>>[vector<16xi32>, vector<16xi32>], vector<16xf32>,
        %gather3A_407 = tpu.vector_load_idx %arg16[%add3A_23, %broadcast_in_dim3A_368] : memref<128x64xf32, #tpu.memory_space<vmem>>[vector<16xi32>, vector<16xi32>], vector<16xf32>,
        %add3A_408 = arith.addf %gather3A_406, %gather3A_407 : vector<16xf32>
        %gt3A_409 = arith.constant 0.000000e+00 : f32
        %gt3A_410 = vector.broadcast %gt3A_409 : f32 to vector<16xf32>
        %gt3A_411 = arith.cmpf ogt, %add3A_408, %gt3A_410 : vector<16xf32>
        %mul3A_412 = arith.constant 2.000000e-01 : f32
        %mul3A_413 = vector.broadcast %mul3A_412 : f32 to vector<16xf32>
        %mul3A_414 = arith.mulf %mul3A_413, %add3A_408 : vector<16xf32>
        %select_n3A_415 = arith.select %gt3A_411, %add3A_408, %mul3A_414 : vector<16xi1>, vector<16xf32>
        %mul3A_416 = arith.mulf %select_n3A_415, %gather3A_369 : vector<16xf32>
        %add3A_417 = arith.addf %add3A_317, %mul3A_416 : vector<16xf32>
        %gather3A_418 = tpu.vector_load_idx %arg15[%add3A_27, %broadcast_in_dim3A_368] : memref<128x64xf32, #tpu.memory_space<vmem>>[vector<16xi32>, vector<16xi32>], vector<16xf32>,
        %gather3A_419 = tpu.vector_load_idx %arg16[%add3A_27, %broadcast_in_dim3A_368] : memref<128x64xf32, #tpu.memory_space<vmem>>[vector<16xi32>, vector<16xi32>], vector<16xf32>,
        %add3A_420 = arith.addf %gather3A_418, %gather3A_419 : vector<16xf32>
        %gt3A_421 = arith.constant 0.000000e+00 : f32
        %gt3A_422 = vector.broadcast %gt3A_421 : f32 to vector<16xf32>
        %gt3A_423 = arith.cmpf ogt, %add3A_420, %gt3A_422 : vector<16xf32>
        %mul3A_424 = arith.constant 2.000000e-01 : f32
        %mul3A_425 = vector.broadcast %mul3A_424 : f32 to vector<16xf32>
        %mul3A_426 = arith.mulf %mul3A_425, %add3A_420 : vector<16xf32>
        %select_n3A_427 = arith.select %gt3A_423, %add3A_420, %mul3A_426 : vector<16xi1>, vector<16xf32>
        %mul3A_428 = arith.mulf %select_n3A_427, %gather3A_369 : vector<16xf32>
        %add3A_429 = arith.addf %add3A_329, %mul3A_428 : vector<16xf32>
        %gather3A_430 = tpu.vector_load_idx %arg15[%add3A_31, %broadcast_in_dim3A_368] : memref<128x64xf32, #tpu.memory_space<vmem>>[vector<16xi32>, vector<16xi32>], vector<16xf32>,
        %gather3A_431 = tpu.vector_load_idx %arg16[%add3A_31, %broadcast_in_dim3A_368] : memref<128x64xf32, #tpu.memory_space<vmem>>[vector<16xi32>, vector<16xi32>], vector<16xf32>,
        %add3A_432 = arith.addf %gather3A_430, %gather3A_431 : vector<16xf32>
        %gt3A_433 = arith.constant 0.000000e+00 : f32
        %gt3A_434 = vector.broadcast %gt3A_433 : f32 to vector<16xf32>
        %gt3A_435 = arith.cmpf ogt, %add3A_432, %gt3A_434 : vector<16xf32>
        %mul3A_436 = arith.constant 2.000000e-01 : f32
        %mul3A_437 = vector.broadcast %mul3A_436 : f32 to vector<16xf32>
        %mul3A_438 = arith.mulf %mul3A_437, %add3A_432 : vector<16xf32>
        %select_n3A_439 = arith.select %gt3A_435, %add3A_432, %mul3A_438 : vector<16xi1>, vector<16xf32>
        %mul3A_440 = arith.mulf %select_n3A_439, %gather3A_369 : vector<16xf32>
        %add3A_441 = arith.addf %add3A_341, %mul3A_440 : vector<16xf32>
        %gather3A_442 = tpu.vector_load_idx %arg15[%add3A_35, %broadcast_in_dim3A_368] : memref<128x64xf32, #tpu.memory_space<vmem>>[vector<16xi32>, vector<16xi32>], vector<16xf32>,
        %gather3A_443 = tpu.vector_load_idx %arg16[%add3A_35, %broadcast_in_dim3A_368] : memref<128x64xf32, #tpu.memory_space<vmem>>[vector<16xi32>, vector<16xi32>], vector<16xf32>,
        %add3A_444 = arith.addf %gather3A_442, %gather3A_443 : vector<16xf32>
        %gt3A_445 = arith.constant 0.000000e+00 : f32
        %gt3A_446 = vector.broadcast %gt3A_445 : f32 to vector<16xf32>
        %gt3A_447 = arith.cmpf ogt, %add3A_444, %gt3A_446 : vector<16xf32>
        %mul3A_448 = arith.constant 2.000000e-01 : f32
        %mul3A_449 = vector.broadcast %mul3A_448 : f32 to vector<16xf32>
        %mul3A_450 = arith.mulf %mul3A_449, %add3A_444 : vector<16xf32>
        %select_n3A_451 = arith.select %gt3A_447, %add3A_444, %mul3A_450 : vector<16xi1>, vector<16xf32>
        %mul3A_452 = arith.mulf %select_n3A_451, %gather3A_369 : vector<16xf32>
        %add3A_453 = arith.addf %add3A_353, %mul3A_452 : vector<16xf32>
        %gather3A_454 = tpu.vector_load_idx %arg15[%add3A_39, %broadcast_in_dim3A_368] : memref<128x64xf32, #tpu.memory_space<vmem>>[vector<16xi32>, vector<16xi32>], vector<16xf32>,
        %gather3A_455 = tpu.vector_load_idx %arg16[%add3A_39, %broadcast_in_dim3A_368] : memref<128x64xf32, #tpu.memory_space<vmem>>[vector<16xi32>, vector<16xi32>], vector<16xf32>,
        %add3A_456 = arith.addf %gather3A_454, %gather3A_455 : vector<16xf32>
        %gt3A_457 = arith.constant 0.000000e+00 : f32
        %gt3A_458 = vector.broadcast %gt3A_457 : f32 to vector<16xf32>
        %gt3A_459 = arith.cmpf ogt, %add3A_456, %gt3A_458 : vector<16xf32>
        %mul3A_460 = arith.constant 2.000000e-01 : f32
        %mul3A_461 = vector.broadcast %mul3A_460 : f32 to vector<16xf32>
        %mul3A_462 = arith.mulf %mul3A_461, %add3A_456 : vector<16xf32>
        %select_n3A_463 = arith.select %gt3A_459, %add3A_456, %mul3A_462 : vector<16xi1>, vector<16xf32>
        %mul3A_464 = arith.mulf %select_n3A_463, %gather3A_369 : vector<16xf32>
        %add3A_465 = arith.addf %add3A_365, %mul3A_464 : vector<16xf32>
        scf.yield %add3A_381, %add3A_393, %add3A_405, %add3A_417, %add3A_429, %add3A_441, %add3A_453, %add3A_465 : vector<16xf32>, vector<16xf32>, vector<16xf32>, vector<16xf32>, vector<16xf32>, vector<16xf32>, vector<16xf32>, vector<16xf32>
      }
      %scan3A_139 = arith.constant 64 : i32
      %exp3A = math.exp %scan3A_138#0 : vector<16xf32>
      %exp3A_140 = math.exp %scan3A_138#1 : vector<16xf32>
      %exp3A_141 = math.exp %scan3A_138#2 : vector<16xf32>
      %exp3A_142 = math.exp %scan3A_138#3 : vector<16xf32>
      %exp3A_143 = math.exp %scan3A_138#4 : vector<16xf32>
      %exp3A_144 = math.exp %scan3A_138#5 : vector<16xf32>
      %exp3A_145 = math.exp %scan3A_138#6 : vector<16xf32>
      %exp3A_146 = math.exp %scan3A_138#7 : vector<16xf32>
      %swap3A = arith.constant 0 : index
      %swap3A_147 = tpu.vector_load %arg19[%swap3A] {strides = array<i32>} : memref<128xf32, #tpu.memory_space<vmem>>, vector<16xf32>,
      tpu.vector_store %arg19[%swap3A], %exp3A {strides = array<i32>} : memref<128xf32, #tpu.memory_space<vmem>>, vector<16xf32>,
      %swap3A_148 = arith.constant 16 : index
      %swap3A_149 = tpu.vector_load %arg19[%swap3A_148] {strides = array<i32>} : memref<128xf32, #tpu.memory_space<vmem>>, vector<16xf32>,
      tpu.vector_store %arg19[%swap3A_148], %exp3A_140 {strides = array<i32>} : memref<128xf32, #tpu.memory_space<vmem>>, vector<16xf32>,
      %swap3A_150 = arith.constant 32 : index
      %swap3A_151 = tpu.vector_load %arg19[%swap3A_150] {strides = array<i32>} : memref<128xf32, #tpu.memory_space<vmem>>, vector<16xf32>,
      tpu.vector_store %arg19[%swap3A_150], %exp3A_141 {strides = array<i32>} : memref<128xf32, #tpu.memory_space<vmem>>, vector<16xf32>,
      %swap3A_152 = arith.constant 48 : index
      %swap3A_153 = tpu.vector_load %arg19[%swap3A_152] {strides = array<i32>} : memref<128xf32, #tpu.memory_space<vmem>>, vector<16xf32>,
      tpu.vector_store %arg19[%swap3A_152], %exp3A_142 {strides = array<i32>} : memref<128xf32, #tpu.memory_space<vmem>>, vector<16xf32>,
      %swap3A_154 = arith.constant 64 : index
      %swap3A_155 = tpu.vector_load %arg19[%swap3A_154] {strides = array<i32>} : memref<128xf32, #tpu.memory_space<vmem>>, vector<16xf32>,
      tpu.vector_store %arg19[%swap3A_154], %exp3A_143 {strides = array<i32>} : memref<128xf32, #tpu.memory_space<vmem>>, vector<16xf32>,
      %swap3A_156 = arith.constant 80 : index
      %swap3A_157 = tpu.vector_load %arg19[%swap3A_156] {strides = array<i32>} : memref<128xf32, #tpu.memory_space<vmem>>, vector<16xf32>,
      tpu.vector_store %arg19[%swap3A_156], %exp3A_144 {strides = array<i32>} : memref<128xf32, #tpu.memory_space<vmem>>, vector<16xf32>,
      %swap3A_158 = arith.constant 96 : index
      %swap3A_159 = tpu.vector_load %arg19[%swap3A_158] {strides = array<i32>} : memref<128xf32, #tpu.memory_space<vmem>>, vector<16xf32>,
      tpu.vector_store %arg19[%swap3A_158], %exp3A_145 {strides = array<i32>} : memref<128xf32, #tpu.memory_space<vmem>>, vector<16xf32>,
      %swap3A_160 = arith.constant 112 : index
      %swap3A_161 = tpu.vector_load %arg19[%swap3A_160] {strides = array<i32>} : memref<128xf32, #tpu.memory_space<vmem>>, vector<16xf32>,
      tpu.vector_store %arg19[%swap3A_160], %exp3A_146 {strides = array<i32>} : memref<128xf32, #tpu.memory_space<vmem>>, vector<16xf32>,
      %scan3A_162 = arith.constant 0 : i32
      %scan3A_163 = arith.constant 0 : i32
      %scan3A_164 = arith.constant 64 : i32
      %scan3A_165 = arith.addi %scan3A_163, %scan3A_164 : i32
      %scan3A_166 = arith.constant 2 : i32
      scf.for %scan3A_262 = %scan3A_163 to %scan3A_165 step %scan3A_166  : i32 {
        %broadcast_in_dim3A_263 = vector.broadcast %scan3A_262 : i32 to vector<16xi32>
        %gather3A = tpu.vector_load_idx %arg15[%add3A_11, %broadcast_in_dim3A_263] : memref<128x64xf32, #tpu.memory_space<vmem>>[vector<16xi32>, vector<16xi32>], vector<16xf32>,
        %mul3A_264 = arith.mulf %gather3A, %exp3A : vector<16xf32>
        tpu.vector_store_idx %arg15[%add3A_11, %broadcast_in_dim3A_263], %mul3A_264 : memref<128x64xf32, #tpu.memory_space<vmem>>[vector<16xi32>, vector<16xi32>], vector<16xf32>,
        %gather3A_265 = tpu.vector_load_idx %arg15[%add3A_15, %broadcast_in_dim3A_263] : memref<128x64xf32, #tpu.memory_space<vmem>>[vector<16xi32>, vector<16xi32>], vector<16xf32>,
        %mul3A_266 = arith.mulf %gather3A_265, %exp3A_140 : vector<16xf32>
        tpu.vector_store_idx %arg15[%add3A_15, %broadcast_in_dim3A_263], %mul3A_266 : memref<128x64xf32, #tpu.memory_space<vmem>>[vector<16xi32>, vector<16xi32>], vector<16xf32>,
        %gather3A_267 = tpu.vector_load_idx %arg15[%add3A_19, %broadcast_in_dim3A_263] : memref<128x64xf32, #tpu.memory_space<vmem>>[vector<16xi32>, vector<16xi32>], vector<16xf32>,
        %mul3A_268 = arith.mulf %gather3A_267, %exp3A_141 : vector<16xf32>
        tpu.vector_store_idx %arg15[%add3A_19, %broadcast_in_dim3A_263], %mul3A_268 : memref<128x64xf32, #tpu.memory_space<vmem>>[vector<16xi32>, vector<16xi32>], vector<16xf32>,
        %gather3A_269 = tpu.vector_load_idx %arg15[%add3A_23, %broadcast_in_dim3A_263] : memref<128x64xf32, #tpu.memory_space<vmem>>[vector<16xi32>, vector<16xi32>], vector<16xf32>,
        %mul3A_270 = arith.mulf %gather3A_269, %exp3A_142 : vector<16xf32>
        tpu.vector_store_idx %arg15[%add3A_23, %broadcast_in_dim3A_263], %mul3A_270 : memref<128x64xf32, #tpu.memory_space<vmem>>[vector<16xi32>, vector<16xi32>], vector<16xf32>,
        %gather3A_271 = tpu.vector_load_idx %arg15[%add3A_27, %broadcast_in_dim3A_263] : memref<128x64xf32, #tpu.memory_space<vmem>>[vector<16xi32>, vector<16xi32>], vector<16xf32>,
        %mul3A_272 = arith.mulf %gather3A_271, %exp3A_143 : vector<16xf32>
        tpu.vector_store_idx %arg15[%add3A_27, %broadcast_in_dim3A_263], %mul3A_272 : memref<128x64xf32, #tpu.memory_space<vmem>>[vector<16xi32>, vector<16xi32>], vector<16xf32>,
        %gather3A_273 = tpu.vector_load_idx %arg15[%add3A_31, %broadcast_in_dim3A_263] : memref<128x64xf32, #tpu.memory_space<vmem>>[vector<16xi32>, vector<16xi32>], vector<16xf32>,
        %mul3A_274 = arith.mulf %gather3A_273, %exp3A_144 : vector<16xf32>
        tpu.vector_store_idx %arg15[%add3A_31, %broadcast_in_dim3A_263], %mul3A_274 : memref<128x64xf32, #tpu.memory_space<vmem>>[vector<16xi32>, vector<16xi32>], vector<16xf32>,
        %gather3A_275 = tpu.vector_load_idx %arg15[%add3A_35, %broadcast_in_dim3A_263] : memref<128x64xf32, #tpu.memory_space<vmem>>[vector<16xi32>, vector<16xi32>], vector<16xf32>,
        %mul3A_276 = arith.mulf %gather3A_275, %exp3A_145 : vector<16xf32>
        tpu.vector_store_idx %arg15[%add3A_35, %broadcast_in_dim3A_263], %mul3A_276 : memref<128x64xf32, #tpu.memory_space<vmem>>[vector<16xi32>, vector<16xi32>], vector<16xf32>,
        %gather3A_277 = tpu.vector_load_idx %arg15[%add3A_39, %broadcast_in_dim3A_263] : memref<128x64xf32, #tpu.memory_space<vmem>>[vector<16xi32>, vector<16xi32>], vector<16xf32>,
        %mul3A_278 = arith.mulf %gather3A_277, %exp3A_146 : vector<16xf32>
        tpu.vector_store_idx %arg15[%add3A_39, %broadcast_in_dim3A_263], %mul3A_278 : memref<128x64xf32, #tpu.memory_space<vmem>>[vector<16xi32>, vector<16xi32>], vector<16xf32>,
        %scan3A_279 = arith.constant 1 : i32
        %scan3A_280 = arith.addi %scan3A_262, %scan3A_279 : i32
        %broadcast_in_dim3A_281 = vector.broadcast %scan3A_280 : i32 to vector<16xi32>
        %gather3A_282 = tpu.vector_load_idx %arg15[%add3A_11, %broadcast_in_dim3A_281] : memref<128x64xf32, #tpu.memory_space<vmem>>[vector<16xi32>, vector<16xi32>], vector<16xf32>,
        %mul3A_283 = arith.mulf %gather3A_282, %exp3A : vector<16xf32>
        tpu.vector_store_idx %arg15[%add3A_11, %broadcast_in_dim3A_281], %mul3A_283 : memref<128x64xf32, #tpu.memory_space<vmem>>[vector<16xi32>, vector<16xi32>], vector<16xf32>,
        %gather3A_284 = tpu.vector_load_idx %arg15[%add3A_15, %broadcast_in_dim3A_281] : memref<128x64xf32, #tpu.memory_space<vmem>>[vector<16xi32>, vector<16xi32>], vector<16xf32>,
        %mul3A_285 = arith.mulf %gather3A_284, %exp3A_140 : vector<16xf32>
        tpu.vector_store_idx %arg15[%add3A_15, %broadcast_in_dim3A_281], %mul3A_285 : memref<128x64xf32, #tpu.memory_space<vmem>>[vector<16xi32>, vector<16xi32>], vector<16xf32>,
        %gather3A_286 = tpu.vector_load_idx %arg15[%add3A_19, %broadcast_in_dim3A_281] : memref<128x64xf32, #tpu.memory_space<vmem>>[vector<16xi32>, vector<16xi32>], vector<16xf32>,
        %mul3A_287 = arith.mulf %gather3A_286, %exp3A_141 : vector<16xf32>
        tpu.vector_store_idx %arg15[%add3A_19, %broadcast_in_dim3A_281], %mul3A_287 : memref<128x64xf32, #tpu.memory_space<vmem>>[vector<16xi32>, vector<16xi32>], vector<16xf32>,
        %gather3A_288 = tpu.vector_load_idx %arg15[%add3A_23, %broadcast_in_dim3A_281] : memref<128x64xf32, #tpu.memory_space<vmem>>[vector<16xi32>, vector<16xi32>], vector<16xf32>,
        %mul3A_289 = arith.mulf %gather3A_288, %exp3A_142 : vector<16xf32>
        tpu.vector_store_idx %arg15[%add3A_23, %broadcast_in_dim3A_281], %mul3A_289 : memref<128x64xf32, #tpu.memory_space<vmem>>[vector<16xi32>, vector<16xi32>], vector<16xf32>,
        %gather3A_290 = tpu.vector_load_idx %arg15[%add3A_27, %broadcast_in_dim3A_281] : memref<128x64xf32, #tpu.memory_space<vmem>>[vector<16xi32>, vector<16xi32>], vector<16xf32>,
        %mul3A_291 = arith.mulf %gather3A_290, %exp3A_143 : vector<16xf32>
        tpu.vector_store_idx %arg15[%add3A_27, %broadcast_in_dim3A_281], %mul3A_291 : memref<128x64xf32, #tpu.memory_space<vmem>>[vector<16xi32>, vector<16xi32>], vector<16xf32>,
        %gather3A_292 = tpu.vector_load_idx %arg15[%add3A_31, %broadcast_in_dim3A_281] : memref<128x64xf32, #tpu.memory_space<vmem>>[vector<16xi32>, vector<16xi32>], vector<16xf32>,
        %mul3A_293 = arith.mulf %gather3A_292, %exp3A_144 : vector<16xf32>
        tpu.vector_store_idx %arg15[%add3A_31, %broadcast_in_dim3A_281], %mul3A_293 : memref<128x64xf32, #tpu.memory_space<vmem>>[vector<16xi32>, vector<16xi32>], vector<16xf32>,
        %gather3A_294 = tpu.vector_load_idx %arg15[%add3A_35, %broadcast_in_dim3A_281] : memref<128x64xf32, #tpu.memory_space<vmem>>[vector<16xi32>, vector<16xi32>], vector<16xf32>,
        %mul3A_295 = arith.mulf %gather3A_294, %exp3A_145 : vector<16xf32>
        tpu.vector_store_idx %arg15[%add3A_35, %broadcast_in_dim3A_281], %mul3A_295 : memref<128x64xf32, #tpu.memory_space<vmem>>[vector<16xi32>, vector<16xi32>], vector<16xf32>,
        %gather3A_296 = tpu.vector_load_idx %arg15[%add3A_39, %broadcast_in_dim3A_281] : memref<128x64xf32, #tpu.memory_space<vmem>>[vector<16xi32>, vector<16xi32>], vector<16xf32>,
        %mul3A_297 = arith.mulf %gather3A_296, %exp3A_146 : vector<16xf32>
        tpu.vector_store_idx %arg15[%add3A_39, %broadcast_in_dim3A_281], %mul3A_297 : memref<128x64xf32, #tpu.memory_space<vmem>>[vector<16xi32>, vector<16xi32>], vector<16xf32>,
      }
      %scan3A_167 = arith.constant 64 : i32
      "tpu.region"() ({
        %run_scoped3A = tpu.sem_alloc : memref<!tpu.dma_semaphore, #tpu.memory_space<semaphore_mem>>
        %dma_start3A_262 = arith.constant 0 : i32
        %dma_start3A_263 = tpu.memref_slice %arg22[%dma_start3A_262] : memref<10240xf32, #tpu.memory_space<vmem_shared>> -> memref<10240xf32, #tpu.memory_space<vmem_shared>>
        tpu.enqueue_indirect_dma source(%arg19 : memref<128xf32, #tpu.memory_space<vmem>>) target(%dma_start3A_263 : memref<10240xf32, #tpu.memory_space<vmem_shared>>) offsets(%arg12 : memref<128xi32, #tpu.memory_space<vmem>>) semaphore(%run_scoped3A : memref<!tpu.dma_semaphore, #tpu.memory_space<semaphore_mem>>) {add = true}
        %dma_wait3A_264 = arith.constant 0 : i32
        %dma_wait3A_265 = tpu.memref_slice %arg22[%dma_wait3A_264] : memref<10240xf32, #tpu.memory_space<vmem_shared>> -> memref<10240xf32, #tpu.memory_space<vmem_shared>>
        tpu.wait_indirect_dma semaphore(%run_scoped3A : memref<!tpu.dma_semaphore, #tpu.memory_space<semaphore_mem>>) src(%arg19 : memref<128xf32, #tpu.memory_space<vmem>>) dst(%dma_wait3A_265 : memref<10240xf32, #tpu.memory_space<vmem_shared>>)
        tpu.yield
      }) : () -> ()
      "tpu.region"() ({
        %run_scoped3A = tpu.sem_alloc : memref<!tpu.dma_semaphore, #tpu.memory_space<semaphore_mem>>
        %dma_start3A_262 = arith.constant 0 : i32
        %dma_start3A_263 = arith.constant 0 : i32
        %dma_start3A_264 = tpu.memref_slice %arg21[%dma_start3A_262, %dma_start3A_263] : memref<10240x64xf32, #tpu.memory_space<vmem_shared>> -> memref<10240x64xf32, #tpu.memory_space<vmem_shared>>
        tpu.enqueue_indirect_dma source(%arg15 : memref<128x64xf32, #tpu.memory_space<vmem>>) target(%dma_start3A_264 : memref<10240x64xf32, #tpu.memory_space<vmem_shared>>) offsets(%arg12 : memref<128xi32, #tpu.memory_space<vmem>>) semaphore(%run_scoped3A : memref<!tpu.dma_semaphore, #tpu.memory_space<semaphore_mem>>) {add = true}
        %dma_wait3A_265 = arith.constant 0 : i32
        %dma_wait3A_266 = arith.constant 0 : i32
        %dma_wait3A_267 = tpu.memref_slice %arg21[%dma_wait3A_265, %dma_wait3A_266] : memref<10240x64xf32, #tpu.memory_space<vmem_shared>> -> memref<10240x64xf32, #tpu.memory_space<vmem_shared>>
        tpu.wait_indirect_dma semaphore(%run_scoped3A : memref<!tpu.dma_semaphore, #tpu.memory_space<semaphore_mem>>) src(%arg15 : memref<128x64xf32, #tpu.memory_space<vmem>>) dst(%dma_wait3A_267 : memref<10240x64xf32, #tpu.memory_space<vmem_shared>>)
        tpu.yield
      }) : () -> ()
      %add3A_168 = arith.constant 2 : i32
      %add3A_169 = arith.addi %mul3A_98, %add3A_168 : i32
      %mul3A_170 = arith.constant 10496 : i32
      %mul3A_171 = arith.muli %add3A, %mul3A_170 : i32
      %mul3A_172 = arith.constant 128 : i32
      %mul3A_173 = arith.muli %add3A_169, %mul3A_172 : i32
      %add3A_174 = arith.addi %mul3A_171, %mul3A_173 : i32
      %dma_start3A_175 = tpu.memref_slice %arg4[%add3A_174] : memref<336128xi32, #tpu.memory_space<hbm>> -> memref<128xi32, #tpu.memory_space<hbm>>
      %dma_start3A_176 = tpu.memref_slice %arg4[%add3A_174] : memref<336128xi32, #tpu.memory_space<hbm>> -> memref<128xi32, #tpu.memory_space<hbm>>
      tpu.enqueue_dma source(%dma_start3A_176 : memref<128xi32, #tpu.memory_space<hbm>>) target(%arg11 : memref<128xi32, #tpu.memory_space<vmem>>) target_semaphore(%arg23 : memref<!tpu.dma_semaphore, #tpu.memory_space<semaphore_mem>>)
      %dma_start3A_177 = tpu.memref_slice %arg5[%add3A_174] : memref<336128xi32, #tpu.memory_space<hbm>> -> memref<128xi32, #tpu.memory_space<hbm>>
      %dma_start3A_178 = tpu.memref_slice %arg5[%add3A_174] : memref<336128xi32, #tpu.memory_space<hbm>> -> memref<128xi32, #tpu.memory_space<hbm>>
      tpu.enqueue_dma source(%dma_start3A_178 : memref<128xi32, #tpu.memory_space<hbm>>) target(%arg12 : memref<128xi32, #tpu.memory_space<vmem>>) target_semaphore(%arg23 : memref<!tpu.dma_semaphore, #tpu.memory_space<semaphore_mem>>)
      %dma_wait3A_179 = arith.constant 0 : i32
      %dma_wait3A_180 = tpu.memref_slice %arg4[%dma_wait3A_179] : memref<336128xi32, #tpu.memory_space<hbm>> -> memref<128xi32, #tpu.memory_space<hbm>>
      %dma_wait3A_181 = arith.constant 0 : i32
      %dma_wait3A_182 = tpu.memref_slice %arg4[%dma_wait3A_181] : memref<336128xi32, #tpu.memory_space<hbm>> -> memref<128xi32, #tpu.memory_space<hbm>>
      tpu.wait_dma2 semaphore(%arg23 : memref<!tpu.dma_semaphore, #tpu.memory_space<semaphore_mem>>) src(%dma_wait3A_182 : memref<128xi32, #tpu.memory_space<hbm>>) dst(%arg11 : memref<128xi32, #tpu.memory_space<vmem>>)
      %dma_wait3A_183 = arith.constant 0 : i32
      %dma_wait3A_184 = tpu.memref_slice %arg5[%dma_wait3A_183] : memref<336128xi32, #tpu.memory_space<hbm>> -> memref<128xi32, #tpu.memory_space<hbm>>
      %dma_wait3A_185 = arith.constant 0 : i32
      %dma_wait3A_186 = tpu.memref_slice %arg5[%dma_wait3A_185] : memref<336128xi32, #tpu.memory_space<hbm>> -> memref<128xi32, #tpu.memory_space<hbm>>
      tpu.wait_dma2 semaphore(%arg23 : memref<!tpu.dma_semaphore, #tpu.memory_space<semaphore_mem>>) src(%dma_wait3A_186 : memref<128xi32, #tpu.memory_space<hbm>>) dst(%arg12 : memref<128xi32, #tpu.memory_space<vmem>>)
      %dma_start3A_187 = arith.constant 0 : i32
      %dma_start3A_188 = arith.constant 0 : i32
      %dma_start3A_189 = tpu.memref_slice %arg2[%dma_start3A_187, %dma_start3A_188] : memref<10240x64xf32, #tpu.memory_space<hbm>> -> memref<10240x64xf32, #tpu.memory_space<hbm>>
      tpu.enqueue_indirect_dma source(%dma_start3A_189 : memref<10240x64xf32, #tpu.memory_space<hbm>>) target(%arg15 : memref<128x64xf32, #tpu.memory_space<vmem>>) offsets(%arg11 : memref<128xi32, #tpu.memory_space<vmem>>) semaphore(%arg25 : memref<!tpu.dma_semaphore, #tpu.memory_space<semaphore_mem>>)
      %dma_start3A_190 = arith.constant 0 : i32
      %dma_start3A_191 = arith.constant 0 : i32
      %dma_start3A_192 = tpu.memref_slice %arg3[%dma_start3A_190, %dma_start3A_191] : memref<10240x64xf32, #tpu.memory_space<hbm>> -> memref<10240x64xf32, #tpu.memory_space<hbm>>
      tpu.enqueue_indirect_dma source(%dma_start3A_192 : memref<10240x64xf32, #tpu.memory_space<hbm>>) target(%arg16 : memref<128x64xf32, #tpu.memory_space<vmem>>) offsets(%arg12 : memref<128xi32, #tpu.memory_space<vmem>>) semaphore(%arg26 : memref<!tpu.dma_semaphore, #tpu.memory_space<semaphore_mem>>)
      %dma_wait3A_193 = arith.constant 0 : i32
      %dma_wait3A_194 = arith.constant 0 : i32
      %dma_wait3A_195 = tpu.memref_slice %arg2[%dma_wait3A_193, %dma_wait3A_194] : memref<10240x64xf32, #tpu.memory_space<hbm>> -> memref<10240x64xf32, #tpu.memory_space<hbm>>
      tpu.wait_indirect_dma semaphore(%arg27 : memref<!tpu.dma_semaphore, #tpu.memory_space<semaphore_mem>>) src(%dma_wait3A_195 : memref<10240x64xf32, #tpu.memory_space<hbm>>) dst(%arg17 : memref<128x64xf32, #tpu.memory_space<vmem>>)
      %dma_wait3A_196 = arith.constant 0 : i32
      %dma_wait3A_197 = arith.constant 0 : i32
      %dma_wait3A_198 = tpu.memref_slice %arg3[%dma_wait3A_196, %dma_wait3A_197] : memref<10240x64xf32, #tpu.memory_space<hbm>> -> memref<10240x64xf32, #tpu.memory_space<hbm>>
      tpu.wait_indirect_dma semaphore(%arg28 : memref<!tpu.dma_semaphore, #tpu.memory_space<semaphore_mem>>) src(%dma_wait3A_198 : memref<10240x64xf32, #tpu.memory_space<hbm>>) dst(%arg18 : memref<128x64xf32, #tpu.memory_space<vmem>>)
      %broadcast_in_dim3A_199 = arith.constant 0.000000e+00 : f32
      %broadcast_in_dim3A_200 = vector.broadcast %broadcast_in_dim3A_199 : f32 to vector<16xf32>
      %broadcast_in_dim3A_201 = arith.constant 0.000000e+00 : f32
      %broadcast_in_dim3A_202 = vector.broadcast %broadcast_in_dim3A_201 : f32 to vector<16xf32>
      %broadcast_in_dim3A_203 = arith.constant 0.000000e+00 : f32
      %broadcast_in_dim3A_204 = vector.broadcast %broadcast_in_dim3A_203 : f32 to vector<16xf32>
      %broadcast_in_dim3A_205 = arith.constant 0.000000e+00 : f32
      %broadcast_in_dim3A_206 = vector.broadcast %broadcast_in_dim3A_205 : f32 to vector<16xf32>
      %broadcast_in_dim3A_207 = arith.constant 0.000000e+00 : f32
      %broadcast_in_dim3A_208 = vector.broadcast %broadcast_in_dim3A_207 : f32 to vector<16xf32>
      %broadcast_in_dim3A_209 = arith.constant 0.000000e+00 : f32
      %broadcast_in_dim3A_210 = vector.broadcast %broadcast_in_dim3A_209 : f32 to vector<16xf32>
      %broadcast_in_dim3A_211 = arith.constant 0.000000e+00 : f32
      %broadcast_in_dim3A_212 = vector.broadcast %broadcast_in_dim3A_211 : f32 to vector<16xf32>
      %broadcast_in_dim3A_213 = arith.constant 0.000000e+00 : f32
      %broadcast_in_dim3A_214 = vector.broadcast %broadcast_in_dim3A_213 : f32 to vector<16xf32>
      %scan3A_215 = arith.constant 0 : i32
      %scan3A_216 = arith.constant 64 : i32
      %scan3A_217 = arith.addi %scan3A_215, %scan3A_216 : i32
      %scan3A_218 = arith.constant 2 : i32
      %scan3A_219:8 = scf.for %scan3A_262 = %scan3A_215 to %scan3A_217 step %scan3A_218 iter_args(%scan3A_263 = %broadcast_in_dim3A_200, %scan3A_264 = %broadcast_in_dim3A_202, %scan3A_265 = %broadcast_in_dim3A_204, %scan3A_266 = %broadcast_in_dim3A_206, %scan3A_267 = %broadcast_in_dim3A_208, %scan3A_268 = %broadcast_in_dim3A_210, %scan3A_269 = %broadcast_in_dim3A_212, %scan3A_270 = %broadcast_in_dim3A_214) -> (vector<16xf32>, vector<16xf32>, vector<16xf32>, vector<16xf32>, vector<16xf32>, vector<16xf32>, vector<16xf32>, vector<16xf32>)  : i32 {
        %broadcast_in_dim3A_271 = vector.broadcast %scan3A_262 : i32 to vector<16xi32>
        %gather3A = tpu.vector_load_idx %arg20[%broadcast_in_dim3A_271] : memref<64xf32, #tpu.memory_space<vmem>>[vector<16xi32>], vector<16xf32>,
        %gather3A_272 = tpu.vector_load_idx %arg17[%add3A_11, %broadcast_in_dim3A_271] : memref<128x64xf32, #tpu.memory_space<vmem>>[vector<16xi32>, vector<16xi32>], vector<16xf32>,
        %gather3A_273 = tpu.vector_load_idx %arg18[%add3A_11, %broadcast_in_dim3A_271] : memref<128x64xf32, #tpu.memory_space<vmem>>[vector<16xi32>, vector<16xi32>], vector<16xf32>,
        %add3A_274 = arith.addf %gather3A_272, %gather3A_273 : vector<16xf32>
        %gt3A = arith.constant 0.000000e+00 : f32
        %gt3A_275 = vector.broadcast %gt3A : f32 to vector<16xf32>
        %gt3A_276 = arith.cmpf ogt, %add3A_274, %gt3A_275 : vector<16xf32>
        %mul3A_277 = arith.constant 2.000000e-01 : f32
        %mul3A_278 = vector.broadcast %mul3A_277 : f32 to vector<16xf32>
        %mul3A_279 = arith.mulf %mul3A_278, %add3A_274 : vector<16xf32>
        %select_n3A = arith.select %gt3A_276, %add3A_274, %mul3A_279 : vector<16xi1>, vector<16xf32>
        %mul3A_280 = arith.mulf %select_n3A, %gather3A : vector<16xf32>
        %add3A_281 = arith.addf %scan3A_263, %mul3A_280 : vector<16xf32>
        %gather3A_282 = tpu.vector_load_idx %arg17[%add3A_15, %broadcast_in_dim3A_271] : memref<128x64xf32, #tpu.memory_space<vmem>>[vector<16xi32>, vector<16xi32>], vector<16xf32>,
        %gather3A_283 = tpu.vector_load_idx %arg18[%add3A_15, %broadcast_in_dim3A_271] : memref<128x64xf32, #tpu.memory_space<vmem>>[vector<16xi32>, vector<16xi32>], vector<16xf32>,
        %add3A_284 = arith.addf %gather3A_282, %gather3A_283 : vector<16xf32>
        %gt3A_285 = arith.constant 0.000000e+00 : f32
        %gt3A_286 = vector.broadcast %gt3A_285 : f32 to vector<16xf32>
        %gt3A_287 = arith.cmpf ogt, %add3A_284, %gt3A_286 : vector<16xf32>
        %mul3A_288 = arith.constant 2.000000e-01 : f32
        %mul3A_289 = vector.broadcast %mul3A_288 : f32 to vector<16xf32>
        %mul3A_290 = arith.mulf %mul3A_289, %add3A_284 : vector<16xf32>
        %select_n3A_291 = arith.select %gt3A_287, %add3A_284, %mul3A_290 : vector<16xi1>, vector<16xf32>
        %mul3A_292 = arith.mulf %select_n3A_291, %gather3A : vector<16xf32>
        %add3A_293 = arith.addf %scan3A_264, %mul3A_292 : vector<16xf32>
        %gather3A_294 = tpu.vector_load_idx %arg17[%add3A_19, %broadcast_in_dim3A_271] : memref<128x64xf32, #tpu.memory_space<vmem>>[vector<16xi32>, vector<16xi32>], vector<16xf32>,
        %gather3A_295 = tpu.vector_load_idx %arg18[%add3A_19, %broadcast_in_dim3A_271] : memref<128x64xf32, #tpu.memory_space<vmem>>[vector<16xi32>, vector<16xi32>], vector<16xf32>,
        %add3A_296 = arith.addf %gather3A_294, %gather3A_295 : vector<16xf32>
        %gt3A_297 = arith.constant 0.000000e+00 : f32
        %gt3A_298 = vector.broadcast %gt3A_297 : f32 to vector<16xf32>
        %gt3A_299 = arith.cmpf ogt, %add3A_296, %gt3A_298 : vector<16xf32>
        %mul3A_300 = arith.constant 2.000000e-01 : f32
        %mul3A_301 = vector.broadcast %mul3A_300 : f32 to vector<16xf32>
        %mul3A_302 = arith.mulf %mul3A_301, %add3A_296 : vector<16xf32>
        %select_n3A_303 = arith.select %gt3A_299, %add3A_296, %mul3A_302 : vector<16xi1>, vector<16xf32>
        %mul3A_304 = arith.mulf %select_n3A_303, %gather3A : vector<16xf32>
        %add3A_305 = arith.addf %scan3A_265, %mul3A_304 : vector<16xf32>
        %gather3A_306 = tpu.vector_load_idx %arg17[%add3A_23, %broadcast_in_dim3A_271] : memref<128x64xf32, #tpu.memory_space<vmem>>[vector<16xi32>, vector<16xi32>], vector<16xf32>,
        %gather3A_307 = tpu.vector_load_idx %arg18[%add3A_23, %broadcast_in_dim3A_271] : memref<128x64xf32, #tpu.memory_space<vmem>>[vector<16xi32>, vector<16xi32>], vector<16xf32>,
        %add3A_308 = arith.addf %gather3A_306, %gather3A_307 : vector<16xf32>
        %gt3A_309 = arith.constant 0.000000e+00 : f32
        %gt3A_310 = vector.broadcast %gt3A_309 : f32 to vector<16xf32>
        %gt3A_311 = arith.cmpf ogt, %add3A_308, %gt3A_310 : vector<16xf32>
        %mul3A_312 = arith.constant 2.000000e-01 : f32
        %mul3A_313 = vector.broadcast %mul3A_312 : f32 to vector<16xf32>
        %mul3A_314 = arith.mulf %mul3A_313, %add3A_308 : vector<16xf32>
        %select_n3A_315 = arith.select %gt3A_311, %add3A_308, %mul3A_314 : vector<16xi1>, vector<16xf32>
        %mul3A_316 = arith.mulf %select_n3A_315, %gather3A : vector<16xf32>
        %add3A_317 = arith.addf %scan3A_266, %mul3A_316 : vector<16xf32>
        %gather3A_318 = tpu.vector_load_idx %arg17[%add3A_27, %broadcast_in_dim3A_271] : memref<128x64xf32, #tpu.memory_space<vmem>>[vector<16xi32>, vector<16xi32>], vector<16xf32>,
        %gather3A_319 = tpu.vector_load_idx %arg18[%add3A_27, %broadcast_in_dim3A_271] : memref<128x64xf32, #tpu.memory_space<vmem>>[vector<16xi32>, vector<16xi32>], vector<16xf32>,
        %add3A_320 = arith.addf %gather3A_318, %gather3A_319 : vector<16xf32>
        %gt3A_321 = arith.constant 0.000000e+00 : f32
        %gt3A_322 = vector.broadcast %gt3A_321 : f32 to vector<16xf32>
        %gt3A_323 = arith.cmpf ogt, %add3A_320, %gt3A_322 : vector<16xf32>
        %mul3A_324 = arith.constant 2.000000e-01 : f32
        %mul3A_325 = vector.broadcast %mul3A_324 : f32 to vector<16xf32>
        %mul3A_326 = arith.mulf %mul3A_325, %add3A_320 : vector<16xf32>
        %select_n3A_327 = arith.select %gt3A_323, %add3A_320, %mul3A_326 : vector<16xi1>, vector<16xf32>
        %mul3A_328 = arith.mulf %select_n3A_327, %gather3A : vector<16xf32>
        %add3A_329 = arith.addf %scan3A_267, %mul3A_328 : vector<16xf32>
        %gather3A_330 = tpu.vector_load_idx %arg17[%add3A_31, %broadcast_in_dim3A_271] : memref<128x64xf32, #tpu.memory_space<vmem>>[vector<16xi32>, vector<16xi32>], vector<16xf32>,
        %gather3A_331 = tpu.vector_load_idx %arg18[%add3A_31, %broadcast_in_dim3A_271] : memref<128x64xf32, #tpu.memory_space<vmem>>[vector<16xi32>, vector<16xi32>], vector<16xf32>,
        %add3A_332 = arith.addf %gather3A_330, %gather3A_331 : vector<16xf32>
        %gt3A_333 = arith.constant 0.000000e+00 : f32
        %gt3A_334 = vector.broadcast %gt3A_333 : f32 to vector<16xf32>
        %gt3A_335 = arith.cmpf ogt, %add3A_332, %gt3A_334 : vector<16xf32>
        %mul3A_336 = arith.constant 2.000000e-01 : f32
        %mul3A_337 = vector.broadcast %mul3A_336 : f32 to vector<16xf32>
        %mul3A_338 = arith.mulf %mul3A_337, %add3A_332 : vector<16xf32>
        %select_n3A_339 = arith.select %gt3A_335, %add3A_332, %mul3A_338 : vector<16xi1>, vector<16xf32>
        %mul3A_340 = arith.mulf %select_n3A_339, %gather3A : vector<16xf32>
        %add3A_341 = arith.addf %scan3A_268, %mul3A_340 : vector<16xf32>
        %gather3A_342 = tpu.vector_load_idx %arg17[%add3A_35, %broadcast_in_dim3A_271] : memref<128x64xf32, #tpu.memory_space<vmem>>[vector<16xi32>, vector<16xi32>], vector<16xf32>,
        %gather3A_343 = tpu.vector_load_idx %arg18[%add3A_35, %broadcast_in_dim3A_271] : memref<128x64xf32, #tpu.memory_space<vmem>>[vector<16xi32>, vector<16xi32>], vector<16xf32>,
        %add3A_344 = arith.addf %gather3A_342, %gather3A_343 : vector<16xf32>
        %gt3A_345 = arith.constant 0.000000e+00 : f32
        %gt3A_346 = vector.broadcast %gt3A_345 : f32 to vector<16xf32>
        %gt3A_347 = arith.cmpf ogt, %add3A_344, %gt3A_346 : vector<16xf32>
        %mul3A_348 = arith.constant 2.000000e-01 : f32
        %mul3A_349 = vector.broadcast %mul3A_348 : f32 to vector<16xf32>
        %mul3A_350 = arith.mulf %mul3A_349, %add3A_344 : vector<16xf32>
        %select_n3A_351 = arith.select %gt3A_347, %add3A_344, %mul3A_350 : vector<16xi1>, vector<16xf32>
        %mul3A_352 = arith.mulf %select_n3A_351, %gather3A : vector<16xf32>
        %add3A_353 = arith.addf %scan3A_269, %mul3A_352 : vector<16xf32>
        %gather3A_354 = tpu.vector_load_idx %arg17[%add3A_39, %broadcast_in_dim3A_271] : memref<128x64xf32, #tpu.memory_space<vmem>>[vector<16xi32>, vector<16xi32>], vector<16xf32>,
        %gather3A_355 = tpu.vector_load_idx %arg18[%add3A_39, %broadcast_in_dim3A_271] : memref<128x64xf32, #tpu.memory_space<vmem>>[vector<16xi32>, vector<16xi32>], vector<16xf32>,
        %add3A_356 = arith.addf %gather3A_354, %gather3A_355 : vector<16xf32>
        %gt3A_357 = arith.constant 0.000000e+00 : f32
        %gt3A_358 = vector.broadcast %gt3A_357 : f32 to vector<16xf32>
        %gt3A_359 = arith.cmpf ogt, %add3A_356, %gt3A_358 : vector<16xf32>
        %mul3A_360 = arith.constant 2.000000e-01 : f32
        %mul3A_361 = vector.broadcast %mul3A_360 : f32 to vector<16xf32>
        %mul3A_362 = arith.mulf %mul3A_361, %add3A_356 : vector<16xf32>
        %select_n3A_363 = arith.select %gt3A_359, %add3A_356, %mul3A_362 : vector<16xi1>, vector<16xf32>
        %mul3A_364 = arith.mulf %select_n3A_363, %gather3A : vector<16xf32>
        %add3A_365 = arith.addf %scan3A_270, %mul3A_364 : vector<16xf32>
        %scan3A_366 = arith.constant 1 : i32
        %scan3A_367 = arith.addi %scan3A_262, %scan3A_366 : i32
        %broadcast_in_dim3A_368 = vector.broadcast %scan3A_367 : i32 to vector<16xi32>
        %gather3A_369 = tpu.vector_load_idx %arg20[%broadcast_in_dim3A_368] : memref<64xf32, #tpu.memory_space<vmem>>[vector<16xi32>], vector<16xf32>,
        %gather3A_370 = tpu.vector_load_idx %arg17[%add3A_11, %broadcast_in_dim3A_368] : memref<128x64xf32, #tpu.memory_space<vmem>>[vector<16xi32>, vector<16xi32>], vector<16xf32>,
        %gather3A_371 = tpu.vector_load_idx %arg18[%add3A_11, %broadcast_in_dim3A_368] : memref<128x64xf32, #tpu.memory_space<vmem>>[vector<16xi32>, vector<16xi32>], vector<16xf32>,
        %add3A_372 = arith.addf %gather3A_370, %gather3A_371 : vector<16xf32>
        %gt3A_373 = arith.constant 0.000000e+00 : f32
        %gt3A_374 = vector.broadcast %gt3A_373 : f32 to vector<16xf32>
        %gt3A_375 = arith.cmpf ogt, %add3A_372, %gt3A_374 : vector<16xf32>
        %mul3A_376 = arith.constant 2.000000e-01 : f32
        %mul3A_377 = vector.broadcast %mul3A_376 : f32 to vector<16xf32>
        %mul3A_378 = arith.mulf %mul3A_377, %add3A_372 : vector<16xf32>
        %select_n3A_379 = arith.select %gt3A_375, %add3A_372, %mul3A_378 : vector<16xi1>, vector<16xf32>
        %mul3A_380 = arith.mulf %select_n3A_379, %gather3A_369 : vector<16xf32>
        %add3A_381 = arith.addf %add3A_281, %mul3A_380 : vector<16xf32>
        %gather3A_382 = tpu.vector_load_idx %arg17[%add3A_15, %broadcast_in_dim3A_368] : memref<128x64xf32, #tpu.memory_space<vmem>>[vector<16xi32>, vector<16xi32>], vector<16xf32>,
        %gather3A_383 = tpu.vector_load_idx %arg18[%add3A_15, %broadcast_in_dim3A_368] : memref<128x64xf32, #tpu.memory_space<vmem>>[vector<16xi32>, vector<16xi32>], vector<16xf32>,
        %add3A_384 = arith.addf %gather3A_382, %gather3A_383 : vector<16xf32>
        %gt3A_385 = arith.constant 0.000000e+00 : f32
        %gt3A_386 = vector.broadcast %gt3A_385 : f32 to vector<16xf32>
        %gt3A_387 = arith.cmpf ogt, %add3A_384, %gt3A_386 : vector<16xf32>
        %mul3A_388 = arith.constant 2.000000e-01 : f32
        %mul3A_389 = vector.broadcast %mul3A_388 : f32 to vector<16xf32>
        %mul3A_390 = arith.mulf %mul3A_389, %add3A_384 : vector<16xf32>
        %select_n3A_391 = arith.select %gt3A_387, %add3A_384, %mul3A_390 : vector<16xi1>, vector<16xf32>
        %mul3A_392 = arith.mulf %select_n3A_391, %gather3A_369 : vector<16xf32>
        %add3A_393 = arith.addf %add3A_293, %mul3A_392 : vector<16xf32>
        %gather3A_394 = tpu.vector_load_idx %arg17[%add3A_19, %broadcast_in_dim3A_368] : memref<128x64xf32, #tpu.memory_space<vmem>>[vector<16xi32>, vector<16xi32>], vector<16xf32>,
        %gather3A_395 = tpu.vector_load_idx %arg18[%add3A_19, %broadcast_in_dim3A_368] : memref<128x64xf32, #tpu.memory_space<vmem>>[vector<16xi32>, vector<16xi32>], vector<16xf32>,
        %add3A_396 = arith.addf %gather3A_394, %gather3A_395 : vector<16xf32>
        %gt3A_397 = arith.constant 0.000000e+00 : f32
        %gt3A_398 = vector.broadcast %gt3A_397 : f32 to vector<16xf32>
        %gt3A_399 = arith.cmpf ogt, %add3A_396, %gt3A_398 : vector<16xf32>
        %mul3A_400 = arith.constant 2.000000e-01 : f32
        %mul3A_401 = vector.broadcast %mul3A_400 : f32 to vector<16xf32>
        %mul3A_402 = arith.mulf %mul3A_401, %add3A_396 : vector<16xf32>
        %select_n3A_403 = arith.select %gt3A_399, %add3A_396, %mul3A_402 : vector<16xi1>, vector<16xf32>
        %mul3A_404 = arith.mulf %select_n3A_403, %gather3A_369 : vector<16xf32>
        %add3A_405 = arith.addf %add3A_305, %mul3A_404 : vector<16xf32>
        %gather3A_406 = tpu.vector_load_idx %arg17[%add3A_23, %broadcast_in_dim3A_368] : memref<128x64xf32, #tpu.memory_space<vmem>>[vector<16xi32>, vector<16xi32>], vector<16xf32>,
        %gather3A_407 = tpu.vector_load_idx %arg18[%add3A_23, %broadcast_in_dim3A_368] : memref<128x64xf32, #tpu.memory_space<vmem>>[vector<16xi32>, vector<16xi32>], vector<16xf32>,
        %add3A_408 = arith.addf %gather3A_406, %gather3A_407 : vector<16xf32>
        %gt3A_409 = arith.constant 0.000000e+00 : f32
        %gt3A_410 = vector.broadcast %gt3A_409 : f32 to vector<16xf32>
        %gt3A_411 = arith.cmpf ogt, %add3A_408, %gt3A_410 : vector<16xf32>
        %mul3A_412 = arith.constant 2.000000e-01 : f32
        %mul3A_413 = vector.broadcast %mul3A_412 : f32 to vector<16xf32>
        %mul3A_414 = arith.mulf %mul3A_413, %add3A_408 : vector<16xf32>
        %select_n3A_415 = arith.select %gt3A_411, %add3A_408, %mul3A_414 : vector<16xi1>, vector<16xf32>
        %mul3A_416 = arith.mulf %select_n3A_415, %gather3A_369 : vector<16xf32>
        %add3A_417 = arith.addf %add3A_317, %mul3A_416 : vector<16xf32>
        %gather3A_418 = tpu.vector_load_idx %arg17[%add3A_27, %broadcast_in_dim3A_368] : memref<128x64xf32, #tpu.memory_space<vmem>>[vector<16xi32>, vector<16xi32>], vector<16xf32>,
        %gather3A_419 = tpu.vector_load_idx %arg18[%add3A_27, %broadcast_in_dim3A_368] : memref<128x64xf32, #tpu.memory_space<vmem>>[vector<16xi32>, vector<16xi32>], vector<16xf32>,
        %add3A_420 = arith.addf %gather3A_418, %gather3A_419 : vector<16xf32>
        %gt3A_421 = arith.constant 0.000000e+00 : f32
        %gt3A_422 = vector.broadcast %gt3A_421 : f32 to vector<16xf32>
        %gt3A_423 = arith.cmpf ogt, %add3A_420, %gt3A_422 : vector<16xf32>
        %mul3A_424 = arith.constant 2.000000e-01 : f32
        %mul3A_425 = vector.broadcast %mul3A_424 : f32 to vector<16xf32>
        %mul3A_426 = arith.mulf %mul3A_425, %add3A_420 : vector<16xf32>
        %select_n3A_427 = arith.select %gt3A_423, %add3A_420, %mul3A_426 : vector<16xi1>, vector<16xf32>
        %mul3A_428 = arith.mulf %select_n3A_427, %gather3A_369 : vector<16xf32>
        %add3A_429 = arith.addf %add3A_329, %mul3A_428 : vector<16xf32>
        %gather3A_430 = tpu.vector_load_idx %arg17[%add3A_31, %broadcast_in_dim3A_368] : memref<128x64xf32, #tpu.memory_space<vmem>>[vector<16xi32>, vector<16xi32>], vector<16xf32>,
        %gather3A_431 = tpu.vector_load_idx %arg18[%add3A_31, %broadcast_in_dim3A_368] : memref<128x64xf32, #tpu.memory_space<vmem>>[vector<16xi32>, vector<16xi32>], vector<16xf32>,
        %add3A_432 = arith.addf %gather3A_430, %gather3A_431 : vector<16xf32>
        %gt3A_433 = arith.constant 0.000000e+00 : f32
        %gt3A_434 = vector.broadcast %gt3A_433 : f32 to vector<16xf32>
        %gt3A_435 = arith.cmpf ogt, %add3A_432, %gt3A_434 : vector<16xf32>
        %mul3A_436 = arith.constant 2.000000e-01 : f32
        %mul3A_437 = vector.broadcast %mul3A_436 : f32 to vector<16xf32>
        %mul3A_438 = arith.mulf %mul3A_437, %add3A_432 : vector<16xf32>
        %select_n3A_439 = arith.select %gt3A_435, %add3A_432, %mul3A_438 : vector<16xi1>, vector<16xf32>
        %mul3A_440 = arith.mulf %select_n3A_439, %gather3A_369 : vector<16xf32>
        %add3A_441 = arith.addf %add3A_341, %mul3A_440 : vector<16xf32>
        %gather3A_442 = tpu.vector_load_idx %arg17[%add3A_35, %broadcast_in_dim3A_368] : memref<128x64xf32, #tpu.memory_space<vmem>>[vector<16xi32>, vector<16xi32>], vector<16xf32>,
        %gather3A_443 = tpu.vector_load_idx %arg18[%add3A_35, %broadcast_in_dim3A_368] : memref<128x64xf32, #tpu.memory_space<vmem>>[vector<16xi32>, vector<16xi32>], vector<16xf32>,
        %add3A_444 = arith.addf %gather3A_442, %gather3A_443 : vector<16xf32>
        %gt3A_445 = arith.constant 0.000000e+00 : f32
        %gt3A_446 = vector.broadcast %gt3A_445 : f32 to vector<16xf32>
        %gt3A_447 = arith.cmpf ogt, %add3A_444, %gt3A_446 : vector<16xf32>
        %mul3A_448 = arith.constant 2.000000e-01 : f32
        %mul3A_449 = vector.broadcast %mul3A_448 : f32 to vector<16xf32>
        %mul3A_450 = arith.mulf %mul3A_449, %add3A_444 : vector<16xf32>
        %select_n3A_451 = arith.select %gt3A_447, %add3A_444, %mul3A_450 : vector<16xi1>, vector<16xf32>
        %mul3A_452 = arith.mulf %select_n3A_451, %gather3A_369 : vector<16xf32>
        %add3A_453 = arith.addf %add3A_353, %mul3A_452 : vector<16xf32>
        %gather3A_454 = tpu.vector_load_idx %arg17[%add3A_39, %broadcast_in_dim3A_368] : memref<128x64xf32, #tpu.memory_space<vmem>>[vector<16xi32>, vector<16xi32>], vector<16xf32>,
        %gather3A_455 = tpu.vector_load_idx %arg18[%add3A_39, %broadcast_in_dim3A_368] : memref<128x64xf32, #tpu.memory_space<vmem>>[vector<16xi32>, vector<16xi32>], vector<16xf32>,
        %add3A_456 = arith.addf %gather3A_454, %gather3A_455 : vector<16xf32>
        %gt3A_457 = arith.constant 0.000000e+00 : f32
        %gt3A_458 = vector.broadcast %gt3A_457 : f32 to vector<16xf32>
        %gt3A_459 = arith.cmpf ogt, %add3A_456, %gt3A_458 : vector<16xf32>
        %mul3A_460 = arith.constant 2.000000e-01 : f32
        %mul3A_461 = vector.broadcast %mul3A_460 : f32 to vector<16xf32>
        %mul3A_462 = arith.mulf %mul3A_461, %add3A_456 : vector<16xf32>
        %select_n3A_463 = arith.select %gt3A_459, %add3A_456, %mul3A_462 : vector<16xi1>, vector<16xf32>
        %mul3A_464 = arith.mulf %select_n3A_463, %gather3A_369 : vector<16xf32>
        %add3A_465 = arith.addf %add3A_365, %mul3A_464 : vector<16xf32>
        scf.yield %add3A_381, %add3A_393, %add3A_405, %add3A_417, %add3A_429, %add3A_441, %add3A_453, %add3A_465 : vector<16xf32>, vector<16xf32>, vector<16xf32>, vector<16xf32>, vector<16xf32>, vector<16xf32>, vector<16xf32>, vector<16xf32>
      }
      %scan3A_220 = arith.constant 64 : i32
      %exp3A_221 = math.exp %scan3A_219#0 : vector<16xf32>
      %exp3A_222 = math.exp %scan3A_219#1 : vector<16xf32>
      %exp3A_223 = math.exp %scan3A_219#2 : vector<16xf32>
      %exp3A_224 = math.exp %scan3A_219#3 : vector<16xf32>
      %exp3A_225 = math.exp %scan3A_219#4 : vector<16xf32>
      %exp3A_226 = math.exp %scan3A_219#5 : vector<16xf32>
      %exp3A_227 = math.exp %scan3A_219#6 : vector<16xf32>
      %exp3A_228 = math.exp %scan3A_219#7 : vector<16xf32>
      %swap3A_229 = arith.constant 0 : index
      %swap3A_230 = tpu.vector_load %arg19[%swap3A_229] {strides = array<i32>} : memref<128xf32, #tpu.memory_space<vmem>>, vector<16xf32>,
      tpu.vector_store %arg19[%swap3A_229], %exp3A_221 {strides = array<i32>} : memref<128xf32, #tpu.memory_space<vmem>>, vector<16xf32>,
      %swap3A_231 = arith.constant 16 : index
      %swap3A_232 = tpu.vector_load %arg19[%swap3A_231] {strides = array<i32>} : memref<128xf32, #tpu.memory_space<vmem>>, vector<16xf32>,
      tpu.vector_store %arg19[%swap3A_231], %exp3A_222 {strides = array<i32>} : memref<128xf32, #tpu.memory_space<vmem>>, vector<16xf32>,
      %swap3A_233 = arith.constant 32 : index
      %swap3A_234 = tpu.vector_load %arg19[%swap3A_233] {strides = array<i32>} : memref<128xf32, #tpu.memory_space<vmem>>, vector<16xf32>,
      tpu.vector_store %arg19[%swap3A_233], %exp3A_223 {strides = array<i32>} : memref<128xf32, #tpu.memory_space<vmem>>, vector<16xf32>,
      %swap3A_235 = arith.constant 48 : index
      %swap3A_236 = tpu.vector_load %arg19[%swap3A_235] {strides = array<i32>} : memref<128xf32, #tpu.memory_space<vmem>>, vector<16xf32>,
      tpu.vector_store %arg19[%swap3A_235], %exp3A_224 {strides = array<i32>} : memref<128xf32, #tpu.memory_space<vmem>>, vector<16xf32>,
      %swap3A_237 = arith.constant 64 : index
      %swap3A_238 = tpu.vector_load %arg19[%swap3A_237] {strides = array<i32>} : memref<128xf32, #tpu.memory_space<vmem>>, vector<16xf32>,
      tpu.vector_store %arg19[%swap3A_237], %exp3A_225 {strides = array<i32>} : memref<128xf32, #tpu.memory_space<vmem>>, vector<16xf32>,
      %swap3A_239 = arith.constant 80 : index
      %swap3A_240 = tpu.vector_load %arg19[%swap3A_239] {strides = array<i32>} : memref<128xf32, #tpu.memory_space<vmem>>, vector<16xf32>,
      tpu.vector_store %arg19[%swap3A_239], %exp3A_226 {strides = array<i32>} : memref<128xf32, #tpu.memory_space<vmem>>, vector<16xf32>,
      %swap3A_241 = arith.constant 96 : index
      %swap3A_242 = tpu.vector_load %arg19[%swap3A_241] {strides = array<i32>} : memref<128xf32, #tpu.memory_space<vmem>>, vector<16xf32>,
      tpu.vector_store %arg19[%swap3A_241], %exp3A_227 {strides = array<i32>} : memref<128xf32, #tpu.memory_space<vmem>>, vector<16xf32>,
      %swap3A_243 = arith.constant 112 : index
      %swap3A_244 = tpu.vector_load %arg19[%swap3A_243] {strides = array<i32>} : memref<128xf32, #tpu.memory_space<vmem>>, vector<16xf32>,
      tpu.vector_store %arg19[%swap3A_243], %exp3A_228 {strides = array<i32>} : memref<128xf32, #tpu.memory_space<vmem>>, vector<16xf32>,
      %scan3A_245 = arith.constant 0 : i32
      %scan3A_246 = arith.constant 0 : i32
      %scan3A_247 = arith.constant 64 : i32
      %scan3A_248 = arith.addi %scan3A_246, %scan3A_247 : i32
      %scan3A_249 = arith.constant 2 : i32
      scf.for %scan3A_262 = %scan3A_246 to %scan3A_248 step %scan3A_249  : i32 {
        %broadcast_in_dim3A_263 = vector.broadcast %scan3A_262 : i32 to vector<16xi32>
        %gather3A = tpu.vector_load_idx %arg17[%add3A_11, %broadcast_in_dim3A_263] : memref<128x64xf32, #tpu.memory_space<vmem>>[vector<16xi32>, vector<16xi32>], vector<16xf32>,
        %mul3A_264 = arith.mulf %gather3A, %exp3A_221 : vector<16xf32>
        tpu.vector_store_idx %arg17[%add3A_11, %broadcast_in_dim3A_263], %mul3A_264 : memref<128x64xf32, #tpu.memory_space<vmem>>[vector<16xi32>, vector<16xi32>], vector<16xf32>,
        %gather3A_265 = tpu.vector_load_idx %arg17[%add3A_15, %broadcast_in_dim3A_263] : memref<128x64xf32, #tpu.memory_space<vmem>>[vector<16xi32>, vector<16xi32>], vector<16xf32>,
        %mul3A_266 = arith.mulf %gather3A_265, %exp3A_222 : vector<16xf32>
        tpu.vector_store_idx %arg17[%add3A_15, %broadcast_in_dim3A_263], %mul3A_266 : memref<128x64xf32, #tpu.memory_space<vmem>>[vector<16xi32>, vector<16xi32>], vector<16xf32>,
        %gather3A_267 = tpu.vector_load_idx %arg17[%add3A_19, %broadcast_in_dim3A_263] : memref<128x64xf32, #tpu.memory_space<vmem>>[vector<16xi32>, vector<16xi32>], vector<16xf32>,
        %mul3A_268 = arith.mulf %gather3A_267, %exp3A_223 : vector<16xf32>
        tpu.vector_store_idx %arg17[%add3A_19, %broadcast_in_dim3A_263], %mul3A_268 : memref<128x64xf32, #tpu.memory_space<vmem>>[vector<16xi32>, vector<16xi32>], vector<16xf32>,
        %gather3A_269 = tpu.vector_load_idx %arg17[%add3A_23, %broadcast_in_dim3A_263] : memref<128x64xf32, #tpu.memory_space<vmem>>[vector<16xi32>, vector<16xi32>], vector<16xf32>,
        %mul3A_270 = arith.mulf %gather3A_269, %exp3A_224 : vector<16xf32>
        tpu.vector_store_idx %arg17[%add3A_23, %broadcast_in_dim3A_263], %mul3A_270 : memref<128x64xf32, #tpu.memory_space<vmem>>[vector<16xi32>, vector<16xi32>], vector<16xf32>,
        %gather3A_271 = tpu.vector_load_idx %arg17[%add3A_27, %broadcast_in_dim3A_263] : memref<128x64xf32, #tpu.memory_space<vmem>>[vector<16xi32>, vector<16xi32>], vector<16xf32>,
        %mul3A_272 = arith.mulf %gather3A_271, %exp3A_225 : vector<16xf32>
        tpu.vector_store_idx %arg17[%add3A_27, %broadcast_in_dim3A_263], %mul3A_272 : memref<128x64xf32, #tpu.memory_space<vmem>>[vector<16xi32>, vector<16xi32>], vector<16xf32>,
        %gather3A_273 = tpu.vector_load_idx %arg17[%add3A_31, %broadcast_in_dim3A_263] : memref<128x64xf32, #tpu.memory_space<vmem>>[vector<16xi32>, vector<16xi32>], vector<16xf32>,
        %mul3A_274 = arith.mulf %gather3A_273, %exp3A_226 : vector<16xf32>
        tpu.vector_store_idx %arg17[%add3A_31, %broadcast_in_dim3A_263], %mul3A_274 : memref<128x64xf32, #tpu.memory_space<vmem>>[vector<16xi32>, vector<16xi32>], vector<16xf32>,
        %gather3A_275 = tpu.vector_load_idx %arg17[%add3A_35, %broadcast_in_dim3A_263] : memref<128x64xf32, #tpu.memory_space<vmem>>[vector<16xi32>, vector<16xi32>], vector<16xf32>,
        %mul3A_276 = arith.mulf %gather3A_275, %exp3A_227 : vector<16xf32>
        tpu.vector_store_idx %arg17[%add3A_35, %broadcast_in_dim3A_263], %mul3A_276 : memref<128x64xf32, #tpu.memory_space<vmem>>[vector<16xi32>, vector<16xi32>], vector<16xf32>,
        %gather3A_277 = tpu.vector_load_idx %arg17[%add3A_39, %broadcast_in_dim3A_263] : memref<128x64xf32, #tpu.memory_space<vmem>>[vector<16xi32>, vector<16xi32>], vector<16xf32>,
        %mul3A_278 = arith.mulf %gather3A_277, %exp3A_228 : vector<16xf32>
        tpu.vector_store_idx %arg17[%add3A_39, %broadcast_in_dim3A_263], %mul3A_278 : memref<128x64xf32, #tpu.memory_space<vmem>>[vector<16xi32>, vector<16xi32>], vector<16xf32>,
        %scan3A_279 = arith.constant 1 : i32
        %scan3A_280 = arith.addi %scan3A_262, %scan3A_279 : i32
        %broadcast_in_dim3A_281 = vector.broadcast %scan3A_280 : i32 to vector<16xi32>
        %gather3A_282 = tpu.vector_load_idx %arg17[%add3A_11, %broadcast_in_dim3A_281] : memref<128x64xf32, #tpu.memory_space<vmem>>[vector<16xi32>, vector<16xi32>], vector<16xf32>,
        %mul3A_283 = arith.mulf %gather3A_282, %exp3A_221 : vector<16xf32>
        tpu.vector_store_idx %arg17[%add3A_11, %broadcast_in_dim3A_281], %mul3A_283 : memref<128x64xf32, #tpu.memory_space<vmem>>[vector<16xi32>, vector<16xi32>], vector<16xf32>,
        %gather3A_284 = tpu.vector_load_idx %arg17[%add3A_15, %broadcast_in_dim3A_281] : memref<128x64xf32, #tpu.memory_space<vmem>>[vector<16xi32>, vector<16xi32>], vector<16xf32>,
        %mul3A_285 = arith.mulf %gather3A_284, %exp3A_222 : vector<16xf32>
        tpu.vector_store_idx %arg17[%add3A_15, %broadcast_in_dim3A_281], %mul3A_285 : memref<128x64xf32, #tpu.memory_space<vmem>>[vector<16xi32>, vector<16xi32>], vector<16xf32>,
        %gather3A_286 = tpu.vector_load_idx %arg17[%add3A_19, %broadcast_in_dim3A_281] : memref<128x64xf32, #tpu.memory_space<vmem>>[vector<16xi32>, vector<16xi32>], vector<16xf32>,
        %mul3A_287 = arith.mulf %gather3A_286, %exp3A_223 : vector<16xf32>
        tpu.vector_store_idx %arg17[%add3A_19, %broadcast_in_dim3A_281], %mul3A_287 : memref<128x64xf32, #tpu.memory_space<vmem>>[vector<16xi32>, vector<16xi32>], vector<16xf32>,
        %gather3A_288 = tpu.vector_load_idx %arg17[%add3A_23, %broadcast_in_dim3A_281] : memref<128x64xf32, #tpu.memory_space<vmem>>[vector<16xi32>, vector<16xi32>], vector<16xf32>,
        %mul3A_289 = arith.mulf %gather3A_288, %exp3A_224 : vector<16xf32>
        tpu.vector_store_idx %arg17[%add3A_23, %broadcast_in_dim3A_281], %mul3A_289 : memref<128x64xf32, #tpu.memory_space<vmem>>[vector<16xi32>, vector<16xi32>], vector<16xf32>,
        %gather3A_290 = tpu.vector_load_idx %arg17[%add3A_27, %broadcast_in_dim3A_281] : memref<128x64xf32, #tpu.memory_space<vmem>>[vector<16xi32>, vector<16xi32>], vector<16xf32>,
        %mul3A_291 = arith.mulf %gather3A_290, %exp3A_225 : vector<16xf32>
        tpu.vector_store_idx %arg17[%add3A_27, %broadcast_in_dim3A_281], %mul3A_291 : memref<128x64xf32, #tpu.memory_space<vmem>>[vector<16xi32>, vector<16xi32>], vector<16xf32>,
        %gather3A_292 = tpu.vector_load_idx %arg17[%add3A_31, %broadcast_in_dim3A_281] : memref<128x64xf32, #tpu.memory_space<vmem>>[vector<16xi32>, vector<16xi32>], vector<16xf32>,
        %mul3A_293 = arith.mulf %gather3A_292, %exp3A_226 : vector<16xf32>
        tpu.vector_store_idx %arg17[%add3A_31, %broadcast_in_dim3A_281], %mul3A_293 : memref<128x64xf32, #tpu.memory_space<vmem>>[vector<16xi32>, vector<16xi32>], vector<16xf32>,
        %gather3A_294 = tpu.vector_load_idx %arg17[%add3A_35, %broadcast_in_dim3A_281] : memref<128x64xf32, #tpu.memory_space<vmem>>[vector<16xi32>, vector<16xi32>], vector<16xf32>,
        %mul3A_295 = arith.mulf %gather3A_294, %exp3A_227 : vector<16xf32>
        tpu.vector_store_idx %arg17[%add3A_35, %broadcast_in_dim3A_281], %mul3A_295 : memref<128x64xf32, #tpu.memory_space<vmem>>[vector<16xi32>, vector<16xi32>], vector<16xf32>,
        %gather3A_296 = tpu.vector_load_idx %arg17[%add3A_39, %broadcast_in_dim3A_281] : memref<128x64xf32, #tpu.memory_space<vmem>>[vector<16xi32>, vector<16xi32>], vector<16xf32>,
        %mul3A_297 = arith.mulf %gather3A_296, %exp3A_228 : vector<16xf32>
        tpu.vector_store_idx %arg17[%add3A_39, %broadcast_in_dim3A_281], %mul3A_297 : memref<128x64xf32, #tpu.memory_space<vmem>>[vector<16xi32>, vector<16xi32>], vector<16xf32>,
      }
      %scan3A_250 = arith.constant 64 : i32
      "tpu.region"() ({
        %run_scoped3A = tpu.sem_alloc : memref<!tpu.dma_semaphore, #tpu.memory_space<semaphore_mem>>
        %dma_start3A_262 = arith.constant 0 : i32
        %dma_start3A_263 = tpu.memref_slice %arg22[%dma_start3A_262] : memref<10240xf32, #tpu.memory_space<vmem_shared>> -> memref<10240xf32, #tpu.memory_space<vmem_shared>>
        tpu.enqueue_indirect_dma source(%arg19 : memref<128xf32, #tpu.memory_space<vmem>>) target(%dma_start3A_263 : memref<10240xf32, #tpu.memory_space<vmem_shared>>) offsets(%arg14 : memref<128xi32, #tpu.memory_space<vmem>>) semaphore(%run_scoped3A : memref<!tpu.dma_semaphore, #tpu.memory_space<semaphore_mem>>) {add = true}
        %dma_wait3A_264 = arith.constant 0 : i32
        %dma_wait3A_265 = tpu.memref_slice %arg22[%dma_wait3A_264] : memref<10240xf32, #tpu.memory_space<vmem_shared>> -> memref<10240xf32, #tpu.memory_space<vmem_shared>>
        tpu.wait_indirect_dma semaphore(%run_scoped3A : memref<!tpu.dma_semaphore, #tpu.memory_space<semaphore_mem>>) src(%arg19 : memref<128xf32, #tpu.memory_space<vmem>>) dst(%dma_wait3A_265 : memref<10240xf32, #tpu.memory_space<vmem_shared>>)
        tpu.yield
      }) : () -> ()
      "tpu.region"() ({
        %run_scoped3A = tpu.sem_alloc : memref<!tpu.dma_semaphore, #tpu.memory_space<semaphore_mem>>
        %dma_start3A_262 = arith.constant 0 : i32
        %dma_start3A_263 = arith.constant 0 : i32
        %dma_start3A_264 = tpu.memref_slice %arg21[%dma_start3A_262, %dma_start3A_263] : memref<10240x64xf32, #tpu.memory_space<vmem_shared>> -> memref<10240x64xf32, #tpu.memory_space<vmem_shared>>
        tpu.enqueue_indirect_dma source(%arg17 : memref<128x64xf32, #tpu.memory_space<vmem>>) target(%dma_start3A_264 : memref<10240x64xf32, #tpu.memory_space<vmem_shared>>) offsets(%arg14 : memref<128xi32, #tpu.memory_space<vmem>>) semaphore(%run_scoped3A : memref<!tpu.dma_semaphore, #tpu.memory_space<semaphore_mem>>) {add = true}
        %dma_wait3A_265 = arith.constant 0 : i32
        %dma_wait3A_266 = arith.constant 0 : i32
        %dma_wait3A_267 = tpu.memref_slice %arg21[%dma_wait3A_265, %dma_wait3A_266] : memref<10240x64xf32, #tpu.memory_space<vmem_shared>> -> memref<10240x64xf32, #tpu.memory_space<vmem_shared>>
        tpu.wait_indirect_dma semaphore(%run_scoped3A : memref<!tpu.dma_semaphore, #tpu.memory_space<semaphore_mem>>) src(%arg17 : memref<128x64xf32, #tpu.memory_space<vmem>>) dst(%dma_wait3A_267 : memref<10240x64xf32, #tpu.memory_space<vmem_shared>>)
        tpu.yield
      }) : () -> ()
      %add3A_251 = arith.constant 3 : i32
      %add3A_252 = arith.addi %mul3A_98, %add3A_251 : i32
      %mul3A_253 = arith.constant 10496 : i32
      %mul3A_254 = arith.muli %add3A, %mul3A_253 : i32
      %mul3A_255 = arith.constant 128 : i32
      %mul3A_256 = arith.muli %add3A_252, %mul3A_255 : i32
      %add3A_257 = arith.addi %mul3A_254, %mul3A_256 : i32
      %dma_start3A_258 = tpu.memref_slice %arg4[%add3A_257] : memref<336128xi32, #tpu.memory_space<hbm>> -> memref<128xi32, #tpu.memory_space<hbm>>
      %dma_start3A_259 = tpu.memref_slice %arg4[%add3A_257] : memref<336128xi32, #tpu.memory_space<hbm>> -> memref<128xi32, #tpu.memory_space<hbm>>
      tpu.enqueue_dma source(%dma_start3A_259 : memref<128xi32, #tpu.memory_space<hbm>>) target(%arg13 : memref<128xi32, #tpu.memory_space<vmem>>) target_semaphore(%arg24 : memref<!tpu.dma_semaphore, #tpu.memory_space<semaphore_mem>>)
      %dma_start3A_260 = tpu.memref_slice %arg5[%add3A_257] : memref<336128xi32, #tpu.memory_space<hbm>> -> memref<128xi32, #tpu.memory_space<hbm>>
      %dma_start3A_261 = tpu.memref_slice %arg5[%add3A_257] : memref<336128xi32, #tpu.memory_space<hbm>> -> memref<128xi32, #tpu.memory_space<hbm>>
      tpu.enqueue_dma source(%dma_start3A_261 : memref<128xi32, #tpu.memory_space<hbm>>) target(%arg14 : memref<128xi32, #tpu.memory_space<vmem>>) target_semaphore(%arg24 : memref<!tpu.dma_semaphore, #tpu.memory_space<semaphore_mem>>)
    }
    %scan3A_72 = arith.constant 41 : i32
    %dma_wait3A_73 = arith.constant 0 : i32
    %dma_wait3A_74 = arith.constant 0 : i32
    %dma_wait3A_75 = tpu.memref_slice %arg2[%dma_wait3A_73, %dma_wait3A_74] : memref<10240x64xf32, #tpu.memory_space<hbm>> -> memref<10240x64xf32, #tpu.memory_space<hbm>>
    tpu.wait_indirect_dma semaphore(%arg25 : memref<!tpu.dma_semaphore, #tpu.memory_space<semaphore_mem>>) src(%dma_wait3A_75 : memref<10240x64xf32, #tpu.memory_space<hbm>>) dst(%arg15 : memref<128x64xf32, #tpu.memory_space<vmem>>)
    %dma_wait3A_76 = arith.constant 0 : i32
    %dma_wait3A_77 = arith.constant 0 : i32
    %dma_wait3A_78 = tpu.memref_slice %arg3[%dma_wait3A_76, %dma_wait3A_77] : memref<10240x64xf32, #tpu.memory_space<hbm>> -> memref<10240x64xf32, #tpu.memory_space<hbm>>
    tpu.wait_indirect_dma semaphore(%arg26 : memref<!tpu.dma_semaphore, #tpu.memory_space<semaphore_mem>>) src(%dma_wait3A_78 : memref<10240x64xf32, #tpu.memory_space<hbm>>) dst(%arg16 : memref<128x64xf32, #tpu.memory_space<vmem>>)
    %dma_wait3A_79 = arith.constant 0 : i32
    %dma_wait3A_80 = tpu.memref_slice %arg4[%dma_wait3A_79] : memref<336128xi32, #tpu.memory_space<hbm>> -> memref<128xi32, #tpu.memory_space<hbm>>
    %dma_wait3A_81 = arith.constant 0 : i32
    %dma_wait3A_82 = tpu.memref_slice %arg4[%dma_wait3A_81] : memref<336128xi32, #tpu.memory_space<hbm>> -> memref<128xi32, #tpu.memory_space<hbm>>
    tpu.wait_dma2 semaphore(%arg24 : memref<!tpu.dma_semaphore, #tpu.memory_space<semaphore_mem>>) src(%dma_wait3A_82 : memref<128xi32, #tpu.memory_space<hbm>>) dst(%arg13 : memref<128xi32, #tpu.memory_space<vmem>>)
    %dma_wait3A_83 = arith.constant 0 : i32
    %dma_wait3A_84 = tpu.memref_slice %arg5[%dma_wait3A_83] : memref<336128xi32, #tpu.memory_space<hbm>> -> memref<128xi32, #tpu.memory_space<hbm>>
    %dma_wait3A_85 = arith.constant 0 : i32
    %dma_wait3A_86 = tpu.memref_slice %arg5[%dma_wait3A_85] : memref<336128xi32, #tpu.memory_space<hbm>> -> memref<128xi32, #tpu.memory_space<hbm>>
    tpu.wait_dma2 semaphore(%arg24 : memref<!tpu.dma_semaphore, #tpu.memory_space<semaphore_mem>>) src(%dma_wait3A_86 : memref<128xi32, #tpu.memory_space<hbm>>) dst(%arg14 : memref<128xi32, #tpu.memory_space<vmem>>)
    %barrier3A_87 = arith.constant 0 : index
    tpu.barrier barrier_id(%barrier3A_87)
    %mul3A_88 = arith.constant 640 : i32
    %mul3A_89 = arith.muli %arg1, %mul3A_88 : i32
    %mul3A_90 = arith.constant 640 : i32
    %mul3A_91 = arith.muli %arg1, %mul3A_90 : i32
    "tpu.region"() ({
      %run_scoped3A = tpu.sem_alloc : memref<!tpu.dma_semaphore, #tpu.memory_space<semaphore_mem>>
      %dma_start3A_96 = arith.constant 0 : i32
      %dma_start3A_97 = tpu.memref_slice %arg9[%arg0, %mul3A_91, %dma_start3A_96] : memref<2x10240x64xf32, #tpu.memory_space<hbm>> -> memref<1x640x64xf32, #tpu.memory_space<hbm>>
      %dma_start3A_98 = tpu.memref_squeeze %dma_start3A_97 : memref<1x640x64xf32, #tpu.memory_space<hbm>> -> memref<640x64xf32, #tpu.memory_space<hbm>>
      %dma_start3A_99 = arith.constant 0 : i32
      %dma_start3A_100 = tpu.memref_slice %arg21[%mul3A_89, %dma_start3A_99] : memref<10240x64xf32, #tpu.memory_space<vmem_shared>> -> memref<640x64xf32, #tpu.memory_space<vmem_shared>>
      tpu.enqueue_dma source(%dma_start3A_100 : memref<640x64xf32, #tpu.memory_space<vmem_shared>>) target(%dma_start3A_98 : memref<640x64xf32, #tpu.memory_space<hbm>>) target_semaphore(%run_scoped3A : memref<!tpu.dma_semaphore, #tpu.memory_space<semaphore_mem>>)
      %dma_wait3A_101 = arith.constant 0 : i32
      %dma_wait3A_102 = tpu.memref_slice %arg9[%arg0, %mul3A_91, %dma_wait3A_101] : memref<2x10240x64xf32, #tpu.memory_space<hbm>> -> memref<1x640x64xf32, #tpu.memory_space<hbm>>
      %dma_wait3A_103 = tpu.memref_squeeze %dma_wait3A_102 : memref<1x640x64xf32, #tpu.memory_space<hbm>> -> memref<640x64xf32, #tpu.memory_space<hbm>>
      %dma_wait3A_104 = arith.constant 0 : i32
      %dma_wait3A_105 = tpu.memref_slice %arg21[%mul3A_89, %dma_wait3A_104] : memref<10240x64xf32, #tpu.memory_space<vmem_shared>> -> memref<640x64xf32, #tpu.memory_space<vmem_shared>>
      tpu.wait_dma2 semaphore(%run_scoped3A : memref<!tpu.dma_semaphore, #tpu.memory_space<semaphore_mem>>) src(%dma_wait3A_105 : memref<640x64xf32, #tpu.memory_space<vmem_shared>>) dst(%dma_wait3A_103 : memref<640x64xf32, #tpu.memory_space<hbm>>)
      tpu.yield
    }) : () -> ()
    %mul3A_92 = arith.constant 640 : i32
    %mul3A_93 = arith.muli %arg1, %mul3A_92 : i32
    %mul3A_94 = arith.constant 640 : i32
    %mul3A_95 = arith.muli %arg1, %mul3A_94 : i32
    "tpu.region"() ({
      %run_scoped3A = tpu.sem_alloc : memref<!tpu.dma_semaphore, #tpu.memory_space<semaphore_mem>>
      %dma_start3A_96 = tpu.memref_slice %arg10[%arg0, %mul3A_95] : memref<2x10240xf32, #tpu.memory_space<hbm>> -> memref<1x640xf32, #tpu.memory_space<hbm>>
      %dma_start3A_97 = tpu.memref_squeeze %dma_start3A_96 : memref<1x640xf32, #tpu.memory_space<hbm>> -> memref<640xf32, #tpu.memory_space<hbm>>
      %dma_start3A_98 = tpu.memref_slice %arg22[%mul3A_93] : memref<10240xf32, #tpu.memory_space<vmem_shared>> -> memref<640xf32, #tpu.memory_space<vmem_shared>>
      tpu.enqueue_dma source(%dma_start3A_98 : memref<640xf32, #tpu.memory_space<vmem_shared>>) target(%dma_start3A_97 : memref<640xf32, #tpu.memory_space<hbm>>) target_semaphore(%run_scoped3A : memref<!tpu.dma_semaphore, #tpu.memory_space<semaphore_mem>>)
      %dma_wait3A_99 = tpu.memref_slice %arg10[%arg0, %mul3A_95] : memref<2x10240xf32, #tpu.memory_space<hbm>> -> memref<1x640xf32, #tpu.memory_space<hbm>>
      %dma_wait3A_100 = tpu.memref_squeeze %dma_wait3A_99 : memref<1x640xf32, #tpu.memory_space<hbm>> -> memref<640xf32, #tpu.memory_space<hbm>>
      %dma_wait3A_101 = tpu.memref_slice %arg22[%mul3A_93] : memref<10240xf32, #tpu.memory_space<vmem_shared>> -> memref<640xf32, #tpu.memory_space<vmem_shared>>
      tpu.wait_dma2 semaphore(%run_scoped3A : memref<!tpu.dma_semaphore, #tpu.memory_space<semaphore_mem>>) src(%dma_wait3A_101 : memref<640xf32, #tpu.memory_space<vmem_shared>>) dst(%dma_wait3A_100 : memref<640xf32, #tpu.memory_space<hbm>>)
      tpu.yield
    }) : () -> ()
    return
  }
}

#map = affine_map<(d0, d1) -> (0, 0)>
#map1 = affine_map<(d0, d1) -> (0)>
#map2 = affine_map<(d0, d1) -> (0, 0, 0)>
module attributes {stable_mosaic.version = 14 : i64} {
  func.func @_sc_body(%arg0: i32, %arg1: i32, %arg2: memref<10240x64xf32, #tpu.memory_space<hbm>>, %arg3: memref<10240x64xf32, #tpu.memory_space<hbm>>, %arg4: memref<336128xi32, #tpu.memory_space<hbm>>, %arg5: memref<336128xi32, #tpu.memory_space<hbm>>, %arg6: memref<64xf32, #tpu.memory_space<hbm>>, %arg7: memref<10240x64xf32, #tpu.memory_space<hbm>>, %arg8: memref<10240xf32, #tpu.memory_space<hbm>>, %arg9: memref<2x10240x64xf32, #tpu.memory_space<hbm>>, %arg10: memref<2x10240xf32, #tpu.memory_space<hbm>>, %arg11: memref<128xi32, #tpu.memory_space<vmem>>, %arg12: memref<128xi32, #tpu.memory_space<vmem>>, %arg13: memref<128xi32, #tpu.memory_space<vmem>>, %arg14: memref<128xi32, #tpu.memory_space<vmem>>, %arg15: memref<128x64xf32, #tpu.memory_space<vmem>>, %arg16: memref<128x64xf32, #tpu.memory_space<vmem>>, %arg17: memref<128x64xf32, #tpu.memory_space<vmem>>, %arg18: memref<128x64xf32, #tpu.memory_space<vmem>>, %arg19: memref<128xf32, #tpu.memory_space<vmem>>, %arg20: memref<64xf32, #tpu.memory_space<vmem>>, %arg21: memref<10240x64xf32, #tpu.memory_space<vmem_shared>>, %arg22: memref<10240xf32, #tpu.memory_space<vmem_shared>>, %arg23: memref<!tpu.dma_semaphore, #tpu.memory_space<semaphore_mem>>, %arg24: memref<!tpu.dma_semaphore, #tpu.memory_space<semaphore_mem>>, %arg25: memref<!tpu.dma_semaphore, #tpu.memory_space<semaphore_mem>>, %arg26: memref<!tpu.dma_semaphore, #tpu.memory_space<semaphore_mem>>, %arg27: memref<!tpu.dma_semaphore, #tpu.memory_space<semaphore_mem>>, %arg28: memref<!tpu.dma_semaphore, #tpu.memory_space<semaphore_mem>>) attributes {dimension_semantics = [#tpu.dimension_semantics<core_parallel>, #tpu.dimension_semantics<subcore_parallel>], iteration_bounds = array<i64: 2, 16>, scalar_prefetch = 0 : i64, scratch_operands = 18 : i64, tpu.core_type = #tpu.core_type<sc_vector_subcore>, window_params = [{transform_indices = #map}, {transform_indices = #map}, {transform_indices = #map1}, {transform_indices = #map1}, {transform_indices = #map1}, {transform_indices = #map}, {transform_indices = #map1}, {transform_indices = #map2}, {transform_indices = #map}]} {
    %mul3A = arith.constant 2 : i32
    %mul3A_0 = arith.muli %arg1, %mul3A : i32
    %add3A = arith.addi %mul3A_0, %arg0 : i32
    %mul3A_1 = arith.constant 640 : i32
    %mul3A_2 = arith.muli %arg1, %mul3A_1 : i32
    %mul3A_3 = arith.constant 640 : i32
    %mul3A_4 = arith.muli %arg1, %mul3A_3 : i32
    "tpu.region"() ({
      %run_scoped3A = tpu.sem_alloc : memref<!tpu.dma_semaphore, #tpu.memory_space<semaphore_mem>>
      %dma_start3A_96 = arith.constant 0 : i32
      %dma_start3A_97 = tpu.memref_slice %arg21[%mul3A_4, %dma_start3A_96] : memref<10240x64xf32, #tpu.memory_space<vmem_shared>> -> memref<640x64xf32, #tpu.memory_space<vmem_shared>>
      %dma_start3A_98 = arith.constant 0 : i32
      %dma_start3A_99 = tpu.memref_slice %arg7[%mul3A_2, %dma_start3A_98] : memref<10240x64xf32, #tpu.memory_space<hbm>> -> memref<640x64xf32, #tpu.memory_space<hbm>>
      tpu.enqueue_dma source(%dma_start3A_99 : memref<640x64xf32, #tpu.memory_space<hbm>>) target(%dma_start3A_97 : memref<640x64xf32, #tpu.memory_space<vmem_shared>>) target_semaphore(%run_scoped3A : memref<!tpu.dma_semaphore, #tpu.memory_space<semaphore_mem>>)
      %dma_wait3A_100 = arith.constant 0 : i32
      %dma_wait3A_101 = tpu.memref_slice %arg21[%mul3A_4, %dma_wait3A_100] : memref<10240x64xf32, #tpu.memory_space<vmem_shared>> -> memref<640x64xf32, #tpu.memory_space<vmem_shared>>
      %dma_wait3A_102 = arith.constant 0 : i32
      %dma_wait3A_103 = tpu.memref_slice %arg7[%mul3A_2, %dma_wait3A_102] : memref<10240x64xf32, #tpu.memory_space<hbm>> -> memref<640x64xf32, #tpu.memory_space<hbm>>
      tpu.wait_dma2 semaphore(%run_scoped3A : memref<!tpu.dma_semaphore, #tpu.memory_space<semaphore_mem>>) src(%dma_wait3A_103 : memref<640x64xf32, #tpu.memory_space<hbm>>) dst(%dma_wait3A_101 : memref<640x64xf32, #tpu.memory_space<vmem_shared>>)
      tpu.yield
    }) : () -> ()
    %mul3A_5 = arith.constant 640 : i32
    %mul3A_6 = arith.muli %arg1, %mul3A_5 : i32
    %mul3A_7 = arith.constant 640 : i32
    %mul3A_8 = arith.muli %arg1, %mul3A_7 : i32
    "tpu.region"() ({
      %run_scoped3A = tpu.sem_alloc : memref<!tpu.dma_semaphore, #tpu.memory_space<semaphore_mem>>
      %dma_start3A_96 = tpu.memref_slice %arg22[%mul3A_8] : memref<10240xf32, #tpu.memory_space<vmem_shared>> -> memref<640xf32, #tpu.memory_space<vmem_shared>>
      %dma_start3A_97 = tpu.memref_slice %arg8[%mul3A_6] : memref<10240xf32, #tpu.memory_space<hbm>> -> memref<640xf32, #tpu.memory_space<hbm>>
      tpu.enqueue_dma source(%dma_start3A_97 : memref<640xf32, #tpu.memory_space<hbm>>) target(%dma_start3A_96 : memref<640xf32, #tpu.memory_space<vmem_shared>>) target_semaphore(%run_scoped3A : memref<!tpu.dma_semaphore, #tpu.memory_space<semaphore_mem>>)
      %dma_wait3A_98 = tpu.memref_slice %arg22[%mul3A_8] : memref<10240xf32, #tpu.memory_space<vmem_shared>> -> memref<640xf32, #tpu.memory_space<vmem_shared>>
      %dma_wait3A_99 = tpu.memref_slice %arg8[%mul3A_6] : memref<10240xf32, #tpu.memory_space<hbm>> -> memref<640xf32, #tpu.memory_space<hbm>>
      tpu.wait_dma2 semaphore(%run_scoped3A : memref<!tpu.dma_semaphore, #tpu.memory_space<semaphore_mem>>) src(%dma_wait3A_99 : memref<640xf32, #tpu.memory_space<hbm>>) dst(%dma_wait3A_98 : memref<640xf32, #tpu.memory_space<vmem_shared>>)
      tpu.yield
    }) : () -> ()
    "tpu.region"() ({
      %run_scoped3A = tpu.sem_alloc : memref<!tpu.dma_semaphore, #tpu.memory_space<semaphore_mem>>
      tpu.enqueue_dma source(%arg6 : memref<64xf32, #tpu.memory_space<hbm>>) target(%arg20 : memref<64xf32, #tpu.memory_space<vmem>>) target_semaphore(%run_scoped3A : memref<!tpu.dma_semaphore, #tpu.memory_space<semaphore_mem>>)
      tpu.wait_dma2 semaphore(%run_scoped3A : memref<!tpu.dma_semaphore, #tpu.memory_space<semaphore_mem>>) src(%arg6 : memref<64xf32, #tpu.memory_space<hbm>>) dst(%arg20 : memref<64xf32, #tpu.memory_space<vmem>>)
      tpu.yield
    }) : () -> ()
    %barrier3A = arith.constant 0 : index
    tpu.barrier barrier_id(%barrier3A)
    %iota3A = tpu.iota {dimensions = array<i32: 0>} : vector<16xi32>
    %add3A_9 = arith.constant 0 : i32
    %add3A_10 = vector.broadcast %add3A_9 : i32 to vector<16xi32>
    %add3A_11 = arith.addi %iota3A, %add3A_10 : vector<16xi32>
    %iota3A_12 = tpu.iota {dimensions = array<i32: 0>} : vector<16xi32>
    %add3A_13 = arith.constant 16 : i32
    %add3A_14 = vector.broadcast %add3A_13 : i32 to vector<16xi32>
    %add3A_15 = arith.addi %iota3A_12, %add3A_14 : vector<16xi32>
    %iota3A_16 = tpu.iota {dimensions = array<i32: 0>} : vector<16xi32>
    %add3A_17 = arith.constant 32 : i32
    %add3A_18 = vector.broadcast %add3A_17 : i32 to vector<16xi32>
    %add3A_19 = arith.addi %iota3A_16, %add3A_18 : vector<16xi32>
    %iota3A_20 = tpu.iota {dimensions = array<i32: 0>} : vector<16xi32>
    %add3A_21 = arith.constant 48 : i32
    %add3A_22 = vector.broadcast %add3A_21 : i32 to vector<16xi32>
    %add3A_23 = arith.addi %iota3A_20, %add3A_22 : vector<16xi32>
    %iota3A_24 = tpu.iota {dimensions = array<i32: 0>} : vector<16xi32>
    %add3A_25 = arith.constant 64 : i32
    %add3A_26 = vector.broadcast %add3A_25 : i32 to vector<16xi32>
    %add3A_27 = arith.addi %iota3A_24, %add3A_26 : vector<16xi32>
    %iota3A_28 = tpu.iota {dimensions = array<i32: 0>} : vector<16xi32>
    %add3A_29 = arith.constant 80 : i32
    %add3A_30 = vector.broadcast %add3A_29 : i32 to vector<16xi32>
    %add3A_31 = arith.addi %iota3A_28, %add3A_30 : vector<16xi32>
    %iota3A_32 = tpu.iota {dimensions = array<i32: 0>} : vector<16xi32>
    %add3A_33 = arith.constant 96 : i32
    %add3A_34 = vector.broadcast %add3A_33 : i32 to vector<16xi32>
    %add3A_35 = arith.addi %iota3A_32, %add3A_34 : vector<16xi32>
    %iota3A_36 = tpu.iota {dimensions = array<i32: 0>} : vector<16xi32>
    %add3A_37 = arith.constant 112 : i32
    %add3A_38 = vector.broadcast %add3A_37 : i32 to vector<16xi32>
    %add3A_39 = arith.addi %iota3A_36, %add3A_38 : vector<16xi32>
    %mul3A_40 = arith.constant 10496 : i32
    %mul3A_41 = arith.muli %add3A, %mul3A_40 : i32
    %add3A_42 = arith.constant 0 : i32
    %add3A_43 = arith.addi %mul3A_41, %add3A_42 : i32
    %dma_start3A = tpu.memref_slice %arg4[%add3A_43] : memref<336128xi32, #tpu.memory_space<hbm>> -> memref<128xi32, #tpu.memory_space<hbm>>
    %dma_start3A_44 = tpu.memref_slice %arg4[%add3A_43] : memref<336128xi32, #tpu.memory_space<hbm>> -> memref<128xi32, #tpu.memory_space<hbm>>
    tpu.enqueue_dma source(%dma_start3A_44 : memref<128xi32, #tpu.memory_space<hbm>>) target(%arg11 : memref<128xi32, #tpu.memory_space<vmem>>) target_semaphore(%arg23 : memref<!tpu.dma_semaphore, #tpu.memory_space<semaphore_mem>>)
    %dma_start3A_45 = tpu.memref_slice %arg5[%add3A_43] : memref<336128xi32, #tpu.memory_space<hbm>> -> memref<128xi32, #tpu.memory_space<hbm>>
    %dma_start3A_46 = tpu.memref_slice %arg5[%add3A_43] : memref<336128xi32, #tpu.memory_space<hbm>> -> memref<128xi32, #tpu.memory_space<hbm>>
    tpu.enqueue_dma source(%dma_start3A_46 : memref<128xi32, #tpu.memory_space<hbm>>) target(%arg12 : memref<128xi32, #tpu.memory_space<vmem>>) target_semaphore(%arg23 : memref<!tpu.dma_semaphore, #tpu.memory_space<semaphore_mem>>)
    %mul3A_47 = arith.constant 10496 : i32
    %mul3A_48 = arith.muli %add3A, %mul3A_47 : i32
    %add3A_49 = arith.constant 128 : i32
    %add3A_50 = arith.addi %mul3A_48, %add3A_49 : i32
    %dma_start3A_51 = tpu.memref_slice %arg4[%add3A_50] : memref<336128xi32, #tpu.memory_space<hbm>> -> memref<128xi32, #tpu.memory_space<hbm>>
    %dma_start3A_52 = tpu.memref_slice %arg4[%add3A_50] : memref<336128xi32, #tpu.memory_space<hbm>> -> memref<128xi32, #tpu.memory_space<hbm>>
    tpu.enqueue_dma source(%dma_start3A_52 : memref<128xi32, #tpu.memory_space<hbm>>) target(%arg13 : memref<128xi32, #tpu.memory_space<vmem>>) target_semaphore(%arg24 : memref<!tpu.dma_semaphore, #tpu.memory_space<semaphore_mem>>)
    %dma_start3A_53 = tpu.memref_slice %arg5[%add3A_50] : memref<336128xi32, #tpu.memory_space<hbm>> -> memref<128xi32, #tpu.memory_space<hbm>>
    %dma_start3A_54 = tpu.memref_slice %arg5[%add3A_50] : memref<336128xi32, #tpu.memory_space<hbm>> -> memref<128xi32, #tpu.memory_space<hbm>>
    tpu.enqueue_dma source(%dma_start3A_54 : memref<128xi32, #tpu.memory_space<hbm>>) target(%arg14 : memref<128xi32, #tpu.memory_space<vmem>>) target_semaphore(%arg24 : memref<!tpu.dma_semaphore, #tpu.memory_space<semaphore_mem>>)
    %dma_wait3A = arith.constant 0 : i32
    %dma_wait3A_55 = tpu.memref_slice %arg4[%dma_wait3A] : memref<336128xi32, #tpu.memory_space<hbm>> -> memref<128xi32, #tpu.memory_space<hbm>>
    %dma_wait3A_56 = arith.constant 0 : i32
    %dma_wait3A_57 = tpu.memref_slice %arg4[%dma_wait3A_56] : memref<336128xi32, #tpu.memory_space<hbm>> -> memref<128xi32, #tpu.memory_space<hbm>>
    tpu.wait_dma2 semaphore(%arg23 : memref<!tpu.dma_semaphore, #tpu.memory_space<semaphore_mem>>) src(%dma_wait3A_57 : memref<128xi32, #tpu.memory_space<hbm>>) dst(%arg11 : memref<128xi32, #tpu.memory_space<vmem>>)
    %dma_wait3A_58 = arith.constant 0 : i32
    %dma_wait3A_59 = tpu.memref_slice %arg5[%dma_wait3A_58] : memref<336128xi32, #tpu.memory_space<hbm>> -> memref<128xi32, #tpu.memory_space<hbm>>
    %dma_wait3A_60 = arith.constant 0 : i32
    %dma_wait3A_61 = tpu.memref_slice %arg5[%dma_wait3A_60] : memref<336128xi32, #tpu.memory_space<hbm>> -> memref<128xi32, #tpu.memory_space<hbm>>
    tpu.wait_dma2 semaphore(%arg23 : memref<!tpu.dma_semaphore, #tpu.memory_space<semaphore_mem>>) src(%dma_wait3A_61 : memref<128xi32, #tpu.memory_space<hbm>>) dst(%arg12 : memref<128xi32, #tpu.memory_space<vmem>>)
    %dma_start3A_62 = arith.constant 0 : i32
    %dma_start3A_63 = arith.constant 0 : i32
    %dma_start3A_64 = tpu.memref_slice %arg2[%dma_start3A_62, %dma_start3A_63] : memref<10240x64xf32, #tpu.memory_space<hbm>> -> memref<10240x64xf32, #tpu.memory_space<hbm>>
    tpu.enqueue_indirect_dma source(%dma_start3A_64 : memref<10240x64xf32, #tpu.memory_space<hbm>>) target(%arg15 : memref<128x64xf32, #tpu.memory_space<vmem>>) offsets(%arg11 : memref<128xi32, #tpu.memory_space<vmem>>) semaphore(%arg25 : memref<!tpu.dma_semaphore, #tpu.memory_space<semaphore_mem>>)
    %dma_start3A_65 = arith.constant 0 : i32
    %dma_start3A_66 = arith.constant 0 : i32
    %dma_start3A_67 = tpu.memref_slice %arg3[%dma_start3A_65, %dma_start3A_66] : memref<10240x64xf32, #tpu.memory_space<hbm>> -> memref<10240x64xf32, #tpu.memory_space<hbm>>
    tpu.enqueue_indirect_dma source(%dma_start3A_67 : memref<10240x64xf32, #tpu.memory_space<hbm>>) target(%arg16 : memref<128x64xf32, #tpu.memory_space<vmem>>) offsets(%arg12 : memref<128xi32, #tpu.memory_space<vmem>>) semaphore(%arg26 : memref<!tpu.dma_semaphore, #tpu.memory_space<semaphore_mem>>)
    %scan3A = arith.constant 0 : i32
    %scan3A_68 = arith.constant 0 : i32
    %scan3A_69 = arith.constant 41 : i32
    %scan3A_70 = arith.addi %scan3A_68, %scan3A_69 : i32
    %scan3A_71 = arith.constant 1 : i32
    scf.for %scan3A_96 = %scan3A_68 to %scan3A_70 step %scan3A_71  : i32 {
      %mul3A_97 = arith.constant 2 : i32
      %mul3A_98 = arith.muli %mul3A_97, %scan3A_96 : i32
      %dma_wait3A_99 = arith.constant 0 : i32
      %dma_wait3A_100 = tpu.memref_slice %arg4[%dma_wait3A_99] : memref<336128xi32, #tpu.memory_space<hbm>> -> memref<128xi32, #tpu.memory_space<hbm>>
      %dma_wait3A_101 = arith.constant 0 : i32
      %dma_wait3A_102 = tpu.memref_slice %arg4[%dma_wait3A_101] : memref<336128xi32, #tpu.memory_space<hbm>> -> memref<128xi32, #tpu.memory_space<hbm>>
      tpu.wait_dma2 semaphore(%arg24 : memref<!tpu.dma_semaphore, #tpu.memory_space<semaphore_mem>>) src(%dma_wait3A_102 : memref<128xi32, #tpu.memory_space<hbm>>) dst(%arg13 : memref<128xi32, #tpu.memory_space<vmem>>)
      %dma_wait3A_103 = arith.constant 0 : i32
      %dma_wait3A_104 = tpu.memref_slice %arg5[%dma_wait3A_103] : memref<336128xi32, #tpu.memory_space<hbm>> -> memref<128xi32, #tpu.memory_space<hbm>>
      %dma_wait3A_105 = arith.constant 0 : i32
      %dma_wait3A_106 = tpu.memref_slice %arg5[%dma_wait3A_105] : memref<336128xi32, #tpu.memory_space<hbm>> -> memref<128xi32, #tpu.memory_space<hbm>>
      tpu.wait_dma2 semaphore(%arg24 : memref<!tpu.dma_semaphore, #tpu.memory_space<semaphore_mem>>) src(%dma_wait3A_106 : memref<128xi32, #tpu.memory_space<hbm>>) dst(%arg14 : memref<128xi32, #tpu.memory_space<vmem>>)
      %dma_start3A_107 = arith.constant 0 : i32
      %dma_start3A_108 = arith.constant 0 : i32
      %dma_start3A_109 = tpu.memref_slice %arg2[%dma_start3A_107, %dma_start3A_108] : memref<10240x64xf32, #tpu.memory_space<hbm>> -> memref<10240x64xf32, #tpu.memory_space<hbm>>
      tpu.enqueue_indirect_dma source(%dma_start3A_109 : memref<10240x64xf32, #tpu.memory_space<hbm>>) target(%arg17 : memref<128x64xf32, #tpu.memory_space<vmem>>) offsets(%arg13 : memref<128xi32, #tpu.memory_space<vmem>>) semaphore(%arg27 : memref<!tpu.dma_semaphore, #tpu.memory_space<semaphore_mem>>)
      %dma_start3A_110 = arith.constant 0 : i32
      %dma_start3A_111 = arith.constant 0 : i32
      %dma_start3A_112 = tpu.memref_slice %arg3[%dma_start3A_110, %dma_start3A_111] : memref<10240x64xf32, #tpu.memory_space<hbm>> -> memref<10240x64xf32, #tpu.memory_space<hbm>>
      tpu.enqueue_indirect_dma source(%dma_start3A_112 : memref<10240x64xf32, #tpu.memory_space<hbm>>) target(%arg18 : memref<128x64xf32, #tpu.memory_space<vmem>>) offsets(%arg14 : memref<128xi32, #tpu.memory_space<vmem>>) semaphore(%arg28 : memref<!tpu.dma_semaphore, #tpu.memory_space<semaphore_mem>>)
      %dma_wait3A_113 = arith.constant 0 : i32
      %dma_wait3A_114 = arith.constant 0 : i32
      %dma_wait3A_115 = tpu.memref_slice %arg2[%dma_wait3A_113, %dma_wait3A_114] : memref<10240x64xf32, #tpu.memory_space<hbm>> -> memref<10240x64xf32, #tpu.memory_space<hbm>>
      tpu.wait_indirect_dma semaphore(%arg25 : memref<!tpu.dma_semaphore, #tpu.memory_space<semaphore_mem>>) src(%dma_wait3A_115 : memref<10240x64xf32, #tpu.memory_space<hbm>>) dst(%arg15 : memref<128x64xf32, #tpu.memory_space<vmem>>)
      %dma_wait3A_116 = arith.constant 0 : i32
      %dma_wait3A_117 = arith.constant 0 : i32
      %dma_wait3A_118 = tpu.memref_slice %arg3[%dma_wait3A_116, %dma_wait3A_117] : memref<10240x64xf32, #tpu.memory_space<hbm>> -> memref<10240x64xf32, #tpu.memory_space<hbm>>
      tpu.wait_indirect_dma semaphore(%arg26 : memref<!tpu.dma_semaphore, #tpu.memory_space<semaphore_mem>>) src(%dma_wait3A_118 : memref<10240x64xf32, #tpu.memory_space<hbm>>) dst(%arg16 : memref<128x64xf32, #tpu.memory_space<vmem>>)
      %broadcast_in_dim3A = arith.constant 0.000000e+00 : f32
      %broadcast_in_dim3A_119 = vector.broadcast %broadcast_in_dim3A : f32 to vector<16xf32>
      %broadcast_in_dim3A_120 = arith.constant 0.000000e+00 : f32
      %broadcast_in_dim3A_121 = vector.broadcast %broadcast_in_dim3A_120 : f32 to vector<16xf32>
      %broadcast_in_dim3A_122 = arith.constant 0.000000e+00 : f32
      %broadcast_in_dim3A_123 = vector.broadcast %broadcast_in_dim3A_122 : f32 to vector<16xf32>
      %broadcast_in_dim3A_124 = arith.constant 0.000000e+00 : f32
      %broadcast_in_dim3A_125 = vector.broadcast %broadcast_in_dim3A_124 : f32 to vector<16xf32>
      %broadcast_in_dim3A_126 = arith.constant 0.000000e+00 : f32
      %broadcast_in_dim3A_127 = vector.broadcast %broadcast_in_dim3A_126 : f32 to vector<16xf32>
      %broadcast_in_dim3A_128 = arith.constant 0.000000e+00 : f32
      %broadcast_in_dim3A_129 = vector.broadcast %broadcast_in_dim3A_128 : f32 to vector<16xf32>
      %broadcast_in_dim3A_130 = arith.constant 0.000000e+00 : f32
      %broadcast_in_dim3A_131 = vector.broadcast %broadcast_in_dim3A_130 : f32 to vector<16xf32>
      %broadcast_in_dim3A_132 = arith.constant 0.000000e+00 : f32
      %broadcast_in_dim3A_133 = vector.broadcast %broadcast_in_dim3A_132 : f32 to vector<16xf32>
      %scan3A_134 = arith.constant 0 : i32
      %scan3A_135 = arith.constant 64 : i32
      %scan3A_136 = arith.addi %scan3A_134, %scan3A_135 : i32
      %scan3A_137 = arith.constant 2 : i32
      %scan3A_138:8 = scf.for %scan3A_262 = %scan3A_134 to %scan3A_136 step %scan3A_137 iter_args(%scan3A_263 = %broadcast_in_dim3A_119, %scan3A_264 = %broadcast_in_dim3A_121, %scan3A_265 = %broadcast_in_dim3A_123, %scan3A_266 = %broadcast_in_dim3A_125, %scan3A_267 = %broadcast_in_dim3A_127, %scan3A_268 = %broadcast_in_dim3A_129, %scan3A_269 = %broadcast_in_dim3A_131, %scan3A_270 = %broadcast_in_dim3A_133) -> (vector<16xf32>, vector<16xf32>, vector<16xf32>, vector<16xf32>, vector<16xf32>, vector<16xf32>, vector<16xf32>, vector<16xf32>)  : i32 {
        %broadcast_in_dim3A_271 = vector.broadcast %scan3A_262 : i32 to vector<16xi32>
        %gather3A = tpu.vector_load_idx %arg20[%broadcast_in_dim3A_271] : memref<64xf32, #tpu.memory_space<vmem>>[vector<16xi32>], vector<16xf32>,
        %gather3A_272 = tpu.vector_load_idx %arg15[%add3A_11, %broadcast_in_dim3A_271] : memref<128x64xf32, #tpu.memory_space<vmem>>[vector<16xi32>, vector<16xi32>], vector<16xf32>,
        %gather3A_273 = tpu.vector_load_idx %arg16[%add3A_11, %broadcast_in_dim3A_271] : memref<128x64xf32, #tpu.memory_space<vmem>>[vector<16xi32>, vector<16xi32>], vector<16xf32>,
        %add3A_274 = arith.addf %gather3A_272, %gather3A_273 : vector<16xf32>
        %gt3A = arith.constant 0.000000e+00 : f32
        %gt3A_275 = vector.broadcast %gt3A : f32 to vector<16xf32>
        %gt3A_276 = arith.cmpf ogt, %add3A_274, %gt3A_275 : vector<16xf32>
        %mul3A_277 = arith.constant 2.000000e-01 : f32
        %mul3A_278 = vector.broadcast %mul3A_277 : f32 to vector<16xf32>
        %mul3A_279 = arith.mulf %mul3A_278, %add3A_274 : vector<16xf32>
        %select_n3A = arith.select %gt3A_276, %add3A_274, %mul3A_279 : vector<16xi1>, vector<16xf32>
        %mul3A_280 = arith.mulf %select_n3A, %gather3A : vector<16xf32>
        %add3A_281 = arith.addf %scan3A_263, %mul3A_280 : vector<16xf32>
        %gather3A_282 = tpu.vector_load_idx %arg15[%add3A_15, %broadcast_in_dim3A_271] : memref<128x64xf32, #tpu.memory_space<vmem>>[vector<16xi32>, vector<16xi32>], vector<16xf32>,
        %gather3A_283 = tpu.vector_load_idx %arg16[%add3A_15, %broadcast_in_dim3A_271] : memref<128x64xf32, #tpu.memory_space<vmem>>[vector<16xi32>, vector<16xi32>], vector<16xf32>,
        %add3A_284 = arith.addf %gather3A_282, %gather3A_283 : vector<16xf32>
        %gt3A_285 = arith.constant 0.000000e+00 : f32
        %gt3A_286 = vector.broadcast %gt3A_285 : f32 to vector<16xf32>
        %gt3A_287 = arith.cmpf ogt, %add3A_284, %gt3A_286 : vector<16xf32>
        %mul3A_288 = arith.constant 2.000000e-01 : f32
        %mul3A_289 = vector.broadcast %mul3A_288 : f32 to vector<16xf32>
        %mul3A_290 = arith.mulf %mul3A_289, %add3A_284 : vector<16xf32>
        %select_n3A_291 = arith.select %gt3A_287, %add3A_284, %mul3A_290 : vector<16xi1>, vector<16xf32>
        %mul3A_292 = arith.mulf %select_n3A_291, %gather3A : vector<16xf32>
        %add3A_293 = arith.addf %scan3A_264, %mul3A_292 : vector<16xf32>
        %gather3A_294 = tpu.vector_load_idx %arg15[%add3A_19, %broadcast_in_dim3A_271] : memref<128x64xf32, #tpu.memory_space<vmem>>[vector<16xi32>, vector<16xi32>], vector<16xf32>,
        %gather3A_295 = tpu.vector_load_idx %arg16[%add3A_19, %broadcast_in_dim3A_271] : memref<128x64xf32, #tpu.memory_space<vmem>>[vector<16xi32>, vector<16xi32>], vector<16xf32>,
        %add3A_296 = arith.addf %gather3A_294, %gather3A_295 : vector<16xf32>
        %gt3A_297 = arith.constant 0.000000e+00 : f32
        %gt3A_298 = vector.broadcast %gt3A_297 : f32 to vector<16xf32>
        %gt3A_299 = arith.cmpf ogt, %add3A_296, %gt3A_298 : vector<16xf32>
        %mul3A_300 = arith.constant 2.000000e-01 : f32
        %mul3A_301 = vector.broadcast %mul3A_300 : f32 to vector<16xf32>
        %mul3A_302 = arith.mulf %mul3A_301, %add3A_296 : vector<16xf32>
        %select_n3A_303 = arith.select %gt3A_299, %add3A_296, %mul3A_302 : vector<16xi1>, vector<16xf32>
        %mul3A_304 = arith.mulf %select_n3A_303, %gather3A : vector<16xf32>
        %add3A_305 = arith.addf %scan3A_265, %mul3A_304 : vector<16xf32>
        %gather3A_306 = tpu.vector_load_idx %arg15[%add3A_23, %broadcast_in_dim3A_271] : memref<128x64xf32, #tpu.memory_space<vmem>>[vector<16xi32>, vector<16xi32>], vector<16xf32>,
        %gather3A_307 = tpu.vector_load_idx %arg16[%add3A_23, %broadcast_in_dim3A_271] : memref<128x64xf32, #tpu.memory_space<vmem>>[vector<16xi32>, vector<16xi32>], vector<16xf32>,
        %add3A_308 = arith.addf %gather3A_306, %gather3A_307 : vector<16xf32>
        %gt3A_309 = arith.constant 0.000000e+00 : f32
        %gt3A_310 = vector.broadcast %gt3A_309 : f32 to vector<16xf32>
        %gt3A_311 = arith.cmpf ogt, %add3A_308, %gt3A_310 : vector<16xf32>
        %mul3A_312 = arith.constant 2.000000e-01 : f32
        %mul3A_313 = vector.broadcast %mul3A_312 : f32 to vector<16xf32>
        %mul3A_314 = arith.mulf %mul3A_313, %add3A_308 : vector<16xf32>
        %select_n3A_315 = arith.select %gt3A_311, %add3A_308, %mul3A_314 : vector<16xi1>, vector<16xf32>
        %mul3A_316 = arith.mulf %select_n3A_315, %gather3A : vector<16xf32>
        %add3A_317 = arith.addf %scan3A_266, %mul3A_316 : vector<16xf32>
        %gather3A_318 = tpu.vector_load_idx %arg15[%add3A_27, %broadcast_in_dim3A_271] : memref<128x64xf32, #tpu.memory_space<vmem>>[vector<16xi32>, vector<16xi32>], vector<16xf32>,
        %gather3A_319 = tpu.vector_load_idx %arg16[%add3A_27, %broadcast_in_dim3A_271] : memref<128x64xf32, #tpu.memory_space<vmem>>[vector<16xi32>, vector<16xi32>], vector<16xf32>,
        %add3A_320 = arith.addf %gather3A_318, %gather3A_319 : vector<16xf32>
        %gt3A_321 = arith.constant 0.000000e+00 : f32
        %gt3A_322 = vector.broadcast %gt3A_321 : f32 to vector<16xf32>
        %gt3A_323 = arith.cmpf ogt, %add3A_320, %gt3A_322 : vector<16xf32>
        %mul3A_324 = arith.constant 2.000000e-01 : f32
        %mul3A_325 = vector.broadcast %mul3A_324 : f32 to vector<16xf32>
        %mul3A_326 = arith.mulf %mul3A_325, %add3A_320 : vector<16xf32>
        %select_n3A_327 = arith.select %gt3A_323, %add3A_320, %mul3A_326 : vector<16xi1>, vector<16xf32>
        %mul3A_328 = arith.mulf %select_n3A_327, %gather3A : vector<16xf32>
        %add3A_329 = arith.addf %scan3A_267, %mul3A_328 : vector<16xf32>
        %gather3A_330 = tpu.vector_load_idx %arg15[%add3A_31, %broadcast_in_dim3A_271] : memref<128x64xf32, #tpu.memory_space<vmem>>[vector<16xi32>, vector<16xi32>], vector<16xf32>,
        %gather3A_331 = tpu.vector_load_idx %arg16[%add3A_31, %broadcast_in_dim3A_271] : memref<128x64xf32, #tpu.memory_space<vmem>>[vector<16xi32>, vector<16xi32>], vector<16xf32>,
        %add3A_332 = arith.addf %gather3A_330, %gather3A_331 : vector<16xf32>
        %gt3A_333 = arith.constant 0.000000e+00 : f32
        %gt3A_334 = vector.broadcast %gt3A_333 : f32 to vector<16xf32>
        %gt3A_335 = arith.cmpf ogt, %add3A_332, %gt3A_334 : vector<16xf32>
        %mul3A_336 = arith.constant 2.000000e-01 : f32
        %mul3A_337 = vector.broadcast %mul3A_336 : f32 to vector<16xf32>
        %mul3A_338 = arith.mulf %mul3A_337, %add3A_332 : vector<16xf32>
        %select_n3A_339 = arith.select %gt3A_335, %add3A_332, %mul3A_338 : vector<16xi1>, vector<16xf32>
        %mul3A_340 = arith.mulf %select_n3A_339, %gather3A : vector<16xf32>
        %add3A_341 = arith.addf %scan3A_268, %mul3A_340 : vector<16xf32>
        %gather3A_342 = tpu.vector_load_idx %arg15[%add3A_35, %broadcast_in_dim3A_271] : memref<128x64xf32, #tpu.memory_space<vmem>>[vector<16xi32>, vector<16xi32>], vector<16xf32>,
        %gather3A_343 = tpu.vector_load_idx %arg16[%add3A_35, %broadcast_in_dim3A_271] : memref<128x64xf32, #tpu.memory_space<vmem>>[vector<16xi32>, vector<16xi32>], vector<16xf32>,
        %add3A_344 = arith.addf %gather3A_342, %gather3A_343 : vector<16xf32>
        %gt3A_345 = arith.constant 0.000000e+00 : f32
        %gt3A_346 = vector.broadcast %gt3A_345 : f32 to vector<16xf32>
        %gt3A_347 = arith.cmpf ogt, %add3A_344, %gt3A_346 : vector<16xf32>
        %mul3A_348 = arith.constant 2.000000e-01 : f32
        %mul3A_349 = vector.broadcast %mul3A_348 : f32 to vector<16xf32>
        %mul3A_350 = arith.mulf %mul3A_349, %add3A_344 : vector<16xf32>
        %select_n3A_351 = arith.select %gt3A_347, %add3A_344, %mul3A_350 : vector<16xi1>, vector<16xf32>
        %mul3A_352 = arith.mulf %select_n3A_351, %gather3A : vector<16xf32>
        %add3A_353 = arith.addf %scan3A_269, %mul3A_352 : vector<16xf32>
        %gather3A_354 = tpu.vector_load_idx %arg15[%add3A_39, %broadcast_in_dim3A_271] : memref<128x64xf32, #tpu.memory_space<vmem>>[vector<16xi32>, vector<16xi32>], vector<16xf32>,
        %gather3A_355 = tpu.vector_load_idx %arg16[%add3A_39, %broadcast_in_dim3A_271] : memref<128x64xf32, #tpu.memory_space<vmem>>[vector<16xi32>, vector<16xi32>], vector<16xf32>,
        %add3A_356 = arith.addf %gather3A_354, %gather3A_355 : vector<16xf32>
        %gt3A_357 = arith.constant 0.000000e+00 : f32
        %gt3A_358 = vector.broadcast %gt3A_357 : f32 to vector<16xf32>
        %gt3A_359 = arith.cmpf ogt, %add3A_356, %gt3A_358 : vector<16xf32>
        %mul3A_360 = arith.constant 2.000000e-01 : f32
        %mul3A_361 = vector.broadcast %mul3A_360 : f32 to vector<16xf32>
        %mul3A_362 = arith.mulf %mul3A_361, %add3A_356 : vector<16xf32>
        %select_n3A_363 = arith.select %gt3A_359, %add3A_356, %mul3A_362 : vector<16xi1>, vector<16xf32>
        %mul3A_364 = arith.mulf %select_n3A_363, %gather3A : vector<16xf32>
        %add3A_365 = arith.addf %scan3A_270, %mul3A_364 : vector<16xf32>
        %scan3A_366 = arith.constant 1 : i32
        %scan3A_367 = arith.addi %scan3A_262, %scan3A_366 : i32
        %broadcast_in_dim3A_368 = vector.broadcast %scan3A_367 : i32 to vector<16xi32>
        %gather3A_369 = tpu.vector_load_idx %arg20[%broadcast_in_dim3A_368] : memref<64xf32, #tpu.memory_space<vmem>>[vector<16xi32>], vector<16xf32>,
        %gather3A_370 = tpu.vector_load_idx %arg15[%add3A_11, %broadcast_in_dim3A_368] : memref<128x64xf32, #tpu.memory_space<vmem>>[vector<16xi32>, vector<16xi32>], vector<16xf32>,
        %gather3A_371 = tpu.vector_load_idx %arg16[%add3A_11, %broadcast_in_dim3A_368] : memref<128x64xf32, #tpu.memory_space<vmem>>[vector<16xi32>, vector<16xi32>], vector<16xf32>,
        %add3A_372 = arith.addf %gather3A_370, %gather3A_371 : vector<16xf32>
        %gt3A_373 = arith.constant 0.000000e+00 : f32
        %gt3A_374 = vector.broadcast %gt3A_373 : f32 to vector<16xf32>
        %gt3A_375 = arith.cmpf ogt, %add3A_372, %gt3A_374 : vector<16xf32>
        %mul3A_376 = arith.constant 2.000000e-01 : f32
        %mul3A_377 = vector.broadcast %mul3A_376 : f32 to vector<16xf32>
        %mul3A_378 = arith.mulf %mul3A_377, %add3A_372 : vector<16xf32>
        %select_n3A_379 = arith.select %gt3A_375, %add3A_372, %mul3A_378 : vector<16xi1>, vector<16xf32>
        %mul3A_380 = arith.mulf %select_n3A_379, %gather3A_369 : vector<16xf32>
        %add3A_381 = arith.addf %add3A_281, %mul3A_380 : vector<16xf32>
        %gather3A_382 = tpu.vector_load_idx %arg15[%add3A_15, %broadcast_in_dim3A_368] : memref<128x64xf32, #tpu.memory_space<vmem>>[vector<16xi32>, vector<16xi32>], vector<16xf32>,
        %gather3A_383 = tpu.vector_load_idx %arg16[%add3A_15, %broadcast_in_dim3A_368] : memref<128x64xf32, #tpu.memory_space<vmem>>[vector<16xi32>, vector<16xi32>], vector<16xf32>,
        %add3A_384 = arith.addf %gather3A_382, %gather3A_383 : vector<16xf32>
        %gt3A_385 = arith.constant 0.000000e+00 : f32
        %gt3A_386 = vector.broadcast %gt3A_385 : f32 to vector<16xf32>
        %gt3A_387 = arith.cmpf ogt, %add3A_384, %gt3A_386 : vector<16xf32>
        %mul3A_388 = arith.constant 2.000000e-01 : f32
        %mul3A_389 = vector.broadcast %mul3A_388 : f32 to vector<16xf32>
        %mul3A_390 = arith.mulf %mul3A_389, %add3A_384 : vector<16xf32>
        %select_n3A_391 = arith.select %gt3A_387, %add3A_384, %mul3A_390 : vector<16xi1>, vector<16xf32>
        %mul3A_392 = arith.mulf %select_n3A_391, %gather3A_369 : vector<16xf32>
        %add3A_393 = arith.addf %add3A_293, %mul3A_392 : vector<16xf32>
        %gather3A_394 = tpu.vector_load_idx %arg15[%add3A_19, %broadcast_in_dim3A_368] : memref<128x64xf32, #tpu.memory_space<vmem>>[vector<16xi32>, vector<16xi32>], vector<16xf32>,
        %gather3A_395 = tpu.vector_load_idx %arg16[%add3A_19, %broadcast_in_dim3A_368] : memref<128x64xf32, #tpu.memory_space<vmem>>[vector<16xi32>, vector<16xi32>], vector<16xf32>,
        %add3A_396 = arith.addf %gather3A_394, %gather3A_395 : vector<16xf32>
        %gt3A_397 = arith.constant 0.000000e+00 : f32
        %gt3A_398 = vector.broadcast %gt3A_397 : f32 to vector<16xf32>
        %gt3A_399 = arith.cmpf ogt, %add3A_396, %gt3A_398 : vector<16xf32>
        %mul3A_400 = arith.constant 2.000000e-01 : f32
        %mul3A_401 = vector.broadcast %mul3A_400 : f32 to vector<16xf32>
        %mul3A_402 = arith.mulf %mul3A_401, %add3A_396 : vector<16xf32>
        %select_n3A_403 = arith.select %gt3A_399, %add3A_396, %mul3A_402 : vector<16xi1>, vector<16xf32>
        %mul3A_404 = arith.mulf %select_n3A_403, %gather3A_369 : vector<16xf32>
        %add3A_405 = arith.addf %add3A_305, %mul3A_404 : vector<16xf32>
        %gather3A_406 = tpu.vector_load_idx %arg15[%add3A_23, %broadcast_in_dim3A_368] : memref<128x64xf32, #tpu.memory_space<vmem>>[vector<16xi32>, vector<16xi32>], vector<16xf32>,
        %gather3A_407 = tpu.vector_load_idx %arg16[%add3A_23, %broadcast_in_dim3A_368] : memref<128x64xf32, #tpu.memory_space<vmem>>[vector<16xi32>, vector<16xi32>], vector<16xf32>,
        %add3A_408 = arith.addf %gather3A_406, %gather3A_407 : vector<16xf32>
        %gt3A_409 = arith.constant 0.000000e+00 : f32
        %gt3A_410 = vector.broadcast %gt3A_409 : f32 to vector<16xf32>
        %gt3A_411 = arith.cmpf ogt, %add3A_408, %gt3A_410 : vector<16xf32>
        %mul3A_412 = arith.constant 2.000000e-01 : f32
        %mul3A_413 = vector.broadcast %mul3A_412 : f32 to vector<16xf32>
        %mul3A_414 = arith.mulf %mul3A_413, %add3A_408 : vector<16xf32>
        %select_n3A_415 = arith.select %gt3A_411, %add3A_408, %mul3A_414 : vector<16xi1>, vector<16xf32>
        %mul3A_416 = arith.mulf %select_n3A_415, %gather3A_369 : vector<16xf32>
        %add3A_417 = arith.addf %add3A_317, %mul3A_416 : vector<16xf32>
        %gather3A_418 = tpu.vector_load_idx %arg15[%add3A_27, %broadcast_in_dim3A_368] : memref<128x64xf32, #tpu.memory_space<vmem>>[vector<16xi32>, vector<16xi32>], vector<16xf32>,
        %gather3A_419 = tpu.vector_load_idx %arg16[%add3A_27, %broadcast_in_dim3A_368] : memref<128x64xf32, #tpu.memory_space<vmem>>[vector<16xi32>, vector<16xi32>], vector<16xf32>,
        %add3A_420 = arith.addf %gather3A_418, %gather3A_419 : vector<16xf32>
        %gt3A_421 = arith.constant 0.000000e+00 : f32
        %gt3A_422 = vector.broadcast %gt3A_421 : f32 to vector<16xf32>
        %gt3A_423 = arith.cmpf ogt, %add3A_420, %gt3A_422 : vector<16xf32>
        %mul3A_424 = arith.constant 2.000000e-01 : f32
        %mul3A_425 = vector.broadcast %mul3A_424 : f32 to vector<16xf32>
        %mul3A_426 = arith.mulf %mul3A_425, %add3A_420 : vector<16xf32>
        %select_n3A_427 = arith.select %gt3A_423, %add3A_420, %mul3A_426 : vector<16xi1>, vector<16xf32>
        %mul3A_428 = arith.mulf %select_n3A_427, %gather3A_369 : vector<16xf32>
        %add3A_429 = arith.addf %add3A_329, %mul3A_428 : vector<16xf32>
        %gather3A_430 = tpu.vector_load_idx %arg15[%add3A_31, %broadcast_in_dim3A_368] : memref<128x64xf32, #tpu.memory_space<vmem>>[vector<16xi32>, vector<16xi32>], vector<16xf32>,
        %gather3A_431 = tpu.vector_load_idx %arg16[%add3A_31, %broadcast_in_dim3A_368] : memref<128x64xf32, #tpu.memory_space<vmem>>[vector<16xi32>, vector<16xi32>], vector<16xf32>,
        %add3A_432 = arith.addf %gather3A_430, %gather3A_431 : vector<16xf32>
        %gt3A_433 = arith.constant 0.000000e+00 : f32
        %gt3A_434 = vector.broadcast %gt3A_433 : f32 to vector<16xf32>
        %gt3A_435 = arith.cmpf ogt, %add3A_432, %gt3A_434 : vector<16xf32>
        %mul3A_436 = arith.constant 2.000000e-01 : f32
        %mul3A_437 = vector.broadcast %mul3A_436 : f32 to vector<16xf32>
        %mul3A_438 = arith.mulf %mul3A_437, %add3A_432 : vector<16xf32>
        %select_n3A_439 = arith.select %gt3A_435, %add3A_432, %mul3A_438 : vector<16xi1>, vector<16xf32>
        %mul3A_440 = arith.mulf %select_n3A_439, %gather3A_369 : vector<16xf32>
        %add3A_441 = arith.addf %add3A_341, %mul3A_440 : vector<16xf32>
        %gather3A_442 = tpu.vector_load_idx %arg15[%add3A_35, %broadcast_in_dim3A_368] : memref<128x64xf32, #tpu.memory_space<vmem>>[vector<16xi32>, vector<16xi32>], vector<16xf32>,
        %gather3A_443 = tpu.vector_load_idx %arg16[%add3A_35, %broadcast_in_dim3A_368] : memref<128x64xf32, #tpu.memory_space<vmem>>[vector<16xi32>, vector<16xi32>], vector<16xf32>,
        %add3A_444 = arith.addf %gather3A_442, %gather3A_443 : vector<16xf32>
        %gt3A_445 = arith.constant 0.000000e+00 : f32
        %gt3A_446 = vector.broadcast %gt3A_445 : f32 to vector<16xf32>
        %gt3A_447 = arith.cmpf ogt, %add3A_444, %gt3A_446 : vector<16xf32>
        %mul3A_448 = arith.constant 2.000000e-01 : f32
        %mul3A_449 = vector.broadcast %mul3A_448 : f32 to vector<16xf32>
        %mul3A_450 = arith.mulf %mul3A_449, %add3A_444 : vector<16xf32>
        %select_n3A_451 = arith.select %gt3A_447, %add3A_444, %mul3A_450 : vector<16xi1>, vector<16xf32>
        %mul3A_452 = arith.mulf %select_n3A_451, %gather3A_369 : vector<16xf32>
        %add3A_453 = arith.addf %add3A_353, %mul3A_452 : vector<16xf32>
        %gather3A_454 = tpu.vector_load_idx %arg15[%add3A_39, %broadcast_in_dim3A_368] : memref<128x64xf32, #tpu.memory_space<vmem>>[vector<16xi32>, vector<16xi32>], vector<16xf32>,
        %gather3A_455 = tpu.vector_load_idx %arg16[%add3A_39, %broadcast_in_dim3A_368] : memref<128x64xf32, #tpu.memory_space<vmem>>[vector<16xi32>, vector<16xi32>], vector<16xf32>,
        %add3A_456 = arith.addf %gather3A_454, %gather3A_455 : vector<16xf32>
        %gt3A_457 = arith.constant 0.000000e+00 : f32
        %gt3A_458 = vector.broadcast %gt3A_457 : f32 to vector<16xf32>
        %gt3A_459 = arith.cmpf ogt, %add3A_456, %gt3A_458 : vector<16xf32>
        %mul3A_460 = arith.constant 2.000000e-01 : f32
        %mul3A_461 = vector.broadcast %mul3A_460 : f32 to vector<16xf32>
        %mul3A_462 = arith.mulf %mul3A_461, %add3A_456 : vector<16xf32>
        %select_n3A_463 = arith.select %gt3A_459, %add3A_456, %mul3A_462 : vector<16xi1>, vector<16xf32>
        %mul3A_464 = arith.mulf %select_n3A_463, %gather3A_369 : vector<16xf32>
        %add3A_465 = arith.addf %add3A_365, %mul3A_464 : vector<16xf32>
        scf.yield %add3A_381, %add3A_393, %add3A_405, %add3A_417, %add3A_429, %add3A_441, %add3A_453, %add3A_465 : vector<16xf32>, vector<16xf32>, vector<16xf32>, vector<16xf32>, vector<16xf32>, vector<16xf32>, vector<16xf32>, vector<16xf32>
      }
      %scan3A_139 = arith.constant 64 : i32
      %exp3A = math.exp %scan3A_138#0 : vector<16xf32>
      %exp3A_140 = math.exp %scan3A_138#1 : vector<16xf32>
      %exp3A_141 = math.exp %scan3A_138#2 : vector<16xf32>
      %exp3A_142 = math.exp %scan3A_138#3 : vector<16xf32>
      %exp3A_143 = math.exp %scan3A_138#4 : vector<16xf32>
      %exp3A_144 = math.exp %scan3A_138#5 : vector<16xf32>
      %exp3A_145 = math.exp %scan3A_138#6 : vector<16xf32>
      %exp3A_146 = math.exp %scan3A_138#7 : vector<16xf32>
      %swap3A = arith.constant 0 : index
      %swap3A_147 = tpu.vector_load %arg19[%swap3A] {strides = array<i32>} : memref<128xf32, #tpu.memory_space<vmem>>, vector<16xf32>,
      tpu.vector_store %arg19[%swap3A], %exp3A {strides = array<i32>} : memref<128xf32, #tpu.memory_space<vmem>>, vector<16xf32>,
      %swap3A_148 = arith.constant 16 : index
      %swap3A_149 = tpu.vector_load %arg19[%swap3A_148] {strides = array<i32>} : memref<128xf32, #tpu.memory_space<vmem>>, vector<16xf32>,
      tpu.vector_store %arg19[%swap3A_148], %exp3A_140 {strides = array<i32>} : memref<128xf32, #tpu.memory_space<vmem>>, vector<16xf32>,
      %swap3A_150 = arith.constant 32 : index
      %swap3A_151 = tpu.vector_load %arg19[%swap3A_150] {strides = array<i32>} : memref<128xf32, #tpu.memory_space<vmem>>, vector<16xf32>,
      tpu.vector_store %arg19[%swap3A_150], %exp3A_141 {strides = array<i32>} : memref<128xf32, #tpu.memory_space<vmem>>, vector<16xf32>,
      %swap3A_152 = arith.constant 48 : index
      %swap3A_153 = tpu.vector_load %arg19[%swap3A_152] {strides = array<i32>} : memref<128xf32, #tpu.memory_space<vmem>>, vector<16xf32>,
      tpu.vector_store %arg19[%swap3A_152], %exp3A_142 {strides = array<i32>} : memref<128xf32, #tpu.memory_space<vmem>>, vector<16xf32>,
      %swap3A_154 = arith.constant 64 : index
      %swap3A_155 = tpu.vector_load %arg19[%swap3A_154] {strides = array<i32>} : memref<128xf32, #tpu.memory_space<vmem>>, vector<16xf32>,
      tpu.vector_store %arg19[%swap3A_154], %exp3A_143 {strides = array<i32>} : memref<128xf32, #tpu.memory_space<vmem>>, vector<16xf32>,
      %swap3A_156 = arith.constant 80 : index
      %swap3A_157 = tpu.vector_load %arg19[%swap3A_156] {strides = array<i32>} : memref<128xf32, #tpu.memory_space<vmem>>, vector<16xf32>,
      tpu.vector_store %arg19[%swap3A_156], %exp3A_144 {strides = array<i32>} : memref<128xf32, #tpu.memory_space<vmem>>, vector<16xf32>,
      %swap3A_158 = arith.constant 96 : index
      %swap3A_159 = tpu.vector_load %arg19[%swap3A_158] {strides = array<i32>} : memref<128xf32, #tpu.memory_space<vmem>>, vector<16xf32>,
      tpu.vector_store %arg19[%swap3A_158], %exp3A_145 {strides = array<i32>} : memref<128xf32, #tpu.memory_space<vmem>>, vector<16xf32>,
      %swap3A_160 = arith.constant 112 : index
      %swap3A_161 = tpu.vector_load %arg19[%swap3A_160] {strides = array<i32>} : memref<128xf32, #tpu.memory_space<vmem>>, vector<16xf32>,
      tpu.vector_store %arg19[%swap3A_160], %exp3A_146 {strides = array<i32>} : memref<128xf32, #tpu.memory_space<vmem>>, vector<16xf32>,
      %scan3A_162 = arith.constant 0 : i32
      %scan3A_163 = arith.constant 0 : i32
      %scan3A_164 = arith.constant 64 : i32
      %scan3A_165 = arith.addi %scan3A_163, %scan3A_164 : i32
      %scan3A_166 = arith.constant 2 : i32
      scf.for %scan3A_262 = %scan3A_163 to %scan3A_165 step %scan3A_166  : i32 {
        %broadcast_in_dim3A_263 = vector.broadcast %scan3A_262 : i32 to vector<16xi32>
        %gather3A = tpu.vector_load_idx %arg15[%add3A_11, %broadcast_in_dim3A_263] : memref<128x64xf32, #tpu.memory_space<vmem>>[vector<16xi32>, vector<16xi32>], vector<16xf32>,
        %mul3A_264 = arith.mulf %gather3A, %exp3A : vector<16xf32>
        tpu.vector_store_idx %arg15[%add3A_11, %broadcast_in_dim3A_263], %mul3A_264 : memref<128x64xf32, #tpu.memory_space<vmem>>[vector<16xi32>, vector<16xi32>], vector<16xf32>,
        %gather3A_265 = tpu.vector_load_idx %arg15[%add3A_15, %broadcast_in_dim3A_263] : memref<128x64xf32, #tpu.memory_space<vmem>>[vector<16xi32>, vector<16xi32>], vector<16xf32>,
        %mul3A_266 = arith.mulf %gather3A_265, %exp3A_140 : vector<16xf32>
        tpu.vector_store_idx %arg15[%add3A_15, %broadcast_in_dim3A_263], %mul3A_266 : memref<128x64xf32, #tpu.memory_space<vmem>>[vector<16xi32>, vector<16xi32>], vector<16xf32>,
        %gather3A_267 = tpu.vector_load_idx %arg15[%add3A_19, %broadcast_in_dim3A_263] : memref<128x64xf32, #tpu.memory_space<vmem>>[vector<16xi32>, vector<16xi32>], vector<16xf32>,
        %mul3A_268 = arith.mulf %gather3A_267, %exp3A_141 : vector<16xf32>
        tpu.vector_store_idx %arg15[%add3A_19, %broadcast_in_dim3A_263], %mul3A_268 : memref<128x64xf32, #tpu.memory_space<vmem>>[vector<16xi32>, vector<16xi32>], vector<16xf32>,
        %gather3A_269 = tpu.vector_load_idx %arg15[%add3A_23, %broadcast_in_dim3A_263] : memref<128x64xf32, #tpu.memory_space<vmem>>[vector<16xi32>, vector<16xi32>], vector<16xf32>,
        %mul3A_270 = arith.mulf %gather3A_269, %exp3A_142 : vector<16xf32>
        tpu.vector_store_idx %arg15[%add3A_23, %broadcast_in_dim3A_263], %mul3A_270 : memref<128x64xf32, #tpu.memory_space<vmem>>[vector<16xi32>, vector<16xi32>], vector<16xf32>,
        %gather3A_271 = tpu.vector_load_idx %arg15[%add3A_27, %broadcast_in_dim3A_263] : memref<128x64xf32, #tpu.memory_space<vmem>>[vector<16xi32>, vector<16xi32>], vector<16xf32>,
        %mul3A_272 = arith.mulf %gather3A_271, %exp3A_143 : vector<16xf32>
        tpu.vector_store_idx %arg15[%add3A_27, %broadcast_in_dim3A_263], %mul3A_272 : memref<128x64xf32, #tpu.memory_space<vmem>>[vector<16xi32>, vector<16xi32>], vector<16xf32>,
        %gather3A_273 = tpu.vector_load_idx %arg15[%add3A_31, %broadcast_in_dim3A_263] : memref<128x64xf32, #tpu.memory_space<vmem>>[vector<16xi32>, vector<16xi32>], vector<16xf32>,
        %mul3A_274 = arith.mulf %gather3A_273, %exp3A_144 : vector<16xf32>
        tpu.vector_store_idx %arg15[%add3A_31, %broadcast_in_dim3A_263], %mul3A_274 : memref<128x64xf32, #tpu.memory_space<vmem>>[vector<16xi32>, vector<16xi32>], vector<16xf32>,
        %gather3A_275 = tpu.vector_load_idx %arg15[%add3A_35, %broadcast_in_dim3A_263] : memref<128x64xf32, #tpu.memory_space<vmem>>[vector<16xi32>, vector<16xi32>], vector<16xf32>,
        %mul3A_276 = arith.mulf %gather3A_275, %exp3A_145 : vector<16xf32>
        tpu.vector_store_idx %arg15[%add3A_35, %broadcast_in_dim3A_263], %mul3A_276 : memref<128x64xf32, #tpu.memory_space<vmem>>[vector<16xi32>, vector<16xi32>], vector<16xf32>,
        %gather3A_277 = tpu.vector_load_idx %arg15[%add3A_39, %broadcast_in_dim3A_263] : memref<128x64xf32, #tpu.memory_space<vmem>>[vector<16xi32>, vector<16xi32>], vector<16xf32>,
        %mul3A_278 = arith.mulf %gather3A_277, %exp3A_146 : vector<16xf32>
        tpu.vector_store_idx %arg15[%add3A_39, %broadcast_in_dim3A_263], %mul3A_278 : memref<128x64xf32, #tpu.memory_space<vmem>>[vector<16xi32>, vector<16xi32>], vector<16xf32>,
        %scan3A_279 = arith.constant 1 : i32
        %scan3A_280 = arith.addi %scan3A_262, %scan3A_279 : i32
        %broadcast_in_dim3A_281 = vector.broadcast %scan3A_280 : i32 to vector<16xi32>
        %gather3A_282 = tpu.vector_load_idx %arg15[%add3A_11, %broadcast_in_dim3A_281] : memref<128x64xf32, #tpu.memory_space<vmem>>[vector<16xi32>, vector<16xi32>], vector<16xf32>,
        %mul3A_283 = arith.mulf %gather3A_282, %exp3A : vector<16xf32>
        tpu.vector_store_idx %arg15[%add3A_11, %broadcast_in_dim3A_281], %mul3A_283 : memref<128x64xf32, #tpu.memory_space<vmem>>[vector<16xi32>, vector<16xi32>], vector<16xf32>,
        %gather3A_284 = tpu.vector_load_idx %arg15[%add3A_15, %broadcast_in_dim3A_281] : memref<128x64xf32, #tpu.memory_space<vmem>>[vector<16xi32>, vector<16xi32>], vector<16xf32>,
        %mul3A_285 = arith.mulf %gather3A_284, %exp3A_140 : vector<16xf32>
        tpu.vector_store_idx %arg15[%add3A_15, %broadcast_in_dim3A_281], %mul3A_285 : memref<128x64xf32, #tpu.memory_space<vmem>>[vector<16xi32>, vector<16xi32>], vector<16xf32>,
        %gather3A_286 = tpu.vector_load_idx %arg15[%add3A_19, %broadcast_in_dim3A_281] : memref<128x64xf32, #tpu.memory_space<vmem>>[vector<16xi32>, vector<16xi32>], vector<16xf32>,
        %mul3A_287 = arith.mulf %gather3A_286, %exp3A_141 : vector<16xf32>
        tpu.vector_store_idx %arg15[%add3A_19, %broadcast_in_dim3A_281], %mul3A_287 : memref<128x64xf32, #tpu.memory_space<vmem>>[vector<16xi32>, vector<16xi32>], vector<16xf32>,
        %gather3A_288 = tpu.vector_load_idx %arg15[%add3A_23, %broadcast_in_dim3A_281] : memref<128x64xf32, #tpu.memory_space<vmem>>[vector<16xi32>, vector<16xi32>], vector<16xf32>,
        %mul3A_289 = arith.mulf %gather3A_288, %exp3A_142 : vector<16xf32>
        tpu.vector_store_idx %arg15[%add3A_23, %broadcast_in_dim3A_281], %mul3A_289 : memref<128x64xf32, #tpu.memory_space<vmem>>[vector<16xi32>, vector<16xi32>], vector<16xf32>,
        %gather3A_290 = tpu.vector_load_idx %arg15[%add3A_27, %broadcast_in_dim3A_281] : memref<128x64xf32, #tpu.memory_space<vmem>>[vector<16xi32>, vector<16xi32>], vector<16xf32>,
        %mul3A_291 = arith.mulf %gather3A_290, %exp3A_143 : vector<16xf32>
        tpu.vector_store_idx %arg15[%add3A_27, %broadcast_in_dim3A_281], %mul3A_291 : memref<128x64xf32, #tpu.memory_space<vmem>>[vector<16xi32>, vector<16xi32>], vector<16xf32>,
        %gather3A_292 = tpu.vector_load_idx %arg15[%add3A_31, %broadcast_in_dim3A_281] : memref<128x64xf32, #tpu.memory_space<vmem>>[vector<16xi32>, vector<16xi32>], vector<16xf32>,
        %mul3A_293 = arith.mulf %gather3A_292, %exp3A_144 : vector<16xf32>
        tpu.vector_store_idx %arg15[%add3A_31, %broadcast_in_dim3A_281], %mul3A_293 : memref<128x64xf32, #tpu.memory_space<vmem>>[vector<16xi32>, vector<16xi32>], vector<16xf32>,
        %gather3A_294 = tpu.vector_load_idx %arg15[%add3A_35, %broadcast_in_dim3A_281] : memref<128x64xf32, #tpu.memory_space<vmem>>[vector<16xi32>, vector<16xi32>], vector<16xf32>,
        %mul3A_295 = arith.mulf %gather3A_294, %exp3A_145 : vector<16xf32>
        tpu.vector_store_idx %arg15[%add3A_35, %broadcast_in_dim3A_281], %mul3A_295 : memref<128x64xf32, #tpu.memory_space<vmem>>[vector<16xi32>, vector<16xi32>], vector<16xf32>,
        %gather3A_296 = tpu.vector_load_idx %arg15[%add3A_39, %broadcast_in_dim3A_281] : memref<128x64xf32, #tpu.memory_space<vmem>>[vector<16xi32>, vector<16xi32>], vector<16xf32>,
        %mul3A_297 = arith.mulf %gather3A_296, %exp3A_146 : vector<16xf32>
        tpu.vector_store_idx %arg15[%add3A_39, %broadcast_in_dim3A_281], %mul3A_297 : memref<128x64xf32, #tpu.memory_space<vmem>>[vector<16xi32>, vector<16xi32>], vector<16xf32>,
      }
      %scan3A_167 = arith.constant 64 : i32
      "tpu.region"() ({
        %run_scoped3A = tpu.sem_alloc : memref<!tpu.dma_semaphore, #tpu.memory_space<semaphore_mem>>
        %dma_start3A_262 = arith.constant 0 : i32
        %dma_start3A_263 = tpu.memref_slice %arg22[%dma_start3A_262] : memref<10240xf32, #tpu.memory_space<vmem_shared>> -> memref<10240xf32, #tpu.memory_space<vmem_shared>>
        tpu.enqueue_indirect_dma source(%arg19 : memref<128xf32, #tpu.memory_space<vmem>>) target(%dma_start3A_263 : memref<10240xf32, #tpu.memory_space<vmem_shared>>) offsets(%arg12 : memref<128xi32, #tpu.memory_space<vmem>>) semaphore(%run_scoped3A : memref<!tpu.dma_semaphore, #tpu.memory_space<semaphore_mem>>) {add = true}
        %dma_wait3A_264 = arith.constant 0 : i32
        %dma_wait3A_265 = tpu.memref_slice %arg22[%dma_wait3A_264] : memref<10240xf32, #tpu.memory_space<vmem_shared>> -> memref<10240xf32, #tpu.memory_space<vmem_shared>>
        tpu.wait_indirect_dma semaphore(%run_scoped3A : memref<!tpu.dma_semaphore, #tpu.memory_space<semaphore_mem>>) src(%arg19 : memref<128xf32, #tpu.memory_space<vmem>>) dst(%dma_wait3A_265 : memref<10240xf32, #tpu.memory_space<vmem_shared>>)
        tpu.yield
      }) : () -> ()
      "tpu.region"() ({
        %run_scoped3A = tpu.sem_alloc : memref<!tpu.dma_semaphore, #tpu.memory_space<semaphore_mem>>
        %dma_start3A_262 = arith.constant 0 : i32
        %dma_start3A_263 = arith.constant 0 : i32
        %dma_start3A_264 = tpu.memref_slice %arg21[%dma_start3A_262, %dma_start3A_263] : memref<10240x64xf32, #tpu.memory_space<vmem_shared>> -> memref<10240x64xf32, #tpu.memory_space<vmem_shared>>
        tpu.enqueue_indirect_dma source(%arg15 : memref<128x64xf32, #tpu.memory_space<vmem>>) target(%dma_start3A_264 : memref<10240x64xf32, #tpu.memory_space<vmem_shared>>) offsets(%arg12 : memref<128xi32, #tpu.memory_space<vmem>>) semaphore(%run_scoped3A : memref<!tpu.dma_semaphore, #tpu.memory_space<semaphore_mem>>) {add = true}
        %dma_wait3A_265 = arith.constant 0 : i32
        %dma_wait3A_266 = arith.constant 0 : i32
        %dma_wait3A_267 = tpu.memref_slice %arg21[%dma_wait3A_265, %dma_wait3A_266] : memref<10240x64xf32, #tpu.memory_space<vmem_shared>> -> memref<10240x64xf32, #tpu.memory_space<vmem_shared>>
        tpu.wait_indirect_dma semaphore(%run_scoped3A : memref<!tpu.dma_semaphore, #tpu.memory_space<semaphore_mem>>) src(%arg15 : memref<128x64xf32, #tpu.memory_space<vmem>>) dst(%dma_wait3A_267 : memref<10240x64xf32, #tpu.memory_space<vmem_shared>>)
        tpu.yield
      }) : () -> ()
      %add3A_168 = arith.constant 2 : i32
      %add3A_169 = arith.addi %mul3A_98, %add3A_168 : i32
      %mul3A_170 = arith.constant 10496 : i32
      %mul3A_171 = arith.muli %add3A, %mul3A_170 : i32
      %mul3A_172 = arith.constant 128 : i32
      %mul3A_173 = arith.muli %add3A_169, %mul3A_172 : i32
      %add3A_174 = arith.addi %mul3A_171, %mul3A_173 : i32
      %dma_start3A_175 = tpu.memref_slice %arg4[%add3A_174] : memref<336128xi32, #tpu.memory_space<hbm>> -> memref<128xi32, #tpu.memory_space<hbm>>
      %dma_start3A_176 = tpu.memref_slice %arg4[%add3A_174] : memref<336128xi32, #tpu.memory_space<hbm>> -> memref<128xi32, #tpu.memory_space<hbm>>
      tpu.enqueue_dma source(%dma_start3A_176 : memref<128xi32, #tpu.memory_space<hbm>>) target(%arg11 : memref<128xi32, #tpu.memory_space<vmem>>) target_semaphore(%arg23 : memref<!tpu.dma_semaphore, #tpu.memory_space<semaphore_mem>>)
      %dma_start3A_177 = tpu.memref_slice %arg5[%add3A_174] : memref<336128xi32, #tpu.memory_space<hbm>> -> memref<128xi32, #tpu.memory_space<hbm>>
      %dma_start3A_178 = tpu.memref_slice %arg5[%add3A_174] : memref<336128xi32, #tpu.memory_space<hbm>> -> memref<128xi32, #tpu.memory_space<hbm>>
      tpu.enqueue_dma source(%dma_start3A_178 : memref<128xi32, #tpu.memory_space<hbm>>) target(%arg12 : memref<128xi32, #tpu.memory_space<vmem>>) target_semaphore(%arg23 : memref<!tpu.dma_semaphore, #tpu.memory_space<semaphore_mem>>)
      %dma_wait3A_179 = arith.constant 0 : i32
      %dma_wait3A_180 = tpu.memref_slice %arg4[%dma_wait3A_179] : memref<336128xi32, #tpu.memory_space<hbm>> -> memref<128xi32, #tpu.memory_space<hbm>>
      %dma_wait3A_181 = arith.constant 0 : i32
      %dma_wait3A_182 = tpu.memref_slice %arg4[%dma_wait3A_181] : memref<336128xi32, #tpu.memory_space<hbm>> -> memref<128xi32, #tpu.memory_space<hbm>>
      tpu.wait_dma2 semaphore(%arg23 : memref<!tpu.dma_semaphore, #tpu.memory_space<semaphore_mem>>) src(%dma_wait3A_182 : memref<128xi32, #tpu.memory_space<hbm>>) dst(%arg11 : memref<128xi32, #tpu.memory_space<vmem>>)
      %dma_wait3A_183 = arith.constant 0 : i32
      %dma_wait3A_184 = tpu.memref_slice %arg5[%dma_wait3A_183] : memref<336128xi32, #tpu.memory_space<hbm>> -> memref<128xi32, #tpu.memory_space<hbm>>
      %dma_wait3A_185 = arith.constant 0 : i32
      %dma_wait3A_186 = tpu.memref_slice %arg5[%dma_wait3A_185] : memref<336128xi32, #tpu.memory_space<hbm>> -> memref<128xi32, #tpu.memory_space<hbm>>
      tpu.wait_dma2 semaphore(%arg23 : memref<!tpu.dma_semaphore, #tpu.memory_space<semaphore_mem>>) src(%dma_wait3A_186 : memref<128xi32, #tpu.memory_space<hbm>>) dst(%arg12 : memref<128xi32, #tpu.memory_space<vmem>>)
      %dma_start3A_187 = arith.constant 0 : i32
      %dma_start3A_188 = arith.constant 0 : i32
      %dma_start3A_189 = tpu.memref_slice %arg2[%dma_start3A_187, %dma_start3A_188] : memref<10240x64xf32, #tpu.memory_space<hbm>> -> memref<10240x64xf32, #tpu.memory_space<hbm>>
      tpu.enqueue_indirect_dma source(%dma_start3A_189 : memref<10240x64xf32, #tpu.memory_space<hbm>>) target(%arg15 : memref<128x64xf32, #tpu.memory_space<vmem>>) offsets(%arg11 : memref<128xi32, #tpu.memory_space<vmem>>) semaphore(%arg25 : memref<!tpu.dma_semaphore, #tpu.memory_space<semaphore_mem>>)
      %dma_start3A_190 = arith.constant 0 : i32
      %dma_start3A_191 = arith.constant 0 : i32
      %dma_start3A_192 = tpu.memref_slice %arg3[%dma_start3A_190, %dma_start3A_191] : memref<10240x64xf32, #tpu.memory_space<hbm>> -> memref<10240x64xf32, #tpu.memory_space<hbm>>
      tpu.enqueue_indirect_dma source(%dma_start3A_192 : memref<10240x64xf32, #tpu.memory_space<hbm>>) target(%arg16 : memref<128x64xf32, #tpu.memory_space<vmem>>) offsets(%arg12 : memref<128xi32, #tpu.memory_space<vmem>>) semaphore(%arg26 : memref<!tpu.dma_semaphore, #tpu.memory_space<semaphore_mem>>)
      %dma_wait3A_193 = arith.constant 0 : i32
      %dma_wait3A_194 = arith.constant 0 : i32
      %dma_wait3A_195 = tpu.memref_slice %arg2[%dma_wait3A_193, %dma_wait3A_194] : memref<10240x64xf32, #tpu.memory_space<hbm>> -> memref<10240x64xf32, #tpu.memory_space<hbm>>
      tpu.wait_indirect_dma semaphore(%arg27 : memref<!tpu.dma_semaphore, #tpu.memory_space<semaphore_mem>>) src(%dma_wait3A_195 : memref<10240x64xf32, #tpu.memory_space<hbm>>) dst(%arg17 : memref<128x64xf32, #tpu.memory_space<vmem>>)
      %dma_wait3A_196 = arith.constant 0 : i32
      %dma_wait3A_197 = arith.constant 0 : i32
      %dma_wait3A_198 = tpu.memref_slice %arg3[%dma_wait3A_196, %dma_wait3A_197] : memref<10240x64xf32, #tpu.memory_space<hbm>> -> memref<10240x64xf32, #tpu.memory_space<hbm>>
      tpu.wait_indirect_dma semaphore(%arg28 : memref<!tpu.dma_semaphore, #tpu.memory_space<semaphore_mem>>) src(%dma_wait3A_198 : memref<10240x64xf32, #tpu.memory_space<hbm>>) dst(%arg18 : memref<128x64xf32, #tpu.memory_space<vmem>>)
      %broadcast_in_dim3A_199 = arith.constant 0.000000e+00 : f32
      %broadcast_in_dim3A_200 = vector.broadcast %broadcast_in_dim3A_199 : f32 to vector<16xf32>
      %broadcast_in_dim3A_201 = arith.constant 0.000000e+00 : f32
      %broadcast_in_dim3A_202 = vector.broadcast %broadcast_in_dim3A_201 : f32 to vector<16xf32>
      %broadcast_in_dim3A_203 = arith.constant 0.000000e+00 : f32
      %broadcast_in_dim3A_204 = vector.broadcast %broadcast_in_dim3A_203 : f32 to vector<16xf32>
      %broadcast_in_dim3A_205 = arith.constant 0.000000e+00 : f32
      %broadcast_in_dim3A_206 = vector.broadcast %broadcast_in_dim3A_205 : f32 to vector<16xf32>
      %broadcast_in_dim3A_207 = arith.constant 0.000000e+00 : f32
      %broadcast_in_dim3A_208 = vector.broadcast %broadcast_in_dim3A_207 : f32 to vector<16xf32>
      %broadcast_in_dim3A_209 = arith.constant 0.000000e+00 : f32
      %broadcast_in_dim3A_210 = vector.broadcast %broadcast_in_dim3A_209 : f32 to vector<16xf32>
      %broadcast_in_dim3A_211 = arith.constant 0.000000e+00 : f32
      %broadcast_in_dim3A_212 = vector.broadcast %broadcast_in_dim3A_211 : f32 to vector<16xf32>
      %broadcast_in_dim3A_213 = arith.constant 0.000000e+00 : f32
      %broadcast_in_dim3A_214 = vector.broadcast %broadcast_in_dim3A_213 : f32 to vector<16xf32>
      %scan3A_215 = arith.constant 0 : i32
      %scan3A_216 = arith.constant 64 : i32
      %scan3A_217 = arith.addi %scan3A_215, %scan3A_216 : i32
      %scan3A_218 = arith.constant 2 : i32
      %scan3A_219:8 = scf.for %scan3A_262 = %scan3A_215 to %scan3A_217 step %scan3A_218 iter_args(%scan3A_263 = %broadcast_in_dim3A_200, %scan3A_264 = %broadcast_in_dim3A_202, %scan3A_265 = %broadcast_in_dim3A_204, %scan3A_266 = %broadcast_in_dim3A_206, %scan3A_267 = %broadcast_in_dim3A_208, %scan3A_268 = %broadcast_in_dim3A_210, %scan3A_269 = %broadcast_in_dim3A_212, %scan3A_270 = %broadcast_in_dim3A_214) -> (vector<16xf32>, vector<16xf32>, vector<16xf32>, vector<16xf32>, vector<16xf32>, vector<16xf32>, vector<16xf32>, vector<16xf32>)  : i32 {
        %broadcast_in_dim3A_271 = vector.broadcast %scan3A_262 : i32 to vector<16xi32>
        %gather3A = tpu.vector_load_idx %arg20[%broadcast_in_dim3A_271] : memref<64xf32, #tpu.memory_space<vmem>>[vector<16xi32>], vector<16xf32>,
        %gather3A_272 = tpu.vector_load_idx %arg17[%add3A_11, %broadcast_in_dim3A_271] : memref<128x64xf32, #tpu.memory_space<vmem>>[vector<16xi32>, vector<16xi32>], vector<16xf32>,
        %gather3A_273 = tpu.vector_load_idx %arg18[%add3A_11, %broadcast_in_dim3A_271] : memref<128x64xf32, #tpu.memory_space<vmem>>[vector<16xi32>, vector<16xi32>], vector<16xf32>,
        %add3A_274 = arith.addf %gather3A_272, %gather3A_273 : vector<16xf32>
        %gt3A = arith.constant 0.000000e+00 : f32
        %gt3A_275 = vector.broadcast %gt3A : f32 to vector<16xf32>
        %gt3A_276 = arith.cmpf ogt, %add3A_274, %gt3A_275 : vector<16xf32>
        %mul3A_277 = arith.constant 2.000000e-01 : f32
        %mul3A_278 = vector.broadcast %mul3A_277 : f32 to vector<16xf32>
        %mul3A_279 = arith.mulf %mul3A_278, %add3A_274 : vector<16xf32>
        %select_n3A = arith.select %gt3A_276, %add3A_274, %mul3A_279 : vector<16xi1>, vector<16xf32>
        %mul3A_280 = arith.mulf %select_n3A, %gather3A : vector<16xf32>
        %add3A_281 = arith.addf %scan3A_263, %mul3A_280 : vector<16xf32>
        %gather3A_282 = tpu.vector_load_idx %arg17[%add3A_15, %broadcast_in_dim3A_271] : memref<128x64xf32, #tpu.memory_space<vmem>>[vector<16xi32>, vector<16xi32>], vector<16xf32>,
        %gather3A_283 = tpu.vector_load_idx %arg18[%add3A_15, %broadcast_in_dim3A_271] : memref<128x64xf32, #tpu.memory_space<vmem>>[vector<16xi32>, vector<16xi32>], vector<16xf32>,
        %add3A_284 = arith.addf %gather3A_282, %gather3A_283 : vector<16xf32>
        %gt3A_285 = arith.constant 0.000000e+00 : f32
        %gt3A_286 = vector.broadcast %gt3A_285 : f32 to vector<16xf32>
        %gt3A_287 = arith.cmpf ogt, %add3A_284, %gt3A_286 : vector<16xf32>
        %mul3A_288 = arith.constant 2.000000e-01 : f32
        %mul3A_289 = vector.broadcast %mul3A_288 : f32 to vector<16xf32>
        %mul3A_290 = arith.mulf %mul3A_289, %add3A_284 : vector<16xf32>
        %select_n3A_291 = arith.select %gt3A_287, %add3A_284, %mul3A_290 : vector<16xi1>, vector<16xf32>
        %mul3A_292 = arith.mulf %select_n3A_291, %gather3A : vector<16xf32>
        %add3A_293 = arith.addf %scan3A_264, %mul3A_292 : vector<16xf32>
        %gather3A_294 = tpu.vector_load_idx %arg17[%add3A_19, %broadcast_in_dim3A_271] : memref<128x64xf32, #tpu.memory_space<vmem>>[vector<16xi32>, vector<16xi32>], vector<16xf32>,
        %gather3A_295 = tpu.vector_load_idx %arg18[%add3A_19, %broadcast_in_dim3A_271] : memref<128x64xf32, #tpu.memory_space<vmem>>[vector<16xi32>, vector<16xi32>], vector<16xf32>,
        %add3A_296 = arith.addf %gather3A_294, %gather3A_295 : vector<16xf32>
        %gt3A_297 = arith.constant 0.000000e+00 : f32
        %gt3A_298 = vector.broadcast %gt3A_297 : f32 to vector<16xf32>
        %gt3A_299 = arith.cmpf ogt, %add3A_296, %gt3A_298 : vector<16xf32>
        %mul3A_300 = arith.constant 2.000000e-01 : f32
        %mul3A_301 = vector.broadcast %mul3A_300 : f32 to vector<16xf32>
        %mul3A_302 = arith.mulf %mul3A_301, %add3A_296 : vector<16xf32>
        %select_n3A_303 = arith.select %gt3A_299, %add3A_296, %mul3A_302 : vector<16xi1>, vector<16xf32>
        %mul3A_304 = arith.mulf %select_n3A_303, %gather3A : vector<16xf32>
        %add3A_305 = arith.addf %scan3A_265, %mul3A_304 : vector<16xf32>
        %gather3A_306 = tpu.vector_load_idx %arg17[%add3A_23, %broadcast_in_dim3A_271] : memref<128x64xf32, #tpu.memory_space<vmem>>[vector<16xi32>, vector<16xi32>], vector<16xf32>,
        %gather3A_307 = tpu.vector_load_idx %arg18[%add3A_23, %broadcast_in_dim3A_271] : memref<128x64xf32, #tpu.memory_space<vmem>>[vector<16xi32>, vector<16xi32>], vector<16xf32>,
        %add3A_308 = arith.addf %gather3A_306, %gather3A_307 : vector<16xf32>
        %gt3A_309 = arith.constant 0.000000e+00 : f32
        %gt3A_310 = vector.broadcast %gt3A_309 : f32 to vector<16xf32>
        %gt3A_311 = arith.cmpf ogt, %add3A_308, %gt3A_310 : vector<16xf32>
        %mul3A_312 = arith.constant 2.000000e-01 : f32
        %mul3A_313 = vector.broadcast %mul3A_312 : f32 to vector<16xf32>
        %mul3A_314 = arith.mulf %mul3A_313, %add3A_308 : vector<16xf32>
        %select_n3A_315 = arith.select %gt3A_311, %add3A_308, %mul3A_314 : vector<16xi1>, vector<16xf32>
        %mul3A_316 = arith.mulf %select_n3A_315, %gather3A : vector<16xf32>
        %add3A_317 = arith.addf %scan3A_266, %mul3A_316 : vector<16xf32>
        %gather3A_318 = tpu.vector_load_idx %arg17[%add3A_27, %broadcast_in_dim3A_271] : memref<128x64xf32, #tpu.memory_space<vmem>>[vector<16xi32>, vector<16xi32>], vector<16xf32>,
        %gather3A_319 = tpu.vector_load_idx %arg18[%add3A_27, %broadcast_in_dim3A_271] : memref<128x64xf32, #tpu.memory_space<vmem>>[vector<16xi32>, vector<16xi32>], vector<16xf32>,
        %add3A_320 = arith.addf %gather3A_318, %gather3A_319 : vector<16xf32>
        %gt3A_321 = arith.constant 0.000000e+00 : f32
        %gt3A_322 = vector.broadcast %gt3A_321 : f32 to vector<16xf32>
        %gt3A_323 = arith.cmpf ogt, %add3A_320, %gt3A_322 : vector<16xf32>
        %mul3A_324 = arith.constant 2.000000e-01 : f32
        %mul3A_325 = vector.broadcast %mul3A_324 : f32 to vector<16xf32>
        %mul3A_326 = arith.mulf %mul3A_325, %add3A_320 : vector<16xf32>
        %select_n3A_327 = arith.select %gt3A_323, %add3A_320, %mul3A_326 : vector<16xi1>, vector<16xf32>
        %mul3A_328 = arith.mulf %select_n3A_327, %gather3A : vector<16xf32>
        %add3A_329 = arith.addf %scan3A_267, %mul3A_328 : vector<16xf32>
        %gather3A_330 = tpu.vector_load_idx %arg17[%add3A_31, %broadcast_in_dim3A_271] : memref<128x64xf32, #tpu.memory_space<vmem>>[vector<16xi32>, vector<16xi32>], vector<16xf32>,
        %gather3A_331 = tpu.vector_load_idx %arg18[%add3A_31, %broadcast_in_dim3A_271] : memref<128x64xf32, #tpu.memory_space<vmem>>[vector<16xi32>, vector<16xi32>], vector<16xf32>,
        %add3A_332 = arith.addf %gather3A_330, %gather3A_331 : vector<16xf32>
        %gt3A_333 = arith.constant 0.000000e+00 : f32
        %gt3A_334 = vector.broadcast %gt3A_333 : f32 to vector<16xf32>
        %gt3A_335 = arith.cmpf ogt, %add3A_332, %gt3A_334 : vector<16xf32>
        %mul3A_336 = arith.constant 2.000000e-01 : f32
        %mul3A_337 = vector.broadcast %mul3A_336 : f32 to vector<16xf32>
        %mul3A_338 = arith.mulf %mul3A_337, %add3A_332 : vector<16xf32>
        %select_n3A_339 = arith.select %gt3A_335, %add3A_332, %mul3A_338 : vector<16xi1>, vector<16xf32>
        %mul3A_340 = arith.mulf %select_n3A_339, %gather3A : vector<16xf32>
        %add3A_341 = arith.addf %scan3A_268, %mul3A_340 : vector<16xf32>
        %gather3A_342 = tpu.vector_load_idx %arg17[%add3A_35, %broadcast_in_dim3A_271] : memref<128x64xf32, #tpu.memory_space<vmem>>[vector<16xi32>, vector<16xi32>], vector<16xf32>,
        %gather3A_343 = tpu.vector_load_idx %arg18[%add3A_35, %broadcast_in_dim3A_271] : memref<128x64xf32, #tpu.memory_space<vmem>>[vector<16xi32>, vector<16xi32>], vector<16xf32>,
        %add3A_344 = arith.addf %gather3A_342, %gather3A_343 : vector<16xf32>
        %gt3A_345 = arith.constant 0.000000e+00 : f32
        %gt3A_346 = vector.broadcast %gt3A_345 : f32 to vector<16xf32>
        %gt3A_347 = arith.cmpf ogt, %add3A_344, %gt3A_346 : vector<16xf32>
        %mul3A_348 = arith.constant 2.000000e-01 : f32
        %mul3A_349 = vector.broadcast %mul3A_348 : f32 to vector<16xf32>
        %mul3A_350 = arith.mulf %mul3A_349, %add3A_344 : vector<16xf32>
        %select_n3A_351 = arith.select %gt3A_347, %add3A_344, %mul3A_350 : vector<16xi1>, vector<16xf32>
        %mul3A_352 = arith.mulf %select_n3A_351, %gather3A : vector<16xf32>
        %add3A_353 = arith.addf %scan3A_269, %mul3A_352 : vector<16xf32>
        %gather3A_354 = tpu.vector_load_idx %arg17[%add3A_39, %broadcast_in_dim3A_271] : memref<128x64xf32, #tpu.memory_space<vmem>>[vector<16xi32>, vector<16xi32>], vector<16xf32>,
        %gather3A_355 = tpu.vector_load_idx %arg18[%add3A_39, %broadcast_in_dim3A_271] : memref<128x64xf32, #tpu.memory_space<vmem>>[vector<16xi32>, vector<16xi32>], vector<16xf32>,
        %add3A_356 = arith.addf %gather3A_354, %gather3A_355 : vector<16xf32>
        %gt3A_357 = arith.constant 0.000000e+00 : f32
        %gt3A_358 = vector.broadcast %gt3A_357 : f32 to vector<16xf32>
        %gt3A_359 = arith.cmpf ogt, %add3A_356, %gt3A_358 : vector<16xf32>
        %mul3A_360 = arith.constant 2.000000e-01 : f32
        %mul3A_361 = vector.broadcast %mul3A_360 : f32 to vector<16xf32>
        %mul3A_362 = arith.mulf %mul3A_361, %add3A_356 : vector<16xf32>
        %select_n3A_363 = arith.select %gt3A_359, %add3A_356, %mul3A_362 : vector<16xi1>, vector<16xf32>
        %mul3A_364 = arith.mulf %select_n3A_363, %gather3A : vector<16xf32>
        %add3A_365 = arith.addf %scan3A_270, %mul3A_364 : vector<16xf32>
        %scan3A_366 = arith.constant 1 : i32
        %scan3A_367 = arith.addi %scan3A_262, %scan3A_366 : i32
        %broadcast_in_dim3A_368 = vector.broadcast %scan3A_367 : i32 to vector<16xi32>
        %gather3A_369 = tpu.vector_load_idx %arg20[%broadcast_in_dim3A_368] : memref<64xf32, #tpu.memory_space<vmem>>[vector<16xi32>], vector<16xf32>,
        %gather3A_370 = tpu.vector_load_idx %arg17[%add3A_11, %broadcast_in_dim3A_368] : memref<128x64xf32, #tpu.memory_space<vmem>>[vector<16xi32>, vector<16xi32>], vector<16xf32>,
        %gather3A_371 = tpu.vector_load_idx %arg18[%add3A_11, %broadcast_in_dim3A_368] : memref<128x64xf32, #tpu.memory_space<vmem>>[vector<16xi32>, vector<16xi32>], vector<16xf32>,
        %add3A_372 = arith.addf %gather3A_370, %gather3A_371 : vector<16xf32>
        %gt3A_373 = arith.constant 0.000000e+00 : f32
        %gt3A_374 = vector.broadcast %gt3A_373 : f32 to vector<16xf32>
        %gt3A_375 = arith.cmpf ogt, %add3A_372, %gt3A_374 : vector<16xf32>
        %mul3A_376 = arith.constant 2.000000e-01 : f32
        %mul3A_377 = vector.broadcast %mul3A_376 : f32 to vector<16xf32>
        %mul3A_378 = arith.mulf %mul3A_377, %add3A_372 : vector<16xf32>
        %select_n3A_379 = arith.select %gt3A_375, %add3A_372, %mul3A_378 : vector<16xi1>, vector<16xf32>
        %mul3A_380 = arith.mulf %select_n3A_379, %gather3A_369 : vector<16xf32>
        %add3A_381 = arith.addf %add3A_281, %mul3A_380 : vector<16xf32>
        %gather3A_382 = tpu.vector_load_idx %arg17[%add3A_15, %broadcast_in_dim3A_368] : memref<128x64xf32, #tpu.memory_space<vmem>>[vector<16xi32>, vector<16xi32>], vector<16xf32>,
        %gather3A_383 = tpu.vector_load_idx %arg18[%add3A_15, %broadcast_in_dim3A_368] : memref<128x64xf32, #tpu.memory_space<vmem>>[vector<16xi32>, vector<16xi32>], vector<16xf32>,
        %add3A_384 = arith.addf %gather3A_382, %gather3A_383 : vector<16xf32>
        %gt3A_385 = arith.constant 0.000000e+00 : f32
        %gt3A_386 = vector.broadcast %gt3A_385 : f32 to vector<16xf32>
        %gt3A_387 = arith.cmpf ogt, %add3A_384, %gt3A_386 : vector<16xf32>
        %mul3A_388 = arith.constant 2.000000e-01 : f32
        %mul3A_389 = vector.broadcast %mul3A_388 : f32 to vector<16xf32>
        %mul3A_390 = arith.mulf %mul3A_389, %add3A_384 : vector<16xf32>
        %select_n3A_391 = arith.select %gt3A_387, %add3A_384, %mul3A_390 : vector<16xi1>, vector<16xf32>
        %mul3A_392 = arith.mulf %select_n3A_391, %gather3A_369 : vector<16xf32>
        %add3A_393 = arith.addf %add3A_293, %mul3A_392 : vector<16xf32>
        %gather3A_394 = tpu.vector_load_idx %arg17[%add3A_19, %broadcast_in_dim3A_368] : memref<128x64xf32, #tpu.memory_space<vmem>>[vector<16xi32>, vector<16xi32>], vector<16xf32>,
        %gather3A_395 = tpu.vector_load_idx %arg18[%add3A_19, %broadcast_in_dim3A_368] : memref<128x64xf32, #tpu.memory_space<vmem>>[vector<16xi32>, vector<16xi32>], vector<16xf32>,
        %add3A_396 = arith.addf %gather3A_394, %gather3A_395 : vector<16xf32>
        %gt3A_397 = arith.constant 0.000000e+00 : f32
        %gt3A_398 = vector.broadcast %gt3A_397 : f32 to vector<16xf32>
        %gt3A_399 = arith.cmpf ogt, %add3A_396, %gt3A_398 : vector<16xf32>
        %mul3A_400 = arith.constant 2.000000e-01 : f32
        %mul3A_401 = vector.broadcast %mul3A_400 : f32 to vector<16xf32>
        %mul3A_402 = arith.mulf %mul3A_401, %add3A_396 : vector<16xf32>
        %select_n3A_403 = arith.select %gt3A_399, %add3A_396, %mul3A_402 : vector<16xi1>, vector<16xf32>
        %mul3A_404 = arith.mulf %select_n3A_403, %gather3A_369 : vector<16xf32>
        %add3A_405 = arith.addf %add3A_305, %mul3A_404 : vector<16xf32>
        %gather3A_406 = tpu.vector_load_idx %arg17[%add3A_23, %broadcast_in_dim3A_368] : memref<128x64xf32, #tpu.memory_space<vmem>>[vector<16xi32>, vector<16xi32>], vector<16xf32>,
        %gather3A_407 = tpu.vector_load_idx %arg18[%add3A_23, %broadcast_in_dim3A_368] : memref<128x64xf32, #tpu.memory_space<vmem>>[vector<16xi32>, vector<16xi32>], vector<16xf32>,
        %add3A_408 = arith.addf %gather3A_406, %gather3A_407 : vector<16xf32>
        %gt3A_409 = arith.constant 0.000000e+00 : f32
        %gt3A_410 = vector.broadcast %gt3A_409 : f32 to vector<16xf32>
        %gt3A_411 = arith.cmpf ogt, %add3A_408, %gt3A_410 : vector<16xf32>
        %mul3A_412 = arith.constant 2.000000e-01 : f32
        %mul3A_413 = vector.broadcast %mul3A_412 : f32 to vector<16xf32>
        %mul3A_414 = arith.mulf %mul3A_413, %add3A_408 : vector<16xf32>
        %select_n3A_415 = arith.select %gt3A_411, %add3A_408, %mul3A_414 : vector<16xi1>, vector<16xf32>
        %mul3A_416 = arith.mulf %select_n3A_415, %gather3A_369 : vector<16xf32>
        %add3A_417 = arith.addf %add3A_317, %mul3A_416 : vector<16xf32>
        %gather3A_418 = tpu.vector_load_idx %arg17[%add3A_27, %broadcast_in_dim3A_368] : memref<128x64xf32, #tpu.memory_space<vmem>>[vector<16xi32>, vector<16xi32>], vector<16xf32>,
        %gather3A_419 = tpu.vector_load_idx %arg18[%add3A_27, %broadcast_in_dim3A_368] : memref<128x64xf32, #tpu.memory_space<vmem>>[vector<16xi32>, vector<16xi32>], vector<16xf32>,
        %add3A_420 = arith.addf %gather3A_418, %gather3A_419 : vector<16xf32>
        %gt3A_421 = arith.constant 0.000000e+00 : f32
        %gt3A_422 = vector.broadcast %gt3A_421 : f32 to vector<16xf32>
        %gt3A_423 = arith.cmpf ogt, %add3A_420, %gt3A_422 : vector<16xf32>
        %mul3A_424 = arith.constant 2.000000e-01 : f32
        %mul3A_425 = vector.broadcast %mul3A_424 : f32 to vector<16xf32>
        %mul3A_426 = arith.mulf %mul3A_425, %add3A_420 : vector<16xf32>
        %select_n3A_427 = arith.select %gt3A_423, %add3A_420, %mul3A_426 : vector<16xi1>, vector<16xf32>
        %mul3A_428 = arith.mulf %select_n3A_427, %gather3A_369 : vector<16xf32>
        %add3A_429 = arith.addf %add3A_329, %mul3A_428 : vector<16xf32>
        %gather3A_430 = tpu.vector_load_idx %arg17[%add3A_31, %broadcast_in_dim3A_368] : memref<128x64xf32, #tpu.memory_space<vmem>>[vector<16xi32>, vector<16xi32>], vector<16xf32>,
        %gather3A_431 = tpu.vector_load_idx %arg18[%add3A_31, %broadcast_in_dim3A_368] : memref<128x64xf32, #tpu.memory_space<vmem>>[vector<16xi32>, vector<16xi32>], vector<16xf32>,
        %add3A_432 = arith.addf %gather3A_430, %gather3A_431 : vector<16xf32>
        %gt3A_433 = arith.constant 0.000000e+00 : f32
        %gt3A_434 = vector.broadcast %gt3A_433 : f32 to vector<16xf32>
        %gt3A_435 = arith.cmpf ogt, %add3A_432, %gt3A_434 : vector<16xf32>
        %mul3A_436 = arith.constant 2.000000e-01 : f32
        %mul3A_437 = vector.broadcast %mul3A_436 : f32 to vector<16xf32>
        %mul3A_438 = arith.mulf %mul3A_437, %add3A_432 : vector<16xf32>
        %select_n3A_439 = arith.select %gt3A_435, %add3A_432, %mul3A_438 : vector<16xi1>, vector<16xf32>
        %mul3A_440 = arith.mulf %select_n3A_439, %gather3A_369 : vector<16xf32>
        %add3A_441 = arith.addf %add3A_341, %mul3A_440 : vector<16xf32>
        %gather3A_442 = tpu.vector_load_idx %arg17[%add3A_35, %broadcast_in_dim3A_368] : memref<128x64xf32, #tpu.memory_space<vmem>>[vector<16xi32>, vector<16xi32>], vector<16xf32>,
        %gather3A_443 = tpu.vector_load_idx %arg18[%add3A_35, %broadcast_in_dim3A_368] : memref<128x64xf32, #tpu.memory_space<vmem>>[vector<16xi32>, vector<16xi32>], vector<16xf32>,
        %add3A_444 = arith.addf %gather3A_442, %gather3A_443 : vector<16xf32>
        %gt3A_445 = arith.constant 0.000000e+00 : f32
        %gt3A_446 = vector.broadcast %gt3A_445 : f32 to vector<16xf32>
        %gt3A_447 = arith.cmpf ogt, %add3A_444, %gt3A_446 : vector<16xf32>
        %mul3A_448 = arith.constant 2.000000e-01 : f32
        %mul3A_449 = vector.broadcast %mul3A_448 : f32 to vector<16xf32>
        %mul3A_450 = arith.mulf %mul3A_449, %add3A_444 : vector<16xf32>
        %select_n3A_451 = arith.select %gt3A_447, %add3A_444, %mul3A_450 : vector<16xi1>, vector<16xf32>
        %mul3A_452 = arith.mulf %select_n3A_451, %gather3A_369 : vector<16xf32>
        %add3A_453 = arith.addf %add3A_353, %mul3A_452 : vector<16xf32>
        %gather3A_454 = tpu.vector_load_idx %arg17[%add3A_39, %broadcast_in_dim3A_368] : memref<128x64xf32, #tpu.memory_space<vmem>>[vector<16xi32>, vector<16xi32>], vector<16xf32>,
        %gather3A_455 = tpu.vector_load_idx %arg18[%add3A_39, %broadcast_in_dim3A_368] : memref<128x64xf32, #tpu.memory_space<vmem>>[vector<16xi32>, vector<16xi32>], vector<16xf32>,
        %add3A_456 = arith.addf %gather3A_454, %gather3A_455 : vector<16xf32>
        %gt3A_457 = arith.constant 0.000000e+00 : f32
        %gt3A_458 = vector.broadcast %gt3A_457 : f32 to vector<16xf32>
        %gt3A_459 = arith.cmpf ogt, %add3A_456, %gt3A_458 : vector<16xf32>
        %mul3A_460 = arith.constant 2.000000e-01 : f32
        %mul3A_461 = vector.broadcast %mul3A_460 : f32 to vector<16xf32>
        %mul3A_462 = arith.mulf %mul3A_461, %add3A_456 : vector<16xf32>
        %select_n3A_463 = arith.select %gt3A_459, %add3A_456, %mul3A_462 : vector<16xi1>, vector<16xf32>
        %mul3A_464 = arith.mulf %select_n3A_463, %gather3A_369 : vector<16xf32>
        %add3A_465 = arith.addf %add3A_365, %mul3A_464 : vector<16xf32>
        scf.yield %add3A_381, %add3A_393, %add3A_405, %add3A_417, %add3A_429, %add3A_441, %add3A_453, %add3A_465 : vector<16xf32>, vector<16xf32>, vector<16xf32>, vector<16xf32>, vector<16xf32>, vector<16xf32>, vector<16xf32>, vector<16xf32>
      }
      %scan3A_220 = arith.constant 64 : i32
      %exp3A_221 = math.exp %scan3A_219#0 : vector<16xf32>
      %exp3A_222 = math.exp %scan3A_219#1 : vector<16xf32>
      %exp3A_223 = math.exp %scan3A_219#2 : vector<16xf32>
      %exp3A_224 = math.exp %scan3A_219#3 : vector<16xf32>
      %exp3A_225 = math.exp %scan3A_219#4 : vector<16xf32>
      %exp3A_226 = math.exp %scan3A_219#5 : vector<16xf32>
      %exp3A_227 = math.exp %scan3A_219#6 : vector<16xf32>
      %exp3A_228 = math.exp %scan3A_219#7 : vector<16xf32>
      %swap3A_229 = arith.constant 0 : index
      %swap3A_230 = tpu.vector_load %arg19[%swap3A_229] {strides = array<i32>} : memref<128xf32, #tpu.memory_space<vmem>>, vector<16xf32>,
      tpu.vector_store %arg19[%swap3A_229], %exp3A_221 {strides = array<i32>} : memref<128xf32, #tpu.memory_space<vmem>>, vector<16xf32>,
      %swap3A_231 = arith.constant 16 : index
      %swap3A_232 = tpu.vector_load %arg19[%swap3A_231] {strides = array<i32>} : memref<128xf32, #tpu.memory_space<vmem>>, vector<16xf32>,
      tpu.vector_store %arg19[%swap3A_231], %exp3A_222 {strides = array<i32>} : memref<128xf32, #tpu.memory_space<vmem>>, vector<16xf32>,
      %swap3A_233 = arith.constant 32 : index
      %swap3A_234 = tpu.vector_load %arg19[%swap3A_233] {strides = array<i32>} : memref<128xf32, #tpu.memory_space<vmem>>, vector<16xf32>,
      tpu.vector_store %arg19[%swap3A_233], %exp3A_223 {strides = array<i32>} : memref<128xf32, #tpu.memory_space<vmem>>, vector<16xf32>,
      %swap3A_235 = arith.constant 48 : index
      %swap3A_236 = tpu.vector_load %arg19[%swap3A_235] {strides = array<i32>} : memref<128xf32, #tpu.memory_space<vmem>>, vector<16xf32>,
      tpu.vector_store %arg19[%swap3A_235], %exp3A_224 {strides = array<i32>} : memref<128xf32, #tpu.memory_space<vmem>>, vector<16xf32>,
      %swap3A_237 = arith.constant 64 : index
      %swap3A_238 = tpu.vector_load %arg19[%swap3A_237] {strides = array<i32>} : memref<128xf32, #tpu.memory_space<vmem>>, vector<16xf32>,
      tpu.vector_store %arg19[%swap3A_237], %exp3A_225 {strides = array<i32>} : memref<128xf32, #tpu.memory_space<vmem>>, vector<16xf32>,
      %swap3A_239 = arith.constant 80 : index
      %swap3A_240 = tpu.vector_load %arg19[%swap3A_239] {strides = array<i32>} : memref<128xf32, #tpu.memory_space<vmem>>, vector<16xf32>,
      tpu.vector_store %arg19[%swap3A_239], %exp3A_226 {strides = array<i32>} : memref<128xf32, #tpu.memory_space<vmem>>, vector<16xf32>,
      %swap3A_241 = arith.constant 96 : index
      %swap3A_242 = tpu.vector_load %arg19[%swap3A_241] {strides = array<i32>} : memref<128xf32, #tpu.memory_space<vmem>>, vector<16xf32>,
      tpu.vector_store %arg19[%swap3A_241], %exp3A_227 {strides = array<i32>} : memref<128xf32, #tpu.memory_space<vmem>>, vector<16xf32>,
      %swap3A_243 = arith.constant 112 : index
      %swap3A_244 = tpu.vector_load %arg19[%swap3A_243] {strides = array<i32>} : memref<128xf32, #tpu.memory_space<vmem>>, vector<16xf32>,
      tpu.vector_store %arg19[%swap3A_243], %exp3A_228 {strides = array<i32>} : memref<128xf32, #tpu.memory_space<vmem>>, vector<16xf32>,
      %scan3A_245 = arith.constant 0 : i32
      %scan3A_246 = arith.constant 0 : i32
      %scan3A_247 = arith.constant 64 : i32
      %scan3A_248 = arith.addi %scan3A_246, %scan3A_247 : i32
      %scan3A_249 = arith.constant 2 : i32
      scf.for %scan3A_262 = %scan3A_246 to %scan3A_248 step %scan3A_249  : i32 {
        %broadcast_in_dim3A_263 = vector.broadcast %scan3A_262 : i32 to vector<16xi32>
        %gather3A = tpu.vector_load_idx %arg17[%add3A_11, %broadcast_in_dim3A_263] : memref<128x64xf32, #tpu.memory_space<vmem>>[vector<16xi32>, vector<16xi32>], vector<16xf32>,
        %mul3A_264 = arith.mulf %gather3A, %exp3A_221 : vector<16xf32>
        tpu.vector_store_idx %arg17[%add3A_11, %broadcast_in_dim3A_263], %mul3A_264 : memref<128x64xf32, #tpu.memory_space<vmem>>[vector<16xi32>, vector<16xi32>], vector<16xf32>,
        %gather3A_265 = tpu.vector_load_idx %arg17[%add3A_15, %broadcast_in_dim3A_263] : memref<128x64xf32, #tpu.memory_space<vmem>>[vector<16xi32>, vector<16xi32>], vector<16xf32>,
        %mul3A_266 = arith.mulf %gather3A_265, %exp3A_222 : vector<16xf32>
        tpu.vector_store_idx %arg17[%add3A_15, %broadcast_in_dim3A_263], %mul3A_266 : memref<128x64xf32, #tpu.memory_space<vmem>>[vector<16xi32>, vector<16xi32>], vector<16xf32>,
        %gather3A_267 = tpu.vector_load_idx %arg17[%add3A_19, %broadcast_in_dim3A_263] : memref<128x64xf32, #tpu.memory_space<vmem>>[vector<16xi32>, vector<16xi32>], vector<16xf32>,
        %mul3A_268 = arith.mulf %gather3A_267, %exp3A_223 : vector<16xf32>
        tpu.vector_store_idx %arg17[%add3A_19, %broadcast_in_dim3A_263], %mul3A_268 : memref<128x64xf32, #tpu.memory_space<vmem>>[vector<16xi32>, vector<16xi32>], vector<16xf32>,
        %gather3A_269 = tpu.vector_load_idx %arg17[%add3A_23, %broadcast_in_dim3A_263] : memref<128x64xf32, #tpu.memory_space<vmem>>[vector<16xi32>, vector<16xi32>], vector<16xf32>,
        %mul3A_270 = arith.mulf %gather3A_269, %exp3A_224 : vector<16xf32>
        tpu.vector_store_idx %arg17[%add3A_23, %broadcast_in_dim3A_263], %mul3A_270 : memref<128x64xf32, #tpu.memory_space<vmem>>[vector<16xi32>, vector<16xi32>], vector<16xf32>,
        %gather3A_271 = tpu.vector_load_idx %arg17[%add3A_27, %broadcast_in_dim3A_263] : memref<128x64xf32, #tpu.memory_space<vmem>>[vector<16xi32>, vector<16xi32>], vector<16xf32>,
        %mul3A_272 = arith.mulf %gather3A_271, %exp3A_225 : vector<16xf32>
        tpu.vector_store_idx %arg17[%add3A_27, %broadcast_in_dim3A_263], %mul3A_272 : memref<128x64xf32, #tpu.memory_space<vmem>>[vector<16xi32>, vector<16xi32>], vector<16xf32>,
        %gather3A_273 = tpu.vector_load_idx %arg17[%add3A_31, %broadcast_in_dim3A_263] : memref<128x64xf32, #tpu.memory_space<vmem>>[vector<16xi32>, vector<16xi32>], vector<16xf32>,
        %mul3A_274 = arith.mulf %gather3A_273, %exp3A_226 : vector<16xf32>
        tpu.vector_store_idx %arg17[%add3A_31, %broadcast_in_dim3A_263], %mul3A_274 : memref<128x64xf32, #tpu.memory_space<vmem>>[vector<16xi32>, vector<16xi32>], vector<16xf32>,
        %gather3A_275 = tpu.vector_load_idx %arg17[%add3A_35, %broadcast_in_dim3A_263] : memref<128x64xf32, #tpu.memory_space<vmem>>[vector<16xi32>, vector<16xi32>], vector<16xf32>,
        %mul3A_276 = arith.mulf %gather3A_275, %exp3A_227 : vector<16xf32>
        tpu.vector_store_idx %arg17[%add3A_35, %broadcast_in_dim3A_263], %mul3A_276 : memref<128x64xf32, #tpu.memory_space<vmem>>[vector<16xi32>, vector<16xi32>], vector<16xf32>,
        %gather3A_277 = tpu.vector_load_idx %arg17[%add3A_39, %broadcast_in_dim3A_263] : memref<128x64xf32, #tpu.memory_space<vmem>>[vector<16xi32>, vector<16xi32>], vector<16xf32>,
        %mul3A_278 = arith.mulf %gather3A_277, %exp3A_228 : vector<16xf32>
        tpu.vector_store_idx %arg17[%add3A_39, %broadcast_in_dim3A_263], %mul3A_278 : memref<128x64xf32, #tpu.memory_space<vmem>>[vector<16xi32>, vector<16xi32>], vector<16xf32>,
        %scan3A_279 = arith.constant 1 : i32
        %scan3A_280 = arith.addi %scan3A_262, %scan3A_279 : i32
        %broadcast_in_dim3A_281 = vector.broadcast %scan3A_280 : i32 to vector<16xi32>
        %gather3A_282 = tpu.vector_load_idx %arg17[%add3A_11, %broadcast_in_dim3A_281] : memref<128x64xf32, #tpu.memory_space<vmem>>[vector<16xi32>, vector<16xi32>], vector<16xf32>,
        %mul3A_283 = arith.mulf %gather3A_282, %exp3A_221 : vector<16xf32>
        tpu.vector_store_idx %arg17[%add3A_11, %broadcast_in_dim3A_281], %mul3A_283 : memref<128x64xf32, #tpu.memory_space<vmem>>[vector<16xi32>, vector<16xi32>], vector<16xf32>,
        %gather3A_284 = tpu.vector_load_idx %arg17[%add3A_15, %broadcast_in_dim3A_281] : memref<128x64xf32, #tpu.memory_space<vmem>>[vector<16xi32>, vector<16xi32>], vector<16xf32>,
        %mul3A_285 = arith.mulf %gather3A_284, %exp3A_222 : vector<16xf32>
        tpu.vector_store_idx %arg17[%add3A_15, %broadcast_in_dim3A_281], %mul3A_285 : memref<128x64xf32, #tpu.memory_space<vmem>>[vector<16xi32>, vector<16xi32>], vector<16xf32>,
        %gather3A_286 = tpu.vector_load_idx %arg17[%add3A_19, %broadcast_in_dim3A_281] : memref<128x64xf32, #tpu.memory_space<vmem>>[vector<16xi32>, vector<16xi32>], vector<16xf32>,
        %mul3A_287 = arith.mulf %gather3A_286, %exp3A_223 : vector<16xf32>
        tpu.vector_store_idx %arg17[%add3A_19, %broadcast_in_dim3A_281], %mul3A_287 : memref<128x64xf32, #tpu.memory_space<vmem>>[vector<16xi32>, vector<16xi32>], vector<16xf32>,
        %gather3A_288 = tpu.vector_load_idx %arg17[%add3A_23, %broadcast_in_dim3A_281] : memref<128x64xf32, #tpu.memory_space<vmem>>[vector<16xi32>, vector<16xi32>], vector<16xf32>,
        %mul3A_289 = arith.mulf %gather3A_288, %exp3A_224 : vector<16xf32>
        tpu.vector_store_idx %arg17[%add3A_23, %broadcast_in_dim3A_281], %mul3A_289 : memref<128x64xf32, #tpu.memory_space<vmem>>[vector<16xi32>, vector<16xi32>], vector<16xf32>,
        %gather3A_290 = tpu.vector_load_idx %arg17[%add3A_27, %broadcast_in_dim3A_281] : memref<128x64xf32, #tpu.memory_space<vmem>>[vector<16xi32>, vector<16xi32>], vector<16xf32>,
        %mul3A_291 = arith.mulf %gather3A_290, %exp3A_225 : vector<16xf32>
        tpu.vector_store_idx %arg17[%add3A_27, %broadcast_in_dim3A_281], %mul3A_291 : memref<128x64xf32, #tpu.memory_space<vmem>>[vector<16xi32>, vector<16xi32>], vector<16xf32>,
        %gather3A_292 = tpu.vector_load_idx %arg17[%add3A_31, %broadcast_in_dim3A_281] : memref<128x64xf32, #tpu.memory_space<vmem>>[vector<16xi32>, vector<16xi32>], vector<16xf32>,
        %mul3A_293 = arith.mulf %gather3A_292, %exp3A_226 : vector<16xf32>
        tpu.vector_store_idx %arg17[%add3A_31, %broadcast_in_dim3A_281], %mul3A_293 : memref<128x64xf32, #tpu.memory_space<vmem>>[vector<16xi32>, vector<16xi32>], vector<16xf32>,
        %gather3A_294 = tpu.vector_load_idx %arg17[%add3A_35, %broadcast_in_dim3A_281] : memref<128x64xf32, #tpu.memory_space<vmem>>[vector<16xi32>, vector<16xi32>], vector<16xf32>,
        %mul3A_295 = arith.mulf %gather3A_294, %exp3A_227 : vector<16xf32>
        tpu.vector_store_idx %arg17[%add3A_35, %broadcast_in_dim3A_281], %mul3A_295 : memref<128x64xf32, #tpu.memory_space<vmem>>[vector<16xi32>, vector<16xi32>], vector<16xf32>,
        %gather3A_296 = tpu.vector_load_idx %arg17[%add3A_39, %broadcast_in_dim3A_281] : memref<128x64xf32, #tpu.memory_space<vmem>>[vector<16xi32>, vector<16xi32>], vector<16xf32>,
        %mul3A_297 = arith.mulf %gather3A_296, %exp3A_228 : vector<16xf32>
        tpu.vector_store_idx %arg17[%add3A_39, %broadcast_in_dim3A_281], %mul3A_297 : memref<128x64xf32, #tpu.memory_space<vmem>>[vector<16xi32>, vector<16xi32>], vector<16xf32>,
      }
      %scan3A_250 = arith.constant 64 : i32
      "tpu.region"() ({
        %run_scoped3A = tpu.sem_alloc : memref<!tpu.dma_semaphore, #tpu.memory_space<semaphore_mem>>
        %dma_start3A_262 = arith.constant 0 : i32
        %dma_start3A_263 = tpu.memref_slice %arg22[%dma_start3A_262] : memref<10240xf32, #tpu.memory_space<vmem_shared>> -> memref<10240xf32, #tpu.memory_space<vmem_shared>>
        tpu.enqueue_indirect_dma source(%arg19 : memref<128xf32, #tpu.memory_space<vmem>>) target(%dma_start3A_263 : memref<10240xf32, #tpu.memory_space<vmem_shared>>) offsets(%arg14 : memref<128xi32, #tpu.memory_space<vmem>>) semaphore(%run_scoped3A : memref<!tpu.dma_semaphore, #tpu.memory_space<semaphore_mem>>) {add = true}
        %dma_wait3A_264 = arith.constant 0 : i32
        %dma_wait3A_265 = tpu.memref_slice %arg22[%dma_wait3A_264] : memref<10240xf32, #tpu.memory_space<vmem_shared>> -> memref<10240xf32, #tpu.memory_space<vmem_shared>>
        tpu.wait_indirect_dma semaphore(%run_scoped3A : memref<!tpu.dma_semaphore, #tpu.memory_space<semaphore_mem>>) src(%arg19 : memref<128xf32, #tpu.memory_space<vmem>>) dst(%dma_wait3A_265 : memref<10240xf32, #tpu.memory_space<vmem_shared>>)
        tpu.yield
      }) : () -> ()
      "tpu.region"() ({
        %run_scoped3A = tpu.sem_alloc : memref<!tpu.dma_semaphore, #tpu.memory_space<semaphore_mem>>
        %dma_start3A_262 = arith.constant 0 : i32
        %dma_start3A_263 = arith.constant 0 : i32
        %dma_start3A_264 = tpu.memref_slice %arg21[%dma_start3A_262, %dma_start3A_263] : memref<10240x64xf32, #tpu.memory_space<vmem_shared>> -> memref<10240x64xf32, #tpu.memory_space<vmem_shared>>
        tpu.enqueue_indirect_dma source(%arg17 : memref<128x64xf32, #tpu.memory_space<vmem>>) target(%dma_start3A_264 : memref<10240x64xf32, #tpu.memory_space<vmem_shared>>) offsets(%arg14 : memref<128xi32, #tpu.memory_space<vmem>>) semaphore(%run_scoped3A : memref<!tpu.dma_semaphore, #tpu.memory_space<semaphore_mem>>) {add = true}
        %dma_wait3A_265 = arith.constant 0 : i32
        %dma_wait3A_266 = arith.constant 0 : i32
        %dma_wait3A_267 = tpu.memref_slice %arg21[%dma_wait3A_265, %dma_wait3A_266] : memref<10240x64xf32, #tpu.memory_space<vmem_shared>> -> memref<10240x64xf32, #tpu.memory_space<vmem_shared>>
        tpu.wait_indirect_dma semaphore(%run_scoped3A : memref<!tpu.dma_semaphore, #tpu.memory_space<semaphore_mem>>) src(%arg17 : memref<128x64xf32, #tpu.memory_space<vmem>>) dst(%dma_wait3A_267 : memref<10240x64xf32, #tpu.memory_space<vmem_shared>>)
        tpu.yield
      }) : () -> ()
      %add3A_251 = arith.constant 3 : i32
      %add3A_252 = arith.addi %mul3A_98, %add3A_251 : i32
      %mul3A_253 = arith.constant 10496 : i32
      %mul3A_254 = arith.muli %add3A, %mul3A_253 : i32
      %mul3A_255 = arith.constant 128 : i32
      %mul3A_256 = arith.muli %add3A_252, %mul3A_255 : i32
      %add3A_257 = arith.addi %mul3A_254, %mul3A_256 : i32
      %dma_start3A_258 = tpu.memref_slice %arg4[%add3A_257] : memref<336128xi32, #tpu.memory_space<hbm>> -> memref<128xi32, #tpu.memory_space<hbm>>
      %dma_start3A_259 = tpu.memref_slice %arg4[%add3A_257] : memref<336128xi32, #tpu.memory_space<hbm>> -> memref<128xi32, #tpu.memory_space<hbm>>
      tpu.enqueue_dma source(%dma_start3A_259 : memref<128xi32, #tpu.memory_space<hbm>>) target(%arg13 : memref<128xi32, #tpu.memory_space<vmem>>) target_semaphore(%arg24 : memref<!tpu.dma_semaphore, #tpu.memory_space<semaphore_mem>>)
      %dma_start3A_260 = tpu.memref_slice %arg5[%add3A_257] : memref<336128xi32, #tpu.memory_space<hbm>> -> memref<128xi32, #tpu.memory_space<hbm>>
      %dma_start3A_261 = tpu.memref_slice %arg5[%add3A_257] : memref<336128xi32, #tpu.memory_space<hbm>> -> memref<128xi32, #tpu.memory_space<hbm>>
      tpu.enqueue_dma source(%dma_start3A_261 : memref<128xi32, #tpu.memory_space<hbm>>) target(%arg14 : memref<128xi32, #tpu.memory_space<vmem>>) target_semaphore(%arg24 : memref<!tpu.dma_semaphore, #tpu.memory_space<semaphore_mem>>)
    }
    %scan3A_72 = arith.constant 41 : i32
    %dma_wait3A_73 = arith.constant 0 : i32
    %dma_wait3A_74 = arith.constant 0 : i32
    %dma_wait3A_75 = tpu.memref_slice %arg2[%dma_wait3A_73, %dma_wait3A_74] : memref<10240x64xf32, #tpu.memory_space<hbm>> -> memref<10240x64xf32, #tpu.memory_space<hbm>>
    tpu.wait_indirect_dma semaphore(%arg25 : memref<!tpu.dma_semaphore, #tpu.memory_space<semaphore_mem>>) src(%dma_wait3A_75 : memref<10240x64xf32, #tpu.memory_space<hbm>>) dst(%arg15 : memref<128x64xf32, #tpu.memory_space<vmem>>)
    %dma_wait3A_76 = arith.constant 0 : i32
    %dma_wait3A_77 = arith.constant 0 : i32
    %dma_wait3A_78 = tpu.memref_slice %arg3[%dma_wait3A_76, %dma_wait3A_77] : memref<10240x64xf32, #tpu.memory_space<hbm>> -> memref<10240x64xf32, #tpu.memory_space<hbm>>
    tpu.wait_indirect_dma semaphore(%arg26 : memref<!tpu.dma_semaphore, #tpu.memory_space<semaphore_mem>>) src(%dma_wait3A_78 : memref<10240x64xf32, #tpu.memory_space<hbm>>) dst(%arg16 : memref<128x64xf32, #tpu.memory_space<vmem>>)
    %dma_wait3A_79 = arith.constant 0 : i32
    %dma_wait3A_80 = tpu.memref_slice %arg4[%dma_wait3A_79] : memref<336128xi32, #tpu.memory_space<hbm>> -> memref<128xi32, #tpu.memory_space<hbm>>
    %dma_wait3A_81 = arith.constant 0 : i32
    %dma_wait3A_82 = tpu.memref_slice %arg4[%dma_wait3A_81] : memref<336128xi32, #tpu.memory_space<hbm>> -> memref<128xi32, #tpu.memory_space<hbm>>
    tpu.wait_dma2 semaphore(%arg24 : memref<!tpu.dma_semaphore, #tpu.memory_space<semaphore_mem>>) src(%dma_wait3A_82 : memref<128xi32, #tpu.memory_space<hbm>>) dst(%arg13 : memref<128xi32, #tpu.memory_space<vmem>>)
    %dma_wait3A_83 = arith.constant 0 : i32
    %dma_wait3A_84 = tpu.memref_slice %arg5[%dma_wait3A_83] : memref<336128xi32, #tpu.memory_space<hbm>> -> memref<128xi32, #tpu.memory_space<hbm>>
    %dma_wait3A_85 = arith.constant 0 : i32
    %dma_wait3A_86 = tpu.memref_slice %arg5[%dma_wait3A_85] : memref<336128xi32, #tpu.memory_space<hbm>> -> memref<128xi32, #tpu.memory_space<hbm>>
    tpu.wait_dma2 semaphore(%arg24 : memref<!tpu.dma_semaphore, #tpu.memory_space<semaphore_mem>>) src(%dma_wait3A_86 : memref<128xi32, #tpu.memory_space<hbm>>) dst(%arg14 : memref<128xi32, #tpu.memory_space<vmem>>)
    %barrier3A_87 = arith.constant 0 : index
    tpu.barrier barrier_id(%barrier3A_87)
    %mul3A_88 = arith.constant 640 : i32
    %mul3A_89 = arith.muli %arg1, %mul3A_88 : i32
    %mul3A_90 = arith.constant 640 : i32
    %mul3A_91 = arith.muli %arg1, %mul3A_90 : i32
    "tpu.region"() ({
      %run_scoped3A = tpu.sem_alloc : memref<!tpu.dma_semaphore, #tpu.memory_space<semaphore_mem>>
      %dma_start3A_96 = arith.constant 0 : i32
      %dma_start3A_97 = tpu.memref_slice %arg9[%arg0, %mul3A_91, %dma_start3A_96] : memref<2x10240x64xf32, #tpu.memory_space<hbm>> -> memref<1x640x64xf32, #tpu.memory_space<hbm>>
      %dma_start3A_98 = tpu.memref_squeeze %dma_start3A_97 : memref<1x640x64xf32, #tpu.memory_space<hbm>> -> memref<640x64xf32, #tpu.memory_space<hbm>>
      %dma_start3A_99 = arith.constant 0 : i32
      %dma_start3A_100 = tpu.memref_slice %arg21[%mul3A_89, %dma_start3A_99] : memref<10240x64xf32, #tpu.memory_space<vmem_shared>> -> memref<640x64xf32, #tpu.memory_space<vmem_shared>>
      tpu.enqueue_dma source(%dma_start3A_100 : memref<640x64xf32, #tpu.memory_space<vmem_shared>>) target(%dma_start3A_98 : memref<640x64xf32, #tpu.memory_space<hbm>>) target_semaphore(%run_scoped3A : memref<!tpu.dma_semaphore, #tpu.memory_space<semaphore_mem>>)
      %dma_wait3A_101 = arith.constant 0 : i32
      %dma_wait3A_102 = tpu.memref_slice %arg9[%arg0, %mul3A_91, %dma_wait3A_101] : memref<2x10240x64xf32, #tpu.memory_space<hbm>> -> memref<1x640x64xf32, #tpu.memory_space<hbm>>
      %dma_wait3A_103 = tpu.memref_squeeze %dma_wait3A_102 : memref<1x640x64xf32, #tpu.memory_space<hbm>> -> memref<640x64xf32, #tpu.memory_space<hbm>>
      %dma_wait3A_104 = arith.constant 0 : i32
      %dma_wait3A_105 = tpu.memref_slice %arg21[%mul3A_89, %dma_wait3A_104] : memref<10240x64xf32, #tpu.memory_space<vmem_shared>> -> memref<640x64xf32, #tpu.memory_space<vmem_shared>>
      tpu.wait_dma2 semaphore(%run_scoped3A : memref<!tpu.dma_semaphore, #tpu.memory_space<semaphore_mem>>) src(%dma_wait3A_105 : memref<640x64xf32, #tpu.memory_space<vmem_shared>>) dst(%dma_wait3A_103 : memref<640x64xf32, #tpu.memory_space<hbm>>)
      tpu.yield
    }) : () -> ()
    %mul3A_92 = arith.constant 640 : i32
    %mul3A_93 = arith.muli %arg1, %mul3A_92 : i32
    %mul3A_94 = arith.constant 640 : i32
    %mul3A_95 = arith.muli %arg1, %mul3A_94 : i32
    "tpu.region"() ({
      %run_scoped3A = tpu.sem_alloc : memref<!tpu.dma_semaphore, #tpu.memory_space<semaphore_mem>>
      %dma_start3A_96 = tpu.memref_slice %arg10[%arg0, %mul3A_95] : memref<2x10240xf32, #tpu.memory_space<hbm>> -> memref<1x640xf32, #tpu.memory_space<hbm>>
      %dma_start3A_97 = tpu.memref_squeeze %dma_start3A_96 : memref<1x640xf32, #tpu.memory_space<hbm>> -> memref<640xf32, #tpu.memory_space<hbm>>
      %dma_start3A_98 = tpu.memref_slice %arg22[%mul3A_93] : memref<10240xf32, #tpu.memory_space<vmem_shared>> -> memref<640xf32, #tpu.memory_space<vmem_shared>>
      tpu.enqueue_dma source(%dma_start3A_98 : memref<640xf32, #tpu.memory_space<vmem_shared>>) target(%dma_start3A_97 : memref<640xf32, #tpu.memory_space<hbm>>) target_semaphore(%run_scoped3A : memref<!tpu.dma_semaphore, #tpu.memory_space<semaphore_mem>>)
      %dma_wait3A_99 = tpu.memref_slice %arg10[%arg0, %mul3A_95] : memref<2x10240xf32, #tpu.memory_space<hbm>> -> memref<1x640xf32, #tpu.memory_space<hbm>>
      %dma_wait3A_100 = tpu.memref_squeeze %dma_wait3A_99 : memref<1x640xf32, #tpu.memory_space<hbm>> -> memref<640xf32, #tpu.memory_space<hbm>>
      %dma_wait3A_101 = tpu.memref_slice %arg22[%mul3A_93] : memref<10240xf32, #tpu.memory_space<vmem_shared>> -> memref<640xf32, #tpu.memory_space<vmem_shared>>
      tpu.wait_dma2 semaphore(%run_scoped3A : memref<!tpu.dma_semaphore, #tpu.memory_space<semaphore_mem>>) src(%dma_wait3A_101 : memref<640xf32, #tpu.memory_space<vmem_shared>>) dst(%dma_wait3A_100 : memref<640xf32, #tpu.memory_space<hbm>>)
      tpu.yield
    }) : () -> ()
    return
  }
}

module attributes {stable_mosaic.version = 14 : i64} {
  func.func @_proj_body(%arg0: i32, %arg1: memref<640x128xf32, #tpu.memory_space<vmem>>, %arg2: memref<128x64xf32, #tpu.memory_space<vmem>>, %arg3: memref<1x64xf32, #tpu.memory_space<vmem>>, %arg4: memref<128x64xf32, #tpu.memory_space<vmem>>, %arg5: memref<1x64xf32, #tpu.memory_space<vmem>>, %arg6: memref<640x64xf32, #tpu.memory_space<vmem>>, %arg7: memref<640x64xf32, #tpu.memory_space<vmem>>) attributes {dimension_semantics = [#tpu.dimension_semantics<arbitrary>], iteration_bounds = array<i64: 16>, scalar_prefetch = 0 : i64, scratch_operands = 0 : i64, tpu.core_type = #tpu.core_type<tc>, window_params = [{transform_indices = @transform_0, window_bounds = array<i64: 640, 128>}, {pipeline_mode = #tpu.pipeline_mode<synchronous>, transform_indices = @transform_1, window_bounds = array<i64: 128, 64>}, {pipeline_mode = #tpu.pipeline_mode<synchronous>, transform_indices = @transform_2, window_bounds = array<i64: 1, 64>}, {pipeline_mode = #tpu.pipeline_mode<synchronous>, transform_indices = @transform_3, window_bounds = array<i64: 128, 64>}, {pipeline_mode = #tpu.pipeline_mode<synchronous>, transform_indices = @transform_4, window_bounds = array<i64: 1, 64>}, {transform_indices = @transform_5, window_bounds = array<i64: 640, 64>}, {transform_indices = @transform_6, window_bounds = array<i64: 640, 64>}]} {
    %get3A = arith.constant 0 : index
    %get3A_0 = arith.constant 0 : index
    %get3A_1 = vector.load %arg1[%get3A, %get3A_0] : memref<640x128xf32, #tpu.memory_space<vmem>>, vector<640x128xf32>
    %get3A_2 = arith.constant 0 : index
    %get3A_3 = arith.constant 0 : index
    %get3A_4 = vector.load %arg2[%get3A_2, %get3A_3] : memref<128x64xf32, #tpu.memory_space<vmem>>, vector<128x64xf32>
    %dot_general3A = arith.constant dense<0.000000e+00> : vector<640x64xf32>
    %dot_general3A_5 = tpu.matmul %get3A_1, %get3A_4, %dot_general3A {dimension_numbers = #tpu.dot_dimension_numbers<[1], [0], [0], [1], [0, 0, 1, 1], [], []>, transpose_lhs_hint = false} : vector<640x128xf32>, vector<128x64xf32>, vector<640x64xf32> -> vector<640x64xf32>
    %get3A_6 = arith.constant 0 : index
    %get3A_7 = arith.constant 0 : index
    %get3A_8 = vector.load %arg3[%get3A_6, %get3A_7] : memref<1x64xf32, #tpu.memory_space<vmem>>, vector<1x64xf32>
    %add3A = vector.broadcast %get3A_8 : vector<1x64xf32> to vector<640x64xf32>
    %add3A_9 = arith.addf %dot_general3A_5, %add3A : vector<640x64xf32>
    %swap3A = arith.constant 0 : index
    %swap3A_10 = arith.constant 0 : index
    %swap3A_11 = vector.load %arg6[%swap3A, %swap3A_10] : memref<640x64xf32, #tpu.memory_space<vmem>>, vector<640x64xf32>
    tpu.vector_store %arg6[%swap3A, %swap3A_10], %add3A_9 {strides = array<i32>} : memref<640x64xf32, #tpu.memory_space<vmem>>, vector<640x64xf32>,
    %get3A_12 = arith.constant 0 : index
    %get3A_13 = arith.constant 0 : index
    %get3A_14 = vector.load %arg4[%get3A_12, %get3A_13] : memref<128x64xf32, #tpu.memory_space<vmem>>, vector<128x64xf32>
    %dot_general3A_15 = arith.constant dense<0.000000e+00> : vector<640x64xf32>
    %dot_general3A_16 = tpu.matmul %get3A_1, %get3A_14, %dot_general3A_15 {dimension_numbers = #tpu.dot_dimension_numbers<[1], [0], [0], [1], [0, 0, 1, 1], [], []>, transpose_lhs_hint = false} : vector<640x128xf32>, vector<128x64xf32>, vector<640x64xf32> -> vector<640x64xf32>
    %get3A_17 = arith.constant 0 : index
    %get3A_18 = arith.constant 0 : index
    %get3A_19 = vector.load %arg5[%get3A_17, %get3A_18] : memref<1x64xf32, #tpu.memory_space<vmem>>, vector<1x64xf32>
    %add3A_20 = vector.broadcast %get3A_19 : vector<1x64xf32> to vector<640x64xf32>
    %add3A_21 = arith.addf %dot_general3A_16, %add3A_20 : vector<640x64xf32>
    %swap3A_22 = arith.constant 0 : index
    %swap3A_23 = arith.constant 0 : index
    %swap3A_24 = vector.load %arg7[%swap3A_22, %swap3A_23] : memref<640x64xf32, #tpu.memory_space<vmem>>, vector<640x64xf32>
    tpu.vector_store %arg7[%swap3A_22, %swap3A_23], %add3A_21 {strides = array<i32>} : memref<640x64xf32, #tpu.memory_space<vmem>>, vector<640x64xf32>,
    return
  }
  func.func @transform_0(%arg0: i32) -> (i32, i32) {
    %c0_i32 = arith.constant 0 : i32
    %c0_i32_0 = arith.constant 0 : i32
    return %arg0, %c0_i32 : i32, i32
  }
  func.func @transform_1(%arg0: i32) -> (i32, i32) {
    %c0_i32 = arith.constant 0 : i32
    %c0_i32_0 = arith.constant 0 : i32
    %c0_i32_1 = arith.constant 0 : i32
    return %c0_i32, %c0_i32_0 : i32, i32
  }
  func.func @transform_2(%arg0: i32) -> (i32, i32) {
    %c0_i32 = arith.constant 0 : i32
    %c0_i32_0 = arith.constant 0 : i32
    %c0_i32_1 = arith.constant 0 : i32
    return %c0_i32, %c0_i32_0 : i32, i32
  }
  func.func @transform_3(%arg0: i32) -> (i32, i32) {
    %c0_i32 = arith.constant 0 : i32
    %c0_i32_0 = arith.constant 0 : i32
    %c0_i32_1 = arith.constant 0 : i32
    return %c0_i32, %c0_i32_0 : i32, i32
  }
  func.func @transform_4(%arg0: i32) -> (i32, i32) {
    %c0_i32 = arith.constant 0 : i32
    %c0_i32_0 = arith.constant 0 : i32
    %c0_i32_1 = arith.constant 0 : i32
    return %c0_i32, %c0_i32_0 : i32, i32
  }
  func.func @transform_5(%arg0: i32) -> (i32, i32) {
    %c0_i32 = arith.constant 0 : i32
    %c0_i32_0 = arith.constant 0 : i32
    return %arg0, %c0_i32 : i32, i32
  }
  func.func @transform_6(%arg0: i32) -> (i32, i32) {
    %c0_i32 = arith.constant 0 : i32
    %c0_i32_0 = arith.constant 0 : i32
    return %arg0, %c0_i32 : i32, i32
  }
}

module attributes {stable_mosaic.version = 14 : i64} {
  func.func @_mid_body(%arg0: i32, %arg1: memref<2x640x64xf32, #tpu.memory_space<vmem>>, %arg2: memref<2x640x1xf32, #tpu.memory_space<vmem>>, %arg3: memref<1x64xf32, #tpu.memory_space<vmem>>, %arg4: memref<64x64xf32, #tpu.memory_space<vmem>>, %arg5: memref<1x64xf32, #tpu.memory_space<vmem>>, %arg6: memref<64x64xf32, #tpu.memory_space<vmem>>, %arg7: memref<1x64xf32, #tpu.memory_space<vmem>>, %arg8: memref<640x64xf32, #tpu.memory_space<vmem>>, %arg9: memref<640x64xf32, #tpu.memory_space<vmem>>) attributes {dimension_semantics = [#tpu.dimension_semantics<arbitrary>], iteration_bounds = array<i64: 16>, scalar_prefetch = 0 : i64, scratch_operands = 0 : i64, tpu.core_type = #tpu.core_type<tc>, window_params = [{transform_indices = @transform_0, window_bounds = array<i64: 2, 640, 64>}, {transform_indices = @transform_1, window_bounds = array<i64: 2, 640, 1>}, {pipeline_mode = #tpu.pipeline_mode<synchronous>, transform_indices = @transform_2, window_bounds = array<i64: 1, 64>}, {pipeline_mode = #tpu.pipeline_mode<synchronous>, transform_indices = @transform_3, window_bounds = array<i64: 64, 64>}, {pipeline_mode = #tpu.pipeline_mode<synchronous>, transform_indices = @transform_4, window_bounds = array<i64: 1, 64>}, {pipeline_mode = #tpu.pipeline_mode<synchronous>, transform_indices = @transform_5, window_bounds = array<i64: 64, 64>}, {pipeline_mode = #tpu.pipeline_mode<synchronous>, transform_indices = @transform_6, window_bounds = array<i64: 1, 64>}, {transform_indices = @transform_7, window_bounds = array<i64: 640, 64>}, {transform_indices = @transform_8, window_bounds = array<i64: 640, 64>}]} {
    %get3A = arith.constant 0 : index
    %get3A_0 = arith.constant 0 : index
    %get3A_1 = arith.constant 0 : index
    %get3A_2 = vector.load %arg1[%get3A, %get3A_0, %get3A_1] : memref<2x640x64xf32, #tpu.memory_space<vmem>>, vector<1x640x64xf32>
    %get3A_3 = vector.shape_cast %get3A_2 : vector<1x640x64xf32> to vector<640x64xf32>
    %get3A_4 = arith.constant 1 : index
    %get3A_5 = arith.constant 0 : index
    %get3A_6 = arith.constant 0 : index
    %get3A_7 = vector.load %arg1[%get3A_4, %get3A_5, %get3A_6] : memref<2x640x64xf32, #tpu.memory_space<vmem>>, vector<1x640x64xf32>
    %get3A_8 = vector.shape_cast %get3A_7 : vector<1x640x64xf32> to vector<640x64xf32>
    %add3A = arith.addf %get3A_3, %get3A_8 : vector<640x64xf32>
    %get3A_9 = arith.constant 0 : index
    %get3A_10 = arith.constant 0 : index
    %get3A_11 = arith.constant 0 : index
    %get3A_12 = vector.load %arg2[%get3A_9, %get3A_10, %get3A_11] : memref<2x640x1xf32, #tpu.memory_space<vmem>>, vector<1x640x1xf32>
    %get3A_13 = vector.shape_cast %get3A_12 : vector<1x640x1xf32> to vector<640x1xf32>
    %get3A_14 = arith.constant 1 : index
    %get3A_15 = arith.constant 0 : index
    %get3A_16 = arith.constant 0 : index
    %get3A_17 = vector.load %arg2[%get3A_14, %get3A_15, %get3A_16] : memref<2x640x1xf32, #tpu.memory_space<vmem>>, vector<1x640x1xf32>
    %get3A_18 = vector.shape_cast %get3A_17 : vector<1x640x1xf32> to vector<640x1xf32>
    %add3A_19 = arith.addf %get3A_13, %get3A_18 : vector<640x1xf32>
    %max3A = arith.constant 1.000000e-16 : f32
    %max3A_20 = vector.broadcast %max3A : f32 to vector<640x1xf32>
    %max3A_21 = arith.maximumf %add3A_19, %max3A_20 : vector<640x1xf32>
    %div3A = vector.broadcast %max3A_21 : vector<640x1xf32> to vector<640x64xf32>
    %div3A_22 = arith.divf %add3A, %div3A : vector<640x64xf32>
    %get3A_23 = arith.constant 0 : index
    %get3A_24 = arith.constant 0 : index
    %get3A_25 = vector.load %arg3[%get3A_23, %get3A_24] : memref<1x64xf32, #tpu.memory_space<vmem>>, vector<1x64xf32>
    %add3A_26 = vector.broadcast %get3A_25 : vector<1x64xf32> to vector<640x64xf32>
    %add3A_27 = arith.addf %div3A_22, %add3A_26 : vector<640x64xf32>
    %max3A_28 = arith.constant 0.000000e+00 : f32
    %max3A_29 = vector.broadcast %max3A_28 : f32 to vector<640x64xf32>
    %max3A_30 = arith.maximumf %add3A_27, %max3A_29 : vector<640x64xf32>
    %get3A_31 = arith.constant 0 : index
    %get3A_32 = arith.constant 0 : index
    %get3A_33 = vector.load %arg4[%get3A_31, %get3A_32] : memref<64x64xf32, #tpu.memory_space<vmem>>, vector<64x64xf32>
    %dot_general3A = arith.constant dense<0.000000e+00> : vector<640x64xf32>
    %dot_general3A_34 = tpu.matmul %max3A_30, %get3A_33, %dot_general3A {dimension_numbers = #tpu.dot_dimension_numbers<[1], [0], [0], [1], [0, 0, 1, 1], [], []>, transpose_lhs_hint = false} : vector<640x64xf32>, vector<64x64xf32>, vector<640x64xf32> -> vector<640x64xf32>
    %get3A_35 = arith.constant 0 : index
    %get3A_36 = arith.constant 0 : index
    %get3A_37 = vector.load %arg5[%get3A_35, %get3A_36] : memref<1x64xf32, #tpu.memory_space<vmem>>, vector<1x64xf32>
    %add3A_38 = vector.broadcast %get3A_37 : vector<1x64xf32> to vector<640x64xf32>
    %add3A_39 = arith.addf %dot_general3A_34, %add3A_38 : vector<640x64xf32>
    %swap3A = arith.constant 0 : index
    %swap3A_40 = arith.constant 0 : index
    %swap3A_41 = vector.load %arg8[%swap3A, %swap3A_40] : memref<640x64xf32, #tpu.memory_space<vmem>>, vector<640x64xf32>
    tpu.vector_store %arg8[%swap3A, %swap3A_40], %add3A_39 {strides = array<i32>} : memref<640x64xf32, #tpu.memory_space<vmem>>, vector<640x64xf32>,
    %get3A_42 = arith.constant 0 : index
    %get3A_43 = arith.constant 0 : index
    %get3A_44 = vector.load %arg6[%get3A_42, %get3A_43] : memref<64x64xf32, #tpu.memory_space<vmem>>, vector<64x64xf32>
    %dot_general3A_45 = arith.constant dense<0.000000e+00> : vector<640x64xf32>
    %dot_general3A_46 = tpu.matmul %max3A_30, %get3A_44, %dot_general3A_45 {dimension_numbers = #tpu.dot_dimension_numbers<[1], [0], [0], [1], [0, 0, 1, 1], [], []>, transpose_lhs_hint = false} : vector<640x64xf32>, vector<64x64xf32>, vector<640x64xf32> -> vector<640x64xf32>
    %get3A_47 = arith.constant 0 : index
    %get3A_48 = arith.constant 0 : index
    %get3A_49 = vector.load %arg7[%get3A_47, %get3A_48] : memref<1x64xf32, #tpu.memory_space<vmem>>, vector<1x64xf32>
    %add3A_50 = vector.broadcast %get3A_49 : vector<1x64xf32> to vector<640x64xf32>
    %add3A_51 = arith.addf %dot_general3A_46, %add3A_50 : vector<640x64xf32>
    %swap3A_52 = arith.constant 0 : index
    %swap3A_53 = arith.constant 0 : index
    %swap3A_54 = vector.load %arg9[%swap3A_52, %swap3A_53] : memref<640x64xf32, #tpu.memory_space<vmem>>, vector<640x64xf32>
    tpu.vector_store %arg9[%swap3A_52, %swap3A_53], %add3A_51 {strides = array<i32>} : memref<640x64xf32, #tpu.memory_space<vmem>>, vector<640x64xf32>,
    return
  }
  func.func @transform_0(%arg0: i32) -> (i32, i32, i32) {
    %c0_i32 = arith.constant 0 : i32
    %c0_i32_0 = arith.constant 0 : i32
    %c0_i32_1 = arith.constant 0 : i32
    return %c0_i32, %arg0, %c0_i32_0 : i32, i32, i32
  }
  func.func @transform_1(%arg0: i32) -> (i32, i32, i32) {
    %c0_i32 = arith.constant 0 : i32
    %c0_i32_0 = arith.constant 0 : i32
    %c0_i32_1 = arith.constant 0 : i32
    return %c0_i32, %arg0, %c0_i32_0 : i32, i32, i32
  }
  func.func @transform_2(%arg0: i32) -> (i32, i32) {
    %c0_i32 = arith.constant 0 : i32
    %c0_i32_0 = arith.constant 0 : i32
    %c0_i32_1 = arith.constant 0 : i32
    return %c0_i32, %c0_i32_0 : i32, i32
  }
  func.func @transform_3(%arg0: i32) -> (i32, i32) {
    %c0_i32 = arith.constant 0 : i32
    %c0_i32_0 = arith.constant 0 : i32
    %c0_i32_1 = arith.constant 0 : i32
    return %c0_i32, %c0_i32_0 : i32, i32
  }
  func.func @transform_4(%arg0: i32) -> (i32, i32) {
    %c0_i32 = arith.constant 0 : i32
    %c0_i32_0 = arith.constant 0 : i32
    %c0_i32_1 = arith.constant 0 : i32
    return %c0_i32, %c0_i32_0 : i32, i32
  }
  func.func @transform_5(%arg0: i32) -> (i32, i32) {
    %c0_i32 = arith.constant 0 : i32
    %c0_i32_0 = arith.constant 0 : i32
    %c0_i32_1 = arith.constant 0 : i32
    return %c0_i32, %c0_i32_0 : i32, i32
  }
  func.func @transform_6(%arg0: i32) -> (i32, i32) {
    %c0_i32 = arith.constant 0 : i32
    %c0_i32_0 = arith.constant 0 : i32
    %c0_i32_1 = arith.constant 0 : i32
    return %c0_i32, %c0_i32_0 : i32, i32
  }
  func.func @transform_7(%arg0: i32) -> (i32, i32) {
    %c0_i32 = arith.constant 0 : i32
    %c0_i32_0 = arith.constant 0 : i32
    return %arg0, %c0_i32 : i32, i32
  }
  func.func @transform_8(%arg0: i32) -> (i32, i32) {
    %c0_i32 = arith.constant 0 : i32
    %c0_i32_0 = arith.constant 0 : i32
    return %arg0, %c0_i32 : i32, i32
  }
}

module attributes {stable_mosaic.version = 14 : i64} {
  func.func @_pool_body(%arg0: i32, %arg1: memref<2x640x64xf32, #tpu.memory_space<vmem>>, %arg2: memref<2x640x1xf32, #tpu.memory_space<vmem>>, %arg3: memref<1x64xf32, #tpu.memory_space<vmem>>, %arg4: memref<1x1x640xi32, #tpu.memory_space<vmem>>, %arg5: memref<64x1xf32, #tpu.memory_space<vmem>>, %arg6: memref<1x1xf32, #tpu.memory_space<vmem>>, %arg7: memref<16x1xf32, #tpu.memory_space<vmem>>, %arg8: memref<16x64xf32, #tpu.memory_space<vmem>>, %arg9: memref<16x1xf32, #tpu.memory_space<vmem>>) attributes {dimension_semantics = [#tpu.dimension_semantics<arbitrary>], iteration_bounds = array<i64: 16>, scalar_prefetch = 0 : i64, scratch_operands = 2 : i64, tpu.core_type = #tpu.core_type<tc>, window_params = [{transform_indices = @transform_0, window_bounds = array<i64: 2, 640, 64>}, {transform_indices = @transform_1, window_bounds = array<i64: 2, 640, 1>}, {pipeline_mode = #tpu.pipeline_mode<synchronous>, transform_indices = @transform_2, window_bounds = array<i64: 1, 64>}, {transform_indices = @transform_3, window_bounds = array<i64: 1, 1, 640>}, {pipeline_mode = #tpu.pipeline_mode<synchronous>, transform_indices = @transform_4, window_bounds = array<i64: 64, 1>}, {pipeline_mode = #tpu.pipeline_mode<synchronous>, transform_indices = @transform_5, window_bounds = array<i64: 1, 1>}, {pipeline_mode = #tpu.pipeline_mode<synchronous>, transform_indices = @transform_6, window_bounds = array<i64: 16, 1>}]} {
    %eq3A = arith.constant 0 : i32
    %eq3A_0 = arith.cmpi eq, %arg0, %eq3A : i32
    %convert_element_type3A = arith.extui %eq3A_0 : i1 to i32
    %cond3A = arith.constant 0 : i32
    %cond3A_1 = arith.cmpi ne, %convert_element_type3A, %cond3A : i32
    scf.if %cond3A_1 {
      %broadcast_in_dim3A_59 = arith.constant 0.000000e+00 : f32
      %broadcast_in_dim3A_60 = vector.broadcast %broadcast_in_dim3A_59 : f32 to vector<16x64xf32>
      %swap3A_61 = arith.constant 0 : index
      %swap3A_62 = arith.constant 0 : index
      %swap3A_63 = vector.load %arg8[%swap3A_61, %swap3A_62] : memref<16x64xf32, #tpu.memory_space<vmem>>, vector<16x64xf32>
      tpu.vector_store %arg8[%swap3A_61, %swap3A_62], %broadcast_in_dim3A_60 {strides = array<i32>} : memref<16x64xf32, #tpu.memory_space<vmem>>, vector<16x64xf32>,
      %broadcast_in_dim3A_64 = arith.constant 0.000000e+00 : f32
      %broadcast_in_dim3A_65 = vector.broadcast %broadcast_in_dim3A_64 : f32 to vector<16x1xf32>
      %swap3A_66 = arith.constant 0 : index
      %swap3A_67 = arith.constant 0 : index
      %swap3A_68 = vector.load %arg9[%swap3A_66, %swap3A_67] : memref<16x1xf32, #tpu.memory_space<vmem>>, vector<16x1xf32>
      tpu.vector_store %arg9[%swap3A_66, %swap3A_67], %broadcast_in_dim3A_65 {strides = array<i32>} : memref<16x1xf32, #tpu.memory_space<vmem>>, vector<16x1xf32>,
    } else {
    }
    %get3A = arith.constant 0 : index
    %get3A_2 = arith.constant 0 : index
    %get3A_3 = arith.constant 0 : index
    %get3A_4 = vector.load %arg1[%get3A, %get3A_2, %get3A_3] : memref<2x640x64xf32, #tpu.memory_space<vmem>>, vector<1x640x64xf32>
    %get3A_5 = vector.shape_cast %get3A_4 : vector<1x640x64xf32> to vector<640x64xf32>
    %get3A_6 = arith.constant 1 : index
    %get3A_7 = arith.constant 0 : index
    %get3A_8 = arith.constant 0 : index
    %get3A_9 = vector.load %arg1[%get3A_6, %get3A_7, %get3A_8] : memref<2x640x64xf32, #tpu.memory_space<vmem>>, vector<1x640x64xf32>
    %get3A_10 = vector.shape_cast %get3A_9 : vector<1x640x64xf32> to vector<640x64xf32>
    %add3A = arith.addf %get3A_5, %get3A_10 : vector<640x64xf32>
    %get3A_11 = arith.constant 0 : index
    %get3A_12 = arith.constant 0 : index
    %get3A_13 = arith.constant 0 : index
    %get3A_14 = vector.load %arg2[%get3A_11, %get3A_12, %get3A_13] : memref<2x640x1xf32, #tpu.memory_space<vmem>>, vector<1x640x1xf32>
    %get3A_15 = vector.shape_cast %get3A_14 : vector<1x640x1xf32> to vector<640x1xf32>
    %get3A_16 = arith.constant 1 : index
    %get3A_17 = arith.constant 0 : index
    %get3A_18 = arith.constant 0 : index
    %get3A_19 = vector.load %arg2[%get3A_16, %get3A_17, %get3A_18] : memref<2x640x1xf32, #tpu.memory_space<vmem>>, vector<1x640x1xf32>
    %get3A_20 = vector.shape_cast %get3A_19 : vector<1x640x1xf32> to vector<640x1xf32>
    %add3A_21 = arith.addf %get3A_15, %get3A_20 : vector<640x1xf32>
    %max3A = arith.constant 1.000000e-16 : f32
    %max3A_22 = vector.broadcast %max3A : f32 to vector<640x1xf32>
    %max3A_23 = arith.maximumf %add3A_21, %max3A_22 : vector<640x1xf32>
    %div3A = vector.broadcast %max3A_23 : vector<640x1xf32> to vector<640x64xf32>
    %div3A_24 = arith.divf %add3A, %div3A : vector<640x64xf32>
    %get3A_25 = arith.constant 0 : index
    %get3A_26 = arith.constant 0 : index
    %get3A_27 = vector.load %arg3[%get3A_25, %get3A_26] : memref<1x64xf32, #tpu.memory_space<vmem>>, vector<1x64xf32>
    %add3A_28 = vector.broadcast %get3A_27 : vector<1x64xf32> to vector<640x64xf32>
    %add3A_29 = arith.addf %div3A_24, %add3A_28 : vector<640x64xf32>
    %get3A_30 = arith.constant 0 : index
    %get3A_31 = arith.constant 0 : index
    %get3A_32 = arith.constant 0 : index
    %get3A_33 = vector.load %arg4[%get3A_30, %get3A_31, %get3A_32] : memref<1x1x640xi32, #tpu.memory_space<vmem>>, vector<1x1x640xi32>
    %get3A_34 = vector.shape_cast %get3A_33 : vector<1x1x640xi32> to vector<1x640xi32>
    %iota3A = tpu.iota {dimensions = array<i32: 0>} : vector<16x640xi32>
    %eq3A_35 = vector.broadcast %get3A_34 : vector<1x640xi32> to vector<16x640xi32>
    %eq3A_36 = arith.cmpi eq, %eq3A_35, %iota3A : vector<16x640xi32>
    %convert_element_type3A_37 = arith.extui %eq3A_36 : vector<16x640xi1> to vector<16x640xi32>
    %convert_element_type3A_38 = arith.sitofp %convert_element_type3A_37 : vector<16x640xi32> to vector<16x640xf32>
    %get3A_39 = arith.constant 0 : index
    %get3A_40 = arith.constant 0 : index
    %get3A_41 = vector.load %arg8[%get3A_39, %get3A_40] : memref<16x64xf32, #tpu.memory_space<vmem>>, vector<16x64xf32>
    %dot_general3A = arith.constant dense<0.000000e+00> : vector<16x64xf32>
    %dot_general3A_42 = tpu.matmul %convert_element_type3A_38, %add3A_29, %dot_general3A {dimension_numbers = #tpu.dot_dimension_numbers<[1], [0], [0], [1], [0, 0, 1, 1], [], []>, transpose_lhs_hint = false} : vector<16x640xf32>, vector<640x64xf32>, vector<16x64xf32> -> vector<16x64xf32>
    %add3A_43 = arith.addf %get3A_41, %dot_general3A_42 : vector<16x64xf32>
    %swap3A = arith.constant 0 : index
    %swap3A_44 = arith.constant 0 : index
    %swap3A_45 = vector.load %arg8[%swap3A, %swap3A_44] : memref<16x64xf32, #tpu.memory_space<vmem>>, vector<16x64xf32>
    tpu.vector_store %arg8[%swap3A, %swap3A_44], %add3A_43 {strides = array<i32>} : memref<16x64xf32, #tpu.memory_space<vmem>>, vector<16x64xf32>,
    %get3A_46 = arith.constant 0 : index
    %get3A_47 = arith.constant 0 : index
    %get3A_48 = vector.load %arg9[%get3A_46, %get3A_47] : memref<16x1xf32, #tpu.memory_space<vmem>>, vector<16x1xf32>
    %reduce_sum3A = arith.constant dense<0.000000e+00> : vector<16xf32>
    %reduce_sum3A_49 = vector.multi_reduction <add>, %convert_element_type3A_38, %reduce_sum3A [1] : vector<16x640xf32> to vector<16xf32>
    %broadcast_in_dim3A = vector.shape_cast %reduce_sum3A_49 : vector<16xf32> to vector<16x1xf32>
    %add3A_50 = arith.addf %get3A_48, %broadcast_in_dim3A : vector<16x1xf32>
    %swap3A_51 = arith.constant 0 : index
    %swap3A_52 = arith.constant 0 : index
    %swap3A_53 = vector.load %arg9[%swap3A_51, %swap3A_52] : memref<16x1xf32, #tpu.memory_space<vmem>>, vector<16x1xf32>
    tpu.vector_store %arg9[%swap3A_51, %swap3A_52], %add3A_50 {strides = array<i32>} : memref<16x1xf32, #tpu.memory_space<vmem>>, vector<16x1xf32>,
    %eq3A_54 = arith.constant 15 : i32
    %eq3A_55 = arith.cmpi eq, %arg0, %eq3A_54 : i32
    %convert_element_type3A_56 = arith.extui %eq3A_55 : i1 to i32
    %cond3A_57 = arith.constant 0 : i32
    %cond3A_58 = arith.cmpi ne, %convert_element_type3A_56, %cond3A_57 : i32
    scf.if %cond3A_58 {
      %get3A_59 = arith.constant 0 : index
      %get3A_60 = arith.constant 0 : index
      %get3A_61 = vector.load %arg8[%get3A_59, %get3A_60] : memref<16x64xf32, #tpu.memory_space<vmem>>, vector<16x64xf32>
      %get3A_62 = arith.constant 0 : index
      %get3A_63 = arith.constant 0 : index
      %get3A_64 = vector.load %arg9[%get3A_62, %get3A_63] : memref<16x1xf32, #tpu.memory_space<vmem>>, vector<16x1xf32>
      %max3A_65 = arith.constant 1.000000e+00 : f32
      %max3A_66 = vector.broadcast %max3A_65 : f32 to vector<16x1xf32>
      %max3A_67 = arith.maximumf %get3A_64, %max3A_66 : vector<16x1xf32>
      %div3A_68 = vector.broadcast %max3A_67 : vector<16x1xf32> to vector<16x64xf32>
      %div3A_69 = arith.divf %get3A_61, %div3A_68 : vector<16x64xf32>
      %get3A_70 = arith.constant 0 : index
      %get3A_71 = arith.constant 0 : index
      %get3A_72 = vector.load %arg5[%get3A_70, %get3A_71] : memref<64x1xf32, #tpu.memory_space<vmem>>, vector<64x1xf32>
      %dot_general3A_73 = arith.constant dense<0.000000e+00> : vector<16x1xf32>
      %dot_general3A_74 = tpu.matmul %div3A_69, %get3A_72, %dot_general3A_73 {dimension_numbers = #tpu.dot_dimension_numbers<[1], [0], [0], [1], [0, 0, 1, 1], [], []>, transpose_lhs_hint = false} : vector<16x64xf32>, vector<64x1xf32>, vector<16x1xf32> -> vector<16x1xf32>
      %get3A_75 = arith.constant 0 : index
      %get3A_76 = arith.constant 0 : index
      %get3A_77 = vector.load %arg6[%get3A_75, %get3A_76] : memref<1x1xf32, #tpu.memory_space<vmem>>, vector<1x1xf32>
      %add3A_78 = vector.broadcast %get3A_77 : vector<1x1xf32> to vector<16x1xf32>
      %add3A_79 = arith.addf %dot_general3A_74, %add3A_78 : vector<16x1xf32>
      %swap3A_80 = arith.constant 0 : index
      %swap3A_81 = arith.constant 0 : index
      %swap3A_82 = vector.load %arg7[%swap3A_80, %swap3A_81] : memref<16x1xf32, #tpu.memory_space<vmem>>, vector<16x1xf32>
      tpu.vector_store %arg7[%swap3A_80, %swap3A_81], %add3A_79 {strides = array<i32>} : memref<16x1xf32, #tpu.memory_space<vmem>>, vector<16x1xf32>,
    } else {
    }
    return
  }
  func.func @transform_0(%arg0: i32) -> (i32, i32, i32) {
    %c0_i32 = arith.constant 0 : i32
    %c0_i32_0 = arith.constant 0 : i32
    %c0_i32_1 = arith.constant 0 : i32
    return %c0_i32, %arg0, %c0_i32_0 : i32, i32, i32
  }
  func.func @transform_1(%arg0: i32) -> (i32, i32, i32) {
    %c0_i32 = arith.constant 0 : i32
    %c0_i32_0 = arith.constant 0 : i32
    %c0_i32_1 = arith.constant 0 : i32
    return %c0_i32, %arg0, %c0_i32_0 : i32, i32, i32
  }
  func.func @transform_2(%arg0: i32) -> (i32, i32) {
    %c0_i32 = arith.constant 0 : i32
    %c0_i32_0 = arith.constant 0 : i32
    %c0_i32_1 = arith.constant 0 : i32
    return %c0_i32, %c0_i32_0 : i32, i32
  }
  func.func @transform_3(%arg0: i32) -> (i32, i32, i32) {
    %c0_i32 = arith.constant 0 : i32
    %c0_i32_0 = arith.constant 0 : i32
    %c0_i32_1 = arith.constant 0 : i32
    return %arg0, %c0_i32, %c0_i32_0 : i32, i32, i32
  }
  func.func @transform_4(%arg0: i32) -> (i32, i32) {
    %c0_i32 = arith.constant 0 : i32
    %c0_i32_0 = arith.constant 0 : i32
    %c0_i32_1 = arith.constant 0 : i32
    return %c0_i32, %c0_i32_0 : i32, i32
  }
  func.func @transform_5(%arg0: i32) -> (i32, i32) {
    %c0_i32 = arith.constant 0 : i32
    %c0_i32_0 = arith.constant 0 : i32
    %c0_i32_1 = arith.constant 0 : i32
    return %c0_i32, %c0_i32_0 : i32, i32
  }
  func.func @transform_6(%arg0: i32) -> (i32, i32) {
    %c0_i32 = arith.constant 0 : i32
    %c0_i32_0 = arith.constant 0 : i32
    %c0_i32_1 = arith.constant 0 : i32
    return %c0_i32, %c0_i32_0 : i32, i32
  }
}

</mosaic_0001>

<sc_bundles>
// kernel: kernel.10.cloned.1.call-start
scs
__scs_entry_jumppad:
0x0: {  	(pc) =	sbr.rel $0x88, $3  }
0x1: {  	(tag) =	ssettag $0x0;
	lr =	simm.s32 $0x1  }
0x2: {  	[smem:$0x3F90] =	sst lr;
	_ =	strace $0xD0000000  }
0x3: {  	_ = 	snop  }
0x4: {  	_ = 	snop  }
0x5: {  	_ = 	snop  }
0x6: {  	_ = 	snop  }
0x7: {  	_ = 	snop  }
__scs_overlays_trampoline_lowered:
0x8: {  	[smem:$0x3F9F] =	sst s0  }
0x9: {  	[smem:$0x3FA0] =	sst s1  }
0xa: {  	[smem:$0x3FA1] =	sst s2  }
0xb: {  	[smem:$0x3FA2] =	sst s3  }
0xc: {  	[smem:$0x3FA3] =	sst s4  }
0xd: {  	[smem:$0x3FA4] =	sst s5  }
0xe: {  	[smem:$0x3FA5] =	sst s6  }
0xf: {  	[smem:$0x3FA6] =	sst s7  }
0x10: {  	[smem:$0x3FA7] =	sst s8  }
0x11: {  	[smem:$0x3FA8] =	sst s9;
	s0 =	simm.s32 @!p0 $0x0  }
0x12: {  	s1 =	sld [smem:$0x3F8E];
	s0 =	simm.s32 @p0 $0x1  }
0x13: {  	[smem:$0x3FA9] =	sst s0;
	s0 =	simm.s32 @!p1 $0x0  }
0x14: {  	s2 =	sld [smem:$0x3F8D];
	s0 =	simm.s32 @p1 $0x1  }
0x15: {  	[smem:$0x3FAA] =	sst s0;
	s0 =	simm.s32 @!p2 $0x0  }
0x16: {  	s3 =	sld [smem:$0x3FDB];
	s0 =	simm.s32 @p2 $0x1  }
0x17: {  	s4 =	simm.s32 $0x1BF5;
	[smem:$0x3FAC] =	sst s0  }
0x18: {  	s0 =	sld [smem:$0x3F8F];
	_ =	swait.ge [sflag:s4], $0x0  }
0x19: {  	s7 =	sld [smem:$0x3F90]  }
0x1a: {  	s8 =	sadd.s32 $0xFFFFE003, lr  }
0x1b: {  	s9 =	sadd.s32 $0xFFFFFEF7, lr;
	s5 =	simm.s32 $0xFFFFFFFF;
	p2 =	slt.u32 s8, $0xFFFFF086  }
0x1c: {  	p1 =	slt.u32 s9, $0xF7A;
	s5 =	simm.s32 @!p2 $0x0  }
0x1d: {  	s5 =	simm.s32 @p1 $0x1;
	p0 =	seq.s32 s7, s2  }
0x1e: {  	s7 =	smul.u32 @!p0 $0xF7A, s2;
	p2 =	seq.s32 @!p0 s5, $0x0  }
0x1f: {  	s9 =	smul.u32 $0xF7A, s1;
	s8 =	simm.s32 @!p0 $0x1BF5;
	p2 =	por !p2, p0  }
0x20: {  	[sflag:s8] =	ssyncset.s32 @!p0 $0xFFFFF086;
	s6 =	sadd.s32 @!p0 s3, s7;
	s7 =	simm.s32 @!p0 $0x108  }
0x21: {  	s3 =	sadd.s32 s3, s9;
	s6 =	sadd.s32 @!p0 $0x88, s6;
	s7 =	simm.s32 @p2 $0x1082  }
0x22: {  	[simem:s7], [sflag:s8] =	dma.local @!p0 [hbm:s6], $0xF7A  }
0x23: {  	s9 =	sor.u32 $0xD0000000, s2;
	s6 =	simm.s32 $0x108;
	_ =	swait.ge @!p0 [sflag:s8], $0x0  }
0x24: {  	s3 =	sadd.s32 $0x88, s3;
	s6 =	simm.s32 @!p1 $0x1082;
	[sflag:s4] =	ssyncset.s32 $0xFFFFF086  }
0x25: {  	[simem:s6], [sflag:s4] =	dma.local [hbm:s3], $0xF7A  }
0x26: {  	[smem:$0x3F90] =	sst s1;
	(tag) =	ssettag s2;
	_ =	strace s9  }
0x27: {  	s1 =	sld [smem:$0x3FA0]  }
0x28: {  	s2 =	sld [smem:$0x3FA1]  }
0x29: {  	s4 =	sld [smem:$0x3FA3]  }
0x2a: {  	p0 =	seq.s32 s5, $0x0;
	s5 =	sld [smem:$0x3FA4]  }
0x2b: {  	s6 =	sld [smem:$0x3FA5]  }
0x2c: {  	s7 =	sld [smem:$0x3FA6]  }
0x2d: {  	s3 =	simm.s32 $0x108;
	s8 =	sld [smem:$0x3FA7]  }
0x2e: {  	s3 =	simm.s32 @!p0 $0x1082;
	s9 =	sld [smem:$0x3FA8]  }
0x2f: {  	lr =	sadd.s32 s0, s3;
	s0 =	sld [smem:$0x3F9F]  }
0x30: {  	s3 =	sld [smem:$0x3FA2]  }
0x31: {  	[smem:$0x3FAB] =	sst s10  }
0x32: {  	s10 =	sld [smem:$0x3FA9];
	_ =	sdelay $0x3  }
0x33: {  	p0 =	seq.s32 s10, $0x1;
	s10 =	sld [smem:$0x3FAB];
	_ =	sdelay $0x3  }
0x34: {  	[smem:$0x3FAB] =	sst s10  }
0x35: {  	s10 =	sld [smem:$0x3FAA];
	_ =	sdelay $0x3  }
0x36: {  	p1 =	seq.s32 s10, $0x1;
	s10 =	sld [smem:$0x3FAB];
	_ =	sdelay $0x3  }
0x37: {  	[smem:$0x3FAB] =	sst s10  }
0x38: {  	s10 =	sld [smem:$0x3FAC]  }
0x39: {  	_ = 	snop;
	(pc) =	sbr.ind lr, $3  }
0x3a: {  	_ = 	snop  }
0x3b: {  	_ = 	snop  }
0x3c: {  	p2 =	seq.s32 s10, $0x1;
	s10 =	sld [smem:$0x3FAB]  }
0x3d: {  	_ =	shalt  }
0x3e: {  	_ =	shalt  }
0x3f: {  	_ =	shalt  }
0x40: {  	_ =	shalt  }
0x41: {  	_ =	shalt  }
0x42: {  	_ =	shalt  }
0x43: {  	_ =	shalt  }
0x44: {  	_ =	shalt  }
0x45: {  	_ =	shalt  }
0x46: {  	_ =	shalt  }
0x47: {  	_ =	shalt  }
0x48: {  	_ =	shalt  }
0x49: {  	_ =	shalt  }
0x4a: {  	_ =	shalt  }
0x4b: {  	_ =	shalt  }
0x4c: {  	_ =	shalt  }
0x4d: {  	_ =	shalt  }
0x4e: {  	_ =	shalt  }
0x4f: {  	_ =	shalt  }
0x50: {  	_ =	shalt  }
0x51: {  	_ =	shalt  }
0x52: {  	_ =	shalt  }
0x53: {  	_ =	shalt  }
0x54: {  	_ =	shalt  }
0x55: {  	_ =	shalt  }
0x56: {  	_ =	shalt  }
0x57: {  	_ =	shalt  }
0x58: {  	_ =	shalt  }
0x59: {  	_ =	shalt  }
0x5a: {  	_ =	shalt  }
0x5b: {  	_ =	shalt  }
0x5c: {  	_ =	shalt  }
0x5d: {  	_ =	shalt  }
0x5e: {  	_ =	shalt  }
0x5f: {  	_ =	shalt  }
0x60: {  	_ =	shalt  }
0x61: {  	_ =	shalt  }
0x62: {  	_ =	shalt  }
0x63: {  	_ =	shalt  }
0x64: {  	_ =	shalt  }
0x65: {  	_ =	shalt  }
0x66: {  	_ =	shalt  }
0x67: {  	_ =	shalt  }
0x68: {  	_ =	shalt  }
0x69: {  	_ =	shalt  }
0x6a: {  	_ =	shalt  }
0x6b: {  	_ =	shalt  }
0x6c: {  	_ =	shalt  }
0x6d: {  	_ =	shalt  }
0x6e: {  	_ =	shalt  }
0x6f: {  	_ =	shalt  }
0x70: {  	_ =	shalt  }
0x71: {  	_ =	shalt  }
0x72: {  	_ =	shalt  }
0x73: {  	_ =	shalt  }
0x74: {  	_ =	shalt  }
0x75: {  	_ =	shalt  }
0x76: {  	_ =	shalt  }
0x77: {  	_ =	shalt  }
0x78: {  	_ =	shalt  }
0x79: {  	_ =	shalt  }
0x7a: {  	_ =	shalt  }
0x7b: {  	_ =	shalt  }
0x7c: {  	_ =	shalt  }
0x7d: {  	_ =	shalt  }
0x7e: {  	_ =	shalt  }
0x7f: {  	_ =	shalt  }
0x80: {  	_ =	shalt  }
0x81: {  	_ =	shalt  }
0x82: {  	_ =	shalt  }
0x83: {  	_ =	shalt  }
0x84: {  	_ =	shalt  }
0x85: {  	_ =	shalt  }
0x86: {  	_ =	shalt  }
0x87: {  	_ =	shalt  }
.Lfunc_end0:
.L_simem_size_0:
called_computation.1_lowered:
.L_overlay_start_0:
0x88: {  	s2 =	sld [smem:$0x3FD9]  }
0x89: {  	s3 =	sld [smem:$0x3FFE];
	_ =	sdelay $0x1  }
0x8a: {  	s1 =	srdreg.scid  }
0x8b: {  	s0 =	sand.u32 $0x1, s1  }
0x8c: {  	s17 =	sshll.u32 s0, $0xA;
	s2 =	sadd.s32 s3, s2  }
0x8d: {  	s2 =	sadd.s32 s2, s17  }
0x8e: {  	[smem:$0x3FB7] =	sst s2  }
0x8f: {  	_ = 	snop  }
0x90: {  	s2 =	sld [smem:$0x3FBC];
	(tm) =	ssettm $0x1  }
0x91: {  	s18 =	sld [smem:$0x3FFB];
	_ =	sdelay $0x3  }
0x92: {  	_ =	strace s18  }
0x93: {  	s3 =	sld [smem:$0x3FFC];
	_ =	sdelay $0x3  }
0x94: {  	_ =	strace s3  }
0x95: {  	s3 =	sld [smem:$0x3FFD];
	_ =	sdelay $0x3  }
0x96: {  	_ =	strace s3  }
0x97: {  	_ =	strace $0x8FFFFFFF  }
0x98: {  	s19 =	sld [smem:$0x3FDB];
	_ =	sdelay $0x1  }
0x99: {  	s4 =	simm.s32 $_scs_section_size  }
0x9a: {  	s5 =	simm.s32 $_size__tile_overlayer_lowered;
	s6 =	simm.s32 $_tile_overlayer_lowered  }
0x9b: {  	s22 =	simm.s32 $0x1BFF;
	s21 =	sshll.u32 s6, $0x1;
	s3 =	sadd.s32 s4, s19  }
0x9c: {  	s7 =	simm.s32 $0x0;
	s20 =	sshll.u32 s5, $0x1;
	s5 =	sadd.s32 s21, s3  }
0x9d: {  	[timem:s7], [sflag:s22] =	dma.local [hbm:s5], s20  }
0x9e: {  	_ =	swait.ge [sflag:s22], s20  }
0x9f: {  	s4 =	ssub.s32 $0x0, s20;
	[sflag:s22] =	ssyncset.done $0x0  }
0xa0: {  	[sflag:s22] =	ssyncadd.s32 s4;
	_ =	sdelay $0x1  }
0xa1: {  	s23 =	simm.s32 $0x1B8B  }
0xa2: {  	_ =	swait.ge [sflag:s23], $0x1  }
0xa3: {  	[sflag:s23] =	ssyncset.done $0x0  }
0xa4: {  	s25 =	simm.s32 $0x1B8E;
	s24 =	sld [smem:$0x3FFE];
	[sflag:s23] =	ssyncadd.s32 $0xFFFFFFFF  }
0xa5: {  	s26 =	simm.s32 $execute0_lowered;
	[smem:$0x3FD2] =	sst s25  }
0xa6: {  	s5 =	sshll.u32 s26, $0x1;
	_ =	strace $0x80000049;
	[dreg:$0x1] =	wrdreg $0xFFFFFFFF  }
0xa7: {  	s28 =	simm.s32 $_size_execute0_lowered;
	s3 =	sadd.s32 s3, s5;
	[dreg:$0x0] =	wrdreg $0x0  }
0xa8: {  	s5 =	sshll.u32 s28, $0x1;
	[dreg:$0x2] =	wrdreg s3  }
0xa9: {  	[dreg:$0x3] =	wrdreg s5  }
0xaa: {  	[dreg:$0x4] =	wrdreg $0xC0  }
0xab: {  	_ =	task [dreg:s7], $0x5FFFF  }
0xac: {  	[dreg:$0x1] =	wrdreg $0xFFFFFFFF  }
0xad: {  	[dreg:$0x0] =	wrdreg $0x60  }
0xae: {  	[dreg:$0x2] =	wrdreg s24  }
0xaf: {  	[dreg:$0x3] =	wrdreg s2  }
0xb0: {  	[dreg:$0x4] =	wrdreg $0x82C00  }
0xb1: {  	[dreg:$0x5] =	wrdreg $0x122C00  }
0xb2: {  	[dreg:$0x6] =	wrdreg $0x9  }
0xb3: {  	_ =	task.clear_ibuf [dreg:s7], $0x7FFFF;
	_ =	strace $0x90000049  }
0xb4: {  	s29 =	simm.s32 $0x9;
	_ =	strace $0x8000004B  }
0xb5: {  	_ =	swait.ge [sflag:s29], $0x1  }
0xb6: {  	[sflag:s29] =	ssyncadd.s32 $0xFFFFFFFF  }
0xb7: {  	_ =	strace $0x9000004B  }
0xb8: {  	_ =	sfence  }
0xb9: {  	s30 =	sld [smem:$0x0];
	_ =	sdelay $0x2  }
0xba: {  	s31 =	sshll.u32 s1, $0xD;
	s1 =	sshrl.u32 s1, $0x2  }
0xbb: {  	s3 =	sand.u32 $0x4000, s31;
	s1 =	sadd.s32 s1, s30  }
0xbc: {  	s0 =	sor.u32 s3, s0;
	s1 =	sshll.u32 s1, $0x11  }
0xbd: {  	s0 =	sor.u32 s1, s0  }
0xbe: {  	s0 =	sadd.s32 $0x8F2B, s0  }
0xbf: {  	[sflag:s0] =	ssyncadd.remote.s32 $0x1  }
0xc0: {  	_ =	sfence.sel $0xFFFF  }
0xc1: {  	[dreg:$0x0] =	wrdreg $0xFFFFFFFF;
	(pc) =	sbr.abs _section_cstart, $3  }
0xc2: {  	[dreg:$0x1] =	wrdreg $0xFFFFFFFF  }
0xc3: {  	_ =	task.clear_ibuf [dreg:s7], $0x2FFFF;
	_ =	strace $0x9FFFFFFF  }
0xc4: {  	(tm) =	ssettm $0x7FFFFFFF  }
0xc5: {  	_ =	shalt  }
tec
execute0_lowered:
.L_overlay_start_1:
0x0: {  	(tag) =	ssettag $0x1  }
0x1: {  	s0 =	rddreg [dreg:$0x0]  }
0x2: {  	s2 =	rddreg [dreg:$0x2]  }
0x3: {  	s4 =	rddreg [dreg:$0x3];
	s5 =	simm.s32 $0x0  }
0x4: {  	s17 =	stileid.u32;
	s1 =	srdreg.scid;
	s28 =	simm.s32 $0x100  }
0x5: {  	s29 =	simm.s32 $0x180;
	s30 =	simm.s32 $0x1;
	s31 =	simm.s32 $0x200  }
0x6: {  	[smem:$0x7FF] =	sst s5;
	s3 =	smul.u32 $0xA000, s17;
	s1 =	sand.u32 $0x1, s1  }
0x7: {  	s6 =	sadd.s32 $0x16A00, s0;
	s7 =	sadd.s32 $0x2A00, s0;
	s8 =	sadd.s32 $0x35000, s0  }
0x8: {  	s9 =	sadd.s32 $0x2AA00, s0;
	s11 =	smul.u32 $0x280, s17;
	s16 =	sshll.u32 s17, $0x1  }
0x9: {  	s17 =	sshll.u32 s17, $0x6;
	_ =	strace $0x8000004A;
	s10 =	smul.u32 $0xA0000, s1  }
0xa: {  	s13 =	smul.u32 $0x2800, s1;
	s15 =	ssub.s32 $0x2, s1;
	s1 =	sor.u32 s1, s16  }
0xb: {  	s17 =	sor.u32 $0x1C07, s17;
	s16 =	simm.s32 $0x6;
	s12 =	sshrl.u32 s3, $0x3  }
0xc: {  	s14 =	sshrl.u32 s11, $0x3;
	s26 =	sshrl.u32 s15, $0x1;
	s1 =	smul.u32 $0x2900, s1  }
0xd: {  	s19 =	sadd.s32 s11, s4;
	[dreg:$0x7] =	wrdreg s17;
	s10 =	sadd.s32 s3, s10  }
0xe: {  	s12 =	sadd.s32 s12, s0;
	s14 =	sadd.s32 s14, s0;
	s13 =	sadd.s32 s11, s13  }
0xf: {  	s3 =	sadd.s32 s3, s2;
	[dreg:$0x8] =	wrdreg s19;
	s11 =	simm.s32 $0x3  }
0x10: {  	s10 =	sshrl.u32 s10, $0x3;
	s13 =	sshrl.u32 s13, $0x3;
	[dreg:$0x5] =	wrdreg s3  }
0x11: {  	s18 =	sadd.s32 $0x3F600, s12;
	s20 =	sadd.s32 $0x53600, s14;
	s21 =	sshrl.u32 s1, $0x3  }
0x12: {  	s19 =	sadd.s32 $0x100, s1;
	s14 =	simm.s32 $0x8200;
	s10 =	sadd.s32 s10, s0  }
0x13: {  	s0 =	sadd.s32 s13, s0;
	s13 =	ssub.s32 s15, s26;
	[dreg:$0x6] =	wrdreg s18  }
0x14: {  	[dreg:$0x9] =	wrdreg s20;
	s22 =	sadd.s32 s8, s21;
	s23 =	sadd.s32 s9, s21  }
0x15: {  	s3 =	sor.u32 $0x10, s21;
	s20 =	sadd.s32 $0x180, s1;
	[dreg:$0xa] =	wrdreg s22  }
0x16: {  	s1 =	simm.s32 $0x4200;
	[dreg:$0xb] =	wrdreg s23;
	s24 =	sadd.s32 s8, s3  }
0x17: {  	v0 =	vlaneseq.u32;
	s15 =	simm.s32 $0x5;
	s3 =	sadd.s32 s9, s3;
	[dreg:$0xc] =	wrdreg s24  }
0x18: {  	v0 =	vmul.u32 $0x40, v0;
	s18 =	simm.s32 $0x0;
	s25 =	sadd.s32 $0x53C00, s10;
	[dreg:$0xd] =	wrdreg s3  }
0x19: {  	s0 =	sadd.s32 $0x7BC00, s0;
	s26 =	smax.u32 s13, $0x1;
	[dreg:$0xe] =	wrdreg s25  }
0x1a: {  	v1 =	vor.u32 $0x400, v0;
	s10 =	simm.s32 $0x6200;
	s13 =	simm.s32 $0x4;
	[dreg:$0xf] =	wrdreg s0  }
0x1b: {  	v2 =	vor.u32 $0x800, v0;
	v3 =	vor.u32 $0xC00, v0;
	v4 =	vor.u32 $0x1000, v0;
	[dreg:$0x10] =	wrdreg s26;
	s24 =	simm.s32 $0x7;
	s25 =	simm.s32 $0x8280  }
0x1c: {  	v5 =	vor.u32 $0x1400, v0;
	v6 =	vor.u32 $0x1800, v0;
	v7 =	vor.u32 $0x1C00, v0;
	s26 =	simm.s32 $0x80;
	s0 =	simm.s32 $0x2200;
	s3 =	simm.s32 $0x2  }
.LBB2_1:
0x1d: {  	[dreg:$0x11] =	wrdreg s18  }
0x1e: {  	s12 =	rddreg [dreg:$0x5]  }
0x1f: {  	s23 =	rddreg [dreg:$0x6];
	s22 =	sshrl.u32 s12, $0x3  }
0x20: {  	[dreg:$0x12] =	wrdreg s22  }
0x21: {  	[spmem:s22], [sflag:s17] =	dma.local [hbm:s23], $0x1400  }
0x22: {  	_ =	swait.ge [sflag:s24], $0x1400  }
0x23: {  	s21 =	rddreg [dreg:$0x8]  }
0x24: {  	[sflag:s24] =	ssyncset.done $0x0;
	s23 =	rddreg [dreg:$0x9];
	s22 =	sshrl.u32 s21, $0x3  }
0x25: {  	[sflag:s24] =	ssyncadd.s32 $0xFFFFEC00;
	[dreg:$0x13] =	wrdreg s22  }
0x26: {  	[spmem:s22], [sflag:s17] =	dma.local [hbm:s23], $0x50  }
0x27: {  	_ =	swait.ge [sflag:s24], $0x50  }
0x28: {  	[sflag:s24] =	ssyncset.done $0x0  }
0x29: {  	[sflag:s24] =	ssyncadd.s32 $0xFFFFFFB0  }
0x2a: {  	s17 =	rddreg [dreg:$0x1]  }
0x2b: {  	[tilespmem:s25], [sflag:$0x7] =	stream.linear.gather [hbm4b:s17+s5], $0x40, $0x38;
	[tilespmem:$0x12540] =	vst v63  }
0x2c: {  	_ =	swait.ge [sflag:s24], $0x40  }
0x2d: {  	[sflag:s24] =	ssyncset.done $0x0  }
0x2e: {  	[sflag:s24] =	ssyncadd.s32 $0xFFFFFFC0  }
0x2f: {  	[bflag:$0x0] =	sbarrier.arrive $0xFFFF  }
0x30: {  	s18 =	rddreg [dreg:$0xa]  }
0x31: {  	[tilespmem:s5], [sflag:$0x1] =	stream.linear.gather [hbm4b:s18+s5], $0x80, $0x38;
	[tilespmem:$0x12540] =	vst v63  }
0x32: {  	s21 =	rddreg [dreg:$0xb]  }
0x33: {  	[tilespmem:s26], [sflag:$0x1] =	stream.linear.gather [hbm4b:s21+s5], $0x80, $0x38;
	[tilespmem:$0x12540] =	vst v63  }
0x34: {  	s22 =	rddreg [dreg:$0xc]  }
0x35: {  	[tilespmem:s28], [sflag:$0x2] =	stream.linear.gather [hbm4b:s22+s5], $0x80, $0x38;
	[tilespmem:$0x12540] =	vst v63  }
0x36: {  	s23 =	rddreg [dreg:$0xd]  }
0x37: {  	[tilespmem:s29], [sflag:$0x2] =	stream.linear.gather [hbm4b:s23+s5], $0x80, $0x38;
	[tilespmem:$0x12540] =	vst v63  }
0x38: {  	_ =	swait.ge [sflag:s30], $0x80  }
0x39: {  	[sflag:s30] =	ssyncset.done $0x0  }
0x3a: {  	[sflag:s30] =	ssyncadd.s32 $0xFFFFFF80  }
0x3b: {  	_ =	swait.ge [sflag:s30], $0x80  }
0x3c: {  	[sflag:s30] =	ssyncset.done $0x0  }
0x3d: {  	[sflag:s30] =	ssyncadd.s32 $0xFFFFFF80  }
0x3e: {  	[tilespmem:s31], [sflag:$0x3] =	stream.indirect.gather [hbm4b:s6+s26], $0x40, s5, s26, $0xb8;
	[tilespmem:$0x12540] =	vst v63  }
0x3f: {  	s22 =	simm.s32 $0x0  }
0x40: {  	[tilespmem:s0], [sflag:$0x4] =	stream.indirect.gather [hbm4b:s7+s26], $0x40, s26, s26, $0xb8;
	[tilespmem:$0x12540] =	vst v63  }
.LBB2_2:
0x41: {  	_ =	swait.ge [sflag:s3], $0x80  }
0x42: {  	[sflag:s3] =	ssyncset.done $0x0  }
0x43: {  	[sflag:s3] =	ssyncadd.s32 $0xFFFFFF80  }
0x44: {  	_ =	swait.ge [sflag:s3], $0x80  }
0x45: {  	[sflag:s3] =	ssyncset.done $0x0  }
0x46: {  	[sflag:s3] =	ssyncadd.s32 $0xFFFFFF80  }
0x47: {  	[tilespmem:s1], [sflag:$0x5] =	stream.indirect.gather [hbm4b:s6+s26], $0x40, s28, s26, $0xb8;
	[tilespmem:$0x12540] =	vst v63  }
0x48: {  	s12 =	simm.s32 $0x1  }
0x49: {  	[tilespmem:s10], [sflag:$0x6] =	stream.indirect.gather [hbm4b:s7+s26], $0x40, s29, s26, $0xb8;
	[tilespmem:$0x12540] =	vst v63  }
0x4a: {  	v8 =	vmov s12;
	_ =	swait.ge [sflag:s11], $0x2000  }
0x4b: {  	v9 =	vand.u32 $0x3F, v8;
	[sflag:s11] =	ssyncset.done $0x0  }
0x4c: {  	v10 =	vor.u32 v0, v9;
	[sflag:s11] =	ssyncadd.s32 $0xFFFFE000  }
0x4d: {  	_ =	swait.ge [sflag:s13], $0x2000  }
0x4e: {  	v11 =	vor.u32 v3, v9;
	[sflag:s13] =	ssyncset.done $0x0  }
0x4f: {  	[sflag:s13] =	ssyncadd.s32 $0xFFFFE000  }
0x50: {  	v12 =	vor.u32 v4, v9;
	v13 =	vld.idx.msk [tilespmem:v8+s25+$0x0], $0xffff  }
0x51: {  	v8 =	vld.idx.msk [tilespmem:v10+s0+$0x0], $0xffff  }
0x52: {  	v14 =	vor.u32 v1, v9;
	v10 =	vld.idx.msk [tilespmem:v10+s31+$0x0], $0xffff  }
0x53: {  	s18 =	simm.s32 $0x0;
	v16 =	vld.idx.msk [tilespmem:v11+s0+$0x0], $0xffff  }
0x54: {  	v15 =	vmov s18;
	v18 =	vor.u32 v5, v9;
	v11 =	vld.idx.msk [tilespmem:v11+s31+$0x0], $0xffff  }
0x55: {  	v17 =	vand.u32 $0x3E, v15;
	v20 =	vld.idx.msk [tilespmem:v12+s0+$0x0], $0xffff  }
0x56: {  	v22 =	vor.u32 v3, v17;
	v21 =	vld.idx.msk [tilespmem:v12+s31+$0x0], $0xffff  }
0x57: {  	v24 =	vor.u32 v7, v17;
	v23 =	vld.idx.msk [tilespmem:v14+s0+$0x0], $0xffff  }
0x58: {  	v25 =	vor.u32 v2, v17;
	v14 =	vld.idx.msk [tilespmem:v14+s31+$0x0], $0xffff  }
0x59: {  	v26 =	vld.idx.msk [tilespmem:v18+s0+$0x0], $0xffff  }
0x5a: {  	v18 =	vld.idx.msk [tilespmem:v18+s31+$0x0], $0xffff  }
0x5b: {  	v27 =	vor.u32 v6, v9;
	v30 =	vld.idx.msk [tilespmem:v22+s0+$0x0], $0xffff  }
0x5c: {  	v33 =	vor.u32 v7, v9;
	v31 =	vld.idx.msk [tilespmem:v24+s0+$0x0], $0xffff  }
0x5d: {  	v32 =	vld.idx.msk [tilespmem:v25+s0+$0x0], $0xffff  }
0x5e: {  	v29 =	vor.u32 v4, v17;
	v22 =	vld.idx.msk [tilespmem:v22+s31+$0x0], $0xffff  }
0x5f: {  	v25 =	vld.idx.msk [tilespmem:v25+s31+$0x0], $0xffff  }
0x60: {  	v19 =	vor.u32 v0, v17;
	v35 =	vor.u32 v1, v17;
	v36 =	vor.u32 v5, v17;
	v34 =	vld.idx.msk [tilespmem:v27+s0+$0x0], $0xffff  }
0x61: {  	v17 =	vor.u32 v6, v17;
	v12 =	vimm.f32 $0.0e+00;
	v37 =	vld.idx.msk [tilespmem:v33+s0+$0x0], $0xffff;
	v8 =	vadd.f32 v8, v10  }
0x62: {  	s21 =	simm.s32 $0x3;
	v38 =	vld.idx.msk [tilespmem:v24+s31+$0x0], $0xffff;
	v11 =	vadd.f32 v16, v11;
	v14 =	vadd.f32 v23, v14;
	v23 =	vor.u32 v2, v9  }
0x63: {  	v10 =	vld.idx.msk [tilespmem:v29+s0+$0x0], $0xffff;
	v20 =	vadd.f32 v20, v21;
	v24 =	vadd.f32 v26, v18;
	v18 =	vmov s21  }
0x64: {  	v21 =	vld.idx.msk [tilespmem:v33+s31+$0x0], $0xffff;
	v30 =	vadd.f32 v30, v22;
	v25 =	vadd.f32 v32, v25;
	v33 =	vand.u32 $0x3F, v18  }
0x65: {  	v16 =	vld.idx.msk [tilespmem:v27+s31+$0x0], $0xffff;
	v27 =	vmul.f32 $2.000000030e-01, v8;
	vm0 =	vgt.f32 v8, $0.0e+00;
	v9 =	vmul.f32 $2.000000030e-01, v11  }
0x66: {  	v29 =	vld.idx.msk [tilespmem:v29+s31+$0x0], $0xffff;
	vm13 =	vgt.f32 v11, $0.0e+00;
	vm14 =	vgt.f32 v14, $0.0e+00;
	vm2 =	vgt.f32 v20, $0.0e+00  }
0x67: {  	v28 =	vld.idx.msk [tilespmem:v19+s31+$0x0], $0xffff;
	v56 =	vor.u32 v4, v33;
	v41 =	vmul.f32 $2.000000030e-01, v24;
	v22 =	vor.u32 v0, v33  }
0x68: {  	v19 =	vld.idx.msk [tilespmem:v19+s0+$0x0], $0xffff;
	vm3 =	vgt.f32 v25, $0.0e+00;
	vm5 =	vgt.f32 v30, $0.0e+00;
	v48 =	vor.u32 v5, v33  }
0x69: {  	v8 =	vsel vm0, v8, v27;
	v27 =	vmul.f32 $2.000000030e-01, v14;
	v9 =	vsel vm13, v11, v9  }
0x6a: {  	v15 =	vld.idx.msk [tilespmem:v15+s25+$0x0], $0xffff;
	vm0 =	vgt.f32 v24, $0.0e+00;
	v16 =	vadd.f32 v34, v16;
	v9 =	vmul.f32 v9, v13  }
0x6b: {  	v11 =	vmul.f32 v8, v13;
	v8 =	vmul.f32 $2.000000030e-01, v20;
	v10 =	vadd.f32 v10, v29;
	v57 =	vld.idx.msk [tilespmem:v23+s31+$0x0], $0xffff  }
0x6c: {  	v29 =	vor.u32 v1, v33;
	v21 =	vadd.f32 v37, v21;
	v23 =	vld.idx.msk [tilespmem:v23+s0+$0x0], $0xffff;
	v24 =	vsel vm0, v24, v41  }
0x6d: {  	v14 =	vsel vm14, v14, v27;
	v27 =	vadd.f32 v19, v28;
	v19 =	vld.idx.msk [tilespmem:v35+s0+$0x0], $0xffff;
	v24 =	vmul.f32 v24, v13  }
0x6e: {  	v28 =	vld.idx.msk [tilespmem:v35+s31+$0x0], $0xffff;
	vm1 =	vgt.f32 v16, $0.0e+00;
	v26 =	vmul.f32 $2.000000030e-01, v16;
	v39 =	vmul.f32 v14, v13  }
0x6f: {  	v8 =	vsel vm2, v20, v8;
	v20 =	vmul.f32 $2.000000030e-01, v25;
	vm8 =	vgt.f32 v10, $0.0e+00;
	v49 =	vld.idx.msk [tilespmem:v56+s0+$0x0], $0xffff  }
0x70: {  	vm9 =	vgt.f32 v21, $0.0e+00;
	v52 =	vld.idx.msk [tilespmem:v56+s31+$0x0], $0xffff;
	v56 =	vor.u32 v6, v33;
	vm15 =	vgt.f32 v27, $0.0e+00  }
0x71: {  	v63 =	vmul.f32 $2.000000030e-01, v27;
	v45 =	vsel vm1, v16, v26;
	v16 =	vadd.f32 v31, v38  }
0x72: {  	v31 =	vmul.f32 $2.000000030e-01, v10;
	v25 =	vsel vm3, v25, v20;
	v20 =	vor.u32 v2, v33  }
0x73: {  	v26 =	vld.idx.msk [tilespmem:v17+s0+$0x0], $0xffff;
	v23 =	vadd.f32 v23, v57;
	v25 =	vmul.f32 v25, v15;
	v27 =	vsel vm15, v27, v63  }
0x74: {  	v17 =	vld.idx.msk [tilespmem:v17+s31+$0x0], $0xffff;
	v58 =	vmul.f32 $2.000000030e-01, v16;
	v19 =	vadd.f32 v19, v28;
	vm7 =	vgt.f32 v16, $0.0e+00  }
0x75: {  	v14 =	vld.idx.msk [tilespmem:v36+s0+$0x0], $0xffff;
	v28 =	vmul.f32 $2.000000030e-01, v30;
	v10 =	vsel vm8, v10, v31;
	v27 =	vmul.f32 v27, v15  }
0x76: {  	v34 =	vld.idx.msk [tilespmem:v48+s0+$0x0], $0xffff;
	v31 =	vor.u32 v3, v33;
	v10 =	vmul.f32 v10, v15;
	v42 =	vmul.f32 $2.000000030e-01, v23  }
0x77: {  	v40 =	vsel vm7, v16, v58;
	v16 =	vld.idx.msk [tilespmem:v36+s31+$0x0], $0xffff;
	v36 =	vmul.f32 v8, v13;
	v8 =	vmul.f32 $2.000000030e-01, v21  }
0x78: {  	v54 =	vld.idx.msk [tilespmem:v29+s0+$0x0], $0xffff;
	vm12 =	vgt.f32 v23, $0.0e+00;
	v25 =	vadd.f32 v25, v12;
	v41 =	vadd.f32 v49, v52  }
0x79: {  	v59 =	vmul.f32 $2.000000030e-01, v19;
	v35 =	vadd.f32 v26, v17;
	v26 =	vld.idx.msk [tilespmem:v22+s0+$0x0], $0xffff;
	v8 =	vsel vm9, v21, v8  }
0x7a: {  	vm10 =	vgt.f32 v19, $0.0e+00;
	v27 =	vadd.f32 v27, v12;
	v46 =	vmul.f32 v8, v13;
	v8 =	vld.idx.msk [tilespmem:v18+s25+$0x0], $0xffff  }
0x7b: {  	s23 =	simm.s32 $0x2;
	v23 =	vsel vm12, v23, v42;
	v18 =	vsel vm10, v19, v59;
	vm11 =	vgt.f32 v35, $0.0e+00;
	v61 =	vld.idx.msk [tilespmem:v31+s0+$0x0], $0xffff  }
0x7c: {  	v44 =	vmul.f32 $2.000000030e-01, v35;
	v31 =	vld.idx.msk [tilespmem:v31+s31+$0x0], $0xffff;
	v43 =	vadd.f32 v14, v16;
	v14 =	vmov s23  }
0x7d: {  	v16 =	vmul.f32 v18, v15;
	v18 =	vadd.f32 v10, v12;
	v10 =	vld.idx.msk [tilespmem:v22+s31+$0x0], $0xffff;
	v60 =	vand.u32 $0x3E, v14  }
0x7e: {  	v29 =	vld.idx.msk [tilespmem:v29+s31+$0x0], $0xffff;
	v11 =	vadd.f32 v11, v27;
	v58 =	vsel vm11, v35, v44;
	v47 =	vor.u32 v0, v60  }
0x7f: {  	v37 =	vld.idx.msk [tilespmem:v48+s31+$0x0], $0xffff;
	v59 =	vmul.f32 v23, v13;
	v63 =	vmul.f32 v58, v15;
	v22 =	vor.u32 v3, v60  }
0x80: {  	v48 =	vld.idx.msk [tilespmem:v56+s0+$0x0], $0xffff;
	v62 =	vadd.f32 v16, v12;
	v19 =	vor.u32 v1, v60;
	v53 =	vor.u32 v7, v60  }
0x81: {  	v23 =	vld.idx.msk [tilespmem:v20+s31+$0x0], $0xffff;
	v21 =	vor.u32 v2, v60;
	v50 =	vmul.f32 $2.000000030e-01, v43;
	v51 =	vor.u32 v4, v60  }
0x82: {  	vm4 =	vgt.f32 v43, $0.0e+00;
	v31 =	vadd.f32 v61, v31;
	v61 =	vld.idx.msk [tilespmem:v56+s31+$0x0], $0xffff;
	v55 =	vadd.f32 v26, v10  }
0x83: {  	v18 =	vadd.f32 v36, v18;
	v36 =	vadd.f32 v54, v29;
	v26 =	vsel vm5, v30, v28;
	v32 =	vld.idx.msk [tilespmem:v47+s31+$0x0], $0xffff  }
0x84: {  	v54 =	vor.u32 v7, v33;
	v57 =	vmul.f32 v26, v15;
	v28 =	vmul.f32 $2.000000030e-01, v55;
	v26 =	vld.idx.msk [tilespmem:v22+s0+$0x0], $0xffff  }
0x85: {  	v29 =	vsel vm4, v43, v50;
	v10 =	vadd.f32 v39, v62;
	vm13 =	vgt.f32 v55, $0.0e+00;
	v30 =	vld.idx.msk [tilespmem:v53+s0+$0x0], $0xffff  }
0x86: {  	v29 =	vmul.f32 v29, v15;
	v39 =	vld.idx.msk [tilespmem:v51+s0+$0x0], $0xffff;
	v38 =	vsel vm13, v55, v28;
	v55 =	vmul.f32 $2.000000030e-01, v31  }
0x87: {  	v17 =	vor.u32 v5, v60;
	v16 =	vor.u32 v6, v60;
	vm14 =	vgt.f32 v31, $0.0e+00;
	v35 =	vld.idx.msk [tilespmem:v47+s0+$0x0], $0xffff  }
0x88: {  	v33 =	vld.idx.msk [tilespmem:v51+s31+$0x0], $0xffff;
	v27 =	vadd.f32 v29, v12;
	v42 =	vsel vm14, v31, v55;
	v31 =	vmul.f32 v40, v15  }
0x89: {  	v60 =	vmul.f32 $2.000000030e-01, v36;
	v29 =	vadd.f32 v63, v12;
	v44 =	vld.idx.msk [tilespmem:v53+s31+$0x0], $0xffff;
	v62 =	vadd.f32 v57, v12  }
0x8a: {  	vm15 =	vgt.f32 v36, $0.0e+00;
	v28 =	vld.idx.msk [tilespmem:v21+s0+$0x0], $0xffff;
	v15 =	vadd.f32 v59, v25;
	v25 =	vadd.f32 v31, v12  }
0x8b: {  	v43 =	vsel vm15, v36, v60;
	v9 =	vadd.f32 v9, v62;
	v40 =	vld.idx.msk [tilespmem:v54+s0+$0x0], $0xffff;
	v31 =	vadd.f32 v48, v61  }
0x8c: {  	s18 =	simm.s32 $0x4;
	v12 =	vadd.f32 v46, v25;
	v46 =	vmul.f32 v45, v13;
	v45 =	vld.idx.msk [tilespmem:v54+s31+$0x0], $0xffff;
	v13 =	vadd.f32 v24, v27  }
.LBB2_3:
0x8d: {  	s21 =	sadd.s32 $0x1, s18  }
0x8e: {  	p0 =	slt.u32 s18, $0x3E;
	v22 =	vld.idx.msk [tilespmem:v22+s31+$0x0], $0xffff;
	v25 =	vmul.f32 v42, v8;
	vm2 =	vgt.f32 v41, $0.0e+00;
	v24 =	vadd.f32 v34, v37;
	s12 =	smov.u32 s18;
	s18 =	sadd.s32 $0x2, s18  }
0x8f: {  	v27 =	vmul.f32 v38, v8;
	v37 =	vmul.f32 $2.000000030e-01, v41;
	v34 =	vmov s21;
	v21 =	vld.idx.msk [tilespmem:v21+s31+$0x0], $0xffff  }
0x90: {  	v35 =	vadd.f32 v35, v32;
	vm1 =	vgt.f32 v31, $0.0e+00;
	v38 =	vmul.f32 $2.000000030e-01, v31;
	v32 =	vld.idx.msk [tilespmem:v19+s0+$0x0], $0xffff  }
0x91: {  	v29 =	vadd.f32 v46, v29;
	v36 =	vand.u32 $0x3F, v34;
	v39 =	vadd.f32 v39, v33;
	v19 =	vld.idx.msk [tilespmem:v19+s31+$0x0], $0xffff  }
0x92: {  	v33 =	vmul.f32 $2.000000030e-01, v24;
	v42 =	vor.u32 v1, v36;
	v46 =	vor.u32 v4, v36;
	v47 =	vld.idx.msk [tilespmem:v17+s0+$0x0], $0xffff  }
0x93: {  	v43 =	vmul.f32 v43, v8;
	vm0 =	vgt.f32 v24, $0.0e+00;
	v31 =	vsel vm1, v31, v38;
	v48 =	vld.idx.msk [tilespmem:v16+s0+$0x0], $0xffff  }
0x94: {  	vm1 =	vgt.f32 v35, $0.0e+00;
	v26 =	vadd.f32 v26, v22;
	v22 =	vadd.f32 v30, v44;
	v20 =	vld.idx.msk [tilespmem:v20+s0+$0x0], $0xffff  }
0x95: {  	v38 =	vadd.f32 v40, v45;
	v30 =	vor.u32 v0, v36;
	v44 =	vld.idx.msk [tilespmem:v14+s25+$0x0], $0xffff;
	v14 =	vmul.f32 $2.000000030e-01, v39  }
0x96: {  	v37 =	vsel vm2, v41, v37;
	v28 =	vadd.f32 v28, v21;
	v21 =	vmul.f32 $2.000000030e-01, v22;
	v17 =	vld.idx.msk [tilespmem:v17+s31+$0x0], $0xffff  }
0x97: {  	vm2 =	vgt.f32 v22, $0.0e+00;
	v19 =	vadd.f32 v32, v19;
	v32 =	vmul.f32 $2.000000030e-01, v26;
	v16 =	vld.idx.msk [tilespmem:v16+s31+$0x0], $0xffff  }
0x98: {  	v45 =	vmul.f32 v37, v8;
	v40 =	vmul.f32 $2.000000030e-01, v28;
	v41 =	vsel vm2, v22, v21  }
0x99: {  	vm3 =	vgt.f32 v28, $0.0e+00;
	vm2 =	vgt.f32 v39, $0.0e+00;
	v21 =	vmul.f32 $2.000000030e-01, v38  }
0x9a: {  	v22 =	vmul.f32 $2.000000030e-01, v19;
	v14 =	vsel vm2, v39, v14;
	vm2 =	vgt.f32 v38, $0.0e+00  }
0x9b: {  	v37 =	vor.u32 v3, v36;
	v21 =	vsel vm2, v38, v21;
	v14 =	vmul.f32 v14, v44  }
0x9c: {  	vm2 =	vgt.f32 v19, $0.0e+00;
	v23 =	vadd.f32 v20, v23;
	v49 =	vmul.f32 v21, v8  }
0x9d: {  	v19 =	vsel vm2, v19, v22;
	v39 =	vadd.f32 v47, v17;
	v47 =	vadd.f32 v48, v16;
	v50 =	vld.idx.msk [tilespmem:v34+s25+$0x0], $0xffff  }
0x9e: {  	vm5 =	vgt.f32 v26, $0.0e+00;
	v16 =	vmul.f32 v19, v44;
	v18 =	vadd.f32 v14, v18;
	v20 =	vld.idx.msk [tilespmem:v30+s0+$0x0], $0xffff  }
0x9f: {  	v14 =	vmov s12;
	v48 =	vmul.f32 $2.000000030e-01, v23;
	vm2 =	vgt.f32 v47, $0.0e+00;
	v30 =	vld.idx.msk [tilespmem:v30+s31+$0x0], $0xffff  }
0xa0: {  	v34 =	vand.u32 $0x3E, v14;
	v10 =	vadd.f32 v16, v10;
	v51 =	vmul.f32 $2.000000030e-01, v47;
	v38 =	vld.idx.msk [tilespmem:v37+s0+$0x0], $0xffff  }
0xa1: {  	v53 =	vor.u32 v5, v36;
	v52 =	vor.u32 v0, v34;
	v19 =	vor.u32 v1, v34;
	v37 =	vld.idx.msk [tilespmem:v37+s31+$0x0], $0xffff  }
0xa2: {  	v55 =	vmul.f32 $2.000000030e-01, v39;
	v21 =	vor.u32 v2, v34;
	v22 =	vor.u32 v3, v34;
	v54 =	vld.idx.msk [tilespmem:v46+s0+$0x0], $0xffff  }
0xa3: {  	vm4 =	vgt.f32 v39, $0.0e+00;
	v56 =	vor.u32 v4, v34;
	v17 =	vor.u32 v5, v34;
	v46 =	vld.idx.msk [tilespmem:v46+s31+$0x0], $0xffff  }
0xa4: {  	v28 =	vsel vm3, v28, v40;
	v16 =	vor.u32 v6, v34;
	v57 =	vor.u32 v7, v34;
	v58 =	vld.idx.msk [tilespmem:v42+s0+$0x0], $0xffff  }
0xa5: {  	vm3 =	vgt.f32 v23, $0.0e+00;
	v30 =	vadd.f32 v20, v30;
	v20 =	vor.u32 v2, v36;
	v40 =	vld.idx.msk [tilespmem:v42+s31+$0x0], $0xffff  }
0xa6: {  	v59 =	vor.u32 v6, v36;
	v26 =	vsel vm5, v26, v32;
	v10 =	vadd.f32 v43, v10;
	v34 =	vld.idx.msk [tilespmem:v53+s0+$0x0], $0xffff  }
0xa7: {  	v60 =	vmul.f32 v26, v44;
	v42 =	vmul.f32 $2.000000030e-01, v30;
	v43 =	vadd.f32 v38, v37;
	v32 =	vld.idx.msk [tilespmem:v52+s31+$0x0], $0xffff  }
0xa8: {  	v28 =	vmul.f32 v28, v44;
	vm5 =	vgt.f32 v30, $0.0e+00;
	v37 =	vld.idx.msk [tilespmem:v53+s31+$0x0], $0xffff;
	v53 =	vmul.f32 $2.000000030e-01, v35  }
0xa9: {  	v23 =	vsel vm3, v23, v48;
	v38 =	vsel vm5, v30, v42;
	v42 =	vmul.f32 $2.000000030e-01, v43;
	v26 =	vld.idx.msk [tilespmem:v22+s0+$0x0], $0xffff  }
0xaa: {  	v15 =	vadd.f32 v28, v15;
	v18 =	vadd.f32 v45, v18;
	vm3 =	vgt.f32 v43, $0.0e+00;
	v30 =	vld.idx.msk [tilespmem:v57+s0+$0x0], $0xffff  }
0xab: {  	v41 =	vmul.f32 v41, v44;
	v42 =	vsel vm3, v43, v42;
	v35 =	vsel vm1, v35, v53;
	v28 =	vld.idx.msk [tilespmem:v21+s0+$0x0], $0xffff  }
0xac: {  	v36 =	vor.u32 v7, v36;
	v40 =	vadd.f32 v58, v40;
	v43 =	vsel vm4, v39, v55;
	v45 =	vld.idx.msk [tilespmem:v59+s0+$0x0], $0xffff  }
0xad: {  	v48 =	vmul.f32 v23, v8;
	v47 =	vsel vm2, v47, v51;
	v35 =	vmul.f32 v35, v44;
	v39 =	vld.idx.msk [tilespmem:v56+s0+$0x0], $0xffff  }
0xae: {  	v9 =	vadd.f32 v60, v9;
	v55 =	vmul.f32 v43, v44;
	v51 =	vmul.f32 $2.000000030e-01, v40;
	v53 =	vld.idx.msk [tilespmem:v59+s31+$0x0], $0xffff  }
0xaf: {  	v44 =	vmul.f32 v47, v44;
	vm1 =	vgt.f32 v40, $0.0e+00;
	v11 =	vadd.f32 v35, v11;
	v23 =	vld.idx.msk [tilespmem:v20+s31+$0x0], $0xffff  }
.Ltmp0:
0xb0: {  	v9 =	vadd.f32 v25, v9;
	v15 =	vadd.f32 v48, v15;
	v43 =	vsel vm1, v40, v51;
	v35 =	vld.idx.msk [tilespmem:v52+s0+$0x0], $0xffff;
	(pc) =	sbr.rel @p0 .LBB2_3-.Ltmp0, $4  }
0xb1: {  	v24 =	vsel vm0, v24, v33;
	v12 =	vadd.f32 v41, v12;
	v11 =	vadd.f32 v27, v11;
	v40 =	vld.idx.msk [tilespmem:v36+s0+$0x0], $0xffff  }
0xb2: {  	v24 =	vmul.f32 v24, v8;
	v13 =	vadd.f32 v55, v13;
	v29 =	vadd.f32 v44, v29;
	v33 =	vld.idx.msk [tilespmem:v56+s31+$0x0], $0xffff  }
0xb3: {  	v12 =	vadd.f32 v49, v12;
	v41 =	vadd.f32 v54, v46;
	v46 =	vmul.f32 v31, v8;
	v44 =	vld.idx.msk [tilespmem:v57+s31+$0x0], $0xffff  }
0xb4: {  	v8 =	vmov v50;
	v13 =	vadd.f32 v24, v13;
	v31 =	vadd.f32 v45, v53;
	v45 =	vld.idx.msk [tilespmem:v36+s31+$0x0], $0xffff  }
0xb5: {  	_ =	sdelay $0x3  }
0xb6: {  	v22 =	vld.idx.msk [tilespmem:v22+s31+$0x0], $0xffff  }
0xb7: {  	v21 =	vld.idx.msk [tilespmem:v21+s31+$0x0], $0xffff  }
0xb8: {  	v63 =	vld.idx.msk [tilespmem:v19+s0+$0x0], $0xffff  }
0xb9: {  	v19 =	vld.idx.msk [tilespmem:v19+s31+$0x0], $0xffff  }
0xba: {  	v24 =	vmul.f32 v42, v8;
	vm2 =	vgt.f32 v41, $0.0e+00;
	v25 =	vadd.f32 v34, v37;
	v47 =	vld.idx.msk [tilespmem:v17+s0+$0x0], $0xffff  }
0xbb: {  	v27 =	vmul.f32 v38, v8;
	v62 =	vmul.f32 $2.000000030e-01, v41;
	v32 =	vadd.f32 v35, v32;
	v50 =	vld.idx.msk [tilespmem:v16+s0+$0x0], $0xffff  }
0xbc: {  	v29 =	vadd.f32 v46, v29;
	v49 =	vmul.f32 v43, v8;
	v20 =	vld.idx.msk [tilespmem:v20+s0+$0x0], $0xffff;
	vm1 =	vgt.f32 v31, $0.0e+00  }
0xbd: {  	v14 =	vld.idx.msk [tilespmem:v14+s25+$0x0], $0xffff;
	v36 =	vmul.f32 $2.000000030e-01, v31;
	v33 =	vadd.f32 v39, v33;
	v48 =	vmul.f32 $2.000000030e-01, v25  }
0xbe: {  	v17 =	vld.idx.msk [tilespmem:v17+s31+$0x0], $0xffff;
	vm0 =	vgt.f32 v25, $0.0e+00;
	vm9 =	vgt.f32 v32, $0.0e+00;
	v34 =	vsel vm2, v41, v62  }
0xbf: {  	v16 =	vld.idx.msk [tilespmem:v16+s31+$0x0], $0xffff;
	v62 =	vmul.f32 $2.000000030e-01, v32;
	v31 =	vsel vm1, v31, v36;
	v30 =	vadd.f32 v30, v44  }
0xc0: {  	v56 =	vmul.f32 v34, v8;
	v51 =	vmul.f32 $2.000000030e-01, v33;
	v52 =	vadd.f32 v40, v45  }
0xc1: {  	vm11 =	vgt.f32 v33, $0.0e+00;
	v32 =	vsel vm9, v32, v62;
	v22 =	vadd.f32 v26, v22  }
0xc2: {  	v21 =	vadd.f32 v28, v21;
	v53 =	vmul.f32 $2.000000030e-01, v30;
	v19 =	vadd.f32 v63, v19  }
0xc3: {  	vm10 =	vgt.f32 v30, $0.0e+00;
	v20 =	vadd.f32 v20, v23;
	v17 =	vadd.f32 v47, v17  }
0xc4: {  	v16 =	vadd.f32 v50, v16;
	v32 =	vmul.f32 v32, v14;
	v57 =	vmul.f32 $2.000000030e-01, v52  }
0xc5: {  	v26 =	vsel vm11, v33, v51;
	vm12 =	vgt.f32 v52, $0.0e+00;
	v54 =	vmul.f32 $2.000000030e-01, v22  }
0xc6: {  	v55 =	vmul.f32 $2.000000030e-01, v21;
	v28 =	vsel vm10, v30, v53;
	vm3 =	vgt.f32 v21, $0.0e+00  }
0xc7: {  	v58 =	vmul.f32 $2.000000030e-01, v19;
	v26 =	vmul.f32 v26, v14;
	vm13 =	vgt.f32 v19, $0.0e+00  }
0xc8: {  	vm14 =	vgt.f32 v22, $0.0e+00;
	vm4 =	vgt.f32 v16, $0.0e+00;
	v60 =	vmul.f32 $2.000000030e-01, v20  }
0xc9: {  	v61 =	vmul.f32 $2.000000030e-01, v16;
	vm5 =	vgt.f32 v17, $0.0e+00;
	vm15 =	vgt.f32 v20, $0.0e+00  }
0xca: {  	v11 =	vadd.f32 v32, v11;
	v34 =	vsel vm12, v52, v57;
	v63 =	vmul.f32 v28, v14  }
0xcb: {  	v59 =	vmul.f32 v34, v8;
	v19 =	vsel vm13, v19, v58;
	v18 =	vadd.f32 v26, v18  }
0xcc: {  	v21 =	vsel vm3, v21, v55;
	v22 =	vsel vm14, v22, v54;
	v20 =	vsel vm15, v20, v60  }
0xcd: {  	v11 =	vadd.f32 v27, v11;
	v19 =	vmul.f32 v19, v14;
	v21 =	vmul.f32 v21, v14  }
0xce: {  	v22 =	vmul.f32 v22, v14;
	v12 =	vadd.f32 v63, v12;
	v18 =	vadd.f32 v56, v18  }
0xcf: {  	v11 =	vmul.f32 $1.442695020e+00, v11;
	v10 =	vadd.f32 v19, v10;
	v19 =	vmul.f32 $2.000000030e-01, v17  }
0xd0: {  	v16 =	vsel vm4, v16, v61;
	v15 =	vadd.f32 v21, v15;
	v9 =	vadd.f32 v22, v9  }
0xd1: {  	(erf) = vpow2.f32 v11;
	v17 =	vsel vm5, v17, v19;
	v19 =	vmul.f32 v20, v8  }
0xd2: {  	v10 =	vadd.f32 v49, v10;
	v9 =	vadd.f32 v24, v9;
	v17 =	vmul.f32 v17, v14  }
0xd3: {  	v14 =	vmul.f32 v16, v14;
	v16 =	vsel vm0, v25, v48;
	v15 =	vadd.f32 v19, v15  }
0xd4: {  	v16 =	vmul.f32 v16, v8;
	v10 =	vmul.f32 $1.442695020e+00, v10;
	v13 =	vadd.f32 v17, v13  }
0xd5: {  	v8 =	vmul.f32 v31, v8;
	v14 =	vadd.f32 v14, v29;
	v11 =	vmul.f32 $1.442695020e+00, v15  }
0xd6: {  	v9 =	vmul.f32 $1.442695020e+00, v9;
	(erf) = vpow2.f32 v10;
	v13 =	vadd.f32 v16, v13  }
0xd7: {  	v10 =	vmul.f32 $1.442695020e+00, v18;
	v8 =	vadd.f32 v8, v14;
	(erf) = vpow2.f32 v11  }
0xd8: {  	v11 =	vadd.f32 v59, v12;
	(erf) = vpow2.f32 v9;
	v9 =	vmul.f32 $1.442695020e+00, v13  }
0xd9: {  	v8 =	vmul.f32 $1.442695020e+00, v8;
	(erf) = vpow2.f32 v10  }
0xda: {  	(erf) = vpow2.f32 v9;
	v9 =	vmul.f32 $1.442695020e+00, v11  }
0xdb: {  	(erf) = vpow2.f32 v8  }
0xdc: {  	(erf) = vpow2.f32 v9  }
0xdd: {  	s12 =	simm.s32 $0x0  }
0xde: {  	v15 =	vpop (erf);
	v8 =	vmov s12  }
0xdf: {  	[tilespmem:$0x8200] =	vst v15;
	v8 =	vand.u32 $0x3E, v8;
	v14 =	vpop (erf)  }
0xe0: {  	v16 =	vbroadcast v8, $0x0;
	[tilespmem:$0x8210] =	vst v14;
	v13 =	vpop (erf)  }
0xe1: {  	v12 =	vpop (erf);
	[tilespmem:$0x8220] =	vst v13  }
0xe2: {  	v17 =	vor.u32 v0, v16;
	v11 =	vpop (erf);
	[tilespmem:$0x8230] =	vst v12  }
0xe3: {  	v10 =	vpop (erf);
	[tilespmem:$0x8240] =	vst v11  }
0xe4: {  	v9 =	vpop (erf);
	[tilespmem:$0x8250] =	vst v10  }
0xe5: {  	v8 =	vpop (erf);
	[tilespmem:$0x8260] =	vst v9  }
0xe6: {  	[tilespmem:$0x8270] =	vst v8  }
0xe7: {  	v18 =	vld.idx.msk [tilespmem:v17+s31+$0x0], $0xffff;
	_ =	sdelay $0x2  }
0xe8: {  	v19 =	vor.u32 v1, v16;
	_ =	sdelay $0x1  }
0xe9: {  	v18 =	vmul.f32 v18, v15;
	_ =	sdelay $0x1  }
0xea: {  	[tilespmem:v17+s31+$0x0] =	vst.idx.msk $0xffff, v18  }
0xeb: {  	v17 =	vld.idx.msk [tilespmem:v19+s31+$0x0], $0xffff;
	_ =	sdelay $0x2  }
0xec: {  	v18 =	vor.u32 v2, v16;
	_ =	sdelay $0x1  }
0xed: {  	v17 =	vmul.f32 v17, v14;
	_ =	sdelay $0x1  }
0xee: {  	[tilespmem:v19+s31+$0x0] =	vst.idx.msk $0xffff, v17  }
0xef: {  	v17 =	vld.idx.msk [tilespmem:v18+s31+$0x0], $0xffff;
	_ =	sdelay $0x2  }
0xf0: {  	v19 =	vor.u32 v3, v16;
	_ =	sdelay $0x1  }
0xf1: {  	v17 =	vmul.f32 v17, v13;
	_ =	sdelay $0x1  }
0xf2: {  	[tilespmem:v18+s31+$0x0] =	vst.idx.msk $0xffff, v17  }
0xf3: {  	v17 =	vld.idx.msk [tilespmem:v19+s31+$0x0], $0xffff;
	_ =	sdelay $0x2  }
0xf4: {  	v18 =	vor.u32 v4, v16;
	_ =	sdelay $0x1  }
0xf5: {  	v17 =	vmul.f32 v17, v12;
	_ =	sdelay $0x1  }
0xf6: {  	[tilespmem:v19+s31+$0x0] =	vst.idx.msk $0xffff, v17  }
0xf7: {  	v17 =	vld.idx.msk [tilespmem:v18+s31+$0x0], $0xffff;
	_ =	sdelay $0x2  }
0xf8: {  	v19 =	vor.u32 v5, v16;
	_ =	sdelay $0x1  }
0xf9: {  	v17 =	vmul.f32 v17, v11;
	_ =	sdelay $0x1  }
0xfa: {  	[tilespmem:v18+s31+$0x0] =	vst.idx.msk $0xffff, v17  }
0xfb: {  	v17 =	vld.idx.msk [tilespmem:v19+s31+$0x0], $0xffff;
	_ =	sdelay $0x2  }
0xfc: {  	v18 =	vor.u32 v6, v16;
	_ =	sdelay $0x1  }
0xfd: {  	v17 =	vmul.f32 v17, v10;
	_ =	sdelay $0x1  }
0xfe: {  	[tilespmem:v19+s31+$0x0] =	vst.idx.msk $0xffff, v17  }
0xff: {  	v17 =	vld.idx.msk [tilespmem:v18+s31+$0x0], $0xffff;
	_ =	sdelay $0x2  }
0x100: {  	v16 =	vor.u32 v7, v16;
	_ =	sdelay $0x1  }
0x101: {  	v17 =	vmul.f32 v17, v9  }
0x102: {  	s23 =	simm.s32 $0x1  }
0x103: {  	[tilespmem:v18+s31+$0x0] =	vst.idx.msk $0xffff, v17;
	v17 =	vmov s23  }
0x104: {  	v18 =	vld.idx.msk [tilespmem:v16+s31+$0x0], $0xffff;
	v17 =	vand.u32 $0x3F, v17  }
0x105: {  	v17 =	vbroadcast v17, $0x0;
	_ =	sdelay $0x1  }
0x106: {  	v19 =	vor.u32 v0, v17;
	_ =	sdelay $0x1  }
0x107: {  	v18 =	vmul.f32 v18, v8;
	_ =	sdelay $0x1  }
0x108: {  	[tilespmem:v16+s31+$0x0] =	vst.idx.msk $0xffff, v18  }
0x109: {  	v16 =	vld.idx.msk [tilespmem:v19+s31+$0x0], $0xffff;
	_ =	sdelay $0x2  }
0x10a: {  	v18 =	vor.u32 v1, v17;
	_ =	sdelay $0x1  }
0x10b: {  	v16 =	vmul.f32 v16, v15;
	_ =	sdelay $0x1  }
0x10c: {  	[tilespmem:v19+s31+$0x0] =	vst.idx.msk $0xffff, v16  }
0x10d: {  	v16 =	vld.idx.msk [tilespmem:v18+s31+$0x0], $0xffff;
	_ =	sdelay $0x2  }
0x10e: {  	v19 =	vor.u32 v2, v17;
	_ =	sdelay $0x1  }
0x10f: {  	v16 =	vmul.f32 v16, v14;
	_ =	sdelay $0x1  }
0x110: {  	[tilespmem:v18+s31+$0x0] =	vst.idx.msk $0xffff, v16  }
0x111: {  	v16 =	vld.idx.msk [tilespmem:v19+s31+$0x0], $0xffff;
	_ =	sdelay $0x2  }
0x112: {  	v18 =	vor.u32 v3, v17;
	_ =	sdelay $0x1  }
0x113: {  	v16 =	vmul.f32 v16, v13;
	_ =	sdelay $0x1  }
0x114: {  	[tilespmem:v19+s31+$0x0] =	vst.idx.msk $0xffff, v16  }
0x115: {  	v16 =	vld.idx.msk [tilespmem:v18+s31+$0x0], $0xffff;
	_ =	sdelay $0x2  }
0x116: {  	v19 =	vor.u32 v4, v17;
	_ =	sdelay $0x1  }
0x117: {  	v16 =	vmul.f32 v16, v12;
	_ =	sdelay $0x1  }
0x118: {  	[tilespmem:v18+s31+$0x0] =	vst.idx.msk $0xffff, v16  }
0x119: {  	v16 =	vld.idx.msk [tilespmem:v19+s31+$0x0], $0xffff;
	_ =	sdelay $0x2  }
0x11a: {  	v18 =	vor.u32 v5, v17;
	_ =	sdelay $0x1  }
0x11b: {  	v16 =	vmul.f32 v16, v11;
	_ =	sdelay $0x1  }
0x11c: {  	[tilespmem:v19+s31+$0x0] =	vst.idx.msk $0xffff, v16  }
0x11d: {  	v16 =	vld.idx.msk [tilespmem:v18+s31+$0x0], $0xffff;
	_ =	sdelay $0x2  }
0x11e: {  	v19 =	vor.u32 v6, v17;
	_ =	sdelay $0x1  }
0x11f: {  	v16 =	vmul.f32 v16, v10;
	_ =	sdelay $0x1  }
0x120: {  	[tilespmem:v18+s31+$0x0] =	vst.idx.msk $0xffff, v16  }
0x121: {  	v16 =	vld.idx.msk [tilespmem:v19+s31+$0x0], $0xffff;
	_ =	sdelay $0x2  }
0x122: {  	v17 =	vor.u32 v7, v17;
	_ =	sdelay $0x1  }
0x123: {  	v16 =	vmul.f32 v16, v9  }
0x124: {  	s23 =	simm.s32 $0x2  }
0x125: {  	[tilespmem:v19+s31+$0x0] =	vst.idx.msk $0xffff, v16;
	v16 =	vmov s23  }
0x126: {  	v19 =	vld.idx.msk [tilespmem:v17+s31+$0x0], $0xffff;
	v16 =	vand.u32 $0x3E, v16  }
0x127: {  	v16 =	vbroadcast v16, $0x0;
	_ =	sdelay $0x1  }
0x128: {  	v18 =	vor.u32 v0, v16;
	_ =	sdelay $0x1  }
0x129: {  	s18 =	simm.s32 $0x4;
	v19 =	vmul.f32 v19, v8  }
.LBB2_5:
0x12a: {  	_ = 	snop  }
0x12b: {  	p0 =	slt.u32 s18, $0x3E;
	s21 =	smov.u32 s18;
	s18 =	sadd.s32 $0x2, s18;
	[tilespmem:v17+s31+$0x0] =	vst.idx.msk $0xffff, v19  }
0x12c: {  	v17 =	vld.idx.msk [tilespmem:v18+s31+$0x0], $0xffff;
	_ =	sdelay $0x3  }
0x12d: {  	v19 =	vor.u32 v1, v16;
	_ =	sdelay $0x1  }
0x12e: {  	v17 =	vmul.f32 v17, v15;
	_ =	sdelay $0x1  }
0x12f: {  	[tilespmem:v18+s31+$0x0] =	vst.idx.msk $0xffff, v17  }
0x130: {  	v17 =	vld.idx.msk [tilespmem:v19+s31+$0x0], $0xffff;
	_ =	sdelay $0x3  }
0x131: {  	v18 =	vor.u32 v2, v16;
	_ =	sdelay $0x1  }
0x132: {  	v17 =	vmul.f32 v17, v14;
	_ =	sdelay $0x1  }
0x133: {  	[tilespmem:v19+s31+$0x0] =	vst.idx.msk $0xffff, v17  }
0x134: {  	v17 =	vld.idx.msk [tilespmem:v18+s31+$0x0], $0xffff;
	_ =	sdelay $0x3  }
0x135: {  	v19 =	vor.u32 v3, v16;
	_ =	sdelay $0x1  }
0x136: {  	v17 =	vmul.f32 v17, v13;
	_ =	sdelay $0x1  }
0x137: {  	[tilespmem:v18+s31+$0x0] =	vst.idx.msk $0xffff, v17  }
0x138: {  	v17 =	vld.idx.msk [tilespmem:v19+s31+$0x0], $0xffff;
	_ =	sdelay $0x3  }
0x139: {  	v18 =	vor.u32 v4, v16;
	_ =	sdelay $0x1  }
0x13a: {  	v17 =	vmul.f32 v17, v12;
	_ =	sdelay $0x1  }
0x13b: {  	[tilespmem:v19+s31+$0x0] =	vst.idx.msk $0xffff, v17  }
0x13c: {  	v17 =	vld.idx.msk [tilespmem:v18+s31+$0x0], $0xffff;
	_ =	sdelay $0x3  }
0x13d: {  	v19 =	vor.u32 v5, v16;
	_ =	sdelay $0x1  }
0x13e: {  	v17 =	vmul.f32 v17, v11;
	_ =	sdelay $0x1  }
0x13f: {  	[tilespmem:v18+s31+$0x0] =	vst.idx.msk $0xffff, v17  }
0x140: {  	v17 =	vld.idx.msk [tilespmem:v19+s31+$0x0], $0xffff;
	_ =	sdelay $0x3  }
0x141: {  	v18 =	vor.u32 v6, v16;
	_ =	sdelay $0x1  }
0x142: {  	v17 =	vmul.f32 v17, v10;
	_ =	sdelay $0x1  }
0x143: {  	[tilespmem:v19+s31+$0x0] =	vst.idx.msk $0xffff, v17  }
0x144: {  	v17 =	vld.idx.msk [tilespmem:v18+s31+$0x0], $0xffff;
	_ =	sdelay $0x3  }
0x145: {  	v16 =	vor.u32 v7, v16;
	_ =	sdelay $0x1  }
0x146: {  	v17 =	vmul.f32 v17, v9;
	_ =	sdelay $0x1  }
0x147: {  	s12 =	sadd.s32 $0x1, s23;
	s23 =	smov.u32 s21;
	[tilespmem:v18+s31+$0x0] =	vst.idx.msk $0xffff, v17  }
0x148: {  	v18 =	vmov s12;
	v17 =	vld.idx.msk [tilespmem:v16+s31+$0x0], $0xffff  }
0x149: {  	v18 =	vand.u32 $0x3F, v18  }
0x14a: {  	v18 =	vbroadcast v18, $0x0;
	_ =	sdelay $0x1  }
0x14b: {  	v19 =	vor.u32 v0, v18;
	_ =	sdelay $0x1  }
0x14c: {  	v17 =	vmul.f32 v17, v8;
	_ =	sdelay $0x1  }
0x14d: {  	[tilespmem:v16+s31+$0x0] =	vst.idx.msk $0xffff, v17  }
0x14e: {  	v16 =	vld.idx.msk [tilespmem:v19+s31+$0x0], $0xffff;
	_ =	sdelay $0x3  }
0x14f: {  	v17 =	vor.u32 v1, v18;
	_ =	sdelay $0x1  }
0x150: {  	v16 =	vmul.f32 v16, v15;
	_ =	sdelay $0x1  }
0x151: {  	[tilespmem:v19+s31+$0x0] =	vst.idx.msk $0xffff, v16  }
0x152: {  	v16 =	vld.idx.msk [tilespmem:v17+s31+$0x0], $0xffff;
	_ =	sdelay $0x3  }
0x153: {  	v19 =	vor.u32 v2, v18;
	_ =	sdelay $0x1  }
0x154: {  	v16 =	vmul.f32 v16, v14;
	_ =	sdelay $0x1  }
0x155: {  	[tilespmem:v17+s31+$0x0] =	vst.idx.msk $0xffff, v16  }
0x156: {  	v16 =	vld.idx.msk [tilespmem:v19+s31+$0x0], $0xffff;
	_ =	sdelay $0x3  }
0x157: {  	v17 =	vor.u32 v3, v18;
	_ =	sdelay $0x1  }
0x158: {  	v16 =	vmul.f32 v16, v13;
	_ =	sdelay $0x1  }
0x159: {  	[tilespmem:v19+s31+$0x0] =	vst.idx.msk $0xffff, v16  }
0x15a: {  	v16 =	vld.idx.msk [tilespmem:v17+s31+$0x0], $0xffff;
	_ =	sdelay $0x3  }
0x15b: {  	v19 =	vor.u32 v4, v18;
	_ =	sdelay $0x1  }
0x15c: {  	v16 =	vmul.f32 v16, v12;
	_ =	sdelay $0x1  }
0x15d: {  	[tilespmem:v17+s31+$0x0] =	vst.idx.msk $0xffff, v16  }
0x15e: {  	v16 =	vld.idx.msk [tilespmem:v19+s31+$0x0], $0xffff;
	_ =	sdelay $0x3  }
0x15f: {  	v17 =	vor.u32 v5, v18;
	_ =	sdelay $0x1  }
0x160: {  	v16 =	vmul.f32 v16, v11;
	_ =	sdelay $0x1  }
0x161: {  	[tilespmem:v19+s31+$0x0] =	vst.idx.msk $0xffff, v16  }
0x162: {  	v16 =	vld.idx.msk [tilespmem:v17+s31+$0x0], $0xffff;
	_ =	sdelay $0x3  }
0x163: {  	v19 =	vor.u32 v6, v18;
	_ =	sdelay $0x1  }
0x164: {  	v16 =	vmul.f32 v16, v10;
	_ =	sdelay $0x1  }
0x165: {  	[tilespmem:v17+s31+$0x0] =	vst.idx.msk $0xffff, v16  }
0x166: {  	v16 =	vld.idx.msk [tilespmem:v19+s31+$0x0], $0xffff;
	_ =	sdelay $0x3  }
0x167: {  	v17 =	vor.u32 v7, v18;
	_ =	sdelay $0x1  }
0x168: {  	v16 =	vmul.f32 v16, v9;
	_ =	sdelay $0x1  }
0x169: {  	[tilespmem:v19+s31+$0x0] =	vst.idx.msk $0xffff, v16  }
0x16a: {  	v16 =	vmov s23;
	v19 =	vld.idx.msk [tilespmem:v17+s31+$0x0], $0xffff  }
0x16b: {  	v16 =	vand.u32 $0x3E, v16  }
.Ltmp1:
0x16c: {  	v16 =	vbroadcast v16, $0x0;
	(pc) =	sbr.rel @p0 .LBB2_5-.Ltmp1, $3  }
0x16d: {  	_ = 	snop  }
0x16e: {  	v18 =	vor.u32 v0, v16;
	_ =	sdelay $0x1  }
0x16f: {  	v19 =	vmul.f32 v19, v8  }
0x170: {  	_ =	sdelay $0x3  }
0x171: {  	[tilespmem:v17+s31+$0x0] =	vst.idx.msk $0xffff, v19  }
0x172: {  	v17 =	vld.idx.msk [tilespmem:v18+s31+$0x0], $0xffff;
	_ =	sdelay $0x2  }
0x173: {  	v19 =	vor.u32 v1, v16;
	_ =	sdelay $0x1  }
0x174: {  	v17 =	vmul.f32 v17, v15;
	_ =	sdelay $0x1  }
0x175: {  	[tilespmem:v18+s31+$0x0] =	vst.idx.msk $0xffff, v17  }
0x176: {  	v17 =	vld.idx.msk [tilespmem:v19+s31+$0x0], $0xffff;
	_ =	sdelay $0x2  }
0x177: {  	v18 =	vor.u32 v2, v16;
	_ =	sdelay $0x1  }
0x178: {  	v17 =	vmul.f32 v17, v14;
	_ =	sdelay $0x1  }
0x179: {  	[tilespmem:v19+s31+$0x0] =	vst.idx.msk $0xffff, v17  }
0x17a: {  	v17 =	vld.idx.msk [tilespmem:v18+s31+$0x0], $0xffff;
	_ =	sdelay $0x2  }
0x17b: {  	v19 =	vor.u32 v3, v16;
	_ =	sdelay $0x1  }
0x17c: {  	v17 =	vmul.f32 v17, v13;
	_ =	sdelay $0x1  }
0x17d: {  	[tilespmem:v18+s31+$0x0] =	vst.idx.msk $0xffff, v17  }
0x17e: {  	v17 =	vld.idx.msk [tilespmem:v19+s31+$0x0], $0xffff;
	_ =	sdelay $0x2  }
0x17f: {  	v18 =	vor.u32 v4, v16;
	_ =	sdelay $0x1  }
0x180: {  	v17 =	vmul.f32 v17, v12;
	_ =	sdelay $0x1  }
0x181: {  	[tilespmem:v19+s31+$0x0] =	vst.idx.msk $0xffff, v17  }
0x182: {  	v17 =	vld.idx.msk [tilespmem:v18+s31+$0x0], $0xffff;
	_ =	sdelay $0x2  }
0x183: {  	v19 =	vor.u32 v5, v16;
	_ =	sdelay $0x1  }
0x184: {  	v17 =	vmul.f32 v17, v11;
	_ =	sdelay $0x1  }
0x185: {  	[tilespmem:v18+s31+$0x0] =	vst.idx.msk $0xffff, v17  }
0x186: {  	v17 =	vld.idx.msk [tilespmem:v19+s31+$0x0], $0xffff;
	_ =	sdelay $0x2  }
0x187: {  	v18 =	vor.u32 v6, v16;
	_ =	sdelay $0x1  }
0x188: {  	v17 =	vmul.f32 v17, v10;
	_ =	sdelay $0x1  }
0x189: {  	[tilespmem:v19+s31+$0x0] =	vst.idx.msk $0xffff, v17  }
0x18a: {  	v17 =	vld.idx.msk [tilespmem:v18+s31+$0x0], $0xffff;
	_ =	sdelay $0x2  }
0x18b: {  	v16 =	vor.u32 v7, v16;
	_ =	sdelay $0x1  }
0x18c: {  	v17 =	vmul.f32 v17, v9  }
0x18d: {  	s12 =	sadd.s32 $0x1, s23  }
0x18e: {  	[tilespmem:v18+s31+$0x0] =	vst.idx.msk $0xffff, v17;
	v17 =	vmov s12  }
0x18f: {  	v18 =	vld.idx.msk [tilespmem:v16+s31+$0x0], $0xffff;
	v17 =	vand.u32 $0x3F, v17  }
0x190: {  	v17 =	vbroadcast v17, $0x0;
	_ =	sdelay $0x1  }
0x191: {  	v19 =	vor.u32 v0, v17;
	_ =	sdelay $0x1  }
0x192: {  	v18 =	vmul.f32 v18, v8;
	_ =	sdelay $0x1  }
0x193: {  	[tilespmem:v16+s31+$0x0] =	vst.idx.msk $0xffff, v18  }
0x194: {  	v16 =	vld.idx.msk [tilespmem:v19+s31+$0x0], $0xffff;
	_ =	sdelay $0x2  }
0x195: {  	v18 =	vor.u32 v1, v17;
	_ =	sdelay $0x1  }
0x196: {  	v15 =	vmul.f32 v16, v15;
	_ =	sdelay $0x1  }
0x197: {  	[tilespmem:v19+s31+$0x0] =	vst.idx.msk $0xffff, v15  }
0x198: {  	v15 =	vld.idx.msk [tilespmem:v18+s31+$0x0], $0xffff;
	_ =	sdelay $0x2  }
0x199: {  	v16 =	vor.u32 v2, v17;
	_ =	sdelay $0x1  }
0x19a: {  	v14 =	vmul.f32 v15, v14;
	_ =	sdelay $0x1  }
0x19b: {  	[tilespmem:v18+s31+$0x0] =	vst.idx.msk $0xffff, v14  }
0x19c: {  	v14 =	vld.idx.msk [tilespmem:v16+s31+$0x0], $0xffff;
	_ =	sdelay $0x2  }
0x19d: {  	v15 =	vor.u32 v3, v17;
	_ =	sdelay $0x1  }
0x19e: {  	v13 =	vmul.f32 v14, v13;
	_ =	sdelay $0x1  }
0x19f: {  	[tilespmem:v16+s31+$0x0] =	vst.idx.msk $0xffff, v13  }
0x1a0: {  	v13 =	vld.idx.msk [tilespmem:v15+s31+$0x0], $0xffff;
	_ =	sdelay $0x2  }
0x1a1: {  	v14 =	vor.u32 v4, v17;
	_ =	sdelay $0x1  }
0x1a2: {  	v12 =	vmul.f32 v13, v12;
	_ =	sdelay $0x1  }
0x1a3: {  	[tilespmem:v15+s31+$0x0] =	vst.idx.msk $0xffff, v12  }
0x1a4: {  	v12 =	vld.idx.msk [tilespmem:v14+s31+$0x0], $0xffff;
	_ =	sdelay $0x2  }
0x1a5: {  	v13 =	vor.u32 v5, v17;
	_ =	sdelay $0x1  }
0x1a6: {  	v11 =	vmul.f32 v12, v11;
	_ =	sdelay $0x1  }
0x1a7: {  	[tilespmem:v14+s31+$0x0] =	vst.idx.msk $0xffff, v11  }
0x1a8: {  	v11 =	vld.idx.msk [tilespmem:v13+s31+$0x0], $0xffff;
	_ =	sdelay $0x2  }
0x1a9: {  	v12 =	vor.u32 v6, v17;
	_ =	sdelay $0x1  }
0x1aa: {  	v10 =	vmul.f32 v11, v10;
	_ =	sdelay $0x1  }
0x1ab: {  	[tilespmem:v13+s31+$0x0] =	vst.idx.msk $0xffff, v10  }
0x1ac: {  	v10 =	vld.idx.msk [tilespmem:v12+s31+$0x0], $0xffff;
	_ =	sdelay $0x2  }
0x1ad: {  	v11 =	vor.u32 v7, v17;
	_ =	sdelay $0x1  }
0x1ae: {  	v9 =	vmul.f32 v10, v9;
	_ =	sdelay $0x1  }
0x1af: {  	[tilespmem:v12+s31+$0x0] =	vst.idx.msk $0xffff, v9  }
0x1b0: {  	v9 =	vld.idx.msk [tilespmem:v11+s31+$0x0], $0xffff;
	_ =	sdelay $0x4  }
0x1b1: {  	v8 =	vmul.f32 v9, v8;
	_ =	sdelay $0x1  }
0x1b2: {  	[tilespmem:v11+s31+$0x0] =	vst.idx.msk $0xffff, v8  }
0x1b3: {  	[spmem:s4] =	stream.indirect.scatter.add.f32 [tilespmem:s14], [sflag:$0x7], $0x1, s26, s26, $0xb8;
	[tilespmem:$0x12540] =	vst v63  }
0x1b4: {  	_ =	swait.ge [sflag:s24], $0x80  }
0x1b5: {  	[sflag:s24] =	ssyncset.done $0x0  }
0x1b6: {  	s23 =	sshll.u32 s22, $0x8;
	[sflag:s24] =	ssyncadd.s32 $0xFFFFFF80  }
0x1b7: {  	[spmem:s2] =	stream.indirect.scatter.add.f32 [tilespmem:s31], [sflag:$0x7], $0x40, s26, s26, $0xb8;
	[tilespmem:$0x12540] =	vst v63  }
0x1b8: {  	s21 =	sadd.s32 s23, s19;
	_ =	swait.ge [sflag:s24], $0x2000  }
0x1b9: {  	s12 =	sshrl.u32 s21, $0x3;
	[sflag:s24] =	ssyncset.done $0x0  }
0x1ba: {  	s21 =	simm.s32 $0x0;
	s18 =	sadd.s32 s8, s12;
	[sflag:s24] =	ssyncadd.s32 $0xFFFFE000  }
0x1bb: {  	[tilespmem:s21], [sflag:$0x1] =	stream.linear.gather [hbm4b:s18+s21], $0x80, $0x38;
	[tilespmem:$0x12540] =	vst v63  }
0x1bc: {  	s12 =	sadd.s32 s9, s12  }
0x1bd: {  	[tilespmem:s26], [sflag:$0x1] =	stream.linear.gather [hbm4b:s12+s21], $0x80, $0x38;
	[tilespmem:$0x12540] =	vst v63  }
0x1be: {  	_ =	swait.ge [sflag:s30], $0x80  }
0x1bf: {  	[sflag:s30] =	ssyncset.done $0x0  }
0x1c0: {  	[sflag:s30] =	ssyncadd.s32 $0xFFFFFF80  }
0x1c1: {  	_ =	swait.ge [sflag:s30], $0x80  }
0x1c2: {  	[sflag:s30] =	ssyncset.done $0x0  }
0x1c3: {  	[sflag:s30] =	ssyncadd.s32 $0xFFFFFF80  }
0x1c4: {  	[tilespmem:s31], [sflag:$0x3] =	stream.indirect.gather [hbm4b:s6+s26], $0x40, s21, s26, $0xb8;
	[tilespmem:$0x12540] =	vst v63  }
0x1c5: {  	s17 =	simm.s32 $0x1  }
0x1c6: {  	[tilespmem:s0], [sflag:$0x4] =	stream.indirect.gather [hbm4b:s7+s26], $0x40, s26, s26, $0xb8;
	[tilespmem:$0x12540] =	vst v63  }
0x1c7: {  	v8 =	vmov s17;
	_ =	swait.ge [sflag:s15], $0x2000  }
0x1c8: {  	v9 =	vand.u32 $0x3F, v8;
	[sflag:s15] =	ssyncset.done $0x0  }
0x1c9: {  	v10 =	vor.u32 v0, v9;
	[sflag:s15] =	ssyncadd.s32 $0xFFFFE000  }
0x1ca: {  	_ =	swait.ge [sflag:s16], $0x2000  }
0x1cb: {  	v11 =	vor.u32 v3, v9;
	[sflag:s16] =	ssyncset.done $0x0  }
0x1cc: {  	[sflag:s16] =	ssyncadd.s32 $0xFFFFE000  }
0x1cd: {  	v12 =	vor.u32 v4, v9;
	v13 =	vld.idx.msk [tilespmem:v8+s25+$0x0], $0xffff  }
0x1ce: {  	v8 =	vld.idx.msk [tilespmem:v10+s10+$0x0], $0xffff  }
0x1cf: {  	v14 =	vor.u32 v1, v9;
	v10 =	vld.idx.msk [tilespmem:v10+s1+$0x0], $0xffff  }
0x1d0: {  	v16 =	vld.idx.msk [tilespmem:v11+s10+$0x0], $0xffff  }
0x1d1: {  	v15 =	vmov s21;
	v18 =	vor.u32 v5, v9;
	v11 =	vld.idx.msk [tilespmem:v11+s1+$0x0], $0xffff  }
0x1d2: {  	v17 =	vand.u32 $0x3E, v15;
	v20 =	vld.idx.msk [tilespmem:v12+s10+$0x0], $0xffff  }
0x1d3: {  	v22 =	vor.u32 v3, v17;
	v21 =	vld.idx.msk [tilespmem:v12+s1+$0x0], $0xffff  }
0x1d4: {  	v24 =	vor.u32 v7, v17;
	v23 =	vld.idx.msk [tilespmem:v14+s10+$0x0], $0xffff  }
0x1d5: {  	v25 =	vor.u32 v2, v17;
	v14 =	vld.idx.msk [tilespmem:v14+s1+$0x0], $0xffff  }
0x1d6: {  	v26 =	vld.idx.msk [tilespmem:v18+s10+$0x0], $0xffff  }
0x1d7: {  	v18 =	vld.idx.msk [tilespmem:v18+s1+$0x0], $0xffff  }
0x1d8: {  	v27 =	vor.u32 v6, v9;
	v30 =	vld.idx.msk [tilespmem:v22+s10+$0x0], $0xffff  }
0x1d9: {  	v33 =	vor.u32 v7, v9;
	v31 =	vld.idx.msk [tilespmem:v24+s10+$0x0], $0xffff  }
0x1da: {  	v32 =	vld.idx.msk [tilespmem:v25+s10+$0x0], $0xffff  }
0x1db: {  	v29 =	vor.u32 v4, v17;
	v22 =	vld.idx.msk [tilespmem:v22+s1+$0x0], $0xffff  }
0x1dc: {  	v25 =	vld.idx.msk [tilespmem:v25+s1+$0x0], $0xffff  }
0x1dd: {  	v19 =	vor.u32 v0, v17;
	v35 =	vor.u32 v1, v17;
	v36 =	vor.u32 v5, v17;
	v34 =	vld.idx.msk [tilespmem:v27+s10+$0x0], $0xffff  }
0x1de: {  	v17 =	vor.u32 v6, v17;
	v12 =	vimm.f32 $0.0e+00;
	v37 =	vld.idx.msk [tilespmem:v33+s10+$0x0], $0xffff;
	v8 =	vadd.f32 v8, v10  }
0x1df: {  	s18 =	simm.s32 $0x3;
	v38 =	vld.idx.msk [tilespmem:v24+s1+$0x0], $0xffff;
	v11 =	vadd.f32 v16, v11;
	v14 =	vadd.f32 v23, v14;
	v23 =	vor.u32 v2, v9  }
0x1e0: {  	v10 =	vld.idx.msk [tilespmem:v29+s10+$0x0], $0xffff;
	v20 =	vadd.f32 v20, v21;
	v24 =	vadd.f32 v26, v18;
	v18 =	vmov s18  }
0x1e1: {  	v21 =	vld.idx.msk [tilespmem:v33+s1+$0x0], $0xffff;
	v30 =	vadd.f32 v30, v22;
	v25 =	vadd.f32 v32, v25;
	v33 =	vand.u32 $0x3F, v18  }
0x1e2: {  	v16 =	vld.idx.msk [tilespmem:v27+s1+$0x0], $0xffff;
	v27 =	vmul.f32 $2.000000030e-01, v8;
	vm0 =	vgt.f32 v8, $0.0e+00;
	v9 =	vmul.f32 $2.000000030e-01, v11  }
0x1e3: {  	v29 =	vld.idx.msk [tilespmem:v29+s1+$0x0], $0xffff;
	vm13 =	vgt.f32 v11, $0.0e+00;
	vm14 =	vgt.f32 v14, $0.0e+00;
	vm2 =	vgt.f32 v20, $0.0e+00  }
0x1e4: {  	v28 =	vld.idx.msk [tilespmem:v19+s1+$0x0], $0xffff;
	v56 =	vor.u32 v4, v33;
	v41 =	vmul.f32 $2.000000030e-01, v24;
	v22 =	vor.u32 v0, v33  }
0x1e5: {  	v19 =	vld.idx.msk [tilespmem:v19+s10+$0x0], $0xffff;
	vm3 =	vgt.f32 v25, $0.0e+00;
	vm5 =	vgt.f32 v30, $0.0e+00;
	v48 =	vor.u32 v5, v33  }
0x1e6: {  	v8 =	vsel vm0, v8, v27;
	v27 =	vmul.f32 $2.000000030e-01, v14;
	v9 =	vsel vm13, v11, v9  }
0x1e7: {  	v15 =	vld.idx.msk [tilespmem:v15+s25+$0x0], $0xffff;
	vm0 =	vgt.f32 v24, $0.0e+00;
	v16 =	vadd.f32 v34, v16;
	v9 =	vmul.f32 v9, v13  }
0x1e8: {  	v11 =	vmul.f32 v8, v13;
	v8 =	vmul.f32 $2.000000030e-01, v20;
	v10 =	vadd.f32 v10, v29;
	v57 =	vld.idx.msk [tilespmem:v23+s1+$0x0], $0xffff  }
0x1e9: {  	v29 =	vor.u32 v1, v33;
	v21 =	vadd.f32 v37, v21;
	v23 =	vld.idx.msk [tilespmem:v23+s10+$0x0], $0xffff;
	v24 =	vsel vm0, v24, v41  }
0x1ea: {  	v14 =	vsel vm14, v14, v27;
	v27 =	vadd.f32 v19, v28;
	v19 =	vld.idx.msk [tilespmem:v35+s10+$0x0], $0xffff;
	v24 =	vmul.f32 v24, v13  }
0x1eb: {  	v28 =	vld.idx.msk [tilespmem:v35+s1+$0x0], $0xffff;
	vm1 =	vgt.f32 v16, $0.0e+00;
	v26 =	vmul.f32 $2.000000030e-01, v16;
	v39 =	vmul.f32 v14, v13  }
0x1ec: {  	v8 =	vsel vm2, v20, v8;
	v20 =	vmul.f32 $2.000000030e-01, v25;
	vm8 =	vgt.f32 v10, $0.0e+00;
	v49 =	vld.idx.msk [tilespmem:v56+s10+$0x0], $0xffff  }
0x1ed: {  	vm9 =	vgt.f32 v21, $0.0e+00;
	v52 =	vld.idx.msk [tilespmem:v56+s1+$0x0], $0xffff;
	v56 =	vor.u32 v6, v33;
	vm15 =	vgt.f32 v27, $0.0e+00  }
0x1ee: {  	v63 =	vmul.f32 $2.000000030e-01, v27;
	v45 =	vsel vm1, v16, v26;
	v16 =	vadd.f32 v31, v38  }
0x1ef: {  	v31 =	vmul.f32 $2.000000030e-01, v10;
	v25 =	vsel vm3, v25, v20;
	v20 =	vor.u32 v2, v33  }
0x1f0: {  	v26 =	vld.idx.msk [tilespmem:v17+s10+$0x0], $0xffff;
	v23 =	vadd.f32 v23, v57;
	v25 =	vmul.f32 v25, v15;
	v27 =	vsel vm15, v27, v63  }
0x1f1: {  	v17 =	vld.idx.msk [tilespmem:v17+s1+$0x0], $0xffff;
	v58 =	vmul.f32 $2.000000030e-01, v16;
	v19 =	vadd.f32 v19, v28;
	vm7 =	vgt.f32 v16, $0.0e+00  }
0x1f2: {  	v14 =	vld.idx.msk [tilespmem:v36+s10+$0x0], $0xffff;
	v28 =	vmul.f32 $2.000000030e-01, v30;
	v10 =	vsel vm8, v10, v31;
	v27 =	vmul.f32 v27, v15  }
0x1f3: {  	v34 =	vld.idx.msk [tilespmem:v48+s10+$0x0], $0xffff;
	v31 =	vor.u32 v3, v33;
	v10 =	vmul.f32 v10, v15;
	v42 =	vmul.f32 $2.000000030e-01, v23  }
0x1f4: {  	v40 =	vsel vm7, v16, v58;
	v16 =	vld.idx.msk [tilespmem:v36+s1+$0x0], $0xffff;
	v36 =	vmul.f32 v8, v13;
	v8 =	vmul.f32 $2.000000030e-01, v21  }
0x1f5: {  	v54 =	vld.idx.msk [tilespmem:v29+s10+$0x0], $0xffff;
	vm12 =	vgt.f32 v23, $0.0e+00;
	v25 =	vadd.f32 v25, v12;
	v41 =	vadd.f32 v49, v52  }
0x1f6: {  	v59 =	vmul.f32 $2.000000030e-01, v19;
	v35 =	vadd.f32 v26, v17;
	v26 =	vld.idx.msk [tilespmem:v22+s10+$0x0], $0xffff;
	v8 =	vsel vm9, v21, v8  }
0x1f7: {  	vm10 =	vgt.f32 v19, $0.0e+00;
	v27 =	vadd.f32 v27, v12;
	v46 =	vmul.f32 v8, v13;
	v8 =	vld.idx.msk [tilespmem:v18+s25+$0x0], $0xffff  }
0x1f8: {  	s21 =	simm.s32 $0x2;
	v23 =	vsel vm12, v23, v42;
	v18 =	vsel vm10, v19, v59;
	vm11 =	vgt.f32 v35, $0.0e+00;
	v61 =	vld.idx.msk [tilespmem:v31+s10+$0x0], $0xffff  }
0x1f9: {  	v44 =	vmul.f32 $2.000000030e-01, v35;
	v31 =	vld.idx.msk [tilespmem:v31+s1+$0x0], $0xffff;
	v43 =	vadd.f32 v14, v16;
	v14 =	vmov s21  }
0x1fa: {  	v16 =	vmul.f32 v18, v15;
	v18 =	vadd.f32 v10, v12;
	v10 =	vld.idx.msk [tilespmem:v22+s1+$0x0], $0xffff;
	v60 =	vand.u32 $0x3E, v14  }
0x1fb: {  	v29 =	vld.idx.msk [tilespmem:v29+s1+$0x0], $0xffff;
	v11 =	vadd.f32 v11, v27;
	v58 =	vsel vm11, v35, v44;
	v47 =	vor.u32 v0, v60  }
0x1fc: {  	v37 =	vld.idx.msk [tilespmem:v48+s1+$0x0], $0xffff;
	v59 =	vmul.f32 v23, v13;
	v63 =	vmul.f32 v58, v15;
	v22 =	vor.u32 v3, v60  }
0x1fd: {  	v48 =	vld.idx.msk [tilespmem:v56+s10+$0x0], $0xffff;
	v62 =	vadd.f32 v16, v12;
	v19 =	vor.u32 v1, v60;
	v53 =	vor.u32 v7, v60  }
0x1fe: {  	v23 =	vld.idx.msk [tilespmem:v20+s1+$0x0], $0xffff;
	v21 =	vor.u32 v2, v60;
	v50 =	vmul.f32 $2.000000030e-01, v43;
	v51 =	vor.u32 v4, v60  }
0x1ff: {  	vm4 =	vgt.f32 v43, $0.0e+00;
	v31 =	vadd.f32 v61, v31;
	v61 =	vld.idx.msk [tilespmem:v56+s1+$0x0], $0xffff;
	v55 =	vadd.f32 v26, v10  }
0x200: {  	v18 =	vadd.f32 v36, v18;
	v36 =	vadd.f32 v54, v29;
	v26 =	vsel vm5, v30, v28;
	v32 =	vld.idx.msk [tilespmem:v47+s1+$0x0], $0xffff  }
0x201: {  	v54 =	vor.u32 v7, v33;
	v57 =	vmul.f32 v26, v15;
	v28 =	vmul.f32 $2.000000030e-01, v55;
	v26 =	vld.idx.msk [tilespmem:v22+s10+$0x0], $0xffff  }
0x202: {  	v29 =	vsel vm4, v43, v50;
	v10 =	vadd.f32 v39, v62;
	vm13 =	vgt.f32 v55, $0.0e+00;
	v30 =	vld.idx.msk [tilespmem:v53+s10+$0x0], $0xffff  }
0x203: {  	v29 =	vmul.f32 v29, v15;
	v39 =	vld.idx.msk [tilespmem:v51+s10+$0x0], $0xffff;
	v38 =	vsel vm13, v55, v28;
	v55 =	vmul.f32 $2.000000030e-01, v31  }
0x204: {  	v17 =	vor.u32 v5, v60;
	v16 =	vor.u32 v6, v60;
	vm14 =	vgt.f32 v31, $0.0e+00;
	v35 =	vld.idx.msk [tilespmem:v47+s10+$0x0], $0xffff  }
0x205: {  	v33 =	vld.idx.msk [tilespmem:v51+s1+$0x0], $0xffff;
	v27 =	vadd.f32 v29, v12;
	v42 =	vsel vm14, v31, v55;
	v31 =	vmul.f32 v40, v15  }
0x206: {  	v60 =	vmul.f32 $2.000000030e-01, v36;
	v29 =	vadd.f32 v63, v12;
	v44 =	vld.idx.msk [tilespmem:v53+s1+$0x0], $0xffff;
	v62 =	vadd.f32 v57, v12  }
0x207: {  	vm15 =	vgt.f32 v36, $0.0e+00;
	v28 =	vld.idx.msk [tilespmem:v21+s10+$0x0], $0xffff;
	v15 =	vadd.f32 v59, v25;
	v25 =	vadd.f32 v31, v12  }
0x208: {  	v43 =	vsel vm15, v36, v60;
	v9 =	vadd.f32 v9, v62;
	v40 =	vld.idx.msk [tilespmem:v54+s10+$0x0], $0xffff;
	v31 =	vadd.f32 v48, v61  }
0x209: {  	s18 =	simm.s32 $0x4;
	v12 =	vadd.f32 v46, v25;
	v46 =	vmul.f32 v45, v13;
	v45 =	vld.idx.msk [tilespmem:v54+s1+$0x0], $0xffff;
	v13 =	vadd.f32 v24, v27  }
.LBB2_7:
0x20a: {  	s21 =	sadd.s32 $0x1, s18  }
0x20b: {  	p0 =	slt.u32 s18, $0x3E;
	v22 =	vld.idx.msk [tilespmem:v22+s1+$0x0], $0xffff;
	v25 =	vmul.f32 v42, v8;
	vm2 =	vgt.f32 v41, $0.0e+00;
	v24 =	vadd.f32 v34, v37;
	s12 =	smov.u32 s18;
	s18 =	sadd.s32 $0x2, s18  }
0x20c: {  	v27 =	vmul.f32 v38, v8;
	v37 =	vmul.f32 $2.000000030e-01, v41;
	v34 =	vmov s21;
	v21 =	vld.idx.msk [tilespmem:v21+s1+$0x0], $0xffff  }
0x20d: {  	v35 =	vadd.f32 v35, v32;
	vm1 =	vgt.f32 v31, $0.0e+00;
	v38 =	vmul.f32 $2.000000030e-01, v31;
	v32 =	vld.idx.msk [tilespmem:v19+s10+$0x0], $0xffff  }
0x20e: {  	v29 =	vadd.f32 v46, v29;
	v36 =	vand.u32 $0x3F, v34;
	v39 =	vadd.f32 v39, v33;
	v19 =	vld.idx.msk [tilespmem:v19+s1+$0x0], $0xffff  }
0x20f: {  	v33 =	vmul.f32 $2.000000030e-01, v24;
	v42 =	vor.u32 v1, v36;
	v46 =	vor.u32 v4, v36;
	v47 =	vld.idx.msk [tilespmem:v17+s10+$0x0], $0xffff  }
0x210: {  	v43 =	vmul.f32 v43, v8;
	vm0 =	vgt.f32 v24, $0.0e+00;
	v31 =	vsel vm1, v31, v38;
	v48 =	vld.idx.msk [tilespmem:v16+s10+$0x0], $0xffff  }
0x211: {  	vm1 =	vgt.f32 v35, $0.0e+00;
	v26 =	vadd.f32 v26, v22;
	v22 =	vadd.f32 v30, v44;
	v20 =	vld.idx.msk [tilespmem:v20+s10+$0x0], $0xffff  }
0x212: {  	v38 =	vadd.f32 v40, v45;
	v30 =	vor.u32 v0, v36;
	v44 =	vld.idx.msk [tilespmem:v14+s25+$0x0], $0xffff;
	v14 =	vmul.f32 $2.000000030e-01, v39  }
0x213: {  	v37 =	vsel vm2, v41, v37;
	v28 =	vadd.f32 v28, v21;
	v21 =	vmul.f32 $2.000000030e-01, v22;
	v17 =	vld.idx.msk [tilespmem:v17+s1+$0x0], $0xffff  }
0x214: {  	vm2 =	vgt.f32 v22, $0.0e+00;
	v19 =	vadd.f32 v32, v19;
	v32 =	vmul.f32 $2.000000030e-01, v26;
	v16 =	vld.idx.msk [tilespmem:v16+s1+$0x0], $0xffff  }
0x215: {  	v45 =	vmul.f32 v37, v8;
	v40 =	vmul.f32 $2.000000030e-01, v28;
	v41 =	vsel vm2, v22, v21  }
0x216: {  	vm3 =	vgt.f32 v28, $0.0e+00;
	vm2 =	vgt.f32 v39, $0.0e+00;
	v21 =	vmul.f32 $2.000000030e-01, v38  }
0x217: {  	v22 =	vmul.f32 $2.000000030e-01, v19;
	v14 =	vsel vm2, v39, v14;
	vm2 =	vgt.f32 v38, $0.0e+00  }
0x218: {  	v37 =	vor.u32 v3, v36;
	v21 =	vsel vm2, v38, v21;
	v14 =	vmul.f32 v14, v44  }
0x219: {  	vm2 =	vgt.f32 v19, $0.0e+00;
	v23 =	vadd.f32 v20, v23;
	v49 =	vmul.f32 v21, v8  }
0x21a: {  	v19 =	vsel vm2, v19, v22;
	v39 =	vadd.f32 v47, v17;
	v47 =	vadd.f32 v48, v16;
	v50 =	vld.idx.msk [tilespmem:v34+s25+$0x0], $0xffff  }
0x21b: {  	vm5 =	vgt.f32 v26, $0.0e+00;
	v16 =	vmul.f32 v19, v44;
	v18 =	vadd.f32 v14, v18;
	v20 =	vld.idx.msk [tilespmem:v30+s10+$0x0], $0xffff  }
0x21c: {  	v14 =	vmov s12;
	v48 =	vmul.f32 $2.000000030e-01, v23;
	vm2 =	vgt.f32 v47, $0.0e+00;
	v30 =	vld.idx.msk [tilespmem:v30+s1+$0x0], $0xffff  }
0x21d: {  	v34 =	vand.u32 $0x3E, v14;
	v10 =	vadd.f32 v16, v10;
	v51 =	vmul.f32 $2.000000030e-01, v47;
	v38 =	vld.idx.msk [tilespmem:v37+s10+$0x0], $0xffff  }
0x21e: {  	v53 =	vor.u32 v5, v36;
	v52 =	vor.u32 v0, v34;
	v19 =	vor.u32 v1, v34;
	v37 =	vld.idx.msk [tilespmem:v37+s1+$0x0], $0xffff  }
0x21f: {  	v55 =	vmul.f32 $2.000000030e-01, v39;
	v21 =	vor.u32 v2, v34;
	v22 =	vor.u32 v3, v34;
	v54 =	vld.idx.msk [tilespmem:v46+s10+$0x0], $0xffff  }
0x220: {  	vm4 =	vgt.f32 v39, $0.0e+00;
	v56 =	vor.u32 v4, v34;
	v17 =	vor.u32 v5, v34;
	v46 =	vld.idx.msk [tilespmem:v46+s1+$0x0], $0xffff  }
0x221: {  	v28 =	vsel vm3, v28, v40;
	v16 =	vor.u32 v6, v34;
	v57 =	vor.u32 v7, v34;
	v58 =	vld.idx.msk [tilespmem:v42+s10+$0x0], $0xffff  }
0x222: {  	vm3 =	vgt.f32 v23, $0.0e+00;
	v30 =	vadd.f32 v20, v30;
	v20 =	vor.u32 v2, v36;
	v40 =	vld.idx.msk [tilespmem:v42+s1+$0x0], $0xffff  }
0x223: {  	v59 =	vor.u32 v6, v36;
	v26 =	vsel vm5, v26, v32;
	v10 =	vadd.f32 v43, v10;
	v34 =	vld.idx.msk [tilespmem:v53+s10+$0x0], $0xffff  }
0x224: {  	v60 =	vmul.f32 v26, v44;
	v42 =	vmul.f32 $2.000000030e-01, v30;
	v43 =	vadd.f32 v38, v37;
	v32 =	vld.idx.msk [tilespmem:v52+s1+$0x0], $0xffff  }
0x225: {  	v28 =	vmul.f32 v28, v44;
	vm5 =	vgt.f32 v30, $0.0e+00;
	v37 =	vld.idx.msk [tilespmem:v53+s1+$0x0], $0xffff;
	v53 =	vmul.f32 $2.000000030e-01, v35  }
0x226: {  	v23 =	vsel vm3, v23, v48;
	v38 =	vsel vm5, v30, v42;
	v42 =	vmul.f32 $2.000000030e-01, v43;
	v26 =	vld.idx.msk [tilespmem:v22+s10+$0x0], $0xffff  }
0x227: {  	v15 =	vadd.f32 v28, v15;
	v18 =	vadd.f32 v45, v18;
	vm3 =	vgt.f32 v43, $0.0e+00;
	v30 =	vld.idx.msk [tilespmem:v57+s10+$0x0], $0xffff  }
0x228: {  	v41 =	vmul.f32 v41, v44;
	v42 =	vsel vm3, v43, v42;
	v35 =	vsel vm1, v35, v53;
	v28 =	vld.idx.msk [tilespmem:v21+s10+$0x0], $0xffff  }
0x229: {  	v36 =	vor.u32 v7, v36;
	v40 =	vadd.f32 v58, v40;
	v43 =	vsel vm4, v39, v55;
	v45 =	vld.idx.msk [tilespmem:v59+s10+$0x0], $0xffff  }
0x22a: {  	v48 =	vmul.f32 v23, v8;
	v47 =	vsel vm2, v47, v51;
	v35 =	vmul.f32 v35, v44;
	v39 =	vld.idx.msk [tilespmem:v56+s10+$0x0], $0xffff  }
0x22b: {  	v9 =	vadd.f32 v60, v9;
	v55 =	vmul.f32 v43, v44;
	v51 =	vmul.f32 $2.000000030e-01, v40;
	v53 =	vld.idx.msk [tilespmem:v59+s1+$0x0], $0xffff  }
0x22c: {  	v44 =	vmul.f32 v47, v44;
	vm1 =	vgt.f32 v40, $0.0e+00;
	v11 =	vadd.f32 v35, v11;
	v23 =	vld.idx.msk [tilespmem:v20+s1+$0x0], $0xffff  }
.Ltmp2:
0x22d: {  	v9 =	vadd.f32 v25, v9;
	v15 =	vadd.f32 v48, v15;
	v43 =	vsel vm1, v40, v51;
	v35 =	vld.idx.msk [tilespmem:v52+s10+$0x0], $0xffff;
	(pc) =	sbr.rel @p0 .LBB2_7-.Ltmp2, $4  }
0x22e: {  	v24 =	vsel vm0, v24, v33;
	v12 =	vadd.f32 v41, v12;
	v11 =	vadd.f32 v27, v11;
	v40 =	vld.idx.msk [tilespmem:v36+s10+$0x0], $0xffff  }
0x22f: {  	v24 =	vmul.f32 v24, v8;
	v13 =	vadd.f32 v55, v13;
	v29 =	vadd.f32 v44, v29;
	v33 =	vld.idx.msk [tilespmem:v56+s1+$0x0], $0xffff  }
0x230: {  	v12 =	vadd.f32 v49, v12;
	v41 =	vadd.f32 v54, v46;
	v46 =	vmul.f32 v31, v8;
	v44 =	vld.idx.msk [tilespmem:v57+s1+$0x0], $0xffff  }
0x231: {  	v8 =	vmov v50;
	v13 =	vadd.f32 v24, v13;
	v31 =	vadd.f32 v45, v53;
	v45 =	vld.idx.msk [tilespmem:v36+s1+$0x0], $0xffff  }
0x232: {  	_ =	sdelay $0x3  }
0x233: {  	v22 =	vld.idx.msk [tilespmem:v22+s1+$0x0], $0xffff  }
0x234: {  	v21 =	vld.idx.msk [tilespmem:v21+s1+$0x0], $0xffff  }
0x235: {  	v63 =	vld.idx.msk [tilespmem:v19+s10+$0x0], $0xffff  }
0x236: {  	v19 =	vld.idx.msk [tilespmem:v19+s1+$0x0], $0xffff  }
0x237: {  	v24 =	vmul.f32 v42, v8;
	vm2 =	vgt.f32 v41, $0.0e+00;
	v25 =	vadd.f32 v34, v37;
	v47 =	vld.idx.msk [tilespmem:v17+s10+$0x0], $0xffff  }
0x238: {  	v27 =	vmul.f32 v38, v8;
	v62 =	vmul.f32 $2.000000030e-01, v41;
	v32 =	vadd.f32 v35, v32;
	v50 =	vld.idx.msk [tilespmem:v16+s10+$0x0], $0xffff  }
0x239: {  	v29 =	vadd.f32 v46, v29;
	v49 =	vmul.f32 v43, v8;
	v20 =	vld.idx.msk [tilespmem:v20+s10+$0x0], $0xffff;
	vm1 =	vgt.f32 v31, $0.0e+00  }
0x23a: {  	v14 =	vld.idx.msk [tilespmem:v14+s25+$0x0], $0xffff;
	v36 =	vmul.f32 $2.000000030e-01, v31;
	v33 =	vadd.f32 v39, v33;
	v48 =	vmul.f32 $2.000000030e-01, v25  }
0x23b: {  	v17 =	vld.idx.msk [tilespmem:v17+s1+$0x0], $0xffff;
	vm0 =	vgt.f32 v25, $0.0e+00;
	vm9 =	vgt.f32 v32, $0.0e+00;
	v34 =	vsel vm2, v41, v62  }
0x23c: {  	v16 =	vld.idx.msk [tilespmem:v16+s1+$0x0], $0xffff;
	v62 =	vmul.f32 $2.000000030e-01, v32;
	v31 =	vsel vm1, v31, v36;
	v30 =	vadd.f32 v30, v44  }
0x23d: {  	v56 =	vmul.f32 v34, v8;
	v51 =	vmul.f32 $2.000000030e-01, v33;
	v52 =	vadd.f32 v40, v45  }
0x23e: {  	vm11 =	vgt.f32 v33, $0.0e+00;
	v32 =	vsel vm9, v32, v62;
	v22 =	vadd.f32 v26, v22  }
0x23f: {  	v21 =	vadd.f32 v28, v21;
	v53 =	vmul.f32 $2.000000030e-01, v30;
	v19 =	vadd.f32 v63, v19  }
0x240: {  	vm10 =	vgt.f32 v30, $0.0e+00;
	v20 =	vadd.f32 v20, v23;
	v17 =	vadd.f32 v47, v17  }
0x241: {  	v16 =	vadd.f32 v50, v16;
	v32 =	vmul.f32 v32, v14;
	v57 =	vmul.f32 $2.000000030e-01, v52  }
0x242: {  	v26 =	vsel vm11, v33, v51;
	vm12 =	vgt.f32 v52, $0.0e+00;
	v54 =	vmul.f32 $2.000000030e-01, v22  }
0x243: {  	v55 =	vmul.f32 $2.000000030e-01, v21;
	v28 =	vsel vm10, v30, v53;
	vm3 =	vgt.f32 v21, $0.0e+00  }
0x244: {  	v58 =	vmul.f32 $2.000000030e-01, v19;
	v26 =	vmul.f32 v26, v14;
	vm13 =	vgt.f32 v19, $0.0e+00  }
0x245: {  	vm14 =	vgt.f32 v22, $0.0e+00;
	vm4 =	vgt.f32 v16, $0.0e+00;
	v60 =	vmul.f32 $2.000000030e-01, v20  }
0x246: {  	v61 =	vmul.f32 $2.000000030e-01, v16;
	vm5 =	vgt.f32 v17, $0.0e+00;
	vm15 =	vgt.f32 v20, $0.0e+00  }
0x247: {  	v11 =	vadd.f32 v32, v11;
	v34 =	vsel vm12, v52, v57;
	v63 =	vmul.f32 v28, v14  }
0x248: {  	v59 =	vmul.f32 v34, v8;
	v19 =	vsel vm13, v19, v58;
	v18 =	vadd.f32 v26, v18  }
0x249: {  	v21 =	vsel vm3, v21, v55;
	v22 =	vsel vm14, v22, v54;
	v20 =	vsel vm15, v20, v60  }
0x24a: {  	v11 =	vadd.f32 v27, v11;
	v19 =	vmul.f32 v19, v14;
	v21 =	vmul.f32 v21, v14  }
0x24b: {  	v22 =	vmul.f32 v22, v14;
	v12 =	vadd.f32 v63, v12;
	v18 =	vadd.f32 v56, v18  }
0x24c: {  	v11 =	vmul.f32 $1.442695020e+00, v11;
	v10 =	vadd.f32 v19, v10;
	v19 =	vmul.f32 $2.000000030e-01, v17  }
0x24d: {  	v16 =	vsel vm4, v16, v61;
	v15 =	vadd.f32 v21, v15;
	v9 =	vadd.f32 v22, v9  }
0x24e: {  	(erf) = vpow2.f32 v11;
	v17 =	vsel vm5, v17, v19;
	v19 =	vmul.f32 v20, v8  }
0x24f: {  	v10 =	vadd.f32 v49, v10;
	v9 =	vadd.f32 v24, v9;
	v17 =	vmul.f32 v17, v14  }
0x250: {  	v14 =	vmul.f32 v16, v14;
	v16 =	vsel vm0, v25, v48;
	v15 =	vadd.f32 v19, v15  }
0x251: {  	v16 =	vmul.f32 v16, v8;
	v10 =	vmul.f32 $1.442695020e+00, v10;
	v13 =	vadd.f32 v17, v13  }
0x252: {  	v8 =	vmul.f32 v31, v8;
	v14 =	vadd.f32 v14, v29;
	v11 =	vmul.f32 $1.442695020e+00, v15  }
0x253: {  	v9 =	vmul.f32 $1.442695020e+00, v9;
	(erf) = vpow2.f32 v10;
	v13 =	vadd.f32 v16, v13  }
0x254: {  	v10 =	vmul.f32 $1.442695020e+00, v18;
	v8 =	vadd.f32 v8, v14;
	(erf) = vpow2.f32 v11  }
0x255: {  	v11 =	vadd.f32 v59, v12;
	(erf) = vpow2.f32 v9;
	v9 =	vmul.f32 $1.442695020e+00, v13  }
0x256: {  	v8 =	vmul.f32 $1.442695020e+00, v8;
	(erf) = vpow2.f32 v10  }
0x257: {  	(erf) = vpow2.f32 v9;
	v9 =	vmul.f32 $1.442695020e+00, v11  }
0x258: {  	(erf) = vpow2.f32 v8  }
0x259: {  	(erf) = vpow2.f32 v9  }
0x25a: {  	s12 =	simm.s32 $0x0  }
0x25b: {  	v15 =	vpop (erf);
	v8 =	vmov s12  }
0x25c: {  	[tilespmem:$0x8200] =	vst v15;
	v8 =	vand.u32 $0x3E, v8;
	v14 =	vpop (erf)  }
0x25d: {  	v16 =	vbroadcast v8, $0x0;
	[tilespmem:$0x8210] =	vst v14;
	v13 =	vpop (erf)  }
0x25e: {  	v12 =	vpop (erf);
	[tilespmem:$0x8220] =	vst v13  }
0x25f: {  	v17 =	vor.u32 v0, v16;
	v11 =	vpop (erf);
	[tilespmem:$0x8230] =	vst v12  }
0x260: {  	v10 =	vpop (erf);
	[tilespmem:$0x8240] =	vst v11  }
0x261: {  	v9 =	vpop (erf);
	[tilespmem:$0x8250] =	vst v10  }
0x262: {  	v8 =	vpop (erf);
	[tilespmem:$0x8260] =	vst v9  }
0x263: {  	[tilespmem:$0x8270] =	vst v8  }
0x264: {  	v18 =	vld.idx.msk [tilespmem:v17+s1+$0x0], $0xffff;
	_ =	sdelay $0x2  }
0x265: {  	v19 =	vor.u32 v1, v16;
	_ =	sdelay $0x1  }
0x266: {  	v18 =	vmul.f32 v18, v15;
	_ =	sdelay $0x1  }
0x267: {  	[tilespmem:v17+s1+$0x0] =	vst.idx.msk $0xffff, v18  }
0x268: {  	v17 =	vld.idx.msk [tilespmem:v19+s1+$0x0], $0xffff;
	_ =	sdelay $0x2  }
0x269: {  	v18 =	vor.u32 v2, v16;
	_ =	sdelay $0x1  }
0x26a: {  	v17 =	vmul.f32 v17, v14;
	_ =	sdelay $0x1  }
0x26b: {  	[tilespmem:v19+s1+$0x0] =	vst.idx.msk $0xffff, v17  }
0x26c: {  	v17 =	vld.idx.msk [tilespmem:v18+s1+$0x0], $0xffff;
	_ =	sdelay $0x2  }
0x26d: {  	v19 =	vor.u32 v3, v16;
	_ =	sdelay $0x1  }
0x26e: {  	v17 =	vmul.f32 v17, v13;
	_ =	sdelay $0x1  }
0x26f: {  	[tilespmem:v18+s1+$0x0] =	vst.idx.msk $0xffff, v17  }
0x270: {  	v17 =	vld.idx.msk [tilespmem:v19+s1+$0x0], $0xffff;
	_ =	sdelay $0x2  }
0x271: {  	v18 =	vor.u32 v4, v16;
	_ =	sdelay $0x1  }
0x272: {  	v17 =	vmul.f32 v17, v12;
	_ =	sdelay $0x1  }
0x273: {  	[tilespmem:v19+s1+$0x0] =	vst.idx.msk $0xffff, v17  }
0x274: {  	v17 =	vld.idx.msk [tilespmem:v18+s1+$0x0], $0xffff;
	_ =	sdelay $0x2  }
0x275: {  	v19 =	vor.u32 v5, v16;
	_ =	sdelay $0x1  }
0x276: {  	v17 =	vmul.f32 v17, v11;
	_ =	sdelay $0x1  }
0x277: {  	[tilespmem:v18+s1+$0x0] =	vst.idx.msk $0xffff, v17  }
0x278: {  	v17 =	vld.idx.msk [tilespmem:v19+s1+$0x0], $0xffff;
	_ =	sdelay $0x2  }
0x279: {  	v18 =	vor.u32 v6, v16;
	_ =	sdelay $0x1  }
0x27a: {  	v17 =	vmul.f32 v17, v10;
	_ =	sdelay $0x1  }
0x27b: {  	[tilespmem:v19+s1+$0x0] =	vst.idx.msk $0xffff, v17  }
0x27c: {  	v17 =	vld.idx.msk [tilespmem:v18+s1+$0x0], $0xffff;
	_ =	sdelay $0x2  }
0x27d: {  	v16 =	vor.u32 v7, v16;
	_ =	sdelay $0x1  }
0x27e: {  	v17 =	vmul.f32 v17, v9  }
0x27f: {  	s21 =	simm.s32 $0x1  }
0x280: {  	[tilespmem:v18+s1+$0x0] =	vst.idx.msk $0xffff, v17;
	v17 =	vmov s21  }
0x281: {  	v18 =	vld.idx.msk [tilespmem:v16+s1+$0x0], $0xffff;
	v17 =	vand.u32 $0x3F, v17  }
0x282: {  	v17 =	vbroadcast v17, $0x0;
	_ =	sdelay $0x1  }
0x283: {  	v19 =	vor.u32 v0, v17;
	_ =	sdelay $0x1  }
0x284: {  	v18 =	vmul.f32 v18, v8;
	_ =	sdelay $0x1  }
0x285: {  	[tilespmem:v16+s1+$0x0] =	vst.idx.msk $0xffff, v18  }
0x286: {  	v16 =	vld.idx.msk [tilespmem:v19+s1+$0x0], $0xffff;
	_ =	sdelay $0x2  }
0x287: {  	v18 =	vor.u32 v1, v17;
	_ =	sdelay $0x1  }
0x288: {  	v16 =	vmul.f32 v16, v15;
	_ =	sdelay $0x1  }
0x289: {  	[tilespmem:v19+s1+$0x0] =	vst.idx.msk $0xffff, v16  }
0x28a: {  	v16 =	vld.idx.msk [tilespmem:v18+s1+$0x0], $0xffff;
	_ =	sdelay $0x2  }
0x28b: {  	v19 =	vor.u32 v2, v17;
	_ =	sdelay $0x1  }
0x28c: {  	v16 =	vmul.f32 v16, v14;
	_ =	sdelay $0x1  }
0x28d: {  	[tilespmem:v18+s1+$0x0] =	vst.idx.msk $0xffff, v16  }
0x28e: {  	v16 =	vld.idx.msk [tilespmem:v19+s1+$0x0], $0xffff;
	_ =	sdelay $0x2  }
0x28f: {  	v18 =	vor.u32 v3, v17;
	_ =	sdelay $0x1  }
0x290: {  	v16 =	vmul.f32 v16, v13;
	_ =	sdelay $0x1  }
0x291: {  	[tilespmem:v19+s1+$0x0] =	vst.idx.msk $0xffff, v16  }
0x292: {  	v16 =	vld.idx.msk [tilespmem:v18+s1+$0x0], $0xffff;
	_ =	sdelay $0x2  }
0x293: {  	v19 =	vor.u32 v4, v17;
	_ =	sdelay $0x1  }
0x294: {  	v16 =	vmul.f32 v16, v12;
	_ =	sdelay $0x1  }
0x295: {  	[tilespmem:v18+s1+$0x0] =	vst.idx.msk $0xffff, v16  }
0x296: {  	v16 =	vld.idx.msk [tilespmem:v19+s1+$0x0], $0xffff;
	_ =	sdelay $0x2  }
0x297: {  	v18 =	vor.u32 v5, v17;
	_ =	sdelay $0x1  }
0x298: {  	v16 =	vmul.f32 v16, v11;
	_ =	sdelay $0x1  }
0x299: {  	[tilespmem:v19+s1+$0x0] =	vst.idx.msk $0xffff, v16  }
0x29a: {  	v16 =	vld.idx.msk [tilespmem:v18+s1+$0x0], $0xffff;
	_ =	sdelay $0x2  }
0x29b: {  	v19 =	vor.u32 v6, v17;
	_ =	sdelay $0x1  }
0x29c: {  	v16 =	vmul.f32 v16, v10;
	_ =	sdelay $0x1  }
0x29d: {  	[tilespmem:v18+s1+$0x0] =	vst.idx.msk $0xffff, v16  }
0x29e: {  	v16 =	vld.idx.msk [tilespmem:v19+s1+$0x0], $0xffff;
	_ =	sdelay $0x2  }
0x29f: {  	v17 =	vor.u32 v7, v17;
	_ =	sdelay $0x1  }
0x2a0: {  	v16 =	vmul.f32 v16, v9  }
0x2a1: {  	s18 =	simm.s32 $0x2  }
0x2a2: {  	[tilespmem:v19+s1+$0x0] =	vst.idx.msk $0xffff, v16;
	v16 =	vmov s18  }
0x2a3: {  	v19 =	vld.idx.msk [tilespmem:v17+s1+$0x0], $0xffff;
	v16 =	vand.u32 $0x3E, v16  }
0x2a4: {  	v16 =	vbroadcast v16, $0x0;
	_ =	sdelay $0x1  }
0x2a5: {  	v18 =	vor.u32 v0, v16;
	_ =	sdelay $0x1  }
0x2a6: {  	s21 =	simm.s32 $0x4;
	v19 =	vmul.f32 v19, v8  }
.LBB2_9:
0x2a7: {  	_ = 	snop  }
0x2a8: {  	p0 =	slt.u32 s21, $0x3E;
	s12 =	smov.u32 s21;
	s21 =	sadd.s32 $0x2, s21;
	[tilespmem:v17+s1+$0x0] =	vst.idx.msk $0xffff, v19  }
0x2a9: {  	v17 =	vld.idx.msk [tilespmem:v18+s1+$0x0], $0xffff;
	_ =	sdelay $0x3  }
0x2aa: {  	v19 =	vor.u32 v1, v16;
	_ =	sdelay $0x1  }
0x2ab: {  	v17 =	vmul.f32 v17, v15;
	_ =	sdelay $0x1  }
0x2ac: {  	[tilespmem:v18+s1+$0x0] =	vst.idx.msk $0xffff, v17  }
0x2ad: {  	v17 =	vld.idx.msk [tilespmem:v19+s1+$0x0], $0xffff;
	_ =	sdelay $0x3  }
0x2ae: {  	v18 =	vor.u32 v2, v16;
	_ =	sdelay $0x1  }
0x2af: {  	v17 =	vmul.f32 v17, v14;
	_ =	sdelay $0x1  }
0x2b0: {  	[tilespmem:v19+s1+$0x0] =	vst.idx.msk $0xffff, v17  }
0x2b1: {  	v17 =	vld.idx.msk [tilespmem:v18+s1+$0x0], $0xffff;
	_ =	sdelay $0x3  }
0x2b2: {  	v19 =	vor.u32 v3, v16;
	_ =	sdelay $0x1  }
0x2b3: {  	v17 =	vmul.f32 v17, v13;
	_ =	sdelay $0x1  }
0x2b4: {  	[tilespmem:v18+s1+$0x0] =	vst.idx.msk $0xffff, v17  }
0x2b5: {  	v17 =	vld.idx.msk [tilespmem:v19+s1+$0x0], $0xffff;
	_ =	sdelay $0x3  }
0x2b6: {  	v18 =	vor.u32 v4, v16;
	_ =	sdelay $0x1  }
0x2b7: {  	v17 =	vmul.f32 v17, v12;
	_ =	sdelay $0x1  }
0x2b8: {  	[tilespmem:v19+s1+$0x0] =	vst.idx.msk $0xffff, v17  }
0x2b9: {  	v17 =	vld.idx.msk [tilespmem:v18+s1+$0x0], $0xffff;
	_ =	sdelay $0x3  }
0x2ba: {  	v19 =	vor.u32 v5, v16;
	_ =	sdelay $0x1  }
0x2bb: {  	v17 =	vmul.f32 v17, v11;
	_ =	sdelay $0x1  }
0x2bc: {  	[tilespmem:v18+s1+$0x0] =	vst.idx.msk $0xffff, v17  }
0x2bd: {  	v17 =	vld.idx.msk [tilespmem:v19+s1+$0x0], $0xffff;
	_ =	sdelay $0x3  }
0x2be: {  	v18 =	vor.u32 v6, v16;
	_ =	sdelay $0x1  }
0x2bf: {  	v17 =	vmul.f32 v17, v10;
	_ =	sdelay $0x1  }
0x2c0: {  	[tilespmem:v19+s1+$0x0] =	vst.idx.msk $0xffff, v17  }
0x2c1: {  	v17 =	vld.idx.msk [tilespmem:v18+s1+$0x0], $0xffff;
	_ =	sdelay $0x3  }
0x2c2: {  	v16 =	vor.u32 v7, v16;
	_ =	sdelay $0x1  }
0x2c3: {  	v17 =	vmul.f32 v17, v9;
	_ =	sdelay $0x1  }
0x2c4: {  	s17 =	sadd.s32 $0x1, s18;
	s18 =	smov.u32 s12;
	[tilespmem:v18+s1+$0x0] =	vst.idx.msk $0xffff, v17  }
0x2c5: {  	v18 =	vmov s17;
	v17 =	vld.idx.msk [tilespmem:v16+s1+$0x0], $0xffff  }
0x2c6: {  	v18 =	vand.u32 $0x3F, v18  }
0x2c7: {  	v18 =	vbroadcast v18, $0x0;
	_ =	sdelay $0x1  }
0x2c8: {  	v19 =	vor.u32 v0, v18;
	_ =	sdelay $0x1  }
0x2c9: {  	v17 =	vmul.f32 v17, v8;
	_ =	sdelay $0x1  }
0x2ca: {  	[tilespmem:v16+s1+$0x0] =	vst.idx.msk $0xffff, v17  }
0x2cb: {  	v16 =	vld.idx.msk [tilespmem:v19+s1+$0x0], $0xffff;
	_ =	sdelay $0x3  }
0x2cc: {  	v17 =	vor.u32 v1, v18;
	_ =	sdelay $0x1  }
0x2cd: {  	v16 =	vmul.f32 v16, v15;
	_ =	sdelay $0x1  }
0x2ce: {  	[tilespmem:v19+s1+$0x0] =	vst.idx.msk $0xffff, v16  }
0x2cf: {  	v16 =	vld.idx.msk [tilespmem:v17+s1+$0x0], $0xffff;
	_ =	sdelay $0x3  }
0x2d0: {  	v19 =	vor.u32 v2, v18;
	_ =	sdelay $0x1  }
0x2d1: {  	v16 =	vmul.f32 v16, v14;
	_ =	sdelay $0x1  }
0x2d2: {  	[tilespmem:v17+s1+$0x0] =	vst.idx.msk $0xffff, v16  }
0x2d3: {  	v16 =	vld.idx.msk [tilespmem:v19+s1+$0x0], $0xffff;
	_ =	sdelay $0x3  }
0x2d4: {  	v17 =	vor.u32 v3, v18;
	_ =	sdelay $0x1  }
0x2d5: {  	v16 =	vmul.f32 v16, v13;
	_ =	sdelay $0x1  }
0x2d6: {  	[tilespmem:v19+s1+$0x0] =	vst.idx.msk $0xffff, v16  }
0x2d7: {  	v16 =	vld.idx.msk [tilespmem:v17+s1+$0x0], $0xffff;
	_ =	sdelay $0x3  }
0x2d8: {  	v19 =	vor.u32 v4, v18;
	_ =	sdelay $0x1  }
0x2d9: {  	v16 =	vmul.f32 v16, v12;
	_ =	sdelay $0x1  }
0x2da: {  	[tilespmem:v17+s1+$0x0] =	vst.idx.msk $0xffff, v16  }
0x2db: {  	v16 =	vld.idx.msk [tilespmem:v19+s1+$0x0], $0xffff;
	_ =	sdelay $0x3  }
0x2dc: {  	v17 =	vor.u32 v5, v18;
	_ =	sdelay $0x1  }
0x2dd: {  	v16 =	vmul.f32 v16, v11;
	_ =	sdelay $0x1  }
0x2de: {  	[tilespmem:v19+s1+$0x0] =	vst.idx.msk $0xffff, v16  }
0x2df: {  	v16 =	vld.idx.msk [tilespmem:v17+s1+$0x0], $0xffff;
	_ =	sdelay $0x3  }
0x2e0: {  	v19 =	vor.u32 v6, v18;
	_ =	sdelay $0x1  }
0x2e1: {  	v16 =	vmul.f32 v16, v10;
	_ =	sdelay $0x1  }
0x2e2: {  	[tilespmem:v17+s1+$0x0] =	vst.idx.msk $0xffff, v16  }
0x2e3: {  	v16 =	vld.idx.msk [tilespmem:v19+s1+$0x0], $0xffff;
	_ =	sdelay $0x3  }
0x2e4: {  	v17 =	vor.u32 v7, v18;
	_ =	sdelay $0x1  }
0x2e5: {  	v16 =	vmul.f32 v16, v9;
	_ =	sdelay $0x1  }
0x2e6: {  	[tilespmem:v19+s1+$0x0] =	vst.idx.msk $0xffff, v16  }
0x2e7: {  	v16 =	vmov s18;
	v19 =	vld.idx.msk [tilespmem:v17+s1+$0x0], $0xffff  }
0x2e8: {  	v16 =	vand.u32 $0x3E, v16  }
.Ltmp3:
0x2e9: {  	v16 =	vbroadcast v16, $0x0;
	(pc) =	sbr.rel @p0 .LBB2_9-.Ltmp3, $3  }
0x2ea: {  	_ = 	snop  }
0x2eb: {  	v18 =	vor.u32 v0, v16;
	_ =	sdelay $0x1  }
0x2ec: {  	v19 =	vmul.f32 v19, v8  }
0x2ed: {  	_ =	sdelay $0x3  }
0x2ee: {  	[tilespmem:v17+s1+$0x0] =	vst.idx.msk $0xffff, v19  }
0x2ef: {  	v17 =	vld.idx.msk [tilespmem:v18+s1+$0x0], $0xffff;
	_ =	sdelay $0x2  }
0x2f0: {  	v41 =	vor.u32 v1, v16;
	_ =	sdelay $0x1  }
0x2f1: {  	v17 =	vmul.f32 v17, v15;
	_ =	sdelay $0x1  }
0x2f2: {  	[tilespmem:v18+s1+$0x0] =	vst.idx.msk $0xffff, v17  }
0x2f3: {  	v17 =	vld.idx.msk [tilespmem:v41+s1+$0x0], $0xffff;
	_ =	sdelay $0x2  }
0x2f4: {  	v42 =	vor.u32 v2, v16;
	_ =	sdelay $0x1  }
0x2f5: {  	v17 =	vmul.f32 v17, v14;
	_ =	sdelay $0x1  }
0x2f6: {  	[tilespmem:v41+s1+$0x0] =	vst.idx.msk $0xffff, v17  }
0x2f7: {  	v17 =	vld.idx.msk [tilespmem:v42+s1+$0x0], $0xffff;
	_ =	sdelay $0x2  }
0x2f8: {  	v43 =	vor.u32 v3, v16;
	_ =	sdelay $0x1  }
0x2f9: {  	v17 =	vmul.f32 v17, v13;
	_ =	sdelay $0x1  }
0x2fa: {  	[tilespmem:v42+s1+$0x0] =	vst.idx.msk $0xffff, v17  }
0x2fb: {  	v17 =	vld.idx.msk [tilespmem:v43+s1+$0x0], $0xffff;
	_ =	sdelay $0x2  }
0x2fc: {  	v44 =	vor.u32 v4, v16;
	_ =	sdelay $0x1  }
0x2fd: {  	v17 =	vmul.f32 v17, v12;
	_ =	sdelay $0x1  }
0x2fe: {  	[tilespmem:v43+s1+$0x0] =	vst.idx.msk $0xffff, v17  }
0x2ff: {  	v17 =	vld.idx.msk [tilespmem:v44+s1+$0x0], $0xffff;
	_ =	sdelay $0x2  }
0x300: {  	v45 =	vor.u32 v5, v16;
	_ =	sdelay $0x1  }
0x301: {  	v17 =	vmul.f32 v17, v11;
	_ =	sdelay $0x1  }
0x302: {  	[tilespmem:v44+s1+$0x0] =	vst.idx.msk $0xffff, v17  }
0x303: {  	v17 =	vld.idx.msk [tilespmem:v45+s1+$0x0], $0xffff;
	_ =	sdelay $0x2  }
0x304: {  	v46 =	vor.u32 v6, v16;
	_ =	sdelay $0x1  }
0x305: {  	v17 =	vmul.f32 v17, v10;
	_ =	sdelay $0x1  }
0x306: {  	[tilespmem:v45+s1+$0x0] =	vst.idx.msk $0xffff, v17  }
0x307: {  	v17 =	vld.idx.msk [tilespmem:v46+s1+$0x0], $0xffff;
	_ =	sdelay $0x2  }
0x308: {  	v47 =	vor.u32 v7, v16;
	_ =	sdelay $0x1  }
0x309: {  	v17 =	vmul.f32 v17, v9  }
0x30a: {  	s12 =	sadd.s32 $0x1, s18  }
0x30b: {  	v48 =	vmov s12;
	[tilespmem:v46+s1+$0x0] =	vst.idx.msk $0xffff, v17  }
0x30c: {  	v17 =	vand.u32 $0x3F, v48;
	v18 =	vld.idx.msk [tilespmem:v47+s1+$0x0], $0xffff  }
0x30d: {  	v17 =	vbroadcast v17, $0x0;
	_ =	sdelay $0x1  }
0x30e: {  	v49 =	vor.u32 v0, v17;
	_ =	sdelay $0x1  }
0x30f: {  	v18 =	vmul.f32 v18, v8;
	_ =	sdelay $0x1  }
0x310: {  	[tilespmem:v47+s1+$0x0] =	vst.idx.msk $0xffff, v18  }
0x311: {  	v16 =	vld.idx.msk [tilespmem:v49+s1+$0x0], $0xffff;
	_ =	sdelay $0x2  }
0x312: {  	v50 =	vor.u32 v1, v17;
	_ =	sdelay $0x1  }
0x313: {  	v51 =	vmul.f32 v16, v15;
	_ =	sdelay $0x1  }
0x314: {  	[tilespmem:v49+s1+$0x0] =	vst.idx.msk $0xffff, v51  }
0x315: {  	v15 =	vld.idx.msk [tilespmem:v50+s1+$0x0], $0xffff;
	_ =	sdelay $0x2  }
0x316: {  	v52 =	vor.u32 v2, v17;
	_ =	sdelay $0x1  }
0x317: {  	v53 =	vmul.f32 v15, v14;
	_ =	sdelay $0x1  }
0x318: {  	[tilespmem:v50+s1+$0x0] =	vst.idx.msk $0xffff, v53  }
0x319: {  	v14 =	vld.idx.msk [tilespmem:v52+s1+$0x0], $0xffff;
	_ =	sdelay $0x2  }
0x31a: {  	v54 =	vor.u32 v3, v17;
	_ =	sdelay $0x1  }
0x31b: {  	v55 =	vmul.f32 v14, v13;
	_ =	sdelay $0x1  }
0x31c: {  	[tilespmem:v52+s1+$0x0] =	vst.idx.msk $0xffff, v55  }
0x31d: {  	v13 =	vld.idx.msk [tilespmem:v54+s1+$0x0], $0xffff;
	_ =	sdelay $0x2  }
0x31e: {  	v56 =	vor.u32 v4, v17;
	_ =	sdelay $0x1  }
0x31f: {  	v57 =	vmul.f32 v13, v12;
	_ =	sdelay $0x1  }
0x320: {  	[tilespmem:v54+s1+$0x0] =	vst.idx.msk $0xffff, v57  }
0x321: {  	v12 =	vld.idx.msk [tilespmem:v56+s1+$0x0], $0xffff;
	_ =	sdelay $0x2  }
0x322: {  	v58 =	vor.u32 v5, v17;
	_ =	sdelay $0x1  }
0x323: {  	v59 =	vmul.f32 v12, v11;
	_ =	sdelay $0x1  }
0x324: {  	[tilespmem:v56+s1+$0x0] =	vst.idx.msk $0xffff, v59  }
0x325: {  	v11 =	vld.idx.msk [tilespmem:v58+s1+$0x0], $0xffff;
	_ =	sdelay $0x2  }
0x326: {  	v60 =	vor.u32 v6, v17;
	_ =	sdelay $0x1  }
0x327: {  	v61 =	vmul.f32 v11, v10;
	_ =	sdelay $0x1  }
0x328: {  	[tilespmem:v58+s1+$0x0] =	vst.idx.msk $0xffff, v61  }
0x329: {  	v10 =	vld.idx.msk [tilespmem:v60+s1+$0x0], $0xffff;
	_ =	sdelay $0x2  }
0x32a: {  	v62 =	vor.u32 v7, v17;
	_ =	sdelay $0x1  }
0x32b: {  	v63 =	vmul.f32 v10, v9;
	_ =	sdelay $0x1  }
0x32c: {  	[tilespmem:v60+s1+$0x0] =	vst.idx.msk $0xffff, v63  }
0x32d: {  	v9 =	vld.idx.msk [tilespmem:v62+s1+$0x0], $0xffff;
	_ =	sdelay $0x4  }
0x32e: {  	v8 =	vmul.f32 v9, v8;
	_ =	sdelay $0x1  }
0x32f: {  	[tilespmem:v62+s1+$0x0] =	vst.idx.msk $0xffff, v8  }
0x330: {  	[spmem:s4] =	stream.indirect.scatter.add.f32 [tilespmem:s14], [sflag:$0x7], $0x1, s29, s26, $0xb8;
	[tilespmem:$0x12540] =	vst v63  }
0x331: {  	_ =	swait.ge [sflag:s24], $0x80  }
0x332: {  	[sflag:s24] =	ssyncset.done $0x0  }
0x333: {  	s22 =	sadd.s32 $0x1, s22;
	[sflag:s24] =	ssyncadd.s32 $0xFFFFFF80  }
0x334: {  	[spmem:s2] =	stream.indirect.scatter.add.f32 [tilespmem:s1], [sflag:$0x7], $0x40, s29, s26, $0xb8;
	[tilespmem:$0x12540] =	vst v63  }
0x335: {  	s23 =	sadd.s32 s23, s20;
	p0 =	sne.s32 s22, $0x29;
	_ =	swait.ge [sflag:s24], $0x2000  }
.Ltmp4:
0x336: {  	s12 =	sshrl.u32 s23, $0x3;
	[sflag:s24] =	ssyncset.done $0x0;
	(pc) =	sbr.rel @p0 .LBB2_2-.Ltmp4, $4  }
0x337: {  	s17 =	sadd.s32 s8, s12;
	[sflag:s24] =	ssyncadd.s32 $0xFFFFE000  }
0x338: {  	[tilespmem:s28], [sflag:$0x2] =	stream.linear.gather [hbm4b:s17+s5], $0x80, $0x38;
	[tilespmem:$0x12540] =	vst v63  }
0x339: {  	s12 =	sadd.s32 s9, s12  }
0x33a: {  	[tilespmem:s29], [sflag:$0x2] =	stream.linear.gather [hbm4b:s12+s5], $0x80, $0x38;
	[tilespmem:$0x12540] =	vst v63  }
0x33b: {  	_ =	swait.ge [sflag:s11], $0x2000  }
0x33c: {  	[sflag:s11] =	ssyncset.done $0x0  }
0x33d: {  	[sflag:s11] =	ssyncadd.s32 $0xFFFFE000  }
0x33e: {  	_ =	swait.ge [sflag:s13], $0x2000  }
0x33f: {  	[sflag:s13] =	ssyncset.done $0x0  }
0x340: {  	[sflag:s13] =	ssyncadd.s32 $0xFFFFE000  }
0x341: {  	_ =	swait.ge [sflag:s3], $0x80  }
0x342: {  	[sflag:s3] =	ssyncset.done $0x0  }
0x343: {  	[sflag:s3] =	ssyncadd.s32 $0xFFFFFF80  }
0x344: {  	_ =	swait.ge [sflag:s3], $0x80  }
0x345: {  	[sflag:s3] =	ssyncset.done $0x0  }
0x346: {  	[sflag:s3] =	ssyncadd.s32 $0xFFFFFF80  }
0x347: {  	[bflag:$0x0] =	sbarrier.arrive $0xFFFF  }
0x348: {  	s17 =	rddreg [dreg:$0x7]  }
0x349: {  	s12 =	rddreg [dreg:$0xe]  }
0x34a: {  	s18 =	rddreg [dreg:$0x12]  }
0x34b: {  	[hbm:s12], [sflag:s17] =	dma.local [spmem:s18], $0x1400  }
0x34c: {  	_ =	swait.ge [sflag:s24], $0x1400  }
0x34d: {  	[sflag:s24] =	ssyncset.done $0x0;
	s18 =	rddreg [dreg:$0xf]  }
0x34e: {  	s21 =	rddreg [dreg:$0x13];
	[sflag:s24] =	ssyncadd.s32 $0xFFFFEC00  }
0x34f: {  	[hbm:s18], [sflag:s17] =	dma.local [spmem:s21], $0x50  }
0x350: {  	_ =	swait.ge [sflag:s24], $0x50  }
0x351: {  	s22 =	rddreg [dreg:$0x11]  }
0x352: {  	s23 =	rddreg [dreg:$0x10];
	s18 =	sadd.s32 $0x1, s22  }
0x353: {  	p0 =	sne.s32 s18, s23  }
.Ltmp5:
0x354: {  	_ = 	snop;
	(pc) =	sbr.rel @p0 .LBB2_1-.Ltmp5, $3  }
0x355: {  	_ =	sdelay $0x1  }
0x356: {  	[sflag:s24] =	ssyncset.done $0x0  }
0x357: {  	[sflag:s24] =	ssyncadd.s32 $0xFFFFFFB0  }
0x358: {  	_ =	sfence.sel $0x180000  }
0x359: {  	[bflag:$0x0] =	sbarrier.arrive $0xFFFF  }
0x35a: {  	_ =	strace $0x9000004A  }
0x35b: {  	s0 =	stileid.u32;
	[bflag:$0x2] =	sbarrier.arrive $0xFFFF  }
0x35c: {  	p0 =	sne.s32 s0, $0x0;
	s0 =	rddreg [dreg:$0x4]  }
0x35d: {  	s0 =	sadd.s32 @!p0 $0x100000, s0  }
0x35e: {  	[sflag:s0] =	ssyncadd.tile.s32 @!p0 $0x1;
	_ =	shalt  }
.Lfunc_end2:
_tile_overlayer_lowered:
.L_overlay_start_2:
0x35f: {  	(tag) =	ssettag $0x2  }
0x360: {  	s0 =	rddreg [dreg:$0x0];
	s2 =	stileid.u32  }
0x361: {  	s1 =	rddreg [dreg:$0x1];
	p0 =	sne.s32 s2, $0x0  }
0x362: {  	s3 =	rddreg [dreg:$0x2];
	[bflag:$0x3] =	sbarrier.arrive $0xFFFF;
	s2 =	simm.s32 @!p0 $0x1C07  }
0x363: {  	[timem:s3], [sflag:s2] =	dma.local @!p0 [hbm:s0], s1  }
0x364: {  	s0 =	simm.s32 @!p0 $0x7  }
0x365: {  	_ =	swait.ge @!p0 [sflag:s0], s1  }
0x366: {  	s1 =	ssub.s32 @!p0 $0x0, s1;
	[sflag:s0] =	ssyncset.done @!p0 $0x0  }
0x367: {  	[sflag:s0] =	ssyncadd.s32 @!p0 s1  }
0x368: {  	[bflag:$0x3] =	sbarrier.arrive $0xFFFF  }
0x369: {  	_ =	shalt  }

// kernel: kernel.7.cloned.1.call-start
scs
__scs_entry_jumppad:
0x0: {  	(pc) =	sbr.rel $0x88, $3  }
0x1: {  	(tag) =	ssettag $0x0;
	lr =	simm.s32 $0x1  }
0x2: {  	[smem:$0x3F90] =	sst lr;
	_ =	strace $0xD0000000  }
0x3: {  	_ = 	snop  }
0x4: {  	_ = 	snop  }
0x5: {  	_ = 	snop  }
0x6: {  	_ = 	snop  }
0x7: {  	_ = 	snop  }
__scs_overlays_trampoline_lowered:
0x8: {  	[smem:$0x3F9F] =	sst s0  }
0x9: {  	[smem:$0x3FA0] =	sst s1  }
0xa: {  	[smem:$0x3FA1] =	sst s2  }
0xb: {  	[smem:$0x3FA2] =	sst s3  }
0xc: {  	[smem:$0x3FA3] =	sst s4  }
0xd: {  	[smem:$0x3FA4] =	sst s5  }
0xe: {  	[smem:$0x3FA5] =	sst s6  }
0xf: {  	[smem:$0x3FA6] =	sst s7  }
0x10: {  	[smem:$0x3FA7] =	sst s8  }
0x11: {  	[smem:$0x3FA8] =	sst s9;
	s0 =	simm.s32 @!p0 $0x0  }
0x12: {  	s1 =	sld [smem:$0x3F8E];
	s0 =	simm.s32 @p0 $0x1  }
0x13: {  	[smem:$0x3FA9] =	sst s0;
	s0 =	simm.s32 @!p1 $0x0  }
0x14: {  	s2 =	sld [smem:$0x3F8D];
	s0 =	simm.s32 @p1 $0x1  }
0x15: {  	[smem:$0x3FAA] =	sst s0;
	s0 =	simm.s32 @!p2 $0x0  }
0x16: {  	s3 =	sld [smem:$0x3FDB];
	s0 =	simm.s32 @p2 $0x1  }
0x17: {  	s4 =	simm.s32 $0x1BF5;
	[smem:$0x3FAC] =	sst s0  }
0x18: {  	s0 =	sld [smem:$0x3F8F];
	_ =	swait.ge [sflag:s4], $0x0  }
0x19: {  	s7 =	sld [smem:$0x3F90]  }
0x1a: {  	s8 =	sadd.s32 $0xFFFFE003, lr  }
0x1b: {  	s9 =	sadd.s32 $0xFFFFFEF7, lr;
	s5 =	simm.s32 $0xFFFFFFFF;
	p2 =	slt.u32 s8, $0xFFFFF086  }
0x1c: {  	p1 =	slt.u32 s9, $0xF7A;
	s5 =	simm.s32 @!p2 $0x0  }
0x1d: {  	s5 =	simm.s32 @p1 $0x1;
	p0 =	seq.s32 s7, s2  }
0x1e: {  	s7 =	smul.u32 @!p0 $0xF7A, s2;
	p2 =	seq.s32 @!p0 s5, $0x0  }
0x1f: {  	s9 =	smul.u32 $0xF7A, s1;
	s8 =	simm.s32 @!p0 $0x1BF5;
	p2 =	por !p2, p0  }
0x20: {  	[sflag:s8] =	ssyncset.s32 @!p0 $0xFFFFF086;
	s6 =	sadd.s32 @!p0 s3, s7;
	s7 =	simm.s32 @!p0 $0x108  }
0x21: {  	s3 =	sadd.s32 s3, s9;
	s6 =	sadd.s32 @!p0 $0x88, s6;
	s7 =	simm.s32 @p2 $0x1082  }
0x22: {  	[simem:s7], [sflag:s8] =	dma.local @!p0 [hbm:s6], $0xF7A  }
0x23: {  	s9 =	sor.u32 $0xD0000000, s2;
	s6 =	simm.s32 $0x108;
	_ =	swait.ge @!p0 [sflag:s8], $0x0  }
0x24: {  	s3 =	sadd.s32 $0x88, s3;
	s6 =	simm.s32 @!p1 $0x1082;
	[sflag:s4] =	ssyncset.s32 $0xFFFFF086  }
0x25: {  	[simem:s6], [sflag:s4] =	dma.local [hbm:s3], $0xF7A  }
0x26: {  	[smem:$0x3F90] =	sst s1;
	(tag) =	ssettag s2;
	_ =	strace s9  }
0x27: {  	s1 =	sld [smem:$0x3FA0]  }
0x28: {  	s2 =	sld [smem:$0x3FA1]  }
0x29: {  	s4 =	sld [smem:$0x3FA3]  }
0x2a: {  	p0 =	seq.s32 s5, $0x0;
	s5 =	sld [smem:$0x3FA4]  }
0x2b: {  	s6 =	sld [smem:$0x3FA5]  }
0x2c: {  	s7 =	sld [smem:$0x3FA6]  }
0x2d: {  	s3 =	simm.s32 $0x108;
	s8 =	sld [smem:$0x3FA7]  }
0x2e: {  	s3 =	simm.s32 @!p0 $0x1082;
	s9 =	sld [smem:$0x3FA8]  }
0x2f: {  	lr =	sadd.s32 s0, s3;
	s0 =	sld [smem:$0x3F9F]  }
0x30: {  	s3 =	sld [smem:$0x3FA2]  }
0x31: {  	[smem:$0x3FAB] =	sst s10  }
0x32: {  	s10 =	sld [smem:$0x3FA9];
	_ =	sdelay $0x3  }
0x33: {  	p0 =	seq.s32 s10, $0x1;
	s10 =	sld [smem:$0x3FAB];
	_ =	sdelay $0x3  }
0x34: {  	[smem:$0x3FAB] =	sst s10  }
0x35: {  	s10 =	sld [smem:$0x3FAA];
	_ =	sdelay $0x3  }
0x36: {  	p1 =	seq.s32 s10, $0x1;
	s10 =	sld [smem:$0x3FAB];
	_ =	sdelay $0x3  }
0x37: {  	[smem:$0x3FAB] =	sst s10  }
0x38: {  	s10 =	sld [smem:$0x3FAC]  }
0x39: {  	_ = 	snop;
	(pc) =	sbr.ind lr, $3  }
0x3a: {  	_ = 	snop  }
0x3b: {  	_ = 	snop  }
0x3c: {  	p2 =	seq.s32 s10, $0x1;
	s10 =	sld [smem:$0x3FAB]  }
0x3d: {  	_ =	shalt  }
0x3e: {  	_ =	shalt  }
0x3f: {  	_ =	shalt  }
0x40: {  	_ =	shalt  }
0x41: {  	_ =	shalt  }
0x42: {  	_ =	shalt  }
0x43: {  	_ =	shalt  }
0x44: {  	_ =	shalt  }
0x45: {  	_ =	shalt  }
0x46: {  	_ =	shalt  }
0x47: {  	_ =	shalt  }
0x48: {  	_ =	shalt  }
0x49: {  	_ =	shalt  }
0x4a: {  	_ =	shalt  }
0x4b: {  	_ =	shalt  }
0x4c: {  	_ =	shalt  }
0x4d: {  	_ =	shalt  }
0x4e: {  	_ =	shalt  }
0x4f: {  	_ =	shalt  }
0x50: {  	_ =	shalt  }
0x51: {  	_ =	shalt  }
0x52: {  	_ =	shalt  }
0x53: {  	_ =	shalt  }
0x54: {  	_ =	shalt  }
0x55: {  	_ =	shalt  }
0x56: {  	_ =	shalt  }
0x57: {  	_ =	shalt  }
0x58: {  	_ =	shalt  }
0x59: {  	_ =	shalt  }
0x5a: {  	_ =	shalt  }
0x5b: {  	_ =	shalt  }
0x5c: {  	_ =	shalt  }
0x5d: {  	_ =	shalt  }
0x5e: {  	_ =	shalt  }
0x5f: {  	_ =	shalt  }
0x60: {  	_ =	shalt  }
0x61: {  	_ =	shalt  }
0x62: {  	_ =	shalt  }
0x63: {  	_ =	shalt  }
0x64: {  	_ =	shalt  }
0x65: {  	_ =	shalt  }
0x66: {  	_ =	shalt  }
0x67: {  	_ =	shalt  }
0x68: {  	_ =	shalt  }
0x69: {  	_ =	shalt  }
0x6a: {  	_ =	shalt  }
0x6b: {  	_ =	shalt  }
0x6c: {  	_ =	shalt  }
0x6d: {  	_ =	shalt  }
0x6e: {  	_ =	shalt  }
0x6f: {  	_ =	shalt  }
0x70: {  	_ =	shalt  }
0x71: {  	_ =	shalt  }
0x72: {  	_ =	shalt  }
0x73: {  	_ =	shalt  }
0x74: {  	_ =	shalt  }
0x75: {  	_ =	shalt  }
0x76: {  	_ =	shalt  }
0x77: {  	_ =	shalt  }
0x78: {  	_ =	shalt  }
0x79: {  	_ =	shalt  }
0x7a: {  	_ =	shalt  }
0x7b: {  	_ =	shalt  }
0x7c: {  	_ =	shalt  }
0x7d: {  	_ =	shalt  }
0x7e: {  	_ =	shalt  }
0x7f: {  	_ =	shalt  }
0x80: {  	_ =	shalt  }
0x81: {  	_ =	shalt  }
0x82: {  	_ =	shalt  }
0x83: {  	_ =	shalt  }
0x84: {  	_ =	shalt  }
0x85: {  	_ =	shalt  }
0x86: {  	_ =	shalt  }
0x87: {  	_ =	shalt  }
.Lfunc_end0:
.L_simem_size_0:
called_computation_lowered:
.L_overlay_start_0:
0x88: {  	s2 =	sld [smem:$0x3FD9]  }
0x89: {  	s3 =	sld [smem:$0x3FFE];
	_ =	sdelay $0x1  }
0x8a: {  	s1 =	srdreg.scid  }
0x8b: {  	s0 =	sand.u32 $0x1, s1  }
0x8c: {  	s17 =	sshll.u32 s0, $0xA;
	s2 =	sadd.s32 s3, s2  }
0x8d: {  	s2 =	sadd.s32 s2, s17  }
0x8e: {  	[smem:$0x3FB7] =	sst s2  }
0x8f: {  	_ = 	snop  }
0x90: {  	s2 =	sld [smem:$0x3FC2];
	(tm) =	ssettm $0x1  }
0x91: {  	s18 =	sld [smem:$0x3FFB];
	_ =	sdelay $0x3  }
0x92: {  	_ =	strace s18  }
0x93: {  	s3 =	sld [smem:$0x3FFC];
	_ =	sdelay $0x3  }
0x94: {  	_ =	strace s3  }
0x95: {  	s3 =	sld [smem:$0x3FFD];
	_ =	sdelay $0x3  }
0x96: {  	_ =	strace s3  }
0x97: {  	_ =	strace $0x8FFFFFFF  }
0x98: {  	s19 =	sld [smem:$0x3FDB];
	_ =	sdelay $0x1  }
0x99: {  	s4 =	simm.s32 $_scs_section_size  }
0x9a: {  	s5 =	simm.s32 $_size__tile_overlayer_lowered;
	s6 =	simm.s32 $_tile_overlayer_lowered  }
0x9b: {  	s22 =	simm.s32 $0x1BFF;
	s21 =	sshll.u32 s6, $0x1;
	s3 =	sadd.s32 s4, s19  }
0x9c: {  	s7 =	simm.s32 $0x0;
	s20 =	sshll.u32 s5, $0x1;
	s5 =	sadd.s32 s21, s3  }
0x9d: {  	[timem:s7], [sflag:s22] =	dma.local [hbm:s5], s20  }
0x9e: {  	_ =	swait.ge [sflag:s22], s20  }
0x9f: {  	s4 =	ssub.s32 $0x0, s20;
	[sflag:s22] =	ssyncset.done $0x0  }
0xa0: {  	[sflag:s22] =	ssyncadd.s32 s4;
	_ =	sdelay $0x1  }
0xa1: {  	s23 =	simm.s32 $0x1B8B  }
0xa2: {  	_ =	swait.ge [sflag:s23], $0x1  }
0xa3: {  	[sflag:s23] =	ssyncset.done $0x0  }
0xa4: {  	s25 =	simm.s32 $0x1B8E;
	s24 =	sld [smem:$0x3FFE];
	[sflag:s23] =	ssyncadd.s32 $0xFFFFFFFF  }
0xa5: {  	s26 =	simm.s32 $execute0_lowered;
	[smem:$0x3FD2] =	sst s25  }
0xa6: {  	s5 =	sshll.u32 s26, $0x1;
	_ =	strace $0x80000046;
	[dreg:$0x1] =	wrdreg $0xFFFFFFFF  }
0xa7: {  	s28 =	simm.s32 $_size_execute0_lowered;
	s3 =	sadd.s32 s3, s5;
	[dreg:$0x0] =	wrdreg $0x0  }
0xa8: {  	s5 =	sshll.u32 s28, $0x1;
	[dreg:$0x2] =	wrdreg s3  }
0xa9: {  	[dreg:$0x3] =	wrdreg s5  }
0xaa: {  	[dreg:$0x4] =	wrdreg $0xC0  }
0xab: {  	_ =	task [dreg:s7], $0x5FFFF  }
0xac: {  	[dreg:$0x1] =	wrdreg $0xFFFFFFFF  }
0xad: {  	[dreg:$0x0] =	wrdreg $0x60  }
0xae: {  	[dreg:$0x2] =	wrdreg s24  }
0xaf: {  	[dreg:$0x3] =	wrdreg s2  }
0xb0: {  	[dreg:$0x4] =	wrdreg $0x82C00  }
0xb1: {  	[dreg:$0x5] =	wrdreg $0x122C00  }
0xb2: {  	[dreg:$0x6] =	wrdreg $0x9  }
0xb3: {  	_ =	task.clear_ibuf [dreg:s7], $0x7FFFF;
	_ =	strace $0x90000046  }
0xb4: {  	s29 =	simm.s32 $0x9;
	_ =	strace $0x80000048  }
0xb5: {  	_ =	swait.ge [sflag:s29], $0x1  }
0xb6: {  	[sflag:s29] =	ssyncadd.s32 $0xFFFFFFFF  }
0xb7: {  	_ =	strace $0x90000048  }
0xb8: {  	_ =	sfence  }
0xb9: {  	s30 =	sld [smem:$0x0];
	_ =	sdelay $0x2  }
0xba: {  	s31 =	sshll.u32 s1, $0xD;
	s1 =	sshrl.u32 s1, $0x2  }
0xbb: {  	s3 =	sand.u32 $0x4000, s31;
	s1 =	sadd.s32 s1, s30  }
0xbc: {  	s0 =	sor.u32 s3, s0;
	s1 =	sshll.u32 s1, $0x11  }
0xbd: {  	s0 =	sor.u32 s1, s0  }
0xbe: {  	s0 =	sadd.s32 $0x8F2B, s0  }
0xbf: {  	[sflag:s0] =	ssyncadd.remote.s32 $0x1  }
0xc0: {  	_ =	sfence.sel $0xFFFF  }
0xc1: {  	[dreg:$0x0] =	wrdreg $0xFFFFFFFF;
	(pc) =	sbr.abs _section_cstart, $3  }
0xc2: {  	[dreg:$0x1] =	wrdreg $0xFFFFFFFF  }
0xc3: {  	_ =	task.clear_ibuf [dreg:s7], $0x2FFFF;
	_ =	strace $0x9FFFFFFF  }
0xc4: {  	(tm) =	ssettm $0x7FFFFFFF  }
0xc5: {  	_ =	shalt  }
tec
execute0_lowered:
.L_overlay_start_1:
0x0: {  	(tag) =	ssettag $0x1  }
0x1: {  	s0 =	rddreg [dreg:$0x0]  }
0x2: {  	s2 =	rddreg [dreg:$0x2]  }
0x3: {  	s4 =	rddreg [dreg:$0x3];
	s5 =	simm.s32 $0x0  }
0x4: {  	s17 =	stileid.u32;
	s1 =	srdreg.scid;
	s28 =	simm.s32 $0x100  }
0x5: {  	s29 =	simm.s32 $0x180;
	s30 =	simm.s32 $0x1;
	s31 =	simm.s32 $0x200  }
0x6: {  	[smem:$0x7FF] =	sst s5;
	s3 =	smul.u32 $0xA000, s17;
	s1 =	sand.u32 $0x1, s1  }
0x7: {  	s6 =	sadd.s32 $0x16A00, s0;
	s7 =	sadd.s32 $0x2A00, s0;
	s8 =	sadd.s32 $0x35000, s0  }
0x8: {  	s9 =	sadd.s32 $0x2AA00, s0;
	s11 =	smul.u32 $0x280, s17;
	s16 =	sshll.u32 s17, $0x1  }
0x9: {  	s17 =	sshll.u32 s17, $0x6;
	_ =	strace $0x80000047;
	s10 =	smul.u32 $0xA0000, s1  }
0xa: {  	s13 =	smul.u32 $0x2800, s1;
	s15 =	ssub.s32 $0x2, s1;
	s1 =	sor.u32 s1, s16  }
0xb: {  	s17 =	sor.u32 $0x1C07, s17;
	s16 =	simm.s32 $0x6;
	s12 =	sshrl.u32 s3, $0x3  }
0xc: {  	s14 =	sshrl.u32 s11, $0x3;
	s26 =	sshrl.u32 s15, $0x1;
	s1 =	smul.u32 $0x2900, s1  }
0xd: {  	s19 =	sadd.s32 s11, s4;
	[dreg:$0x7] =	wrdreg s17;
	s10 =	sadd.s32 s3, s10  }
0xe: {  	s12 =	sadd.s32 s12, s0;
	s14 =	sadd.s32 s14, s0;
	s13 =	sadd.s32 s11, s13  }
0xf: {  	s3 =	sadd.s32 s3, s2;
	[dreg:$0x8] =	wrdreg s19;
	s11 =	simm.s32 $0x3  }
0x10: {  	s10 =	sshrl.u32 s10, $0x3;
	s13 =	sshrl.u32 s13, $0x3;
	[dreg:$0x5] =	wrdreg s3  }
0x11: {  	s18 =	sadd.s32 $0x3F600, s12;
	s20 =	sadd.s32 $0x53600, s14;
	s21 =	sshrl.u32 s1, $0x3  }
0x12: {  	s19 =	sadd.s32 $0x100, s1;
	s14 =	simm.s32 $0x8200;
	s10 =	sadd.s32 s10, s0  }
0x13: {  	s0 =	sadd.s32 s13, s0;
	s13 =	ssub.s32 s15, s26;
	[dreg:$0x6] =	wrdreg s18  }
0x14: {  	[dreg:$0x9] =	wrdreg s20;
	s22 =	sadd.s32 s8, s21;
	s23 =	sadd.s32 s9, s21  }
0x15: {  	s3 =	sor.u32 $0x10, s21;
	s20 =	sadd.s32 $0x180, s1;
	[dreg:$0xa] =	wrdreg s22  }
0x16: {  	s1 =	simm.s32 $0x4200;
	[dreg:$0xb] =	wrdreg s23;
	s24 =	sadd.s32 s8, s3  }
0x17: {  	v0 =	vlaneseq.u32;
	s15 =	simm.s32 $0x5;
	s3 =	sadd.s32 s9, s3;
	[dreg:$0xc] =	wrdreg s24  }
0x18: {  	v0 =	vmul.u32 $0x40, v0;
	s18 =	simm.s32 $0x0;
	s25 =	sadd.s32 $0x54600, s10;
	[dreg:$0xd] =	wrdreg s3  }
0x19: {  	s0 =	sadd.s32 $0x53C00, s0;
	s26 =	smax.u32 s13, $0x1;
	[dreg:$0xe] =	wrdreg s25  }
0x1a: {  	v1 =	vor.u32 $0x400, v0;
	s10 =	simm.s32 $0x6200;
	s13 =	simm.s32 $0x4;
	[dreg:$0xf] =	wrdreg s0  }
0x1b: {  	v2 =	vor.u32 $0x800, v0;
	v3 =	vor.u32 $0xC00, v0;
	v4 =	vor.u32 $0x1000, v0;
	[dreg:$0x10] =	wrdreg s26;
	s24 =	simm.s32 $0x7;
	s25 =	simm.s32 $0x8280  }
0x1c: {  	v5 =	vor.u32 $0x1400, v0;
	v6 =	vor.u32 $0x1800, v0;
	v7 =	vor.u32 $0x1C00, v0;
	s26 =	simm.s32 $0x80;
	s0 =	simm.s32 $0x2200;
	s3 =	simm.s32 $0x2  }
.LBB2_1:
0x1d: {  	[dreg:$0x11] =	wrdreg s18  }
0x1e: {  	s12 =	rddreg [dreg:$0x5]  }
0x1f: {  	s23 =	rddreg [dreg:$0x6];
	s22 =	sshrl.u32 s12, $0x3  }
0x20: {  	[dreg:$0x12] =	wrdreg s22  }
0x21: {  	[spmem:s22], [sflag:s17] =	dma.local [hbm:s23], $0x1400  }
0x22: {  	_ =	swait.ge [sflag:s24], $0x1400  }
0x23: {  	s21 =	rddreg [dreg:$0x8]  }
0x24: {  	[sflag:s24] =	ssyncset.done $0x0;
	s23 =	rddreg [dreg:$0x9];
	s22 =	sshrl.u32 s21, $0x3  }
0x25: {  	[sflag:s24] =	ssyncadd.s32 $0xFFFFEC00;
	[dreg:$0x13] =	wrdreg s22  }
0x26: {  	[spmem:s22], [sflag:s17] =	dma.local [hbm:s23], $0x50  }
0x27: {  	_ =	swait.ge [sflag:s24], $0x50  }
0x28: {  	[sflag:s24] =	ssyncset.done $0x0  }
0x29: {  	[sflag:s24] =	ssyncadd.s32 $0xFFFFFFB0  }
0x2a: {  	s17 =	rddreg [dreg:$0x1]  }
0x2b: {  	[tilespmem:s25], [sflag:$0x7] =	stream.linear.gather [hbm4b:s17+s5], $0x40, $0x38;
	[tilespmem:$0x12540] =	vst v63  }
0x2c: {  	_ =	swait.ge [sflag:s24], $0x40  }
0x2d: {  	[sflag:s24] =	ssyncset.done $0x0  }
0x2e: {  	[sflag:s24] =	ssyncadd.s32 $0xFFFFFFC0  }
0x2f: {  	[bflag:$0x0] =	sbarrier.arrive $0xFFFF  }
0x30: {  	s18 =	rddreg [dreg:$0xa]  }
0x31: {  	[tilespmem:s5], [sflag:$0x1] =	stream.linear.gather [hbm4b:s18+s5], $0x80, $0x38;
	[tilespmem:$0x12540] =	vst v63  }
0x32: {  	s21 =	rddreg [dreg:$0xb]  }
0x33: {  	[tilespmem:s26], [sflag:$0x1] =	stream.linear.gather [hbm4b:s21+s5], $0x80, $0x38;
	[tilespmem:$0x12540] =	vst v63  }
0x34: {  	s22 =	rddreg [dreg:$0xc]  }
0x35: {  	[tilespmem:s28], [sflag:$0x2] =	stream.linear.gather [hbm4b:s22+s5], $0x80, $0x38;
	[tilespmem:$0x12540] =	vst v63  }
0x36: {  	s23 =	rddreg [dreg:$0xd]  }
0x37: {  	[tilespmem:s29], [sflag:$0x2] =	stream.linear.gather [hbm4b:s23+s5], $0x80, $0x38;
	[tilespmem:$0x12540] =	vst v63  }
0x38: {  	_ =	swait.ge [sflag:s30], $0x80  }
0x39: {  	[sflag:s30] =	ssyncset.done $0x0  }
0x3a: {  	[sflag:s30] =	ssyncadd.s32 $0xFFFFFF80  }
0x3b: {  	_ =	swait.ge [sflag:s30], $0x80  }
0x3c: {  	[sflag:s30] =	ssyncset.done $0x0  }
0x3d: {  	[sflag:s30] =	ssyncadd.s32 $0xFFFFFF80  }
0x3e: {  	[tilespmem:s31], [sflag:$0x3] =	stream.indirect.gather [hbm4b:s6+s26], $0x40, s5, s26, $0xb8;
	[tilespmem:$0x12540] =	vst v63  }
0x3f: {  	s22 =	simm.s32 $0x0  }
0x40: {  	[tilespmem:s0], [sflag:$0x4] =	stream.indirect.gather [hbm4b:s7+s26], $0x40, s26, s26, $0xb8;
	[tilespmem:$0x12540] =	vst v63  }
.LBB2_2:
0x41: {  	_ =	swait.ge [sflag:s3], $0x80  }
0x42: {  	[sflag:s3] =	ssyncset.done $0x0  }
0x43: {  	[sflag:s3] =	ssyncadd.s32 $0xFFFFFF80  }
0x44: {  	_ =	swait.ge [sflag:s3], $0x80  }
0x45: {  	[sflag:s3] =	ssyncset.done $0x0  }
0x46: {  	[sflag:s3] =	ssyncadd.s32 $0xFFFFFF80  }
0x47: {  	[tilespmem:s1], [sflag:$0x5] =	stream.indirect.gather [hbm4b:s6+s26], $0x40, s28, s26, $0xb8;
	[tilespmem:$0x12540] =	vst v63  }
0x48: {  	s12 =	simm.s32 $0x1  }
0x49: {  	[tilespmem:s10], [sflag:$0x6] =	stream.indirect.gather [hbm4b:s7+s26], $0x40, s29, s26, $0xb8;
	[tilespmem:$0x12540] =	vst v63  }
0x4a: {  	v8 =	vmov s12;
	_ =	swait.ge [sflag:s11], $0x2000  }
0x4b: {  	v9 =	vand.u32 $0x3F, v8;
	[sflag:s11] =	ssyncset.done $0x0  }
0x4c: {  	v10 =	vor.u32 v0, v9;
	[sflag:s11] =	ssyncadd.s32 $0xFFFFE000  }
0x4d: {  	_ =	swait.ge [sflag:s13], $0x2000  }
0x4e: {  	v11 =	vor.u32 v3, v9;
	[sflag:s13] =	ssyncset.done $0x0  }
0x4f: {  	[sflag:s13] =	ssyncadd.s32 $0xFFFFE000  }
0x50: {  	v12 =	vor.u32 v4, v9;
	v13 =	vld.idx.msk [tilespmem:v8+s25+$0x0], $0xffff  }
0x51: {  	v8 =	vld.idx.msk [tilespmem:v10+s0+$0x0], $0xffff  }
0x52: {  	v14 =	vor.u32 v1, v9;
	v10 =	vld.idx.msk [tilespmem:v10+s31+$0x0], $0xffff  }
0x53: {  	s18 =	simm.s32 $0x0;
	v16 =	vld.idx.msk [tilespmem:v11+s0+$0x0], $0xffff  }
0x54: {  	v15 =	vmov s18;
	v18 =	vor.u32 v5, v9;
	v11 =	vld.idx.msk [tilespmem:v11+s31+$0x0], $0xffff  }
0x55: {  	v17 =	vand.u32 $0x3E, v15;
	v20 =	vld.idx.msk [tilespmem:v12+s0+$0x0], $0xffff  }
0x56: {  	v22 =	vor.u32 v3, v17;
	v21 =	vld.idx.msk [tilespmem:v12+s31+$0x0], $0xffff  }
0x57: {  	v24 =	vor.u32 v7, v17;
	v23 =	vld.idx.msk [tilespmem:v14+s0+$0x0], $0xffff  }
0x58: {  	v25 =	vor.u32 v2, v17;
	v14 =	vld.idx.msk [tilespmem:v14+s31+$0x0], $0xffff  }
0x59: {  	v26 =	vld.idx.msk [tilespmem:v18+s0+$0x0], $0xffff  }
0x5a: {  	v18 =	vld.idx.msk [tilespmem:v18+s31+$0x0], $0xffff  }
0x5b: {  	v27 =	vor.u32 v6, v9;
	v30 =	vld.idx.msk [tilespmem:v22+s0+$0x0], $0xffff  }
0x5c: {  	v33 =	vor.u32 v7, v9;
	v31 =	vld.idx.msk [tilespmem:v24+s0+$0x0], $0xffff  }
0x5d: {  	v32 =	vld.idx.msk [tilespmem:v25+s0+$0x0], $0xffff  }
0x5e: {  	v29 =	vor.u32 v4, v17;
	v22 =	vld.idx.msk [tilespmem:v22+s31+$0x0], $0xffff  }
0x5f: {  	v25 =	vld.idx.msk [tilespmem:v25+s31+$0x0], $0xffff  }
0x60: {  	v19 =	vor.u32 v0, v17;
	v35 =	vor.u32 v1, v17;
	v36 =	vor.u32 v5, v17;
	v34 =	vld.idx.msk [tilespmem:v27+s0+$0x0], $0xffff  }
0x61: {  	v17 =	vor.u32 v6, v17;
	v12 =	vimm.f32 $0.0e+00;
	v37 =	vld.idx.msk [tilespmem:v33+s0+$0x0], $0xffff;
	v8 =	vadd.f32 v8, v10  }
0x62: {  	s21 =	simm.s32 $0x3;
	v38 =	vld.idx.msk [tilespmem:v24+s31+$0x0], $0xffff;
	v11 =	vadd.f32 v16, v11;
	v14 =	vadd.f32 v23, v14;
	v23 =	vor.u32 v2, v9  }
0x63: {  	v10 =	vld.idx.msk [tilespmem:v29+s0+$0x0], $0xffff;
	v20 =	vadd.f32 v20, v21;
	v24 =	vadd.f32 v26, v18;
	v18 =	vmov s21  }
0x64: {  	v21 =	vld.idx.msk [tilespmem:v33+s31+$0x0], $0xffff;
	v30 =	vadd.f32 v30, v22;
	v25 =	vadd.f32 v32, v25;
	v33 =	vand.u32 $0x3F, v18  }
0x65: {  	v16 =	vld.idx.msk [tilespmem:v27+s31+$0x0], $0xffff;
	v27 =	vmul.f32 $2.000000030e-01, v8;
	vm0 =	vgt.f32 v8, $0.0e+00;
	v9 =	vmul.f32 $2.000000030e-01, v11  }
0x66: {  	v29 =	vld.idx.msk [tilespmem:v29+s31+$0x0], $0xffff;
	vm13 =	vgt.f32 v11, $0.0e+00;
	vm14 =	vgt.f32 v14, $0.0e+00;
	vm2 =	vgt.f32 v20, $0.0e+00  }
0x67: {  	v28 =	vld.idx.msk [tilespmem:v19+s31+$0x0], $0xffff;
	v56 =	vor.u32 v4, v33;
	v41 =	vmul.f32 $2.000000030e-01, v24;
	v22 =	vor.u32 v0, v33  }
0x68: {  	v19 =	vld.idx.msk [tilespmem:v19+s0+$0x0], $0xffff;
	vm3 =	vgt.f32 v25, $0.0e+00;
	vm5 =	vgt.f32 v30, $0.0e+00;
	v48 =	vor.u32 v5, v33  }
0x69: {  	v8 =	vsel vm0, v8, v27;
	v27 =	vmul.f32 $2.000000030e-01, v14;
	v9 =	vsel vm13, v11, v9  }
0x6a: {  	v15 =	vld.idx.msk [tilespmem:v15+s25+$0x0], $0xffff;
	vm0 =	vgt.f32 v24, $0.0e+00;
	v16 =	vadd.f32 v34, v16;
	v9 =	vmul.f32 v9, v13  }
0x6b: {  	v11 =	vmul.f32 v8, v13;
	v8 =	vmul.f32 $2.000000030e-01, v20;
	v10 =	vadd.f32 v10, v29;
	v57 =	vld.idx.msk [tilespmem:v23+s31+$0x0], $0xffff  }
0x6c: {  	v29 =	vor.u32 v1, v33;
	v21 =	vadd.f32 v37, v21;
	v23 =	vld.idx.msk [tilespmem:v23+s0+$0x0], $0xffff;
	v24 =	vsel vm0, v24, v41  }
0x6d: {  	v14 =	vsel vm14, v14, v27;
	v27 =	vadd.f32 v19, v28;
	v19 =	vld.idx.msk [tilespmem:v35+s0+$0x0], $0xffff;
	v24 =	vmul.f32 v24, v13  }
0x6e: {  	v28 =	vld.idx.msk [tilespmem:v35+s31+$0x0], $0xffff;
	vm1 =	vgt.f32 v16, $0.0e+00;
	v26 =	vmul.f32 $2.000000030e-01, v16;
	v39 =	vmul.f32 v14, v13  }
0x6f: {  	v8 =	vsel vm2, v20, v8;
	v20 =	vmul.f32 $2.000000030e-01, v25;
	vm8 =	vgt.f32 v10, $0.0e+00;
	v49 =	vld.idx.msk [tilespmem:v56+s0+$0x0], $0xffff  }
0x70: {  	vm9 =	vgt.f32 v21, $0.0e+00;
	v52 =	vld.idx.msk [tilespmem:v56+s31+$0x0], $0xffff;
	v56 =	vor.u32 v6, v33;
	vm15 =	vgt.f32 v27, $0.0e+00  }
0x71: {  	v63 =	vmul.f32 $2.000000030e-01, v27;
	v45 =	vsel vm1, v16, v26;
	v16 =	vadd.f32 v31, v38  }
0x72: {  	v31 =	vmul.f32 $2.000000030e-01, v10;
	v25 =	vsel vm3, v25, v20;
	v20 =	vor.u32 v2, v33  }
0x73: {  	v26 =	vld.idx.msk [tilespmem:v17+s0+$0x0], $0xffff;
	v23 =	vadd.f32 v23, v57;
	v25 =	vmul.f32 v25, v15;
	v27 =	vsel vm15, v27, v63  }
0x74: {  	v17 =	vld.idx.msk [tilespmem:v17+s31+$0x0], $0xffff;
	v58 =	vmul.f32 $2.000000030e-01, v16;
	v19 =	vadd.f32 v19, v28;
	vm7 =	vgt.f32 v16, $0.0e+00  }
0x75: {  	v14 =	vld.idx.msk [tilespmem:v36+s0+$0x0], $0xffff;
	v28 =	vmul.f32 $2.000000030e-01, v30;
	v10 =	vsel vm8, v10, v31;
	v27 =	vmul.f32 v27, v15  }
0x76: {  	v34 =	vld.idx.msk [tilespmem:v48+s0+$0x0], $0xffff;
	v31 =	vor.u32 v3, v33;
	v10 =	vmul.f32 v10, v15;
	v42 =	vmul.f32 $2.000000030e-01, v23  }
0x77: {  	v40 =	vsel vm7, v16, v58;
	v16 =	vld.idx.msk [tilespmem:v36+s31+$0x0], $0xffff;
	v36 =	vmul.f32 v8, v13;
	v8 =	vmul.f32 $2.000000030e-01, v21  }
0x78: {  	v54 =	vld.idx.msk [tilespmem:v29+s0+$0x0], $0xffff;
	vm12 =	vgt.f32 v23, $0.0e+00;
	v25 =	vadd.f32 v25, v12;
	v41 =	vadd.f32 v49, v52  }
0x79: {  	v59 =	vmul.f32 $2.000000030e-01, v19;
	v35 =	vadd.f32 v26, v17;
	v26 =	vld.idx.msk [tilespmem:v22+s0+$0x0], $0xffff;
	v8 =	vsel vm9, v21, v8  }
0x7a: {  	vm10 =	vgt.f32 v19, $0.0e+00;
	v27 =	vadd.f32 v27, v12;
	v46 =	vmul.f32 v8, v13;
	v8 =	vld.idx.msk [tilespmem:v18+s25+$0x0], $0xffff  }
0x7b: {  	s23 =	simm.s32 $0x2;
	v23 =	vsel vm12, v23, v42;
	v18 =	vsel vm10, v19, v59;
	vm11 =	vgt.f32 v35, $0.0e+00;
	v61 =	vld.idx.msk [tilespmem:v31+s0+$0x0], $0xffff  }
0x7c: {  	v44 =	vmul.f32 $2.000000030e-01, v35;
	v31 =	vld.idx.msk [tilespmem:v31+s31+$0x0], $0xffff;
	v43 =	vadd.f32 v14, v16;
	v14 =	vmov s23  }
0x7d: {  	v16 =	vmul.f32 v18, v15;
	v18 =	vadd.f32 v10, v12;
	v10 =	vld.idx.msk [tilespmem:v22+s31+$0x0], $0xffff;
	v60 =	vand.u32 $0x3E, v14  }
0x7e: {  	v29 =	vld.idx.msk [tilespmem:v29+s31+$0x0], $0xffff;
	v11 =	vadd.f32 v11, v27;
	v58 =	vsel vm11, v35, v44;
	v47 =	vor.u32 v0, v60  }
0x7f: {  	v37 =	vld.idx.msk [tilespmem:v48+s31+$0x0], $0xffff;
	v59 =	vmul.f32 v23, v13;
	v63 =	vmul.f32 v58, v15;
	v22 =	vor.u32 v3, v60  }
0x80: {  	v48 =	vld.idx.msk [tilespmem:v56+s0+$0x0], $0xffff;
	v62 =	vadd.f32 v16, v12;
	v19 =	vor.u32 v1, v60;
	v53 =	vor.u32 v7, v60  }
0x81: {  	v23 =	vld.idx.msk [tilespmem:v20+s31+$0x0], $0xffff;
	v21 =	vor.u32 v2, v60;
	v50 =	vmul.f32 $2.000000030e-01, v43;
	v51 =	vor.u32 v4, v60  }
0x82: {  	vm4 =	vgt.f32 v43, $0.0e+00;
	v31 =	vadd.f32 v61, v31;
	v61 =	vld.idx.msk [tilespmem:v56+s31+$0x0], $0xffff;
	v55 =	vadd.f32 v26, v10  }
0x83: {  	v18 =	vadd.f32 v36, v18;
	v36 =	vadd.f32 v54, v29;
	v26 =	vsel vm5, v30, v28;
	v32 =	vld.idx.msk [tilespmem:v47+s31+$0x0], $0xffff  }
0x84: {  	v54 =	vor.u32 v7, v33;
	v57 =	vmul.f32 v26, v15;
	v28 =	vmul.f32 $2.000000030e-01, v55;
	v26 =	vld.idx.msk [tilespmem:v22+s0+$0x0], $0xffff  }
0x85: {  	v29 =	vsel vm4, v43, v50;
	v10 =	vadd.f32 v39, v62;
	vm13 =	vgt.f32 v55, $0.0e+00;
	v30 =	vld.idx.msk [tilespmem:v53+s0+$0x0], $0xffff  }
0x86: {  	v29 =	vmul.f32 v29, v15;
	v39 =	vld.idx.msk [tilespmem:v51+s0+$0x0], $0xffff;
	v38 =	vsel vm13, v55, v28;
	v55 =	vmul.f32 $2.000000030e-01, v31  }
0x87: {  	v17 =	vor.u32 v5, v60;
	v16 =	vor.u32 v6, v60;
	vm14 =	vgt.f32 v31, $0.0e+00;
	v35 =	vld.idx.msk [tilespmem:v47+s0+$0x0], $0xffff  }
0x88: {  	v33 =	vld.idx.msk [tilespmem:v51+s31+$0x0], $0xffff;
	v27 =	vadd.f32 v29, v12;
	v42 =	vsel vm14, v31, v55;
	v31 =	vmul.f32 v40, v15  }
0x89: {  	v60 =	vmul.f32 $2.000000030e-01, v36;
	v29 =	vadd.f32 v63, v12;
	v44 =	vld.idx.msk [tilespmem:v53+s31+$0x0], $0xffff;
	v62 =	vadd.f32 v57, v12  }
0x8a: {  	vm15 =	vgt.f32 v36, $0.0e+00;
	v28 =	vld.idx.msk [tilespmem:v21+s0+$0x0], $0xffff;
	v15 =	vadd.f32 v59, v25;
	v25 =	vadd.f32 v31, v12  }
0x8b: {  	v43 =	vsel vm15, v36, v60;
	v9 =	vadd.f32 v9, v62;
	v40 =	vld.idx.msk [tilespmem:v54+s0+$0x0], $0xffff;
	v31 =	vadd.f32 v48, v61  }
0x8c: {  	s18 =	simm.s32 $0x4;
	v12 =	vadd.f32 v46, v25;
	v46 =	vmul.f32 v45, v13;
	v45 =	vld.idx.msk [tilespmem:v54+s31+$0x0], $0xffff;
	v13 =	vadd.f32 v24, v27  }
.LBB2_3:
0x8d: {  	s21 =	sadd.s32 $0x1, s18  }
0x8e: {  	p0 =	slt.u32 s18, $0x3E;
	v22 =	vld.idx.msk [tilespmem:v22+s31+$0x0], $0xffff;
	v25 =	vmul.f32 v42, v8;
	vm2 =	vgt.f32 v41, $0.0e+00;
	v24 =	vadd.f32 v34, v37;
	s12 =	smov.u32 s18;
	s18 =	sadd.s32 $0x2, s18  }
0x8f: {  	v27 =	vmul.f32 v38, v8;
	v37 =	vmul.f32 $2.000000030e-01, v41;
	v34 =	vmov s21;
	v21 =	vld.idx.msk [tilespmem:v21+s31+$0x0], $0xffff  }
0x90: {  	v35 =	vadd.f32 v35, v32;
	vm1 =	vgt.f32 v31, $0.0e+00;
	v38 =	vmul.f32 $2.000000030e-01, v31;
	v32 =	vld.idx.msk [tilespmem:v19+s0+$0x0], $0xffff  }
0x91: {  	v29 =	vadd.f32 v46, v29;
	v36 =	vand.u32 $0x3F, v34;
	v39 =	vadd.f32 v39, v33;
	v19 =	vld.idx.msk [tilespmem:v19+s31+$0x0], $0xffff  }
0x92: {  	v33 =	vmul.f32 $2.000000030e-01, v24;
	v42 =	vor.u32 v1, v36;
	v46 =	vor.u32 v4, v36;
	v47 =	vld.idx.msk [tilespmem:v17+s0+$0x0], $0xffff  }
0x93: {  	v43 =	vmul.f32 v43, v8;
	vm0 =	vgt.f32 v24, $0.0e+00;
	v31 =	vsel vm1, v31, v38;
	v48 =	vld.idx.msk [tilespmem:v16+s0+$0x0], $0xffff  }
0x94: {  	vm1 =	vgt.f32 v35, $0.0e+00;
	v26 =	vadd.f32 v26, v22;
	v22 =	vadd.f32 v30, v44;
	v20 =	vld.idx.msk [tilespmem:v20+s0+$0x0], $0xffff  }
0x95: {  	v38 =	vadd.f32 v40, v45;
	v30 =	vor.u32 v0, v36;
	v44 =	vld.idx.msk [tilespmem:v14+s25+$0x0], $0xffff;
	v14 =	vmul.f32 $2.000000030e-01, v39  }
0x96: {  	v37 =	vsel vm2, v41, v37;
	v28 =	vadd.f32 v28, v21;
	v21 =	vmul.f32 $2.000000030e-01, v22;
	v17 =	vld.idx.msk [tilespmem:v17+s31+$0x0], $0xffff  }
0x97: {  	vm2 =	vgt.f32 v22, $0.0e+00;
	v19 =	vadd.f32 v32, v19;
	v32 =	vmul.f32 $2.000000030e-01, v26;
	v16 =	vld.idx.msk [tilespmem:v16+s31+$0x0], $0xffff  }
0x98: {  	v45 =	vmul.f32 v37, v8;
	v40 =	vmul.f32 $2.000000030e-01, v28;
	v41 =	vsel vm2, v22, v21  }
0x99: {  	vm3 =	vgt.f32 v28, $0.0e+00;
	vm2 =	vgt.f32 v39, $0.0e+00;
	v21 =	vmul.f32 $2.000000030e-01, v38  }
0x9a: {  	v22 =	vmul.f32 $2.000000030e-01, v19;
	v14 =	vsel vm2, v39, v14;
	vm2 =	vgt.f32 v38, $0.0e+00  }
0x9b: {  	v37 =	vor.u32 v3, v36;
	v21 =	vsel vm2, v38, v21;
	v14 =	vmul.f32 v14, v44  }
0x9c: {  	vm2 =	vgt.f32 v19, $0.0e+00;
	v23 =	vadd.f32 v20, v23;
	v49 =	vmul.f32 v21, v8  }
0x9d: {  	v19 =	vsel vm2, v19, v22;
	v39 =	vadd.f32 v47, v17;
	v47 =	vadd.f32 v48, v16;
	v50 =	vld.idx.msk [tilespmem:v34+s25+$0x0], $0xffff  }
0x9e: {  	vm5 =	vgt.f32 v26, $0.0e+00;
	v16 =	vmul.f32 v19, v44;
	v18 =	vadd.f32 v14, v18;
	v20 =	vld.idx.msk [tilespmem:v30+s0+$0x0], $0xffff  }
0x9f: {  	v14 =	vmov s12;
	v48 =	vmul.f32 $2.000000030e-01, v23;
	vm2 =	vgt.f32 v47, $0.0e+00;
	v30 =	vld.idx.msk [tilespmem:v30+s31+$0x0], $0xffff  }
0xa0: {  	v34 =	vand.u32 $0x3E, v14;
	v10 =	vadd.f32 v16, v10;
	v51 =	vmul.f32 $2.000000030e-01, v47;
	v38 =	vld.idx.msk [tilespmem:v37+s0+$0x0], $0xffff  }
0xa1: {  	v53 =	vor.u32 v5, v36;
	v52 =	vor.u32 v0, v34;
	v19 =	vor.u32 v1, v34;
	v37 =	vld.idx.msk [tilespmem:v37+s31+$0x0], $0xffff  }
0xa2: {  	v55 =	vmul.f32 $2.000000030e-01, v39;
	v21 =	vor.u32 v2, v34;
	v22 =	vor.u32 v3, v34;
	v54 =	vld.idx.msk [tilespmem:v46+s0+$0x0], $0xffff  }
0xa3: {  	vm4 =	vgt.f32 v39, $0.0e+00;
	v56 =	vor.u32 v4, v34;
	v17 =	vor.u32 v5, v34;
	v46 =	vld.idx.msk [tilespmem:v46+s31+$0x0], $0xffff  }
0xa4: {  	v28 =	vsel vm3, v28, v40;
	v16 =	vor.u32 v6, v34;
	v57 =	vor.u32 v7, v34;
	v58 =	vld.idx.msk [tilespmem:v42+s0+$0x0], $0xffff  }
0xa5: {  	vm3 =	vgt.f32 v23, $0.0e+00;
	v30 =	vadd.f32 v20, v30;
	v20 =	vor.u32 v2, v36;
	v40 =	vld.idx.msk [tilespmem:v42+s31+$0x0], $0xffff  }
0xa6: {  	v59 =	vor.u32 v6, v36;
	v26 =	vsel vm5, v26, v32;
	v10 =	vadd.f32 v43, v10;
	v34 =	vld.idx.msk [tilespmem:v53+s0+$0x0], $0xffff  }
0xa7: {  	v60 =	vmul.f32 v26, v44;
	v42 =	vmul.f32 $2.000000030e-01, v30;
	v43 =	vadd.f32 v38, v37;
	v32 =	vld.idx.msk [tilespmem:v52+s31+$0x0], $0xffff  }
0xa8: {  	v28 =	vmul.f32 v28, v44;
	vm5 =	vgt.f32 v30, $0.0e+00;
	v37 =	vld.idx.msk [tilespmem:v53+s31+$0x0], $0xffff;
	v53 =	vmul.f32 $2.000000030e-01, v35  }
0xa9: {  	v23 =	vsel vm3, v23, v48;
	v38 =	vsel vm5, v30, v42;
	v42 =	vmul.f32 $2.000000030e-01, v43;
	v26 =	vld.idx.msk [tilespmem:v22+s0+$0x0], $0xffff  }
0xaa: {  	v15 =	vadd.f32 v28, v15;
	v18 =	vadd.f32 v45, v18;
	vm3 =	vgt.f32 v43, $0.0e+00;
	v30 =	vld.idx.msk [tilespmem:v57+s0+$0x0], $0xffff  }
0xab: {  	v41 =	vmul.f32 v41, v44;
	v42 =	vsel vm3, v43, v42;
	v35 =	vsel vm1, v35, v53;
	v28 =	vld.idx.msk [tilespmem:v21+s0+$0x0], $0xffff  }
0xac: {  	v36 =	vor.u32 v7, v36;
	v40 =	vadd.f32 v58, v40;
	v43 =	vsel vm4, v39, v55;
	v45 =	vld.idx.msk [tilespmem:v59+s0+$0x0], $0xffff  }
0xad: {  	v48 =	vmul.f32 v23, v8;
	v47 =	vsel vm2, v47, v51;
	v35 =	vmul.f32 v35, v44;
	v39 =	vld.idx.msk [tilespmem:v56+s0+$0x0], $0xffff  }
0xae: {  	v9 =	vadd.f32 v60, v9;
	v55 =	vmul.f32 v43, v44;
	v51 =	vmul.f32 $2.000000030e-01, v40;
	v53 =	vld.idx.msk [tilespmem:v59+s31+$0x0], $0xffff  }
0xaf: {  	v44 =	vmul.f32 v47, v44;
	vm1 =	vgt.f32 v40, $0.0e+00;
	v11 =	vadd.f32 v35, v11;
	v23 =	vld.idx.msk [tilespmem:v20+s31+$0x0], $0xffff  }
.Ltmp0:
0xb0: {  	v9 =	vadd.f32 v25, v9;
	v15 =	vadd.f32 v48, v15;
	v43 =	vsel vm1, v40, v51;
	v35 =	vld.idx.msk [tilespmem:v52+s0+$0x0], $0xffff;
	(pc) =	sbr.rel @p0 .LBB2_3-.Ltmp0, $4  }
0xb1: {  	v24 =	vsel vm0, v24, v33;
	v12 =	vadd.f32 v41, v12;
	v11 =	vadd.f32 v27, v11;
	v40 =	vld.idx.msk [tilespmem:v36+s0+$0x0], $0xffff  }
0xb2: {  	v24 =	vmul.f32 v24, v8;
	v13 =	vadd.f32 v55, v13;
	v29 =	vadd.f32 v44, v29;
	v33 =	vld.idx.msk [tilespmem:v56+s31+$0x0], $0xffff  }
0xb3: {  	v12 =	vadd.f32 v49, v12;
	v41 =	vadd.f32 v54, v46;
	v46 =	vmul.f32 v31, v8;
	v44 =	vld.idx.msk [tilespmem:v57+s31+$0x0], $0xffff  }
0xb4: {  	v8 =	vmov v50;
	v13 =	vadd.f32 v24, v13;
	v31 =	vadd.f32 v45, v53;
	v45 =	vld.idx.msk [tilespmem:v36+s31+$0x0], $0xffff  }
0xb5: {  	_ =	sdelay $0x3  }
0xb6: {  	v22 =	vld.idx.msk [tilespmem:v22+s31+$0x0], $0xffff  }
0xb7: {  	v21 =	vld.idx.msk [tilespmem:v21+s31+$0x0], $0xffff  }
0xb8: {  	v63 =	vld.idx.msk [tilespmem:v19+s0+$0x0], $0xffff  }
0xb9: {  	v19 =	vld.idx.msk [tilespmem:v19+s31+$0x0], $0xffff  }
0xba: {  	v24 =	vmul.f32 v42, v8;
	vm2 =	vgt.f32 v41, $0.0e+00;
	v25 =	vadd.f32 v34, v37;
	v47 =	vld.idx.msk [tilespmem:v17+s0+$0x0], $0xffff  }
0xbb: {  	v27 =	vmul.f32 v38, v8;
	v62 =	vmul.f32 $2.000000030e-01, v41;
	v32 =	vadd.f32 v35, v32;
	v50 =	vld.idx.msk [tilespmem:v16+s0+$0x0], $0xffff  }
0xbc: {  	v29 =	vadd.f32 v46, v29;
	v49 =	vmul.f32 v43, v8;
	v20 =	vld.idx.msk [tilespmem:v20+s0+$0x0], $0xffff;
	vm1 =	vgt.f32 v31, $0.0e+00  }
0xbd: {  	v14 =	vld.idx.msk [tilespmem:v14+s25+$0x0], $0xffff;
	v36 =	vmul.f32 $2.000000030e-01, v31;
	v33 =	vadd.f32 v39, v33;
	v48 =	vmul.f32 $2.000000030e-01, v25  }
0xbe: {  	v17 =	vld.idx.msk [tilespmem:v17+s31+$0x0], $0xffff;
	vm0 =	vgt.f32 v25, $0.0e+00;
	vm9 =	vgt.f32 v32, $0.0e+00;
	v34 =	vsel vm2, v41, v62  }
0xbf: {  	v16 =	vld.idx.msk [tilespmem:v16+s31+$0x0], $0xffff;
	v62 =	vmul.f32 $2.000000030e-01, v32;
	v31 =	vsel vm1, v31, v36;
	v30 =	vadd.f32 v30, v44  }
0xc0: {  	v56 =	vmul.f32 v34, v8;
	v51 =	vmul.f32 $2.000000030e-01, v33;
	v52 =	vadd.f32 v40, v45  }
0xc1: {  	vm11 =	vgt.f32 v33, $0.0e+00;
	v32 =	vsel vm9, v32, v62;
	v22 =	vadd.f32 v26, v22  }
0xc2: {  	v21 =	vadd.f32 v28, v21;
	v53 =	vmul.f32 $2.000000030e-01, v30;
	v19 =	vadd.f32 v63, v19  }
0xc3: {  	vm10 =	vgt.f32 v30, $0.0e+00;
	v20 =	vadd.f32 v20, v23;
	v17 =	vadd.f32 v47, v17  }
0xc4: {  	v16 =	vadd.f32 v50, v16;
	v32 =	vmul.f32 v32, v14;
	v57 =	vmul.f32 $2.000000030e-01, v52  }
0xc5: {  	v26 =	vsel vm11, v33, v51;
	vm12 =	vgt.f32 v52, $0.0e+00;
	v54 =	vmul.f32 $2.000000030e-01, v22  }
0xc6: {  	v55 =	vmul.f32 $2.000000030e-01, v21;
	v28 =	vsel vm10, v30, v53;
	vm3 =	vgt.f32 v21, $0.0e+00  }
0xc7: {  	v58 =	vmul.f32 $2.000000030e-01, v19;
	v26 =	vmul.f32 v26, v14;
	vm13 =	vgt.f32 v19, $0.0e+00  }
0xc8: {  	vm14 =	vgt.f32 v22, $0.0e+00;
	vm4 =	vgt.f32 v16, $0.0e+00;
	v60 =	vmul.f32 $2.000000030e-01, v20  }
0xc9: {  	v61 =	vmul.f32 $2.000000030e-01, v16;
	vm5 =	vgt.f32 v17, $0.0e+00;
	vm15 =	vgt.f32 v20, $0.0e+00  }
0xca: {  	v11 =	vadd.f32 v32, v11;
	v34 =	vsel vm12, v52, v57;
	v63 =	vmul.f32 v28, v14  }
0xcb: {  	v59 =	vmul.f32 v34, v8;
	v19 =	vsel vm13, v19, v58;
	v18 =	vadd.f32 v26, v18  }
0xcc: {  	v21 =	vsel vm3, v21, v55;
	v22 =	vsel vm14, v22, v54;
	v20 =	vsel vm15, v20, v60  }
0xcd: {  	v11 =	vadd.f32 v27, v11;
	v19 =	vmul.f32 v19, v14;
	v21 =	vmul.f32 v21, v14  }
0xce: {  	v22 =	vmul.f32 v22, v14;
	v12 =	vadd.f32 v63, v12;
	v18 =	vadd.f32 v56, v18  }
0xcf: {  	v11 =	vmul.f32 $1.442695020e+00, v11;
	v10 =	vadd.f32 v19, v10;
	v19 =	vmul.f32 $2.000000030e-01, v17  }
0xd0: {  	v16 =	vsel vm4, v16, v61;
	v15 =	vadd.f32 v21, v15;
	v9 =	vadd.f32 v22, v9  }
0xd1: {  	(erf) = vpow2.f32 v11;
	v17 =	vsel vm5, v17, v19;
	v19 =	vmul.f32 v20, v8  }
0xd2: {  	v10 =	vadd.f32 v49, v10;
	v9 =	vadd.f32 v24, v9;
	v17 =	vmul.f32 v17, v14  }
0xd3: {  	v14 =	vmul.f32 v16, v14;
	v16 =	vsel vm0, v25, v48;
	v15 =	vadd.f32 v19, v15  }
0xd4: {  	v16 =	vmul.f32 v16, v8;
	v10 =	vmul.f32 $1.442695020e+00, v10;
	v13 =	vadd.f32 v17, v13  }
0xd5: {  	v8 =	vmul.f32 v31, v8;
	v14 =	vadd.f32 v14, v29;
	v11 =	vmul.f32 $1.442695020e+00, v15  }
0xd6: {  	v9 =	vmul.f32 $1.442695020e+00, v9;
	(erf) = vpow2.f32 v10;
	v13 =	vadd.f32 v16, v13  }
0xd7: {  	v10 =	vmul.f32 $1.442695020e+00, v18;
	v8 =	vadd.f32 v8, v14;
	(erf) = vpow2.f32 v11  }
0xd8: {  	v11 =	vadd.f32 v59, v12;
	(erf) = vpow2.f32 v9;
	v9 =	vmul.f32 $1.442695020e+00, v13  }
0xd9: {  	v8 =	vmul.f32 $1.442695020e+00, v8;
	(erf) = vpow2.f32 v10  }
0xda: {  	(erf) = vpow2.f32 v9;
	v9 =	vmul.f32 $1.442695020e+00, v11  }
0xdb: {  	(erf) = vpow2.f32 v8  }
0xdc: {  	(erf) = vpow2.f32 v9  }
0xdd: {  	s12 =	simm.s32 $0x0  }
0xde: {  	v15 =	vpop (erf);
	v8 =	vmov s12  }
0xdf: {  	[tilespmem:$0x8200] =	vst v15;
	v8 =	vand.u32 $0x3E, v8;
	v14 =	vpop (erf)  }
0xe0: {  	v16 =	vbroadcast v8, $0x0;
	[tilespmem:$0x8210] =	vst v14;
	v13 =	vpop (erf)  }
0xe1: {  	v12 =	vpop (erf);
	[tilespmem:$0x8220] =	vst v13  }
0xe2: {  	v17 =	vor.u32 v0, v16;
	v11 =	vpop (erf);
	[tilespmem:$0x8230] =	vst v12  }
0xe3: {  	v10 =	vpop (erf);
	[tilespmem:$0x8240] =	vst v11  }
0xe4: {  	v9 =	vpop (erf);
	[tilespmem:$0x8250] =	vst v10  }
0xe5: {  	v8 =	vpop (erf);
	[tilespmem:$0x8260] =	vst v9  }
0xe6: {  	[tilespmem:$0x8270] =	vst v8  }
0xe7: {  	v18 =	vld.idx.msk [tilespmem:v17+s31+$0x0], $0xffff;
	_ =	sdelay $0x2  }
0xe8: {  	v19 =	vor.u32 v1, v16;
	_ =	sdelay $0x1  }
0xe9: {  	v18 =	vmul.f32 v18, v15;
	_ =	sdelay $0x1  }
0xea: {  	[tilespmem:v17+s31+$0x0] =	vst.idx.msk $0xffff, v18  }
0xeb: {  	v17 =	vld.idx.msk [tilespmem:v19+s31+$0x0], $0xffff;
	_ =	sdelay $0x2  }
0xec: {  	v18 =	vor.u32 v2, v16;
	_ =	sdelay $0x1  }
0xed: {  	v17 =	vmul.f32 v17, v14;
	_ =	sdelay $0x1  }
0xee: {  	[tilespmem:v19+s31+$0x0] =	vst.idx.msk $0xffff, v17  }
0xef: {  	v17 =	vld.idx.msk [tilespmem:v18+s31+$0x0], $0xffff;
	_ =	sdelay $0x2  }
0xf0: {  	v19 =	vor.u32 v3, v16;
	_ =	sdelay $0x1  }
0xf1: {  	v17 =	vmul.f32 v17, v13;
	_ =	sdelay $0x1  }
0xf2: {  	[tilespmem:v18+s31+$0x0] =	vst.idx.msk $0xffff, v17  }
0xf3: {  	v17 =	vld.idx.msk [tilespmem:v19+s31+$0x0], $0xffff;
	_ =	sdelay $0x2  }
0xf4: {  	v18 =	vor.u32 v4, v16;
	_ =	sdelay $0x1  }
0xf5: {  	v17 =	vmul.f32 v17, v12;
	_ =	sdelay $0x1  }
0xf6: {  	[tilespmem:v19+s31+$0x0] =	vst.idx.msk $0xffff, v17  }
0xf7: {  	v17 =	vld.idx.msk [tilespmem:v18+s31+$0x0], $0xffff;
	_ =	sdelay $0x2  }
0xf8: {  	v19 =	vor.u32 v5, v16;
	_ =	sdelay $0x1  }
0xf9: {  	v17 =	vmul.f32 v17, v11;
	_ =	sdelay $0x1  }
0xfa: {  	[tilespmem:v18+s31+$0x0] =	vst.idx.msk $0xffff, v17  }
0xfb: {  	v17 =	vld.idx.msk [tilespmem:v19+s31+$0x0], $0xffff;
	_ =	sdelay $0x2  }
0xfc: {  	v18 =	vor.u32 v6, v16;
	_ =	sdelay $0x1  }
0xfd: {  	v17 =	vmul.f32 v17, v10;
	_ =	sdelay $0x1  }
0xfe: {  	[tilespmem:v19+s31+$0x0] =	vst.idx.msk $0xffff, v17  }
0xff: {  	v17 =	vld.idx.msk [tilespmem:v18+s31+$0x0], $0xffff;
	_ =	sdelay $0x2  }
0x100: {  	v16 =	vor.u32 v7, v16;
	_ =	sdelay $0x1  }
0x101: {  	v17 =	vmul.f32 v17, v9  }
0x102: {  	s23 =	simm.s32 $0x1  }
0x103: {  	[tilespmem:v18+s31+$0x0] =	vst.idx.msk $0xffff, v17;
	v17 =	vmov s23  }
0x104: {  	v18 =	vld.idx.msk [tilespmem:v16+s31+$0x0], $0xffff;
	v17 =	vand.u32 $0x3F, v17  }
0x105: {  	v17 =	vbroadcast v17, $0x0;
	_ =	sdelay $0x1  }
0x106: {  	v19 =	vor.u32 v0, v17;
	_ =	sdelay $0x1  }
0x107: {  	v18 =	vmul.f32 v18, v8;
	_ =	sdelay $0x1  }
0x108: {  	[tilespmem:v16+s31+$0x0] =	vst.idx.msk $0xffff, v18  }
0x109: {  	v16 =	vld.idx.msk [tilespmem:v19+s31+$0x0], $0xffff;
	_ =	sdelay $0x2  }
0x10a: {  	v18 =	vor.u32 v1, v17;
	_ =	sdelay $0x1  }
0x10b: {  	v16 =	vmul.f32 v16, v15;
	_ =	sdelay $0x1  }
0x10c: {  	[tilespmem:v19+s31+$0x0] =	vst.idx.msk $0xffff, v16  }
0x10d: {  	v16 =	vld.idx.msk [tilespmem:v18+s31+$0x0], $0xffff;
	_ =	sdelay $0x2  }
0x10e: {  	v19 =	vor.u32 v2, v17;
	_ =	sdelay $0x1  }
0x10f: {  	v16 =	vmul.f32 v16, v14;
	_ =	sdelay $0x1  }
0x110: {  	[tilespmem:v18+s31+$0x0] =	vst.idx.msk $0xffff, v16  }
0x111: {  	v16 =	vld.idx.msk [tilespmem:v19+s31+$0x0], $0xffff;
	_ =	sdelay $0x2  }
0x112: {  	v18 =	vor.u32 v3, v17;
	_ =	sdelay $0x1  }
0x113: {  	v16 =	vmul.f32 v16, v13;
	_ =	sdelay $0x1  }
0x114: {  	[tilespmem:v19+s31+$0x0] =	vst.idx.msk $0xffff, v16  }
0x115: {  	v16 =	vld.idx.msk [tilespmem:v18+s31+$0x0], $0xffff;
	_ =	sdelay $0x2  }
0x116: {  	v19 =	vor.u32 v4, v17;
	_ =	sdelay $0x1  }
0x117: {  	v16 =	vmul.f32 v16, v12;
	_ =	sdelay $0x1  }
0x118: {  	[tilespmem:v18+s31+$0x0] =	vst.idx.msk $0xffff, v16  }
0x119: {  	v16 =	vld.idx.msk [tilespmem:v19+s31+$0x0], $0xffff;
	_ =	sdelay $0x2  }
0x11a: {  	v18 =	vor.u32 v5, v17;
	_ =	sdelay $0x1  }
0x11b: {  	v16 =	vmul.f32 v16, v11;
	_ =	sdelay $0x1  }
0x11c: {  	[tilespmem:v19+s31+$0x0] =	vst.idx.msk $0xffff, v16  }
0x11d: {  	v16 =	vld.idx.msk [tilespmem:v18+s31+$0x0], $0xffff;
	_ =	sdelay $0x2  }
0x11e: {  	v19 =	vor.u32 v6, v17;
	_ =	sdelay $0x1  }
0x11f: {  	v16 =	vmul.f32 v16, v10;
	_ =	sdelay $0x1  }
0x120: {  	[tilespmem:v18+s31+$0x0] =	vst.idx.msk $0xffff, v16  }
0x121: {  	v16 =	vld.idx.msk [tilespmem:v19+s31+$0x0], $0xffff;
	_ =	sdelay $0x2  }
0x122: {  	v17 =	vor.u32 v7, v17;
	_ =	sdelay $0x1  }
0x123: {  	v16 =	vmul.f32 v16, v9  }
0x124: {  	s23 =	simm.s32 $0x2  }
0x125: {  	[tilespmem:v19+s31+$0x0] =	vst.idx.msk $0xffff, v16;
	v16 =	vmov s23  }
0x126: {  	v19 =	vld.idx.msk [tilespmem:v17+s31+$0x0], $0xffff;
	v16 =	vand.u32 $0x3E, v16  }
0x127: {  	v16 =	vbroadcast v16, $0x0;
	_ =	sdelay $0x1  }
0x128: {  	v18 =	vor.u32 v0, v16;
	_ =	sdelay $0x1  }
0x129: {  	s18 =	simm.s32 $0x4;
	v19 =	vmul.f32 v19, v8  }
.LBB2_5:
0x12a: {  	_ = 	snop  }
0x12b: {  	p0 =	slt.u32 s18, $0x3E;
	s21 =	smov.u32 s18;
	s18 =	sadd.s32 $0x2, s18;
	[tilespmem:v17+s31+$0x0] =	vst.idx.msk $0xffff, v19  }
0x12c: {  	v17 =	vld.idx.msk [tilespmem:v18+s31+$0x0], $0xffff;
	_ =	sdelay $0x3  }
0x12d: {  	v19 =	vor.u32 v1, v16;
	_ =	sdelay $0x1  }
0x12e: {  	v17 =	vmul.f32 v17, v15;
	_ =	sdelay $0x1  }
0x12f: {  	[tilespmem:v18+s31+$0x0] =	vst.idx.msk $0xffff, v17  }
0x130: {  	v17 =	vld.idx.msk [tilespmem:v19+s31+$0x0], $0xffff;
	_ =	sdelay $0x3  }
0x131: {  	v18 =	vor.u32 v2, v16;
	_ =	sdelay $0x1  }
0x132: {  	v17 =	vmul.f32 v17, v14;
	_ =	sdelay $0x1  }
0x133: {  	[tilespmem:v19+s31+$0x0] =	vst.idx.msk $0xffff, v17  }
0x134: {  	v17 =	vld.idx.msk [tilespmem:v18+s31+$0x0], $0xffff;
	_ =	sdelay $0x3  }
0x135: {  	v19 =	vor.u32 v3, v16;
	_ =	sdelay $0x1  }
0x136: {  	v17 =	vmul.f32 v17, v13;
	_ =	sdelay $0x1  }
0x137: {  	[tilespmem:v18+s31+$0x0] =	vst.idx.msk $0xffff, v17  }
0x138: {  	v17 =	vld.idx.msk [tilespmem:v19+s31+$0x0], $0xffff;
	_ =	sdelay $0x3  }
0x139: {  	v18 =	vor.u32 v4, v16;
	_ =	sdelay $0x1  }
0x13a: {  	v17 =	vmul.f32 v17, v12;
	_ =	sdelay $0x1  }
0x13b: {  	[tilespmem:v19+s31+$0x0] =	vst.idx.msk $0xffff, v17  }
0x13c: {  	v17 =	vld.idx.msk [tilespmem:v18+s31+$0x0], $0xffff;
	_ =	sdelay $0x3  }
0x13d: {  	v19 =	vor.u32 v5, v16;
	_ =	sdelay $0x1  }
0x13e: {  	v17 =	vmul.f32 v17, v11;
	_ =	sdelay $0x1  }
0x13f: {  	[tilespmem:v18+s31+$0x0] =	vst.idx.msk $0xffff, v17  }
0x140: {  	v17 =	vld.idx.msk [tilespmem:v19+s31+$0x0], $0xffff;
	_ =	sdelay $0x3  }
0x141: {  	v18 =	vor.u32 v6, v16;
	_ =	sdelay $0x1  }
0x142: {  	v17 =	vmul.f32 v17, v10;
	_ =	sdelay $0x1  }
0x143: {  	[tilespmem:v19+s31+$0x0] =	vst.idx.msk $0xffff, v17  }
0x144: {  	v17 =	vld.idx.msk [tilespmem:v18+s31+$0x0], $0xffff;
	_ =	sdelay $0x3  }
0x145: {  	v16 =	vor.u32 v7, v16;
	_ =	sdelay $0x1  }
0x146: {  	v17 =	vmul.f32 v17, v9;
	_ =	sdelay $0x1  }
0x147: {  	s12 =	sadd.s32 $0x1, s23;
	s23 =	smov.u32 s21;
	[tilespmem:v18+s31+$0x0] =	vst.idx.msk $0xffff, v17  }
0x148: {  	v18 =	vmov s12;
	v17 =	vld.idx.msk [tilespmem:v16+s31+$0x0], $0xffff  }
0x149: {  	v18 =	vand.u32 $0x3F, v18  }
0x14a: {  	v18 =	vbroadcast v18, $0x0;
	_ =	sdelay $0x1  }
0x14b: {  	v19 =	vor.u32 v0, v18;
	_ =	sdelay $0x1  }
0x14c: {  	v17 =	vmul.f32 v17, v8;
	_ =	sdelay $0x1  }
0x14d: {  	[tilespmem:v16+s31+$0x0] =	vst.idx.msk $0xffff, v17  }
0x14e: {  	v16 =	vld.idx.msk [tilespmem:v19+s31+$0x0], $0xffff;
	_ =	sdelay $0x3  }
0x14f: {  	v17 =	vor.u32 v1, v18;
	_ =	sdelay $0x1  }
0x150: {  	v16 =	vmul.f32 v16, v15;
	_ =	sdelay $0x1  }
0x151: {  	[tilespmem:v19+s31+$0x0] =	vst.idx.msk $0xffff, v16  }
0x152: {  	v16 =	vld.idx.msk [tilespmem:v17+s31+$0x0], $0xffff;
	_ =	sdelay $0x3  }
0x153: {  	v19 =	vor.u32 v2, v18;
	_ =	sdelay $0x1  }
0x154: {  	v16 =	vmul.f32 v16, v14;
	_ =	sdelay $0x1  }
0x155: {  	[tilespmem:v17+s31+$0x0] =	vst.idx.msk $0xffff, v16  }
0x156: {  	v16 =	vld.idx.msk [tilespmem:v19+s31+$0x0], $0xffff;
	_ =	sdelay $0x3  }
0x157: {  	v17 =	vor.u32 v3, v18;
	_ =	sdelay $0x1  }
0x158: {  	v16 =	vmul.f32 v16, v13;
	_ =	sdelay $0x1  }
0x159: {  	[tilespmem:v19+s31+$0x0] =	vst.idx.msk $0xffff, v16  }
0x15a: {  	v16 =	vld.idx.msk [tilespmem:v17+s31+$0x0], $0xffff;
	_ =	sdelay $0x3  }
0x15b: {  	v19 =	vor.u32 v4, v18;
	_ =	sdelay $0x1  }
0x15c: {  	v16 =	vmul.f32 v16, v12;
	_ =	sdelay $0x1  }
0x15d: {  	[tilespmem:v17+s31+$0x0] =	vst.idx.msk $0xffff, v16  }
0x15e: {  	v16 =	vld.idx.msk [tilespmem:v19+s31+$0x0], $0xffff;
	_ =	sdelay $0x3  }
0x15f: {  	v17 =	vor.u32 v5, v18;
	_ =	sdelay $0x1  }
0x160: {  	v16 =	vmul.f32 v16, v11;
	_ =	sdelay $0x1  }
0x161: {  	[tilespmem:v19+s31+$0x0] =	vst.idx.msk $0xffff, v16  }
0x162: {  	v16 =	vld.idx.msk [tilespmem:v17+s31+$0x0], $0xffff;
	_ =	sdelay $0x3  }
0x163: {  	v19 =	vor.u32 v6, v18;
	_ =	sdelay $0x1  }
0x164: {  	v16 =	vmul.f32 v16, v10;
	_ =	sdelay $0x1  }
0x165: {  	[tilespmem:v17+s31+$0x0] =	vst.idx.msk $0xffff, v16  }
0x166: {  	v16 =	vld.idx.msk [tilespmem:v19+s31+$0x0], $0xffff;
	_ =	sdelay $0x3  }
0x167: {  	v17 =	vor.u32 v7, v18;
	_ =	sdelay $0x1  }
0x168: {  	v16 =	vmul.f32 v16, v9;
	_ =	sdelay $0x1  }
0x169: {  	[tilespmem:v19+s31+$0x0] =	vst.idx.msk $0xffff, v16  }
0x16a: {  	v16 =	vmov s23;
	v19 =	vld.idx.msk [tilespmem:v17+s31+$0x0], $0xffff  }
0x16b: {  	v16 =	vand.u32 $0x3E, v16  }
.Ltmp1:
0x16c: {  	v16 =	vbroadcast v16, $0x0;
	(pc) =	sbr.rel @p0 .LBB2_5-.Ltmp1, $3  }
0x16d: {  	_ = 	snop  }
0x16e: {  	v18 =	vor.u32 v0, v16;
	_ =	sdelay $0x1  }
0x16f: {  	v19 =	vmul.f32 v19, v8  }
0x170: {  	_ =	sdelay $0x3  }
0x171: {  	[tilespmem:v17+s31+$0x0] =	vst.idx.msk $0xffff, v19  }
0x172: {  	v17 =	vld.idx.msk [tilespmem:v18+s31+$0x0], $0xffff;
	_ =	sdelay $0x2  }
0x173: {  	v19 =	vor.u32 v1, v16;
	_ =	sdelay $0x1  }
0x174: {  	v17 =	vmul.f32 v17, v15;
	_ =	sdelay $0x1  }
0x175: {  	[tilespmem:v18+s31+$0x0] =	vst.idx.msk $0xffff, v17  }
0x176: {  	v17 =	vld.idx.msk [tilespmem:v19+s31+$0x0], $0xffff;
	_ =	sdelay $0x2  }
0x177: {  	v18 =	vor.u32 v2, v16;
	_ =	sdelay $0x1  }
0x178: {  	v17 =	vmul.f32 v17, v14;
	_ =	sdelay $0x1  }
0x179: {  	[tilespmem:v19+s31+$0x0] =	vst.idx.msk $0xffff, v17  }
0x17a: {  	v17 =	vld.idx.msk [tilespmem:v18+s31+$0x0], $0xffff;
	_ =	sdelay $0x2  }
0x17b: {  	v19 =	vor.u32 v3, v16;
	_ =	sdelay $0x1  }
0x17c: {  	v17 =	vmul.f32 v17, v13;
	_ =	sdelay $0x1  }
0x17d: {  	[tilespmem:v18+s31+$0x0] =	vst.idx.msk $0xffff, v17  }
0x17e: {  	v17 =	vld.idx.msk [tilespmem:v19+s31+$0x0], $0xffff;
	_ =	sdelay $0x2  }
0x17f: {  	v18 =	vor.u32 v4, v16;
	_ =	sdelay $0x1  }
0x180: {  	v17 =	vmul.f32 v17, v12;
	_ =	sdelay $0x1  }
0x181: {  	[tilespmem:v19+s31+$0x0] =	vst.idx.msk $0xffff, v17  }
0x182: {  	v17 =	vld.idx.msk [tilespmem:v18+s31+$0x0], $0xffff;
	_ =	sdelay $0x2  }
0x183: {  	v19 =	vor.u32 v5, v16;
	_ =	sdelay $0x1  }
0x184: {  	v17 =	vmul.f32 v17, v11;
	_ =	sdelay $0x1  }
0x185: {  	[tilespmem:v18+s31+$0x0] =	vst.idx.msk $0xffff, v17  }
0x186: {  	v17 =	vld.idx.msk [tilespmem:v19+s31+$0x0], $0xffff;
	_ =	sdelay $0x2  }
0x187: {  	v18 =	vor.u32 v6, v16;
	_ =	sdelay $0x1  }
0x188: {  	v17 =	vmul.f32 v17, v10;
	_ =	sdelay $0x1  }
0x189: {  	[tilespmem:v19+s31+$0x0] =	vst.idx.msk $0xffff, v17  }
0x18a: {  	v17 =	vld.idx.msk [tilespmem:v18+s31+$0x0], $0xffff;
	_ =	sdelay $0x2  }
0x18b: {  	v16 =	vor.u32 v7, v16;
	_ =	sdelay $0x1  }
0x18c: {  	v17 =	vmul.f32 v17, v9  }
0x18d: {  	s12 =	sadd.s32 $0x1, s23  }
0x18e: {  	[tilespmem:v18+s31+$0x0] =	vst.idx.msk $0xffff, v17;
	v17 =	vmov s12  }
0x18f: {  	v18 =	vld.idx.msk [tilespmem:v16+s31+$0x0], $0xffff;
	v17 =	vand.u32 $0x3F, v17  }
0x190: {  	v17 =	vbroadcast v17, $0x0;
	_ =	sdelay $0x1  }
0x191: {  	v19 =	vor.u32 v0, v17;
	_ =	sdelay $0x1  }
0x192: {  	v18 =	vmul.f32 v18, v8;
	_ =	sdelay $0x1  }
0x193: {  	[tilespmem:v16+s31+$0x0] =	vst.idx.msk $0xffff, v18  }
0x194: {  	v16 =	vld.idx.msk [tilespmem:v19+s31+$0x0], $0xffff;
	_ =	sdelay $0x2  }
0x195: {  	v18 =	vor.u32 v1, v17;
	_ =	sdelay $0x1  }
0x196: {  	v15 =	vmul.f32 v16, v15;
	_ =	sdelay $0x1  }
0x197: {  	[tilespmem:v19+s31+$0x0] =	vst.idx.msk $0xffff, v15  }
0x198: {  	v15 =	vld.idx.msk [tilespmem:v18+s31+$0x0], $0xffff;
	_ =	sdelay $0x2  }
0x199: {  	v16 =	vor.u32 v2, v17;
	_ =	sdelay $0x1  }
0x19a: {  	v14 =	vmul.f32 v15, v14;
	_ =	sdelay $0x1  }
0x19b: {  	[tilespmem:v18+s31+$0x0] =	vst.idx.msk $0xffff, v14  }
0x19c: {  	v14 =	vld.idx.msk [tilespmem:v16+s31+$0x0], $0xffff;
	_ =	sdelay $0x2  }
0x19d: {  	v15 =	vor.u32 v3, v17;
	_ =	sdelay $0x1  }
0x19e: {  	v13 =	vmul.f32 v14, v13;
	_ =	sdelay $0x1  }
0x19f: {  	[tilespmem:v16+s31+$0x0] =	vst.idx.msk $0xffff, v13  }
0x1a0: {  	v13 =	vld.idx.msk [tilespmem:v15+s31+$0x0], $0xffff;
	_ =	sdelay $0x2  }
0x1a1: {  	v14 =	vor.u32 v4, v17;
	_ =	sdelay $0x1  }
0x1a2: {  	v12 =	vmul.f32 v13, v12;
	_ =	sdelay $0x1  }
0x1a3: {  	[tilespmem:v15+s31+$0x0] =	vst.idx.msk $0xffff, v12  }
0x1a4: {  	v12 =	vld.idx.msk [tilespmem:v14+s31+$0x0], $0xffff;
	_ =	sdelay $0x2  }
0x1a5: {  	v13 =	vor.u32 v5, v17;
	_ =	sdelay $0x1  }
0x1a6: {  	v11 =	vmul.f32 v12, v11;
	_ =	sdelay $0x1  }
0x1a7: {  	[tilespmem:v14+s31+$0x0] =	vst.idx.msk $0xffff, v11  }
0x1a8: {  	v11 =	vld.idx.msk [tilespmem:v13+s31+$0x0], $0xffff;
	_ =	sdelay $0x2  }
0x1a9: {  	v12 =	vor.u32 v6, v17;
	_ =	sdelay $0x1  }
0x1aa: {  	v10 =	vmul.f32 v11, v10;
	_ =	sdelay $0x1  }
0x1ab: {  	[tilespmem:v13+s31+$0x0] =	vst.idx.msk $0xffff, v10  }
0x1ac: {  	v10 =	vld.idx.msk [tilespmem:v12+s31+$0x0], $0xffff;
	_ =	sdelay $0x2  }
0x1ad: {  	v11 =	vor.u32 v7, v17;
	_ =	sdelay $0x1  }
0x1ae: {  	v9 =	vmul.f32 v10, v9;
	_ =	sdelay $0x1  }
0x1af: {  	[tilespmem:v12+s31+$0x0] =	vst.idx.msk $0xffff, v9  }
0x1b0: {  	v9 =	vld.idx.msk [tilespmem:v11+s31+$0x0], $0xffff;
	_ =	sdelay $0x4  }
0x1b1: {  	v8 =	vmul.f32 v9, v8;
	_ =	sdelay $0x1  }
0x1b2: {  	[tilespmem:v11+s31+$0x0] =	vst.idx.msk $0xffff, v8  }
0x1b3: {  	[spmem:s4] =	stream.indirect.scatter.add.f32 [tilespmem:s14], [sflag:$0x7], $0x1, s26, s26, $0xb8;
	[tilespmem:$0x12540] =	vst v63  }
0x1b4: {  	_ =	swait.ge [sflag:s24], $0x80  }
0x1b5: {  	[sflag:s24] =	ssyncset.done $0x0  }
0x1b6: {  	s23 =	sshll.u32 s22, $0x8;
	[sflag:s24] =	ssyncadd.s32 $0xFFFFFF80  }
0x1b7: {  	[spmem:s2] =	stream.indirect.scatter.add.f32 [tilespmem:s31], [sflag:$0x7], $0x40, s26, s26, $0xb8;
	[tilespmem:$0x12540] =	vst v63  }
0x1b8: {  	s21 =	sadd.s32 s23, s19;
	_ =	swait.ge [sflag:s24], $0x2000  }
0x1b9: {  	s12 =	sshrl.u32 s21, $0x3;
	[sflag:s24] =	ssyncset.done $0x0  }
0x1ba: {  	s21 =	simm.s32 $0x0;
	s18 =	sadd.s32 s8, s12;
	[sflag:s24] =	ssyncadd.s32 $0xFFFFE000  }
0x1bb: {  	[tilespmem:s21], [sflag:$0x1] =	stream.linear.gather [hbm4b:s18+s21], $0x80, $0x38;
	[tilespmem:$0x12540] =	vst v63  }
0x1bc: {  	s12 =	sadd.s32 s9, s12  }
0x1bd: {  	[tilespmem:s26], [sflag:$0x1] =	stream.linear.gather [hbm4b:s12+s21], $0x80, $0x38;
	[tilespmem:$0x12540] =	vst v63  }
0x1be: {  	_ =	swait.ge [sflag:s30], $0x80  }
0x1bf: {  	[sflag:s30] =	ssyncset.done $0x0  }
0x1c0: {  	[sflag:s30] =	ssyncadd.s32 $0xFFFFFF80  }
0x1c1: {  	_ =	swait.ge [sflag:s30], $0x80  }
0x1c2: {  	[sflag:s30] =	ssyncset.done $0x0  }
0x1c3: {  	[sflag:s30] =	ssyncadd.s32 $0xFFFFFF80  }
0x1c4: {  	[tilespmem:s31], [sflag:$0x3] =	stream.indirect.gather [hbm4b:s6+s26], $0x40, s21, s26, $0xb8;
	[tilespmem:$0x12540] =	vst v63  }
0x1c5: {  	s17 =	simm.s32 $0x1  }
0x1c6: {  	[tilespmem:s0], [sflag:$0x4] =	stream.indirect.gather [hbm4b:s7+s26], $0x40, s26, s26, $0xb8;
	[tilespmem:$0x12540] =	vst v63  }
0x1c7: {  	v8 =	vmov s17;
	_ =	swait.ge [sflag:s15], $0x2000  }
0x1c8: {  	v9 =	vand.u32 $0x3F, v8;
	[sflag:s15] =	ssyncset.done $0x0  }
0x1c9: {  	v10 =	vor.u32 v0, v9;
	[sflag:s15] =	ssyncadd.s32 $0xFFFFE000  }
0x1ca: {  	_ =	swait.ge [sflag:s16], $0x2000  }
0x1cb: {  	v11 =	vor.u32 v3, v9;
	[sflag:s16] =	ssyncset.done $0x0  }
0x1cc: {  	[sflag:s16] =	ssyncadd.s32 $0xFFFFE000  }
0x1cd: {  	v12 =	vor.u32 v4, v9;
	v13 =	vld.idx.msk [tilespmem:v8+s25+$0x0], $0xffff  }
0x1ce: {  	v8 =	vld.idx.msk [tilespmem:v10+s10+$0x0], $0xffff  }
0x1cf: {  	v14 =	vor.u32 v1, v9;
	v10 =	vld.idx.msk [tilespmem:v10+s1+$0x0], $0xffff  }
0x1d0: {  	v16 =	vld.idx.msk [tilespmem:v11+s10+$0x0], $0xffff  }
0x1d1: {  	v15 =	vmov s21;
	v18 =	vor.u32 v5, v9;
	v11 =	vld.idx.msk [tilespmem:v11+s1+$0x0], $0xffff  }
0x1d2: {  	v17 =	vand.u32 $0x3E, v15;
	v20 =	vld.idx.msk [tilespmem:v12+s10+$0x0], $0xffff  }
0x1d3: {  	v22 =	vor.u32 v3, v17;
	v21 =	vld.idx.msk [tilespmem:v12+s1+$0x0], $0xffff  }
0x1d4: {  	v24 =	vor.u32 v7, v17;
	v23 =	vld.idx.msk [tilespmem:v14+s10+$0x0], $0xffff  }
0x1d5: {  	v25 =	vor.u32 v2, v17;
	v14 =	vld.idx.msk [tilespmem:v14+s1+$0x0], $0xffff  }
0x1d6: {  	v26 =	vld.idx.msk [tilespmem:v18+s10+$0x0], $0xffff  }
0x1d7: {  	v18 =	vld.idx.msk [tilespmem:v18+s1+$0x0], $0xffff  }
0x1d8: {  	v27 =	vor.u32 v6, v9;
	v30 =	vld.idx.msk [tilespmem:v22+s10+$0x0], $0xffff  }
0x1d9: {  	v33 =	vor.u32 v7, v9;
	v31 =	vld.idx.msk [tilespmem:v24+s10+$0x0], $0xffff  }
0x1da: {  	v32 =	vld.idx.msk [tilespmem:v25+s10+$0x0], $0xffff  }
0x1db: {  	v29 =	vor.u32 v4, v17;
	v22 =	vld.idx.msk [tilespmem:v22+s1+$0x0], $0xffff  }
0x1dc: {  	v25 =	vld.idx.msk [tilespmem:v25+s1+$0x0], $0xffff  }
0x1dd: {  	v19 =	vor.u32 v0, v17;
	v35 =	vor.u32 v1, v17;
	v36 =	vor.u32 v5, v17;
	v34 =	vld.idx.msk [tilespmem:v27+s10+$0x0], $0xffff  }
0x1de: {  	v17 =	vor.u32 v6, v17;
	v12 =	vimm.f32 $0.0e+00;
	v37 =	vld.idx.msk [tilespmem:v33+s10+$0x0], $0xffff;
	v8 =	vadd.f32 v8, v10  }
0x1df: {  	s18 =	simm.s32 $0x3;
	v38 =	vld.idx.msk [tilespmem:v24+s1+$0x0], $0xffff;
	v11 =	vadd.f32 v16, v11;
	v14 =	vadd.f32 v23, v14;
	v23 =	vor.u32 v2, v9  }
0x1e0: {  	v10 =	vld.idx.msk [tilespmem:v29+s10+$0x0], $0xffff;
	v20 =	vadd.f32 v20, v21;
	v24 =	vadd.f32 v26, v18;
	v18 =	vmov s18  }
0x1e1: {  	v21 =	vld.idx.msk [tilespmem:v33+s1+$0x0], $0xffff;
	v30 =	vadd.f32 v30, v22;
	v25 =	vadd.f32 v32, v25;
	v33 =	vand.u32 $0x3F, v18  }
0x1e2: {  	v16 =	vld.idx.msk [tilespmem:v27+s1+$0x0], $0xffff;
	v27 =	vmul.f32 $2.000000030e-01, v8;
	vm0 =	vgt.f32 v8, $0.0e+00;
	v9 =	vmul.f32 $2.000000030e-01, v11  }
0x1e3: {  	v29 =	vld.idx.msk [tilespmem:v29+s1+$0x0], $0xffff;
	vm13 =	vgt.f32 v11, $0.0e+00;
	vm14 =	vgt.f32 v14, $0.0e+00;
	vm2 =	vgt.f32 v20, $0.0e+00  }
0x1e4: {  	v28 =	vld.idx.msk [tilespmem:v19+s1+$0x0], $0xffff;
	v56 =	vor.u32 v4, v33;
	v41 =	vmul.f32 $2.000000030e-01, v24;
	v22 =	vor.u32 v0, v33  }
0x1e5: {  	v19 =	vld.idx.msk [tilespmem:v19+s10+$0x0], $0xffff;
	vm3 =	vgt.f32 v25, $0.0e+00;
	vm5 =	vgt.f32 v30, $0.0e+00;
	v48 =	vor.u32 v5, v33  }
0x1e6: {  	v8 =	vsel vm0, v8, v27;
	v27 =	vmul.f32 $2.000000030e-01, v14;
	v9 =	vsel vm13, v11, v9  }
0x1e7: {  	v15 =	vld.idx.msk [tilespmem:v15+s25+$0x0], $0xffff;
	vm0 =	vgt.f32 v24, $0.0e+00;
	v16 =	vadd.f32 v34, v16;
	v9 =	vmul.f32 v9, v13  }
0x1e8: {  	v11 =	vmul.f32 v8, v13;
	v8 =	vmul.f32 $2.000000030e-01, v20;
	v10 =	vadd.f32 v10, v29;
	v57 =	vld.idx.msk [tilespmem:v23+s1+$0x0], $0xffff  }
0x1e9: {  	v29 =	vor.u32 v1, v33;
	v21 =	vadd.f32 v37, v21;
	v23 =	vld.idx.msk [tilespmem:v23+s10+$0x0], $0xffff;
	v24 =	vsel vm0, v24, v41  }
0x1ea: {  	v14 =	vsel vm14, v14, v27;
	v27 =	vadd.f32 v19, v28;
	v19 =	vld.idx.msk [tilespmem:v35+s10+$0x0], $0xffff;
	v24 =	vmul.f32 v24, v13  }
0x1eb: {  	v28 =	vld.idx.msk [tilespmem:v35+s1+$0x0], $0xffff;
	vm1 =	vgt.f32 v16, $0.0e+00;
	v26 =	vmul.f32 $2.000000030e-01, v16;
	v39 =	vmul.f32 v14, v13  }
0x1ec: {  	v8 =	vsel vm2, v20, v8;
	v20 =	vmul.f32 $2.000000030e-01, v25;
	vm8 =	vgt.f32 v10, $0.0e+00;
	v49 =	vld.idx.msk [tilespmem:v56+s10+$0x0], $0xffff  }
0x1ed: {  	vm9 =	vgt.f32 v21, $0.0e+00;
	v52 =	vld.idx.msk [tilespmem:v56+s1+$0x0], $0xffff;
	v56 =	vor.u32 v6, v33;
	vm15 =	vgt.f32 v27, $0.0e+00  }
0x1ee: {  	v63 =	vmul.f32 $2.000000030e-01, v27;
	v45 =	vsel vm1, v16, v26;
	v16 =	vadd.f32 v31, v38  }
0x1ef: {  	v31 =	vmul.f32 $2.000000030e-01, v10;
	v25 =	vsel vm3, v25, v20;
	v20 =	vor.u32 v2, v33  }
0x1f0: {  	v26 =	vld.idx.msk [tilespmem:v17+s10+$0x0], $0xffff;
	v23 =	vadd.f32 v23, v57;
	v25 =	vmul.f32 v25, v15;
	v27 =	vsel vm15, v27, v63  }
0x1f1: {  	v17 =	vld.idx.msk [tilespmem:v17+s1+$0x0], $0xffff;
	v58 =	vmul.f32 $2.000000030e-01, v16;
	v19 =	vadd.f32 v19, v28;
	vm7 =	vgt.f32 v16, $0.0e+00  }
0x1f2: {  	v14 =	vld.idx.msk [tilespmem:v36+s10+$0x0], $0xffff;
	v28 =	vmul.f32 $2.000000030e-01, v30;
	v10 =	vsel vm8, v10, v31;
	v27 =	vmul.f32 v27, v15  }
0x1f3: {  	v34 =	vld.idx.msk [tilespmem:v48+s10+$0x0], $0xffff;
	v31 =	vor.u32 v3, v33;
	v10 =	vmul.f32 v10, v15;
	v42 =	vmul.f32 $2.000000030e-01, v23  }
0x1f4: {  	v40 =	vsel vm7, v16, v58;
	v16 =	vld.idx.msk [tilespmem:v36+s1+$0x0], $0xffff;
	v36 =	vmul.f32 v8, v13;
	v8 =	vmul.f32 $2.000000030e-01, v21  }
0x1f5: {  	v54 =	vld.idx.msk [tilespmem:v29+s10+$0x0], $0xffff;
	vm12 =	vgt.f32 v23, $0.0e+00;
	v25 =	vadd.f32 v25, v12;
	v41 =	vadd.f32 v49, v52  }
0x1f6: {  	v59 =	vmul.f32 $2.000000030e-01, v19;
	v35 =	vadd.f32 v26, v17;
	v26 =	vld.idx.msk [tilespmem:v22+s10+$0x0], $0xffff;
	v8 =	vsel vm9, v21, v8  }
0x1f7: {  	vm10 =	vgt.f32 v19, $0.0e+00;
	v27 =	vadd.f32 v27, v12;
	v46 =	vmul.f32 v8, v13;
	v8 =	vld.idx.msk [tilespmem:v18+s25+$0x0], $0xffff  }
0x1f8: {  	s21 =	simm.s32 $0x2;
	v23 =	vsel vm12, v23, v42;
	v18 =	vsel vm10, v19, v59;
	vm11 =	vgt.f32 v35, $0.0e+00;
	v61 =	vld.idx.msk [tilespmem:v31+s10+$0x0], $0xffff  }
0x1f9: {  	v44 =	vmul.f32 $2.000000030e-01, v35;
	v31 =	vld.idx.msk [tilespmem:v31+s1+$0x0], $0xffff;
	v43 =	vadd.f32 v14, v16;
	v14 =	vmov s21  }
0x1fa: {  	v16 =	vmul.f32 v18, v15;
	v18 =	vadd.f32 v10, v12;
	v10 =	vld.idx.msk [tilespmem:v22+s1+$0x0], $0xffff;
	v60 =	vand.u32 $0x3E, v14  }
0x1fb: {  	v29 =	vld.idx.msk [tilespmem:v29+s1+$0x0], $0xffff;
	v11 =	vadd.f32 v11, v27;
	v58 =	vsel vm11, v35, v44;
	v47 =	vor.u32 v0, v60  }
0x1fc: {  	v37 =	vld.idx.msk [tilespmem:v48+s1+$0x0], $0xffff;
	v59 =	vmul.f32 v23, v13;
	v63 =	vmul.f32 v58, v15;
	v22 =	vor.u32 v3, v60  }
0x1fd: {  	v48 =	vld.idx.msk [tilespmem:v56+s10+$0x0], $0xffff;
	v62 =	vadd.f32 v16, v12;
	v19 =	vor.u32 v1, v60;
	v53 =	vor.u32 v7, v60  }
0x1fe: {  	v23 =	vld.idx.msk [tilespmem:v20+s1+$0x0], $0xffff;
	v21 =	vor.u32 v2, v60;
	v50 =	vmul.f32 $2.000000030e-01, v43;
	v51 =	vor.u32 v4, v60  }
0x1ff: {  	vm4 =	vgt.f32 v43, $0.0e+00;
	v31 =	vadd.f32 v61, v31;
	v61 =	vld.idx.msk [tilespmem:v56+s1+$0x0], $0xffff;
	v55 =	vadd.f32 v26, v10  }
0x200: {  	v18 =	vadd.f32 v36, v18;
	v36 =	vadd.f32 v54, v29;
	v26 =	vsel vm5, v30, v28;
	v32 =	vld.idx.msk [tilespmem:v47+s1+$0x0], $0xffff  }
0x201: {  	v54 =	vor.u32 v7, v33;
	v57 =	vmul.f32 v26, v15;
	v28 =	vmul.f32 $2.000000030e-01, v55;
	v26 =	vld.idx.msk [tilespmem:v22+s10+$0x0], $0xffff  }
0x202: {  	v29 =	vsel vm4, v43, v50;
	v10 =	vadd.f32 v39, v62;
	vm13 =	vgt.f32 v55, $0.0e+00;
	v30 =	vld.idx.msk [tilespmem:v53+s10+$0x0], $0xffff  }
0x203: {  	v29 =	vmul.f32 v29, v15;
	v39 =	vld.idx.msk [tilespmem:v51+s10+$0x0], $0xffff;
	v38 =	vsel vm13, v55, v28;
	v55 =	vmul.f32 $2.000000030e-01, v31  }
0x204: {  	v17 =	vor.u32 v5, v60;
	v16 =	vor.u32 v6, v60;
	vm14 =	vgt.f32 v31, $0.0e+00;
	v35 =	vld.idx.msk [tilespmem:v47+s10+$0x0], $0xffff  }
0x205: {  	v33 =	vld.idx.msk [tilespmem:v51+s1+$0x0], $0xffff;
	v27 =	vadd.f32 v29, v12;
	v42 =	vsel vm14, v31, v55;
	v31 =	vmul.f32 v40, v15  }
0x206: {  	v60 =	vmul.f32 $2.000000030e-01, v36;
	v29 =	vadd.f32 v63, v12;
	v44 =	vld.idx.msk [tilespmem:v53+s1+$0x0], $0xffff;
	v62 =	vadd.f32 v57, v12  }
0x207: {  	vm15 =	vgt.f32 v36, $0.0e+00;
	v28 =	vld.idx.msk [tilespmem:v21+s10+$0x0], $0xffff;
	v15 =	vadd.f32 v59, v25;
	v25 =	vadd.f32 v31, v12  }
0x208: {  	v43 =	vsel vm15, v36, v60;
	v9 =	vadd.f32 v9, v62;
	v40 =	vld.idx.msk [tilespmem:v54+s10+$0x0], $0xffff;
	v31 =	vadd.f32 v48, v61  }
0x209: {  	s18 =	simm.s32 $0x4;
	v12 =	vadd.f32 v46, v25;
	v46 =	vmul.f32 v45, v13;
	v45 =	vld.idx.msk [tilespmem:v54+s1+$0x0], $0xffff;
	v13 =	vadd.f32 v24, v27  }
.LBB2_7:
0x20a: {  	s21 =	sadd.s32 $0x1, s18  }
0x20b: {  	p0 =	slt.u32 s18, $0x3E;
	v22 =	vld.idx.msk [tilespmem:v22+s1+$0x0], $0xffff;
	v25 =	vmul.f32 v42, v8;
	vm2 =	vgt.f32 v41, $0.0e+00;
	v24 =	vadd.f32 v34, v37;
	s12 =	smov.u32 s18;
	s18 =	sadd.s32 $0x2, s18  }
0x20c: {  	v27 =	vmul.f32 v38, v8;
	v37 =	vmul.f32 $2.000000030e-01, v41;
	v34 =	vmov s21;
	v21 =	vld.idx.msk [tilespmem:v21+s1+$0x0], $0xffff  }
0x20d: {  	v35 =	vadd.f32 v35, v32;
	vm1 =	vgt.f32 v31, $0.0e+00;
	v38 =	vmul.f32 $2.000000030e-01, v31;
	v32 =	vld.idx.msk [tilespmem:v19+s10+$0x0], $0xffff  }
0x20e: {  	v29 =	vadd.f32 v46, v29;
	v36 =	vand.u32 $0x3F, v34;
	v39 =	vadd.f32 v39, v33;
	v19 =	vld.idx.msk [tilespmem:v19+s1+$0x0], $0xffff  }
0x20f: {  	v33 =	vmul.f32 $2.000000030e-01, v24;
	v42 =	vor.u32 v1, v36;
	v46 =	vor.u32 v4, v36;
	v47 =	vld.idx.msk [tilespmem:v17+s10+$0x0], $0xffff  }
0x210: {  	v43 =	vmul.f32 v43, v8;
	vm0 =	vgt.f32 v24, $0.0e+00;
	v31 =	vsel vm1, v31, v38;
	v48 =	vld.idx.msk [tilespmem:v16+s10+$0x0], $0xffff  }
0x211: {  	vm1 =	vgt.f32 v35, $0.0e+00;
	v26 =	vadd.f32 v26, v22;
	v22 =	vadd.f32 v30, v44;
	v20 =	vld.idx.msk [tilespmem:v20+s10+$0x0], $0xffff  }
0x212: {  	v38 =	vadd.f32 v40, v45;
	v30 =	vor.u32 v0, v36;
	v44 =	vld.idx.msk [tilespmem:v14+s25+$0x0], $0xffff;
	v14 =	vmul.f32 $2.000000030e-01, v39  }
0x213: {  	v37 =	vsel vm2, v41, v37;
	v28 =	vadd.f32 v28, v21;
	v21 =	vmul.f32 $2.000000030e-01, v22;
	v17 =	vld.idx.msk [tilespmem:v17+s1+$0x0], $0xffff  }
0x214: {  	vm2 =	vgt.f32 v22, $0.0e+00;
	v19 =	vadd.f32 v32, v19;
	v32 =	vmul.f32 $2.000000030e-01, v26;
	v16 =	vld.idx.msk [tilespmem:v16+s1+$0x0], $0xffff  }
0x215: {  	v45 =	vmul.f32 v37, v8;
	v40 =	vmul.f32 $2.000000030e-01, v28;
	v41 =	vsel vm2, v22, v21  }
0x216: {  	vm3 =	vgt.f32 v28, $0.0e+00;
	vm2 =	vgt.f32 v39, $0.0e+00;
	v21 =	vmul.f32 $2.000000030e-01, v38  }
0x217: {  	v22 =	vmul.f32 $2.000000030e-01, v19;
	v14 =	vsel vm2, v39, v14;
	vm2 =	vgt.f32 v38, $0.0e+00  }
0x218: {  	v37 =	vor.u32 v3, v36;
	v21 =	vsel vm2, v38, v21;
	v14 =	vmul.f32 v14, v44  }
0x219: {  	vm2 =	vgt.f32 v19, $0.0e+00;
	v23 =	vadd.f32 v20, v23;
	v49 =	vmul.f32 v21, v8  }
0x21a: {  	v19 =	vsel vm2, v19, v22;
	v39 =	vadd.f32 v47, v17;
	v47 =	vadd.f32 v48, v16;
	v50 =	vld.idx.msk [tilespmem:v34+s25+$0x0], $0xffff  }
0x21b: {  	vm5 =	vgt.f32 v26, $0.0e+00;
	v16 =	vmul.f32 v19, v44;
	v18 =	vadd.f32 v14, v18;
	v20 =	vld.idx.msk [tilespmem:v30+s10+$0x0], $0xffff  }
0x21c: {  	v14 =	vmov s12;
	v48 =	vmul.f32 $2.000000030e-01, v23;
	vm2 =	vgt.f32 v47, $0.0e+00;
	v30 =	vld.idx.msk [tilespmem:v30+s1+$0x0], $0xffff  }
0x21d: {  	v34 =	vand.u32 $0x3E, v14;
	v10 =	vadd.f32 v16, v10;
	v51 =	vmul.f32 $2.000000030e-01, v47;
	v38 =	vld.idx.msk [tilespmem:v37+s10+$0x0], $0xffff  }
0x21e: {  	v53 =	vor.u32 v5, v36;
	v52 =	vor.u32 v0, v34;
	v19 =	vor.u32 v1, v34;
	v37 =	vld.idx.msk [tilespmem:v37+s1+$0x0], $0xffff  }
0x21f: {  	v55 =	vmul.f32 $2.000000030e-01, v39;
	v21 =	vor.u32 v2, v34;
	v22 =	vor.u32 v3, v34;
	v54 =	vld.idx.msk [tilespmem:v46+s10+$0x0], $0xffff  }
0x220: {  	vm4 =	vgt.f32 v39, $0.0e+00;
	v56 =	vor.u32 v4, v34;
	v17 =	vor.u32 v5, v34;
	v46 =	vld.idx.msk [tilespmem:v46+s1+$0x0], $0xffff  }
0x221: {  	v28 =	vsel vm3, v28, v40;
	v16 =	vor.u32 v6, v34;
	v57 =	vor.u32 v7, v34;
	v58 =	vld.idx.msk [tilespmem:v42+s10+$0x0], $0xffff  }
0x222: {  	vm3 =	vgt.f32 v23, $0.0e+00;
	v30 =	vadd.f32 v20, v30;
	v20 =	vor.u32 v2, v36;
	v40 =	vld.idx.msk [tilespmem:v42+s1+$0x0], $0xffff  }
0x223: {  	v59 =	vor.u32 v6, v36;
	v26 =	vsel vm5, v26, v32;
	v10 =	vadd.f32 v43, v10;
	v34 =	vld.idx.msk [tilespmem:v53+s10+$0x0], $0xffff  }
0x224: {  	v60 =	vmul.f32 v26, v44;
	v42 =	vmul.f32 $2.000000030e-01, v30;
	v43 =	vadd.f32 v38, v37;
	v32 =	vld.idx.msk [tilespmem:v52+s1+$0x0], $0xffff  }
0x225: {  	v28 =	vmul.f32 v28, v44;
	vm5 =	vgt.f32 v30, $0.0e+00;
	v37 =	vld.idx.msk [tilespmem:v53+s1+$0x0], $0xffff;
	v53 =	vmul.f32 $2.000000030e-01, v35  }
0x226: {  	v23 =	vsel vm3, v23, v48;
	v38 =	vsel vm5, v30, v42;
	v42 =	vmul.f32 $2.000000030e-01, v43;
	v26 =	vld.idx.msk [tilespmem:v22+s10+$0x0], $0xffff  }
0x227: {  	v15 =	vadd.f32 v28, v15;
	v18 =	vadd.f32 v45, v18;
	vm3 =	vgt.f32 v43, $0.0e+00;
	v30 =	vld.idx.msk [tilespmem:v57+s10+$0x0], $0xffff  }
0x228: {  	v41 =	vmul.f32 v41, v44;
	v42 =	vsel vm3, v43, v42;
	v35 =	vsel vm1, v35, v53;
	v28 =	vld.idx.msk [tilespmem:v21+s10+$0x0], $0xffff  }
0x229: {  	v36 =	vor.u32 v7, v36;
	v40 =	vadd.f32 v58, v40;
	v43 =	vsel vm4, v39, v55;
	v45 =	vld.idx.msk [tilespmem:v59+s10+$0x0], $0xffff  }
0x22a: {  	v48 =	vmul.f32 v23, v8;
	v47 =	vsel vm2, v47, v51;
	v35 =	vmul.f32 v35, v44;
	v39 =	vld.idx.msk [tilespmem:v56+s10+$0x0], $0xffff  }
0x22b: {  	v9 =	vadd.f32 v60, v9;
	v55 =	vmul.f32 v43, v44;
	v51 =	vmul.f32 $2.000000030e-01, v40;
	v53 =	vld.idx.msk [tilespmem:v59+s1+$0x0], $0xffff  }
0x22c: {  	v44 =	vmul.f32 v47, v44;
	vm1 =	vgt.f32 v40, $0.0e+00;
	v11 =	vadd.f32 v35, v11;
	v23 =	vld.idx.msk [tilespmem:v20+s1+$0x0], $0xffff  }
.Ltmp2:
0x22d: {  	v9 =	vadd.f32 v25, v9;
	v15 =	vadd.f32 v48, v15;
	v43 =	vsel vm1, v40, v51;
	v35 =	vld.idx.msk [tilespmem:v52+s10+$0x0], $0xffff;
	(pc) =	sbr.rel @p0 .LBB2_7-.Ltmp2, $4  }
0x22e: {  	v24 =	vsel vm0, v24, v33;
	v12 =	vadd.f32 v41, v12;
	v11 =	vadd.f32 v27, v11;
	v40 =	vld.idx.msk [tilespmem:v36+s10+$0x0], $0xffff  }
0x22f: {  	v24 =	vmul.f32 v24, v8;
	v13 =	vadd.f32 v55, v13;
	v29 =	vadd.f32 v44, v29;
	v33 =	vld.idx.msk [tilespmem:v56+s1+$0x0], $0xffff  }
0x230: {  	v12 =	vadd.f32 v49, v12;
	v41 =	vadd.f32 v54, v46;
	v46 =	vmul.f32 v31, v8;
	v44 =	vld.idx.msk [tilespmem:v57+s1+$0x0], $0xffff  }
0x231: {  	v8 =	vmov v50;
	v13 =	vadd.f32 v24, v13;
	v31 =	vadd.f32 v45, v53;
	v45 =	vld.idx.msk [tilespmem:v36+s1+$0x0], $0xffff  }
0x232: {  	_ =	sdelay $0x3  }
0x233: {  	v22 =	vld.idx.msk [tilespmem:v22+s1+$0x0], $0xffff  }
0x234: {  	v21 =	vld.idx.msk [tilespmem:v21+s1+$0x0], $0xffff  }
0x235: {  	v63 =	vld.idx.msk [tilespmem:v19+s10+$0x0], $0xffff  }
0x236: {  	v19 =	vld.idx.msk [tilespmem:v19+s1+$0x0], $0xffff  }
0x237: {  	v24 =	vmul.f32 v42, v8;
	vm2 =	vgt.f32 v41, $0.0e+00;
	v25 =	vadd.f32 v34, v37;
	v47 =	vld.idx.msk [tilespmem:v17+s10+$0x0], $0xffff  }
0x238: {  	v27 =	vmul.f32 v38, v8;
	v62 =	vmul.f32 $2.000000030e-01, v41;
	v32 =	vadd.f32 v35, v32;
	v50 =	vld.idx.msk [tilespmem:v16+s10+$0x0], $0xffff  }
0x239: {  	v29 =	vadd.f32 v46, v29;
	v49 =	vmul.f32 v43, v8;
	v20 =	vld.idx.msk [tilespmem:v20+s10+$0x0], $0xffff;
	vm1 =	vgt.f32 v31, $0.0e+00  }
0x23a: {  	v14 =	vld.idx.msk [tilespmem:v14+s25+$0x0], $0xffff;
	v36 =	vmul.f32 $2.000000030e-01, v31;
	v33 =	vadd.f32 v39, v33;
	v48 =	vmul.f32 $2.000000030e-01, v25  }
0x23b: {  	v17 =	vld.idx.msk [tilespmem:v17+s1+$0x0], $0xffff;
	vm0 =	vgt.f32 v25, $0.0e+00;
	vm9 =	vgt.f32 v32, $0.0e+00;
	v34 =	vsel vm2, v41, v62  }
0x23c: {  	v16 =	vld.idx.msk [tilespmem:v16+s1+$0x0], $0xffff;
	v62 =	vmul.f32 $2.000000030e-01, v32;
	v31 =	vsel vm1, v31, v36;
	v30 =	vadd.f32 v30, v44  }
0x23d: {  	v56 =	vmul.f32 v34, v8;
	v51 =	vmul.f32 $2.000000030e-01, v33;
	v52 =	vadd.f32 v40, v45  }
0x23e: {  	vm11 =	vgt.f32 v33, $0.0e+00;
	v32 =	vsel vm9, v32, v62;
	v22 =	vadd.f32 v26, v22  }
0x23f: {  	v21 =	vadd.f32 v28, v21;
	v53 =	vmul.f32 $2.000000030e-01, v30;
	v19 =	vadd.f32 v63, v19  }
0x240: {  	vm10 =	vgt.f32 v30, $0.0e+00;
	v20 =	vadd.f32 v20, v23;
	v17 =	vadd.f32 v47, v17  }
0x241: {  	v16 =	vadd.f32 v50, v16;
	v32 =	vmul.f32 v32, v14;
	v57 =	vmul.f32 $2.000000030e-01, v52  }
0x242: {  	v26 =	vsel vm11, v33, v51;
	vm12 =	vgt.f32 v52, $0.0e+00;
	v54 =	vmul.f32 $2.000000030e-01, v22  }
0x243: {  	v55 =	vmul.f32 $2.000000030e-01, v21;
	v28 =	vsel vm10, v30, v53;
	vm3 =	vgt.f32 v21, $0.0e+00  }
0x244: {  	v58 =	vmul.f32 $2.000000030e-01, v19;
	v26 =	vmul.f32 v26, v14;
	vm13 =	vgt.f32 v19, $0.0e+00  }
0x245: {  	vm14 =	vgt.f32 v22, $0.0e+00;
	vm4 =	vgt.f32 v16, $0.0e+00;
	v60 =	vmul.f32 $2.000000030e-01, v20  }
0x246: {  	v61 =	vmul.f32 $2.000000030e-01, v16;
	vm5 =	vgt.f32 v17, $0.0e+00;
	vm15 =	vgt.f32 v20, $0.0e+00  }
0x247: {  	v11 =	vadd.f32 v32, v11;
	v34 =	vsel vm12, v52, v57;
	v63 =	vmul.f32 v28, v14  }
0x248: {  	v59 =	vmul.f32 v34, v8;
	v19 =	vsel vm13, v19, v58;
	v18 =	vadd.f32 v26, v18  }
0x249: {  	v21 =	vsel vm3, v21, v55;
	v22 =	vsel vm14, v22, v54;
	v20 =	vsel vm15, v20, v60  }
0x24a: {  	v11 =	vadd.f32 v27, v11;
	v19 =	vmul.f32 v19, v14;
	v21 =	vmul.f32 v21, v14  }
0x24b: {  	v22 =	vmul.f32 v22, v14;
	v12 =	vadd.f32 v63, v12;
	v18 =	vadd.f32 v56, v18  }
0x24c: {  	v11 =	vmul.f32 $1.442695020e+00, v11;
	v10 =	vadd.f32 v19, v10;
	v19 =	vmul.f32 $2.000000030e-01, v17  }
0x24d: {  	v16 =	vsel vm4, v16, v61;
	v15 =	vadd.f32 v21, v15;
	v9 =	vadd.f32 v22, v9  }
0x24e: {  	(erf) = vpow2.f32 v11;
	v17 =	vsel vm5, v17, v19;
	v19 =	vmul.f32 v20, v8  }
0x24f: {  	v10 =	vadd.f32 v49, v10;
	v9 =	vadd.f32 v24, v9;
	v17 =	vmul.f32 v17, v14  }
0x250: {  	v14 =	vmul.f32 v16, v14;
	v16 =	vsel vm0, v25, v48;
	v15 =	vadd.f32 v19, v15  }
0x251: {  	v16 =	vmul.f32 v16, v8;
	v10 =	vmul.f32 $1.442695020e+00, v10;
	v13 =	vadd.f32 v17, v13  }
0x252: {  	v8 =	vmul.f32 v31, v8;
	v14 =	vadd.f32 v14, v29;
	v11 =	vmul.f32 $1.442695020e+00, v15  }
0x253: {  	v9 =	vmul.f32 $1.442695020e+00, v9;
	(erf) = vpow2.f32 v10;
	v13 =	vadd.f32 v16, v13  }
0x254: {  	v10 =	vmul.f32 $1.442695020e+00, v18;
	v8 =	vadd.f32 v8, v14;
	(erf) = vpow2.f32 v11  }
0x255: {  	v11 =	vadd.f32 v59, v12;
	(erf) = vpow2.f32 v9;
	v9 =	vmul.f32 $1.442695020e+00, v13  }
0x256: {  	v8 =	vmul.f32 $1.442695020e+00, v8;
	(erf) = vpow2.f32 v10  }
0x257: {  	(erf) = vpow2.f32 v9;
	v9 =	vmul.f32 $1.442695020e+00, v11  }
0x258: {  	(erf) = vpow2.f32 v8  }
0x259: {  	(erf) = vpow2.f32 v9  }
0x25a: {  	s12 =	simm.s32 $0x0  }
0x25b: {  	v15 =	vpop (erf);
	v8 =	vmov s12  }
0x25c: {  	[tilespmem:$0x8200] =	vst v15;
	v8 =	vand.u32 $0x3E, v8;
	v14 =	vpop (erf)  }
0x25d: {  	v16 =	vbroadcast v8, $0x0;
	[tilespmem:$0x8210] =	vst v14;
	v13 =	vpop (erf)  }
0x25e: {  	v12 =	vpop (erf);
	[tilespmem:$0x8220] =	vst v13  }
0x25f: {  	v17 =	vor.u32 v0, v16;
	v11 =	vpop (erf);
	[tilespmem:$0x8230] =	vst v12  }
0x260: {  	v10 =	vpop (erf);
	[tilespmem:$0x8240] =	vst v11  }
0x261: {  	v9 =	vpop (erf);
	[tilespmem:$0x8250] =	vst v10  }
0x262: {  	v8 =	vpop (erf);
	[tilespmem:$0x8260] =	vst v9  }
0x263: {  	[tilespmem:$0x8270] =	vst v8  }
0x264: {  	v18 =	vld.idx.msk [tilespmem:v17+s1+$0x0], $0xffff;
	_ =	sdelay $0x2  }
0x265: {  	v19 =	vor.u32 v1, v16;
	_ =	sdelay $0x1  }
0x266: {  	v18 =	vmul.f32 v18, v15;
	_ =	sdelay $0x1  }
0x267: {  	[tilespmem:v17+s1+$0x0] =	vst.idx.msk $0xffff, v18  }
0x268: {  	v17 =	vld.idx.msk [tilespmem:v19+s1+$0x0], $0xffff;
	_ =	sdelay $0x2  }
0x269: {  	v18 =	vor.u32 v2, v16;
	_ =	sdelay $0x1  }
0x26a: {  	v17 =	vmul.f32 v17, v14;
	_ =	sdelay $0x1  }
0x26b: {  	[tilespmem:v19+s1+$0x0] =	vst.idx.msk $0xffff, v17  }
0x26c: {  	v17 =	vld.idx.msk [tilespmem:v18+s1+$0x0], $0xffff;
	_ =	sdelay $0x2  }
0x26d: {  	v19 =	vor.u32 v3, v16;
	_ =	sdelay $0x1  }
0x26e: {  	v17 =	vmul.f32 v17, v13;
	_ =	sdelay $0x1  }
0x26f: {  	[tilespmem:v18+s1+$0x0] =	vst.idx.msk $0xffff, v17  }
0x270: {  	v17 =	vld.idx.msk [tilespmem:v19+s1+$0x0], $0xffff;
	_ =	sdelay $0x2  }
0x271: {  	v18 =	vor.u32 v4, v16;
	_ =	sdelay $0x1  }
0x272: {  	v17 =	vmul.f32 v17, v12;
	_ =	sdelay $0x1  }
0x273: {  	[tilespmem:v19+s1+$0x0] =	vst.idx.msk $0xffff, v17  }
0x274: {  	v17 =	vld.idx.msk [tilespmem:v18+s1+$0x0], $0xffff;
	_ =	sdelay $0x2  }
0x275: {  	v19 =	vor.u32 v5, v16;
	_ =	sdelay $0x1  }
0x276: {  	v17 =	vmul.f32 v17, v11;
	_ =	sdelay $0x1  }
0x277: {  	[tilespmem:v18+s1+$0x0] =	vst.idx.msk $0xffff, v17  }
0x278: {  	v17 =	vld.idx.msk [tilespmem:v19+s1+$0x0], $0xffff;
	_ =	sdelay $0x2  }
0x279: {  	v18 =	vor.u32 v6, v16;
	_ =	sdelay $0x1  }
0x27a: {  	v17 =	vmul.f32 v17, v10;
	_ =	sdelay $0x1  }
0x27b: {  	[tilespmem:v19+s1+$0x0] =	vst.idx.msk $0xffff, v17  }
0x27c: {  	v17 =	vld.idx.msk [tilespmem:v18+s1+$0x0], $0xffff;
	_ =	sdelay $0x2  }
0x27d: {  	v16 =	vor.u32 v7, v16;
	_ =	sdelay $0x1  }
0x27e: {  	v17 =	vmul.f32 v17, v9  }
0x27f: {  	s21 =	simm.s32 $0x1  }
0x280: {  	[tilespmem:v18+s1+$0x0] =	vst.idx.msk $0xffff, v17;
	v17 =	vmov s21  }
0x281: {  	v18 =	vld.idx.msk [tilespmem:v16+s1+$0x0], $0xffff;
	v17 =	vand.u32 $0x3F, v17  }
0x282: {  	v17 =	vbroadcast v17, $0x0;
	_ =	sdelay $0x1  }
0x283: {  	v19 =	vor.u32 v0, v17;
	_ =	sdelay $0x1  }
0x284: {  	v18 =	vmul.f32 v18, v8;
	_ =	sdelay $0x1  }
0x285: {  	[tilespmem:v16+s1+$0x0] =	vst.idx.msk $0xffff, v18  }
0x286: {  	v16 =	vld.idx.msk [tilespmem:v19+s1+$0x0], $0xffff;
	_ =	sdelay $0x2  }
0x287: {  	v18 =	vor.u32 v1, v17;
	_ =	sdelay $0x1  }
0x288: {  	v16 =	vmul.f32 v16, v15;
	_ =	sdelay $0x1  }
0x289: {  	[tilespmem:v19+s1+$0x0] =	vst.idx.msk $0xffff, v16  }
0x28a: {  	v16 =	vld.idx.msk [tilespmem:v18+s1+$0x0], $0xffff;
	_ =	sdelay $0x2  }
0x28b: {  	v19 =	vor.u32 v2, v17;
	_ =	sdelay $0x1  }
0x28c: {  	v16 =	vmul.f32 v16, v14;
	_ =	sdelay $0x1  }
0x28d: {  	[tilespmem:v18+s1+$0x0] =	vst.idx.msk $0xffff, v16  }
0x28e: {  	v16 =	vld.idx.msk [tilespmem:v19+s1+$0x0], $0xffff;
	_ =	sdelay $0x2  }
0x28f: {  	v18 =	vor.u32 v3, v17;
	_ =	sdelay $0x1  }
0x290: {  	v16 =	vmul.f32 v16, v13;
	_ =	sdelay $0x1  }
0x291: {  	[tilespmem:v19+s1+$0x0] =	vst.idx.msk $0xffff, v16  }
0x292: {  	v16 =	vld.idx.msk [tilespmem:v18+s1+$0x0], $0xffff;
	_ =	sdelay $0x2  }
0x293: {  	v19 =	vor.u32 v4, v17;
	_ =	sdelay $0x1  }
0x294: {  	v16 =	vmul.f32 v16, v12;
	_ =	sdelay $0x1  }
0x295: {  	[tilespmem:v18+s1+$0x0] =	vst.idx.msk $0xffff, v16  }
0x296: {  	v16 =	vld.idx.msk [tilespmem:v19+s1+$0x0], $0xffff;
	_ =	sdelay $0x2  }
0x297: {  	v18 =	vor.u32 v5, v17;
	_ =	sdelay $0x1  }
0x298: {  	v16 =	vmul.f32 v16, v11;
	_ =	sdelay $0x1  }
0x299: {  	[tilespmem:v19+s1+$0x0] =	vst.idx.msk $0xffff, v16  }
0x29a: {  	v16 =	vld.idx.msk [tilespmem:v18+s1+$0x0], $0xffff;
	_ =	sdelay $0x2  }
0x29b: {  	v19 =	vor.u32 v6, v17;
	_ =	sdelay $0x1  }
0x29c: {  	v16 =	vmul.f32 v16, v10;
	_ =	sdelay $0x1  }
0x29d: {  	[tilespmem:v18+s1+$0x0] =	vst.idx.msk $0xffff, v16  }
0x29e: {  	v16 =	vld.idx.msk [tilespmem:v19+s1+$0x0], $0xffff;
	_ =	sdelay $0x2  }
0x29f: {  	v17 =	vor.u32 v7, v17;
	_ =	sdelay $0x1  }
0x2a0: {  	v16 =	vmul.f32 v16, v9  }
0x2a1: {  	s18 =	simm.s32 $0x2  }
0x2a2: {  	[tilespmem:v19+s1+$0x0] =	vst.idx.msk $0xffff, v16;
	v16 =	vmov s18  }
0x2a3: {  	v19 =	vld.idx.msk [tilespmem:v17+s1+$0x0], $0xffff;
	v16 =	vand.u32 $0x3E, v16  }
0x2a4: {  	v16 =	vbroadcast v16, $0x0;
	_ =	sdelay $0x1  }
0x2a5: {  	v18 =	vor.u32 v0, v16;
	_ =	sdelay $0x1  }
0x2a6: {  	s21 =	simm.s32 $0x4;
	v19 =	vmul.f32 v19, v8  }
.LBB2_9:
0x2a7: {  	_ = 	snop  }
0x2a8: {  	p0 =	slt.u32 s21, $0x3E;
	s12 =	smov.u32 s21;
	s21 =	sadd.s32 $0x2, s21;
	[tilespmem:v17+s1+$0x0] =	vst.idx.msk $0xffff, v19  }
0x2a9: {  	v17 =	vld.idx.msk [tilespmem:v18+s1+$0x0], $0xffff;
	_ =	sdelay $0x3  }
0x2aa: {  	v19 =	vor.u32 v1, v16;
	_ =	sdelay $0x1  }
0x2ab: {  	v17 =	vmul.f32 v17, v15;
	_ =	sdelay $0x1  }
0x2ac: {  	[tilespmem:v18+s1+$0x0] =	vst.idx.msk $0xffff, v17  }
0x2ad: {  	v17 =	vld.idx.msk [tilespmem:v19+s1+$0x0], $0xffff;
	_ =	sdelay $0x3  }
0x2ae: {  	v18 =	vor.u32 v2, v16;
	_ =	sdelay $0x1  }
0x2af: {  	v17 =	vmul.f32 v17, v14;
	_ =	sdelay $0x1  }
0x2b0: {  	[tilespmem:v19+s1+$0x0] =	vst.idx.msk $0xffff, v17  }
0x2b1: {  	v17 =	vld.idx.msk [tilespmem:v18+s1+$0x0], $0xffff;
	_ =	sdelay $0x3  }
0x2b2: {  	v19 =	vor.u32 v3, v16;
	_ =	sdelay $0x1  }
0x2b3: {  	v17 =	vmul.f32 v17, v13;
	_ =	sdelay $0x1  }
0x2b4: {  	[tilespmem:v18+s1+$0x0] =	vst.idx.msk $0xffff, v17  }
0x2b5: {  	v17 =	vld.idx.msk [tilespmem:v19+s1+$0x0], $0xffff;
	_ =	sdelay $0x3  }
0x2b6: {  	v18 =	vor.u32 v4, v16;
	_ =	sdelay $0x1  }
0x2b7: {  	v17 =	vmul.f32 v17, v12;
	_ =	sdelay $0x1  }
0x2b8: {  	[tilespmem:v19+s1+$0x0] =	vst.idx.msk $0xffff, v17  }
0x2b9: {  	v17 =	vld.idx.msk [tilespmem:v18+s1+$0x0], $0xffff;
	_ =	sdelay $0x3  }
0x2ba: {  	v19 =	vor.u32 v5, v16;
	_ =	sdelay $0x1  }
0x2bb: {  	v17 =	vmul.f32 v17, v11;
	_ =	sdelay $0x1  }
0x2bc: {  	[tilespmem:v18+s1+$0x0] =	vst.idx.msk $0xffff, v17  }
0x2bd: {  	v17 =	vld.idx.msk [tilespmem:v19+s1+$0x0], $0xffff;
	_ =	sdelay $0x3  }
0x2be: {  	v18 =	vor.u32 v6, v16;
	_ =	sdelay $0x1  }
0x2bf: {  	v17 =	vmul.f32 v17, v10;
	_ =	sdelay $0x1  }
0x2c0: {  	[tilespmem:v19+s1+$0x0] =	vst.idx.msk $0xffff, v17  }
0x2c1: {  	v17 =	vld.idx.msk [tilespmem:v18+s1+$0x0], $0xffff;
	_ =	sdelay $0x3  }
0x2c2: {  	v16 =	vor.u32 v7, v16;
	_ =	sdelay $0x1  }
0x2c3: {  	v17 =	vmul.f32 v17, v9;
	_ =	sdelay $0x1  }
0x2c4: {  	s17 =	sadd.s32 $0x1, s18;
	s18 =	smov.u32 s12;
	[tilespmem:v18+s1+$0x0] =	vst.idx.msk $0xffff, v17  }
0x2c5: {  	v18 =	vmov s17;
	v17 =	vld.idx.msk [tilespmem:v16+s1+$0x0], $0xffff  }
0x2c6: {  	v18 =	vand.u32 $0x3F, v18  }
0x2c7: {  	v18 =	vbroadcast v18, $0x0;
	_ =	sdelay $0x1  }
0x2c8: {  	v19 =	vor.u32 v0, v18;
	_ =	sdelay $0x1  }
0x2c9: {  	v17 =	vmul.f32 v17, v8;
	_ =	sdelay $0x1  }
0x2ca: {  	[tilespmem:v16+s1+$0x0] =	vst.idx.msk $0xffff, v17  }
0x2cb: {  	v16 =	vld.idx.msk [tilespmem:v19+s1+$0x0], $0xffff;
	_ =	sdelay $0x3  }
0x2cc: {  	v17 =	vor.u32 v1, v18;
	_ =	sdelay $0x1  }
0x2cd: {  	v16 =	vmul.f32 v16, v15;
	_ =	sdelay $0x1  }
0x2ce: {  	[tilespmem:v19+s1+$0x0] =	vst.idx.msk $0xffff, v16  }
0x2cf: {  	v16 =	vld.idx.msk [tilespmem:v17+s1+$0x0], $0xffff;
	_ =	sdelay $0x3  }
0x2d0: {  	v19 =	vor.u32 v2, v18;
	_ =	sdelay $0x1  }
0x2d1: {  	v16 =	vmul.f32 v16, v14;
	_ =	sdelay $0x1  }
0x2d2: {  	[tilespmem:v17+s1+$0x0] =	vst.idx.msk $0xffff, v16  }
0x2d3: {  	v16 =	vld.idx.msk [tilespmem:v19+s1+$0x0], $0xffff;
	_ =	sdelay $0x3  }
0x2d4: {  	v17 =	vor.u32 v3, v18;
	_ =	sdelay $0x1  }
0x2d5: {  	v16 =	vmul.f32 v16, v13;
	_ =	sdelay $0x1  }
0x2d6: {  	[tilespmem:v19+s1+$0x0] =	vst.idx.msk $0xffff, v16  }
0x2d7: {  	v16 =	vld.idx.msk [tilespmem:v17+s1+$0x0], $0xffff;
	_ =	sdelay $0x3  }
0x2d8: {  	v19 =	vor.u32 v4, v18;
	_ =	sdelay $0x1  }
0x2d9: {  	v16 =	vmul.f32 v16, v12;
	_ =	sdelay $0x1  }
0x2da: {  	[tilespmem:v17+s1+$0x0] =	vst.idx.msk $0xffff, v16  }
0x2db: {  	v16 =	vld.idx.msk [tilespmem:v19+s1+$0x0], $0xffff;
	_ =	sdelay $0x3  }
0x2dc: {  	v17 =	vor.u32 v5, v18;
	_ =	sdelay $0x1  }
0x2dd: {  	v16 =	vmul.f32 v16, v11;
	_ =	sdelay $0x1  }
0x2de: {  	[tilespmem:v19+s1+$0x0] =	vst.idx.msk $0xffff, v16  }
0x2df: {  	v16 =	vld.idx.msk [tilespmem:v17+s1+$0x0], $0xffff;
	_ =	sdelay $0x3  }
0x2e0: {  	v19 =	vor.u32 v6, v18;
	_ =	sdelay $0x1  }
0x2e1: {  	v16 =	vmul.f32 v16, v10;
	_ =	sdelay $0x1  }
0x2e2: {  	[tilespmem:v17+s1+$0x0] =	vst.idx.msk $0xffff, v16  }
0x2e3: {  	v16 =	vld.idx.msk [tilespmem:v19+s1+$0x0], $0xffff;
	_ =	sdelay $0x3  }
0x2e4: {  	v17 =	vor.u32 v7, v18;
	_ =	sdelay $0x1  }
0x2e5: {  	v16 =	vmul.f32 v16, v9;
	_ =	sdelay $0x1  }
0x2e6: {  	[tilespmem:v19+s1+$0x0] =	vst.idx.msk $0xffff, v16  }
0x2e7: {  	v16 =	vmov s18;
	v19 =	vld.idx.msk [tilespmem:v17+s1+$0x0], $0xffff  }
0x2e8: {  	v16 =	vand.u32 $0x3E, v16  }
.Ltmp3:
0x2e9: {  	v16 =	vbroadcast v16, $0x0;
	(pc) =	sbr.rel @p0 .LBB2_9-.Ltmp3, $3  }
0x2ea: {  	_ = 	snop  }
0x2eb: {  	v18 =	vor.u32 v0, v16;
	_ =	sdelay $0x1  }
0x2ec: {  	v19 =	vmul.f32 v19, v8  }
0x2ed: {  	_ =	sdelay $0x3  }
0x2ee: {  	[tilespmem:v17+s1+$0x0] =	vst.idx.msk $0xffff, v19  }
0x2ef: {  	v17 =	vld.idx.msk [tilespmem:v18+s1+$0x0], $0xffff;
	_ =	sdelay $0x2  }
0x2f0: {  	v41 =	vor.u32 v1, v16;
	_ =	sdelay $0x1  }
0x2f1: {  	v17 =	vmul.f32 v17, v15;
	_ =	sdelay $0x1  }
0x2f2: {  	[tilespmem:v18+s1+$0x0] =	vst.idx.msk $0xffff, v17  }
0x2f3: {  	v17 =	vld.idx.msk [tilespmem:v41+s1+$0x0], $0xffff;
	_ =	sdelay $0x2  }
0x2f4: {  	v42 =	vor.u32 v2, v16;
	_ =	sdelay $0x1  }
0x2f5: {  	v17 =	vmul.f32 v17, v14;
	_ =	sdelay $0x1  }
0x2f6: {  	[tilespmem:v41+s1+$0x0] =	vst.idx.msk $0xffff, v17  }
0x2f7: {  	v17 =	vld.idx.msk [tilespmem:v42+s1+$0x0], $0xffff;
	_ =	sdelay $0x2  }
0x2f8: {  	v43 =	vor.u32 v3, v16;
	_ =	sdelay $0x1  }
0x2f9: {  	v17 =	vmul.f32 v17, v13;
	_ =	sdelay $0x1  }
0x2fa: {  	[tilespmem:v42+s1+$0x0] =	vst.idx.msk $0xffff, v17  }
0x2fb: {  	v17 =	vld.idx.msk [tilespmem:v43+s1+$0x0], $0xffff;
	_ =	sdelay $0x2  }
0x2fc: {  	v44 =	vor.u32 v4, v16;
	_ =	sdelay $0x1  }
0x2fd: {  	v17 =	vmul.f32 v17, v12;
	_ =	sdelay $0x1  }
0x2fe: {  	[tilespmem:v43+s1+$0x0] =	vst.idx.msk $0xffff, v17  }
0x2ff: {  	v17 =	vld.idx.msk [tilespmem:v44+s1+$0x0], $0xffff;
	_ =	sdelay $0x2  }
0x300: {  	v45 =	vor.u32 v5, v16;
	_ =	sdelay $0x1  }
0x301: {  	v17 =	vmul.f32 v17, v11;
	_ =	sdelay $0x1  }
0x302: {  	[tilespmem:v44+s1+$0x0] =	vst.idx.msk $0xffff, v17  }
0x303: {  	v17 =	vld.idx.msk [tilespmem:v45+s1+$0x0], $0xffff;
	_ =	sdelay $0x2  }
0x304: {  	v46 =	vor.u32 v6, v16;
	_ =	sdelay $0x1  }
0x305: {  	v17 =	vmul.f32 v17, v10;
	_ =	sdelay $0x1  }
0x306: {  	[tilespmem:v45+s1+$0x0] =	vst.idx.msk $0xffff, v17  }
0x307: {  	v17 =	vld.idx.msk [tilespmem:v46+s1+$0x0], $0xffff;
	_ =	sdelay $0x2  }
0x308: {  	v47 =	vor.u32 v7, v16;
	_ =	sdelay $0x1  }
0x309: {  	v17 =	vmul.f32 v17, v9  }
0x30a: {  	s12 =	sadd.s32 $0x1, s18  }
0x30b: {  	v48 =	vmov s12;
	[tilespmem:v46+s1+$0x0] =	vst.idx.msk $0xffff, v17  }
0x30c: {  	v17 =	vand.u32 $0x3F, v48;
	v18 =	vld.idx.msk [tilespmem:v47+s1+$0x0], $0xffff  }
0x30d: {  	v17 =	vbroadcast v17, $0x0;
	_ =	sdelay $0x1  }
0x30e: {  	v49 =	vor.u32 v0, v17;
	_ =	sdelay $0x1  }
0x30f: {  	v18 =	vmul.f32 v18, v8;
	_ =	sdelay $0x1  }
0x310: {  	[tilespmem:v47+s1+$0x0] =	vst.idx.msk $0xffff, v18  }
0x311: {  	v16 =	vld.idx.msk [tilespmem:v49+s1+$0x0], $0xffff;
	_ =	sdelay $0x2  }
0x312: {  	v50 =	vor.u32 v1, v17;
	_ =	sdelay $0x1  }
0x313: {  	v51 =	vmul.f32 v16, v15;
	_ =	sdelay $0x1  }
0x314: {  	[tilespmem:v49+s1+$0x0] =	vst.idx.msk $0xffff, v51  }
0x315: {  	v15 =	vld.idx.msk [tilespmem:v50+s1+$0x0], $0xffff;
	_ =	sdelay $0x2  }
0x316: {  	v52 =	vor.u32 v2, v17;
	_ =	sdelay $0x1  }
0x317: {  	v53 =	vmul.f32 v15, v14;
	_ =	sdelay $0x1  }
0x318: {  	[tilespmem:v50+s1+$0x0] =	vst.idx.msk $0xffff, v53  }
0x319: {  	v14 =	vld.idx.msk [tilespmem:v52+s1+$0x0], $0xffff;
	_ =	sdelay $0x2  }
0x31a: {  	v54 =	vor.u32 v3, v17;
	_ =	sdelay $0x1  }
0x31b: {  	v55 =	vmul.f32 v14, v13;
	_ =	sdelay $0x1  }
0x31c: {  	[tilespmem:v52+s1+$0x0] =	vst.idx.msk $0xffff, v55  }
0x31d: {  	v13 =	vld.idx.msk [tilespmem:v54+s1+$0x0], $0xffff;
	_ =	sdelay $0x2  }
0x31e: {  	v56 =	vor.u32 v4, v17;
	_ =	sdelay $0x1  }
0x31f: {  	v57 =	vmul.f32 v13, v12;
	_ =	sdelay $0x1  }
0x320: {  	[tilespmem:v54+s1+$0x0] =	vst.idx.msk $0xffff, v57  }
0x321: {  	v12 =	vld.idx.msk [tilespmem:v56+s1+$0x0], $0xffff;
	_ =	sdelay $0x2  }
0x322: {  	v58 =	vor.u32 v5, v17;
	_ =	sdelay $0x1  }
0x323: {  	v59 =	vmul.f32 v12, v11;
	_ =	sdelay $0x1  }
0x324: {  	[tilespmem:v56+s1+$0x0] =	vst.idx.msk $0xffff, v59  }
0x325: {  	v11 =	vld.idx.msk [tilespmem:v58+s1+$0x0], $0xffff;
	_ =	sdelay $0x2  }
0x326: {  	v60 =	vor.u32 v6, v17;
	_ =	sdelay $0x1  }
0x327: {  	v61 =	vmul.f32 v11, v10;
	_ =	sdelay $0x1  }
0x328: {  	[tilespmem:v58+s1+$0x0] =	vst.idx.msk $0xffff, v61  }
0x329: {  	v10 =	vld.idx.msk [tilespmem:v60+s1+$0x0], $0xffff;
	_ =	sdelay $0x2  }
0x32a: {  	v62 =	vor.u32 v7, v17;
	_ =	sdelay $0x1  }
0x32b: {  	v63 =	vmul.f32 v10, v9;
	_ =	sdelay $0x1  }
0x32c: {  	[tilespmem:v60+s1+$0x0] =	vst.idx.msk $0xffff, v63  }
0x32d: {  	v9 =	vld.idx.msk [tilespmem:v62+s1+$0x0], $0xffff;
	_ =	sdelay $0x4  }
0x32e: {  	v8 =	vmul.f32 v9, v8;
	_ =	sdelay $0x1  }
0x32f: {  	[tilespmem:v62+s1+$0x0] =	vst.idx.msk $0xffff, v8  }
0x330: {  	[spmem:s4] =	stream.indirect.scatter.add.f32 [tilespmem:s14], [sflag:$0x7], $0x1, s29, s26, $0xb8;
	[tilespmem:$0x12540] =	vst v63  }
0x331: {  	_ =	swait.ge [sflag:s24], $0x80  }
0x332: {  	[sflag:s24] =	ssyncset.done $0x0  }
0x333: {  	s22 =	sadd.s32 $0x1, s22;
	[sflag:s24] =	ssyncadd.s32 $0xFFFFFF80  }
0x334: {  	[spmem:s2] =	stream.indirect.scatter.add.f32 [tilespmem:s1], [sflag:$0x7], $0x40, s29, s26, $0xb8;
	[tilespmem:$0x12540] =	vst v63  }
0x335: {  	s23 =	sadd.s32 s23, s20;
	p0 =	sne.s32 s22, $0x29;
	_ =	swait.ge [sflag:s24], $0x2000  }
.Ltmp4:
0x336: {  	s12 =	sshrl.u32 s23, $0x3;
	[sflag:s24] =	ssyncset.done $0x0;
	(pc) =	sbr.rel @p0 .LBB2_2-.Ltmp4, $4  }
0x337: {  	s17 =	sadd.s32 s8, s12;
	[sflag:s24] =	ssyncadd.s32 $0xFFFFE000  }
0x338: {  	[tilespmem:s28], [sflag:$0x2] =	stream.linear.gather [hbm4b:s17+s5], $0x80, $0x38;
	[tilespmem:$0x12540] =	vst v63  }
0x339: {  	s12 =	sadd.s32 s9, s12  }
0x33a: {  	[tilespmem:s29], [sflag:$0x2] =	stream.linear.gather [hbm4b:s12+s5], $0x80, $0x38;
	[tilespmem:$0x12540] =	vst v63  }
0x33b: {  	_ =	swait.ge [sflag:s11], $0x2000  }
0x33c: {  	[sflag:s11] =	ssyncset.done $0x0  }
0x33d: {  	[sflag:s11] =	ssyncadd.s32 $0xFFFFE000  }
0x33e: {  	_ =	swait.ge [sflag:s13], $0x2000  }
0x33f: {  	[sflag:s13] =	ssyncset.done $0x0  }
0x340: {  	[sflag:s13] =	ssyncadd.s32 $0xFFFFE000  }
0x341: {  	_ =	swait.ge [sflag:s3], $0x80  }
0x342: {  	[sflag:s3] =	ssyncset.done $0x0  }
0x343: {  	[sflag:s3] =	ssyncadd.s32 $0xFFFFFF80  }
0x344: {  	_ =	swait.ge [sflag:s3], $0x80  }
0x345: {  	[sflag:s3] =	ssyncset.done $0x0  }
0x346: {  	[sflag:s3] =	ssyncadd.s32 $0xFFFFFF80  }
0x347: {  	[bflag:$0x0] =	sbarrier.arrive $0xFFFF  }
0x348: {  	s17 =	rddreg [dreg:$0x7]  }
0x349: {  	s12 =	rddreg [dreg:$0xe]  }
0x34a: {  	s18 =	rddreg [dreg:$0x12]  }
0x34b: {  	[hbm:s12], [sflag:s17] =	dma.local [spmem:s18], $0x1400  }
0x34c: {  	_ =	swait.ge [sflag:s24], $0x1400  }
0x34d: {  	[sflag:s24] =	ssyncset.done $0x0;
	s18 =	rddreg [dreg:$0xf]  }
0x34e: {  	s21 =	rddreg [dreg:$0x13];
	[sflag:s24] =	ssyncadd.s32 $0xFFFFEC00  }
0x34f: {  	[hbm:s18], [sflag:s17] =	dma.local [spmem:s21], $0x50  }
0x350: {  	_ =	swait.ge [sflag:s24], $0x50  }
0x351: {  	s22 =	rddreg [dreg:$0x11]  }
0x352: {  	s23 =	rddreg [dreg:$0x10];
	s18 =	sadd.s32 $0x1, s22  }
0x353: {  	p0 =	sne.s32 s18, s23  }
.Ltmp5:
0x354: {  	_ = 	snop;
	(pc) =	sbr.rel @p0 .LBB2_1-.Ltmp5, $3  }
0x355: {  	_ =	sdelay $0x1  }
0x356: {  	[sflag:s24] =	ssyncset.done $0x0  }
0x357: {  	[sflag:s24] =	ssyncadd.s32 $0xFFFFFFB0  }
0x358: {  	_ =	sfence.sel $0x180000  }
0x359: {  	[bflag:$0x0] =	sbarrier.arrive $0xFFFF  }
0x35a: {  	_ =	strace $0x90000047  }
0x35b: {  	s0 =	stileid.u32;
	[bflag:$0x2] =	sbarrier.arrive $0xFFFF  }
0x35c: {  	p0 =	sne.s32 s0, $0x0;
	s0 =	rddreg [dreg:$0x4]  }
0x35d: {  	s0 =	sadd.s32 @!p0 $0x100000, s0  }
0x35e: {  	[sflag:s0] =	ssyncadd.tile.s32 @!p0 $0x1;
	_ =	shalt  }
.Lfunc_end2:
_tile_overlayer_lowered:
.L_overlay_start_2:
0x35f: {  	(tag) =	ssettag $0x2  }
0x360: {  	s0 =	rddreg [dreg:$0x0];
	s2 =	stileid.u32  }
0x361: {  	s1 =	rddreg [dreg:$0x1];
	p0 =	sne.s32 s2, $0x0  }
0x362: {  	s3 =	rddreg [dreg:$0x2];
	[bflag:$0x3] =	sbarrier.arrive $0xFFFF;
	s2 =	simm.s32 @!p0 $0x1C07  }
0x363: {  	[timem:s3], [sflag:s2] =	dma.local @!p0 [hbm:s0], s1  }
0x364: {  	s0 =	simm.s32 @!p0 $0x7  }
0x365: {  	_ =	swait.ge @!p0 [sflag:s0], s1  }
0x366: {  	s1 =	ssub.s32 @!p0 $0x0, s1;
	[sflag:s0] =	ssyncset.done @!p0 $0x0  }
0x367: {  	[sflag:s0] =	ssyncadd.s32 @!p0 s1  }
0x368: {  	[bflag:$0x3] =	sbarrier.arrive $0xFFFF  }
0x369: {  	_ =	shalt  }

</sc_bundles>
